<compile_context>
chip_gen: v7x
topology: tpu7x:2x2x1
jax: 0.10.2.dev20260603
libtpu: 0.0.44.dev20260713+nightly
codegen_flags: <defaults>
</compile_context>

<pallas_src>
import functools

import jax
import jax.numpy as jnp
from jax import lax
from jax.experimental import pallas as pl
from jax.experimental.pallas import tpu as pltpu
from jax.experimental.pallas import tpu_sc as plsc

BATCH = 16384
HIDDEN = 64
NB = 7


@functools.cache
def _make_kernels(B, D, V):
    info = plsc.get_sparse_core_info()
    NC, NS, L = info.num_cores, info.num_subcores, info.num_lanes
    NW = NC * NS
    b_per_w = B // NW
    blocks = (V + 127) // 128
    bpt = -(-blocks // NW)
    rounds = -(-bpt // NB)
    mesh = plsc.VectorSubcoreMesh(core_axis_name="c", subcore_axis_name="s")
    params = pltpu.CompilerParams(
        use_tc_tiling_on_sc=True, needs_layout_passes=False)

    @functools.partial(
        pl.kernel,
        mesh=mesh,
        out_type=jax.ShapeDtypeStruct((B + 16, 128), jnp.float32),
        compiler_params=params,
        scratch_types=[
            pltpu.VMEM((B + 16,), jnp.int32),
            pltpu.VMEM((B + 16,), jnp.int32),
            pltpu.VMEM((B + 16,), jnp.int32),
            pltpu.VMEM((B + 16,), jnp.int32),
            pltpu.VMEM((NB, D, 128), jnp.float32),
            pltpu.VMEM((272,), jnp.int32),
            pltpu.VMEM((272,), jnp.int32),
            pltpu.VMEM((272,), jnp.int32),
            pltpu.VMEM((272,), jnp.int32),
            pltpu.VMEM((2, 16, 128), jnp.float32),
            pltpu.VMEM((2, 16), jnp.int32),
            pltpu.SMEM((2,), jnp.int32),
            pltpu.SemaphoreType.DMA,
            pltpu.SemaphoreType.DMA,
            pltpu.SemaphoreType.DMA,
        ],
    )
    def p1(labels_hbm, tT_hbm, rows_hbm, slab_v, wlab_v, wpos_v, spos_v,
           blocks_v, offs_v, cur_v, dblk_v, dbase_v, rowbuf_v, idxbuf_v,
           nrow_s, sem, fsem0, fsem1):
        wid = lax.axis_index("s") * NC + lax.axis_index("c")
        lo = wid * bpt
        nblk = jnp.minimum(lo + bpt, blocks) - lo
        pltpu.sync_copy(labels_hbm, slab_v.at[pl.ds(0, B)])
        lane = lax.iota(jnp.int32, L)
        dump = jnp.full((L,), B, jnp.int32)
        idxbuf_v[0, :] = dump
        idxbuf_v[1, :] = dump
        nrow_s[0] = 0
        nrow_s[1] = 0
        zeros = jnp.zeros((L,), jnp.int32)
        for kz in range(272 // L):
            offs_v[pl.ds(kz * L, L)] = zeros
            cur_v[pl.ds(kz * L, L)] = zeros

        def at1(ref, j):
            return ref[pl.ds(j, L)][0]

        def put1(ref, idx, val):
            plsc.store_scatter(ref, [jnp.full((L,), idx, jnp.int32)],
                               jnp.full((L,), val, jnp.int32),
                               mask=lane == 0)

        def scan_body(p, cur):
            v = slab_v[pl.ds(p * L, L)]
            m = ((v >> 7) >= lo) & ((v >> 7) < lo + nblk)
            c = plsc.cumsum(m.astype(jnp.int32))
            at = jnp.full((L,), cur, jnp.int32) + c - 1
            plsc.store_scatter(wlab_v, [at], v, mask=m)
            plsc.store_scatter(wpos_v, [at], lane + p * L, mask=m)
            return cur + c[15]

        n = lax.fori_loop(0, B // L, scan_body, 0)

        ones = jnp.full((L,), 1, jnp.int32)

        def count_body(q, _):
            wv = wlab_v[pl.ds(q * L, L)]
            valid = (lane + q * L) < n
            blk = (wv >> 7) - lo
            blk = jnp.where(valid, blk, 271)
            plsc.addupdate_scatter(cur_v, [blk], ones, mask=valid)
            return 0

        lax.fori_loop(0, (n + L - 1) // L, count_body, 0)

        def psum_body(kz, carry):
            tot, nd = carry
            v = cur_v[pl.ds(kz * L, L)]
            c = plsc.cumsum(v)
            excl = c - v + jnp.full((L,), tot, jnp.int32)
            offs_v[pl.ds(kz * L, L)] = excl
            m = v > 0
            dc = plsc.cumsum(m.astype(jnp.int32))
            dat = jnp.full((L,), nd, jnp.int32) + dc - 1
            plsc.store_scatter(dblk_v, [dat], lane + kz * L, mask=m)
            plsc.store_scatter(dbase_v, [dat], excl, mask=m)
            return tot + c[15], nd + dc[15]

        _, ndist = lax.fori_loop(0, 272 // L, psum_body, (0, 0))
        put1(dbase_v, ndist, n)
        for kz in range(272 // L):
            cur_v[pl.ds(kz * L, L)] = zeros

        def place_body(j, _):
            lab = at1(wlab_v, j)
            blk = (lab >> 7) - lo
            dst = at1(offs_v, blk) + at1(cur_v, blk)
            put1(slab_v, dst, lab)
            put1(spos_v, dst, at1(wpos_v, j))
            put1(cur_v, blk, at1(cur_v, blk) + 1)
            return 0

        lax.fori_loop(0, n, place_body, 0)

        def bdesc(f, u):
            off = pl.multiple_of(
                (at1(dblk_v, f) + lo) * 128, 128)
            return pltpu.make_async_copy(
                tT_hbm.at[:, pl.ds(off, 128)], blocks_v.at[u], sem)

        fsems = (fsem0, fsem1)

        def fdesc(pr, fs):
            return pltpu.make_async_copy(
                rowbuf_v.at[pr], rows_hbm.at[idxbuf_v.at[pr]], fs)

        def flush():
            fc = nrow_s[1]
            for pr in range(2):
                @pl.when((fc & 1) == pr)
                def _(pr=pr):
                    @pl.when(fc >= 2)
                    def _():
                        fdesc(pr, fsems[pr]).wait()
                    fdesc(pr, fsems[pr]).start()
            nrow_s[1] = fc + 1

        def fill_pair():
            return nrow_s[1] & 1

        def process(u):
            def eat(j, _):
                lab = at1(slab_v, j)
                b = at1(spos_v, j)
                lsp = jnp.full((L,), lab & 127, jnp.int32)
                nr = nrow_s[0]
                nrsp = jnp.full((L,), nr, jnp.int32)
                prsp = jnp.full((L,), fill_pair(), jnp.int32)
                for cg in range(D // L):
                    cvec = lane + cg * L
                    val = plsc.load_gather(blocks_v.at[u], [cvec, lsp])
                    plsc.store_scatter(rowbuf_v, [prsp, nrsp, cvec], val)
                plsc.store_scatter(idxbuf_v, [prsp, nrsp],
                                   jnp.full((L,), b, jnp.int32),
                                   mask=lane == 0)
                nrow_s[0] = nr + 1

                @pl.when(nr + 1 == 16)
                def _():
                    flush()
                    nrow_s[0] = 0
                return 0
            return eat

        for u in range(NB):
            @pl.when(u < ndist)
            def _(u=u):
                bdesc(u, u).start()

        def round_body(r, _):
            for u in range(NB):
                f = r * NB + u

                @pl.when(f < ndist)
                def _(f=f, u=u):
                    bdesc(f, u).wait()
                    lax.fori_loop(at1(dbase_v, f), at1(dbase_v, f + 1),
                                  process(u), 0)

                    @pl.when(f + NB < ndist)
                    def _():
                        bdesc(f + NB, u).start()
            return 0

        lax.fori_loop(0, rounds, round_body, 0)
        fc = nrow_s[1]

        @pl.when(nrow_s[0] > 0)
        def _():
            pr = fc & 1
            for prs in range(2):
                @pl.when(pr == prs)
                def _(prs=prs):
                    @pl.when(fc >= 2)
                    def _():
                        fdesc(prs, fsems[prs]).wait()
                    plsc.store_scatter(
                        idxbuf_v, [jnp.full((L,), prs, jnp.int32), lane],
                        dump, mask=lane >= nrow_s[0])
                    pltpu.sync_copy(rowbuf_v.at[prs],
                                    rows_hbm.at[idxbuf_v.at[prs]])

        @pl.when(fc >= 1)
        def _():
            for prs in range(2):
                @pl.when(((fc - 1) & 1) == prs)
                def _(prs=prs):
                    fdesc(prs, fsems[prs]).wait()

        @pl.when(fc >= 2)
        def _():
            for prs in range(2):
                @pl.when((fc & 1) == prs)
                def _(prs=prs):
                    @pl.when(nrow_s[0] == 0)
                    def _():
                        fdesc(prs, fsems[prs]).wait()

    @functools.partial(
        pl.kernel,
        mesh=mesh,
        out_type=jax.ShapeDtypeStruct((D, B), jnp.float32),
        compiler_params=params,
        scratch_types=[
            pltpu.VMEM((b_per_w, 128), jnp.float32),
            pltpu.VMEM((b_per_w // 128, D, 128), jnp.float32),
            pltpu.SemaphoreType.DMA,
        ],
    )
    def p2(rows_hbm, outT_hbm, rbuf_v, obuf_v, sem):
        wid = lax.axis_index("s") * NC + lax.axis_index("c")
        base = wid * b_per_w
        loads = [
            pltpu.async_copy(
                rows_hbm.at[pl.ds(base + g * 128, 128)],
                rbuf_v.at[pl.ds(g * 128, 128)], sem)
            for g in range(b_per_w // 128)
        ]
        lane = lax.iota(jnp.int32, L)
        owrites = []
        for g in range(b_per_w // 128):
            loads[g].wait()
            gsp = jnp.full((L,), g, jnp.int32)

            def cbody(cc, _, gsp=gsp, g=g):
                csp = jnp.full((L,), cc, jnp.int32)
                for jg in range(128 // L):
                    jvec = lane + (g * 128 + jg * L)
                    val = plsc.load_gather(rbuf_v, [jvec, csp])
                    plsc.store_scatter(
                        obuf_v, [gsp, csp, lane + jg * L], val)
                return 0

            lax.fori_loop(0, D, cbody, 0)
            owrites.append(pltpu.async_copy(
                obuf_v.at[g],
                outT_hbm.at[:, pl.ds(base + g * 128, 128)], sem))
        for o in owrites:
            o.wait()

    return p1, p2


def kernel(labels, train, table):
    p1, p2 = _make_kernels(BATCH, HIDDEN, table.shape[0])
    rows = p1(labels.astype(jnp.int32), table.T)
    outT = p2(rows)
    return outT.T

# --- scband reference (transcript-rebuilt; emitter-appended) ---
"""Pipeline reference for scband-label-embedder-37804302139550 (READ-ONLY COPY).

The authoritative reference and input builder live on the scoring server;
editing this copy changes nothing except your own understanding.
"""

import jax, jax.numpy as jnp
import numpy as np

NUM_CLASSES = 1000000
HIDDEN = 64
BATCH = 16384

def setup_inputs(seed: int = 0) -> dict:
    key = jax.random.key(seed)
    k1, k2 = jax.random.split(key)
    labels = jax.random.randint(k1, (BATCH,), 0, NUM_CLASSES, dtype=jnp.int64 if jax.config.jax_enable_x64 else jnp.int32)
    # drop=0.0 -> use_cfg_embeddings is False, so table has exactly NUM_CLASSES rows
    table = jax.random.normal(k2, (NUM_CLASSES, HIDDEN), dtype=jnp.float32) * 0.02
    return {"labels": labels, "train": 0, "table": table}

def reference(labels, train, table):
    # LabelEmbedder.__call__ with drop=0.0: use_drop is False and force_drop_ids is None,
    # so token_drop is never applied regardless of `train`. Pure embedding gather.
    label_embeds = jnp.take(table, labels, axis=0)
    return label_embeds

if __name__ == "__main__":
    import jax
    _d = setup_inputs()
    print(jax.jit(kernel)(*tuple(_d.values())))

</pallas_src>

<mosaic_0001>
#map = affine_map<(d0, d1) -> (0)>
#map1 = affine_map<(d0, d1) -> (0, 0)>
module attributes {stable_mosaic.version = 14 : i64} {
  func.func @p1(%arg0: i32, %arg1: i32, %arg2: memref<16384xi32, #tpu.memory_space<hbm>>, %arg3: memref<64x1000000xf32, #tpu.memory_space<hbm>>, %arg4: memref<16400x128xf32, #tpu.memory_space<hbm>>, %arg5: memref<16400xi32, #tpu.memory_space<vmem>>, %arg6: memref<16400xi32, #tpu.memory_space<vmem>>, %arg7: memref<16400xi32, #tpu.memory_space<vmem>>, %arg8: memref<16400xi32, #tpu.memory_space<vmem>>, %arg9: memref<7x64x128xf32, #tpu.memory_space<vmem>>, %arg10: memref<272xi32, #tpu.memory_space<vmem>>, %arg11: memref<272xi32, #tpu.memory_space<vmem>>, %arg12: memref<272xi32, #tpu.memory_space<vmem>>, %arg13: memref<272xi32, #tpu.memory_space<vmem>>, %arg14: memref<2x16x128xf32, #tpu.memory_space<vmem>>, %arg15: memref<2x16xi32, #tpu.memory_space<vmem>>, %arg16: memref<2xi32, #tpu.memory_space<smem>>, %arg17: memref<!tpu.dma_semaphore, #tpu.memory_space<semaphore_mem>>, %arg18: memref<!tpu.dma_semaphore, #tpu.memory_space<semaphore_mem>>, %arg19: memref<!tpu.dma_semaphore, #tpu.memory_space<semaphore_mem>>) attributes {dimension_semantics = [#tpu.dimension_semantics<core_parallel>, #tpu.dimension_semantics<subcore_parallel>], iteration_bounds = array<i64: 2, 16>, scalar_prefetch = 0 : i64, scratch_operands = 15 : i64, tpu.core_type = #tpu.core_type<sc_vector_subcore>, window_params = [{transform_indices = #map}, {transform_indices = #map1}, {transform_indices = #map1}]} {
    %mul3A = arith.constant 2 : i32
    %mul3A_0 = arith.muli %arg1, %mul3A : i32
    %add3A = arith.addi %mul3A_0, %arg0 : i32
    %mul3A_1 = arith.constant 245 : i32
    %mul3A_2 = arith.muli %add3A, %mul3A_1 : i32
    %add3A_3 = arith.constant 245 : i32
    %add3A_4 = arith.addi %mul3A_2, %add3A_3 : i32
    %min3A = arith.constant 7813 : i32
    %min3A_5 = arith.minsi %add3A_4, %min3A : i32
    %sub3A = arith.subi %min3A_5, %mul3A_2 : i32
    "tpu.region"() ({
      %run_scoped3A = tpu.sem_alloc : memref<!tpu.dma_semaphore, #tpu.memory_space<semaphore_mem>>
      %dma_start3A = arith.constant 0 : i32
      %dma_start3A_248 = tpu.memref_slice %arg5[%dma_start3A] : memref<16400xi32, #tpu.memory_space<vmem>> -> memref<16384xi32, #tpu.memory_space<vmem>>
      %dma_start3A_249 = arith.constant 0 : i32
      %dma_start3A_250 = tpu.memref_slice %arg5[%dma_start3A_249] : memref<16400xi32, #tpu.memory_space<vmem>> -> memref<16384xi32, #tpu.memory_space<vmem>>
      tpu.enqueue_dma source(%arg2 : memref<16384xi32, #tpu.memory_space<hbm>>) target(%dma_start3A_250 : memref<16384xi32, #tpu.memory_space<vmem>>) target_semaphore(%run_scoped3A : memref<!tpu.dma_semaphore, #tpu.memory_space<semaphore_mem>>)
      %dma_wait3A = arith.constant 0 : i32
      %dma_wait3A_251 = tpu.memref_slice %arg5[%dma_wait3A] : memref<16400xi32, #tpu.memory_space<vmem>> -> memref<16384xi32, #tpu.memory_space<vmem>>
      %dma_wait3A_252 = arith.constant 0 : i32
      %dma_wait3A_253 = tpu.memref_slice %arg5[%dma_wait3A_252] : memref<16400xi32, #tpu.memory_space<vmem>> -> memref<16384xi32, #tpu.memory_space<vmem>>
      tpu.wait_dma2 semaphore(%run_scoped3A : memref<!tpu.dma_semaphore, #tpu.memory_space<semaphore_mem>>) src(%arg2 : memref<16384xi32, #tpu.memory_space<hbm>>) dst(%dma_wait3A_253 : memref<16384xi32, #tpu.memory_space<vmem>>)
      tpu.yield
    }) : () -> ()
    %iota3A = tpu.iota {dimensions = array<i32: 0>} : vector<16xi32>
    %broadcast_in_dim3A = arith.constant 16384 : i32
    %broadcast_in_dim3A_6 = vector.broadcast %broadcast_in_dim3A : i32 to vector<16xi32>
    %swap3A = arith.constant 0 : i32
    %swap3A_7 = arith.index_cast %swap3A : i32 to index
    %swap3A_8 = arith.constant 0 : index
    %swap3A_9 = tpu.vector_load %arg15[%swap3A_7, %swap3A_8] {strides = array<i32>} : memref<2x16xi32, #tpu.memory_space<vmem>>, vector<16xi32>,
    tpu.vector_store %arg15[%swap3A_7, %swap3A_8], %broadcast_in_dim3A_6 {strides = array<i32>} : memref<2x16xi32, #tpu.memory_space<vmem>>, vector<16xi32>,
    %swap3A_10 = arith.constant 1 : i32
    %swap3A_11 = arith.index_cast %swap3A_10 : i32 to index
    %swap3A_12 = arith.constant 0 : index
    %swap3A_13 = tpu.vector_load %arg15[%swap3A_11, %swap3A_12] {strides = array<i32>} : memref<2x16xi32, #tpu.memory_space<vmem>>, vector<16xi32>,
    tpu.vector_store %arg15[%swap3A_11, %swap3A_12], %broadcast_in_dim3A_6 {strides = array<i32>} : memref<2x16xi32, #tpu.memory_space<vmem>>, vector<16xi32>,
    %swap3A_14 = arith.constant 0 : i32
    %swap3A_15 = arith.constant 0 : i32
    %swap3A_16 = arith.index_cast %swap3A_15 : i32 to index
    %swap3A_17 = memref.load %arg16[%swap3A_16] : memref<2xi32, #tpu.memory_space<smem>>
    memref.store %swap3A_14, %arg16[%swap3A_16] : memref<2xi32, #tpu.memory_space<smem>>
    %swap3A_18 = arith.constant 0 : i32
    %swap3A_19 = arith.constant 1 : i32
    %swap3A_20 = arith.index_cast %swap3A_19 : i32 to index
    %swap3A_21 = memref.load %arg16[%swap3A_20] : memref<2xi32, #tpu.memory_space<smem>>
    memref.store %swap3A_18, %arg16[%swap3A_20] : memref<2xi32, #tpu.memory_space<smem>>
    %broadcast_in_dim3A_22 = arith.constant 0 : i32
    %broadcast_in_dim3A_23 = vector.broadcast %broadcast_in_dim3A_22 : i32 to vector<16xi32>
    %swap3A_24 = arith.constant 0 : index
    %swap3A_25 = tpu.vector_load %arg10[%swap3A_24] {strides = array<i32>} : memref<272xi32, #tpu.memory_space<vmem>>, vector<16xi32>,
    tpu.vector_store %arg10[%swap3A_24], %broadcast_in_dim3A_23 {strides = array<i32>} : memref<272xi32, #tpu.memory_space<vmem>>, vector<16xi32>,
    %swap3A_26 = arith.constant 0 : index
    %swap3A_27 = tpu.vector_load %arg11[%swap3A_26] {strides = array<i32>} : memref<272xi32, #tpu.memory_space<vmem>>, vector<16xi32>,
    tpu.vector_store %arg11[%swap3A_26], %broadcast_in_dim3A_23 {strides = array<i32>} : memref<272xi32, #tpu.memory_space<vmem>>, vector<16xi32>,
    %swap3A_28 = arith.constant 16 : index
    %swap3A_29 = tpu.vector_load %arg10[%swap3A_28] {strides = array<i32>} : memref<272xi32, #tpu.memory_space<vmem>>, vector<16xi32>,
    tpu.vector_store %arg10[%swap3A_28], %broadcast_in_dim3A_23 {strides = array<i32>} : memref<272xi32, #tpu.memory_space<vmem>>, vector<16xi32>,
    %swap3A_30 = arith.constant 16 : index
    %swap3A_31 = tpu.vector_load %arg11[%swap3A_30] {strides = array<i32>} : memref<272xi32, #tpu.memory_space<vmem>>, vector<16xi32>,
    tpu.vector_store %arg11[%swap3A_30], %broadcast_in_dim3A_23 {strides = array<i32>} : memref<272xi32, #tpu.memory_space<vmem>>, vector<16xi32>,
    %swap3A_32 = arith.constant 32 : index
    %swap3A_33 = tpu.vector_load %arg10[%swap3A_32] {strides = array<i32>} : memref<272xi32, #tpu.memory_space<vmem>>, vector<16xi32>,
    tpu.vector_store %arg10[%swap3A_32], %broadcast_in_dim3A_23 {strides = array<i32>} : memref<272xi32, #tpu.memory_space<vmem>>, vector<16xi32>,
    %swap3A_34 = arith.constant 32 : index
    %swap3A_35 = tpu.vector_load %arg11[%swap3A_34] {strides = array<i32>} : memref<272xi32, #tpu.memory_space<vmem>>, vector<16xi32>,
    tpu.vector_store %arg11[%swap3A_34], %broadcast_in_dim3A_23 {strides = array<i32>} : memref<272xi32, #tpu.memory_space<vmem>>, vector<16xi32>,
    %swap3A_36 = arith.constant 48 : index
    %swap3A_37 = tpu.vector_load %arg10[%swap3A_36] {strides = array<i32>} : memref<272xi32, #tpu.memory_space<vmem>>, vector<16xi32>,
    tpu.vector_store %arg10[%swap3A_36], %broadcast_in_dim3A_23 {strides = array<i32>} : memref<272xi32, #tpu.memory_space<vmem>>, vector<16xi32>,
    %swap3A_38 = arith.constant 48 : index
    %swap3A_39 = tpu.vector_load %arg11[%swap3A_38] {strides = array<i32>} : memref<272xi32, #tpu.memory_space<vmem>>, vector<16xi32>,
    tpu.vector_store %arg11[%swap3A_38], %broadcast_in_dim3A_23 {strides = array<i32>} : memref<272xi32, #tpu.memory_space<vmem>>, vector<16xi32>,
    %swap3A_40 = arith.constant 64 : index
    %swap3A_41 = tpu.vector_load %arg10[%swap3A_40] {strides = array<i32>} : memref<272xi32, #tpu.memory_space<vmem>>, vector<16xi32>,
    tpu.vector_store %arg10[%swap3A_40], %broadcast_in_dim3A_23 {strides = array<i32>} : memref<272xi32, #tpu.memory_space<vmem>>, vector<16xi32>,
    %swap3A_42 = arith.constant 64 : index
    %swap3A_43 = tpu.vector_load %arg11[%swap3A_42] {strides = array<i32>} : memref<272xi32, #tpu.memory_space<vmem>>, vector<16xi32>,
    tpu.vector_store %arg11[%swap3A_42], %broadcast_in_dim3A_23 {strides = array<i32>} : memref<272xi32, #tpu.memory_space<vmem>>, vector<16xi32>,
    %swap3A_44 = arith.constant 80 : index
    %swap3A_45 = tpu.vector_load %arg10[%swap3A_44] {strides = array<i32>} : memref<272xi32, #tpu.memory_space<vmem>>, vector<16xi32>,
    tpu.vector_store %arg10[%swap3A_44], %broadcast_in_dim3A_23 {strides = array<i32>} : memref<272xi32, #tpu.memory_space<vmem>>, vector<16xi32>,
    %swap3A_46 = arith.constant 80 : index
    %swap3A_47 = tpu.vector_load %arg11[%swap3A_46] {strides = array<i32>} : memref<272xi32, #tpu.memory_space<vmem>>, vector<16xi32>,
    tpu.vector_store %arg11[%swap3A_46], %broadcast_in_dim3A_23 {strides = array<i32>} : memref<272xi32, #tpu.memory_space<vmem>>, vector<16xi32>,
    %swap3A_48 = arith.constant 96 : index
    %swap3A_49 = tpu.vector_load %arg10[%swap3A_48] {strides = array<i32>} : memref<272xi32, #tpu.memory_space<vmem>>, vector<16xi32>,
    tpu.vector_store %arg10[%swap3A_48], %broadcast_in_dim3A_23 {strides = array<i32>} : memref<272xi32, #tpu.memory_space<vmem>>, vector<16xi32>,
    %swap3A_50 = arith.constant 96 : index
    %swap3A_51 = tpu.vector_load %arg11[%swap3A_50] {strides = array<i32>} : memref<272xi32, #tpu.memory_space<vmem>>, vector<16xi32>,
    tpu.vector_store %arg11[%swap3A_50], %broadcast_in_dim3A_23 {strides = array<i32>} : memref<272xi32, #tpu.memory_space<vmem>>, vector<16xi32>,
    %swap3A_52 = arith.constant 112 : index
    %swap3A_53 = tpu.vector_load %arg10[%swap3A_52] {strides = array<i32>} : memref<272xi32, #tpu.memory_space<vmem>>, vector<16xi32>,
    tpu.vector_store %arg10[%swap3A_52], %broadcast_in_dim3A_23 {strides = array<i32>} : memref<272xi32, #tpu.memory_space<vmem>>, vector<16xi32>,
    %swap3A_54 = arith.constant 112 : index
    %swap3A_55 = tpu.vector_load %arg11[%swap3A_54] {strides = array<i32>} : memref<272xi32, #tpu.memory_space<vmem>>, vector<16xi32>,
    tpu.vector_store %arg11[%swap3A_54], %broadcast_in_dim3A_23 {strides = array<i32>} : memref<272xi32, #tpu.memory_space<vmem>>, vector<16xi32>,
    %swap3A_56 = arith.constant 128 : index
    %swap3A_57 = tpu.vector_load %arg10[%swap3A_56] {strides = array<i32>} : memref<272xi32, #tpu.memory_space<vmem>>, vector<16xi32>,
    tpu.vector_store %arg10[%swap3A_56], %broadcast_in_dim3A_23 {strides = array<i32>} : memref<272xi32, #tpu.memory_space<vmem>>, vector<16xi32>,
    %swap3A_58 = arith.constant 128 : index
    %swap3A_59 = tpu.vector_load %arg11[%swap3A_58] {strides = array<i32>} : memref<272xi32, #tpu.memory_space<vmem>>, vector<16xi32>,
    tpu.vector_store %arg11[%swap3A_58], %broadcast_in_dim3A_23 {strides = array<i32>} : memref<272xi32, #tpu.memory_space<vmem>>, vector<16xi32>,
    %swap3A_60 = arith.constant 144 : index
    %swap3A_61 = tpu.vector_load %arg10[%swap3A_60] {strides = array<i32>} : memref<272xi32, #tpu.memory_space<vmem>>, vector<16xi32>,
    tpu.vector_store %arg10[%swap3A_60], %broadcast_in_dim3A_23 {strides = array<i32>} : memref<272xi32, #tpu.memory_space<vmem>>, vector<16xi32>,
    %swap3A_62 = arith.constant 144 : index
    %swap3A_63 = tpu.vector_load %arg11[%swap3A_62] {strides = array<i32>} : memref<272xi32, #tpu.memory_space<vmem>>, vector<16xi32>,
    tpu.vector_store %arg11[%swap3A_62], %broadcast_in_dim3A_23 {strides = array<i32>} : memref<272xi32, #tpu.memory_space<vmem>>, vector<16xi32>,
    %swap3A_64 = arith.constant 160 : index
    %swap3A_65 = tpu.vector_load %arg10[%swap3A_64] {strides = array<i32>} : memref<272xi32, #tpu.memory_space<vmem>>, vector<16xi32>,
    tpu.vector_store %arg10[%swap3A_64], %broadcast_in_dim3A_23 {strides = array<i32>} : memref<272xi32, #tpu.memory_space<vmem>>, vector<16xi32>,
    %swap3A_66 = arith.constant 160 : index
    %swap3A_67 = tpu.vector_load %arg11[%swap3A_66] {strides = array<i32>} : memref<272xi32, #tpu.memory_space<vmem>>, vector<16xi32>,
    tpu.vector_store %arg11[%swap3A_66], %broadcast_in_dim3A_23 {strides = array<i32>} : memref<272xi32, #tpu.memory_space<vmem>>, vector<16xi32>,
    %swap3A_68 = arith.constant 176 : index
    %swap3A_69 = tpu.vector_load %arg10[%swap3A_68] {strides = array<i32>} : memref<272xi32, #tpu.memory_space<vmem>>, vector<16xi32>,
    tpu.vector_store %arg10[%swap3A_68], %broadcast_in_dim3A_23 {strides = array<i32>} : memref<272xi32, #tpu.memory_space<vmem>>, vector<16xi32>,
    %swap3A_70 = arith.constant 176 : index
    %swap3A_71 = tpu.vector_load %arg11[%swap3A_70] {strides = array<i32>} : memref<272xi32, #tpu.memory_space<vmem>>, vector<16xi32>,
    tpu.vector_store %arg11[%swap3A_70], %broadcast_in_dim3A_23 {strides = array<i32>} : memref<272xi32, #tpu.memory_space<vmem>>, vector<16xi32>,
    %swap3A_72 = arith.constant 192 : index
    %swap3A_73 = tpu.vector_load %arg10[%swap3A_72] {strides = array<i32>} : memref<272xi32, #tpu.memory_space<vmem>>, vector<16xi32>,
    tpu.vector_store %arg10[%swap3A_72], %broadcast_in_dim3A_23 {strides = array<i32>} : memref<272xi32, #tpu.memory_space<vmem>>, vector<16xi32>,
    %swap3A_74 = arith.constant 192 : index
    %swap3A_75 = tpu.vector_load %arg11[%swap3A_74] {strides = array<i32>} : memref<272xi32, #tpu.memory_space<vmem>>, vector<16xi32>,
    tpu.vector_store %arg11[%swap3A_74], %broadcast_in_dim3A_23 {strides = array<i32>} : memref<272xi32, #tpu.memory_space<vmem>>, vector<16xi32>,
    %swap3A_76 = arith.constant 208 : index
    %swap3A_77 = tpu.vector_load %arg10[%swap3A_76] {strides = array<i32>} : memref<272xi32, #tpu.memory_space<vmem>>, vector<16xi32>,
    tpu.vector_store %arg10[%swap3A_76], %broadcast_in_dim3A_23 {strides = array<i32>} : memref<272xi32, #tpu.memory_space<vmem>>, vector<16xi32>,
    %swap3A_78 = arith.constant 208 : index
    %swap3A_79 = tpu.vector_load %arg11[%swap3A_78] {strides = array<i32>} : memref<272xi32, #tpu.memory_space<vmem>>, vector<16xi32>,
    tpu.vector_store %arg11[%swap3A_78], %broadcast_in_dim3A_23 {strides = array<i32>} : memref<272xi32, #tpu.memory_space<vmem>>, vector<16xi32>,
    %swap3A_80 = arith.constant 224 : index
    %swap3A_81 = tpu.vector_load %arg10[%swap3A_80] {strides = array<i32>} : memref<272xi32, #tpu.memory_space<vmem>>, vector<16xi32>,
    tpu.vector_store %arg10[%swap3A_80], %broadcast_in_dim3A_23 {strides = array<i32>} : memref<272xi32, #tpu.memory_space<vmem>>, vector<16xi32>,
    %swap3A_82 = arith.constant 224 : index
    %swap3A_83 = tpu.vector_load %arg11[%swap3A_82] {strides = array<i32>} : memref<272xi32, #tpu.memory_space<vmem>>, vector<16xi32>,
    tpu.vector_store %arg11[%swap3A_82], %broadcast_in_dim3A_23 {strides = array<i32>} : memref<272xi32, #tpu.memory_space<vmem>>, vector<16xi32>,
    %swap3A_84 = arith.constant 240 : index
    %swap3A_85 = tpu.vector_load %arg10[%swap3A_84] {strides = array<i32>} : memref<272xi32, #tpu.memory_space<vmem>>, vector<16xi32>,
    tpu.vector_store %arg10[%swap3A_84], %broadcast_in_dim3A_23 {strides = array<i32>} : memref<272xi32, #tpu.memory_space<vmem>>, vector<16xi32>,
    %swap3A_86 = arith.constant 240 : index
    %swap3A_87 = tpu.vector_load %arg11[%swap3A_86] {strides = array<i32>} : memref<272xi32, #tpu.memory_space<vmem>>, vector<16xi32>,
    tpu.vector_store %arg11[%swap3A_86], %broadcast_in_dim3A_23 {strides = array<i32>} : memref<272xi32, #tpu.memory_space<vmem>>, vector<16xi32>,
    %swap3A_88 = arith.constant 256 : index
    %swap3A_89 = tpu.vector_load %arg10[%swap3A_88] {strides = array<i32>} : memref<272xi32, #tpu.memory_space<vmem>>, vector<16xi32>,
    tpu.vector_store %arg10[%swap3A_88], %broadcast_in_dim3A_23 {strides = array<i32>} : memref<272xi32, #tpu.memory_space<vmem>>, vector<16xi32>,
    %swap3A_90 = arith.constant 256 : index
    %swap3A_91 = tpu.vector_load %arg11[%swap3A_90] {strides = array<i32>} : memref<272xi32, #tpu.memory_space<vmem>>, vector<16xi32>,
    tpu.vector_store %arg11[%swap3A_90], %broadcast_in_dim3A_23 {strides = array<i32>} : memref<272xi32, #tpu.memory_space<vmem>>, vector<16xi32>,
    %scan3A = arith.constant 0 : i32
    %scan3A_92 = arith.constant 0 : i32
    %scan3A_93 = arith.constant 1024 : i32
    %scan3A_94 = arith.addi %scan3A_92, %scan3A_93 : i32
    %scan3A_95 = arith.constant 1 : i32
    %scan3A_96 = scf.for %scan3A_248 = %scan3A_92 to %scan3A_94 step %scan3A_95 iter_args(%scan3A_249 = %scan3A) -> (i32)  : i32 {
      %mul3A_250 = arith.constant 16 : i32
      %mul3A_251 = arith.muli %scan3A_248, %mul3A_250 : i32
      %get3A_252 = arith.index_cast %mul3A_251 : i32 to index
      %get3A_253 = tpu.vector_load %arg5[%get3A_252] {strides = array<i32>} : memref<16400xi32, #tpu.memory_space<vmem>>, vector<16xi32>,
      %shift_right_arithmetic3A = arith.constant 7 : i32
      %shift_right_arithmetic3A_254 = vector.broadcast %shift_right_arithmetic3A : i32 to vector<16xi32>
      %shift_right_arithmetic3A_255 = arith.shrsi %get3A_253, %shift_right_arithmetic3A_254 : vector<16xi32>
      %ge3A_256 = vector.broadcast %mul3A_2 : i32 to vector<16xi32>
      %ge3A_257 = arith.cmpi sge, %shift_right_arithmetic3A_255, %ge3A_256 : vector<16xi32>
      %shift_right_arithmetic3A_258 = arith.constant 7 : i32
      %shift_right_arithmetic3A_259 = vector.broadcast %shift_right_arithmetic3A_258 : i32 to vector<16xi32>
      %shift_right_arithmetic3A_260 = arith.shrsi %get3A_253, %shift_right_arithmetic3A_259 : vector<16xi32>
      %add3A_261 = arith.addi %mul3A_2, %sub3A : i32
      %lt3A = vector.broadcast %add3A_261 : i32 to vector<16xi32>
      %lt3A_262 = arith.cmpi slt, %shift_right_arithmetic3A_260, %lt3A : vector<16xi32>
      %and3A_263 = arith.andi %ge3A_257, %lt3A_262 : vector<16xi1>
      %convert_element_type3A_264 = arith.extui %and3A_263 : vector<16xi1> to vector<16xi32>
      %broadcast_in_dim3A_265 = arith.constant true
      %broadcast_in_dim3A_266 = vector.broadcast %broadcast_in_dim3A_265 : i1 to vector<16xi1>
      %masked_cumsum3A = tpu.scan <sum>, %convert_element_type3A_264 masked %broadcast_in_dim3A_266 : vector<16xi32>, vector<16xi1> -> vector<16xi32>
      %broadcast_in_dim3A_267 = vector.broadcast %scan3A_249 : i32 to vector<16xi32>
      %add3A_268 = arith.addi %broadcast_in_dim3A_267, %masked_cumsum3A : vector<16xi32>
      %sub3A_269 = arith.constant 1 : i32
      %sub3A_270 = vector.broadcast %sub3A_269 : i32 to vector<16xi32>
      %sub3A_271 = arith.subi %add3A_268, %sub3A_270 : vector<16xi32>
      tpu.vector_store_idx %arg6[%sub3A_271], %get3A_253 masked %and3A_263 : memref<16400xi32, #tpu.memory_space<vmem>>[vector<16xi32>], vector<16xi32>, vector<16xi1>
      %mul3A_272 = arith.constant 16 : i32
      %mul3A_273 = arith.muli %scan3A_248, %mul3A_272 : i32
      %add3A_274 = vector.broadcast %mul3A_273 : i32 to vector<16xi32>
      %add3A_275 = arith.addi %iota3A, %add3A_274 : vector<16xi32>
      tpu.vector_store_idx %arg7[%sub3A_271], %add3A_275 masked %and3A_263 : memref<16400xi32, #tpu.memory_space<vmem>>[vector<16xi32>], vector<16xi32>, vector<16xi1>
      %slice3A = vector.extract_strided_slice %masked_cumsum3A {offsets = [15], sizes = [1], strides = [1]} : vector<16xi32> to vector<1xi32>
      %squeeze3A = vector.extract %slice3A[0] : i32 from vector<1xi32>
      %add3A_276 = arith.addi %scan3A_249, %squeeze3A : i32
      scf.yield %add3A_276 : i32
    }
    %scan3A_97 = arith.constant 1024 : i32
    %broadcast_in_dim3A_98 = arith.constant 1 : i32
    %broadcast_in_dim3A_99 = vector.broadcast %broadcast_in_dim3A_98 : i32 to vector<16xi32>
    %add3A_100 = arith.constant 16 : i32
    %add3A_101 = arith.addi %scan3A_96, %add3A_100 : i32
    %sub3A_102 = arith.constant 1 : i32
    %sub3A_103 = arith.subi %add3A_101, %sub3A_102 : i32
    %jit3A = arith.constant 16 : i32
    %div3A = arith.divsi %sub3A_103, %jit3A : i32
    %sign3A = arith.constant 0 : i32
    %sign3A_104 = arith.cmpi sgt, %sub3A_103, %sign3A : i32
    %sign3A_105 = arith.extui %sign3A_104 : i1 to i32
    %sign3A_106 = arith.constant 0 : i32
    %sign3A_107 = arith.cmpi slt, %sub3A_103, %sign3A_106 : i32
    %sign3A_108 = arith.extui %sign3A_107 : i1 to i32
    %sign3A_109 = arith.subi %sign3A_105, %sign3A_108 : i32
    %sign3A_110 = arith.constant 0 : i32
    %sign3A_111 = arith.cmpi sgt, %jit3A, %sign3A_110 : i32
    %sign3A_112 = arith.extui %sign3A_111 : i1 to i32
    %sign3A_113 = arith.constant 0 : i32
    %sign3A_114 = arith.cmpi slt, %jit3A, %sign3A_113 : i32
    %sign3A_115 = arith.extui %sign3A_114 : i1 to i32
    %sign3A_116 = arith.subi %sign3A_112, %sign3A_115 : i32
    %ne3A = arith.cmpi ne, %sign3A_109, %sign3A_116 : i32
    %rem3A = arith.remsi %sub3A_103, %jit3A : i32
    %ne3A_117 = arith.constant 0 : i32
    %ne3A_118 = arith.cmpi ne, %rem3A, %ne3A_117 : i32
    %and3A = arith.andi %ne3A, %ne3A_118 : i1
    %sub3A_119 = arith.constant 1 : i32
    %sub3A_120 = arith.subi %div3A, %sub3A_119 : i32
    %select_n3A = arith.select %and3A, %sub3A_120, %div3A : i32
    %while3A = arith.constant 0 : i32
    %while3A_121 = arith.constant 0 : i32
    %while3A_122 = arith.subi %select_n3A, %while3A : i32
    %while3A_123 = arith.addi %while3A, %while3A_122 : i32
    %while3A_124 = arith.constant 1 : i32
    %while3A_125 = arith.divsi %while3A_122, %while3A_124 : i32
    %while3A_126 = arith.muli %while3A_125, %while3A_124 : i32
    %while3A_127 = arith.addi %while3A, %while3A_126 : i32
    %while3A_128 = arith.constant 1 : i32
    %while3A_129 = scf.for %while3A_248 = %while3A to %while3A_127 step %while3A_128 iter_args(%while3A_249 = %while3A_121) -> (i32)  : i32 {
      %mul3A_250 = arith.constant 16 : i32
      %mul3A_251 = arith.muli %while3A_248, %mul3A_250 : i32
      %get3A_252 = arith.index_cast %mul3A_251 : i32 to index
      %get3A_253 = tpu.vector_load %arg6[%get3A_252] {strides = array<i32>} : memref<16400xi32, #tpu.memory_space<vmem>>, vector<16xi32>,
      %mul3A_254 = arith.constant 16 : i32
      %mul3A_255 = arith.muli %while3A_248, %mul3A_254 : i32
      %add3A_256 = vector.broadcast %mul3A_255 : i32 to vector<16xi32>
      %add3A_257 = arith.addi %iota3A, %add3A_256 : vector<16xi32>
      %lt3A = vector.broadcast %scan3A_96 : i32 to vector<16xi32>
      %lt3A_258 = arith.cmpi slt, %add3A_257, %lt3A : vector<16xi32>
      %shift_right_arithmetic3A = arith.constant 7 : i32
      %shift_right_arithmetic3A_259 = vector.broadcast %shift_right_arithmetic3A : i32 to vector<16xi32>
      %shift_right_arithmetic3A_260 = arith.shrsi %get3A_253, %shift_right_arithmetic3A_259 : vector<16xi32>
      %sub3A_261 = vector.broadcast %mul3A_2 : i32 to vector<16xi32>
      %sub3A_262 = arith.subi %shift_right_arithmetic3A_260, %sub3A_261 : vector<16xi32>
      %jit3A_263 = arith.constant 271 : i32
      %broadcast_in_dim3A_264 = vector.broadcast %jit3A_263 : i32 to vector<16xi32>
      %select_n3A_265 = arith.select %lt3A_258, %sub3A_262, %broadcast_in_dim3A_264 : vector<16xi1>, vector<16xi32>
      tpu.vector_store_idx %arg11[%select_n3A_265], %broadcast_in_dim3A_99 masked %lt3A_258 {add = true} : memref<272xi32, #tpu.memory_space<vmem>>[vector<16xi32>], vector<16xi32>, vector<16xi1>
      %while3A_266 = arith.constant 0 : i32
      scf.yield %while3A_266 : i32
    }
    %while3A_130 = arith.constant 1 : i32
    %while3A_131 = scf.for %while3A_248 = %while3A_127 to %while3A_123 step %while3A_130 iter_args(%while3A_249 = %while3A_129) -> (i32)  : i32 {
      %mul3A_250 = arith.constant 16 : i32
      %mul3A_251 = arith.muli %while3A_248, %mul3A_250 : i32
      %get3A_252 = arith.index_cast %mul3A_251 : i32 to index
      %get3A_253 = tpu.vector_load %arg6[%get3A_252] {strides = array<i32>} : memref<16400xi32, #tpu.memory_space<vmem>>, vector<16xi32>,
      %mul3A_254 = arith.constant 16 : i32
      %mul3A_255 = arith.muli %while3A_248, %mul3A_254 : i32
      %add3A_256 = vector.broadcast %mul3A_255 : i32 to vector<16xi32>
      %add3A_257 = arith.addi %iota3A, %add3A_256 : vector<16xi32>
      %lt3A = vector.broadcast %scan3A_96 : i32 to vector<16xi32>
      %lt3A_258 = arith.cmpi slt, %add3A_257, %lt3A : vector<16xi32>
      %shift_right_arithmetic3A = arith.constant 7 : i32
      %shift_right_arithmetic3A_259 = vector.broadcast %shift_right_arithmetic3A : i32 to vector<16xi32>
      %shift_right_arithmetic3A_260 = arith.shrsi %get3A_253, %shift_right_arithmetic3A_259 : vector<16xi32>
      %sub3A_261 = vector.broadcast %mul3A_2 : i32 to vector<16xi32>
      %sub3A_262 = arith.subi %shift_right_arithmetic3A_260, %sub3A_261 : vector<16xi32>
      %jit3A_263 = arith.constant 271 : i32
      %broadcast_in_dim3A_264 = vector.broadcast %jit3A_263 : i32 to vector<16xi32>
      %select_n3A_265 = arith.select %lt3A_258, %sub3A_262, %broadcast_in_dim3A_264 : vector<16xi1>, vector<16xi32>
      tpu.vector_store_idx %arg11[%select_n3A_265], %broadcast_in_dim3A_99 masked %lt3A_258 {add = true} : memref<272xi32, #tpu.memory_space<vmem>>[vector<16xi32>], vector<16xi32>, vector<16xi1>
      %while3A_266 = arith.constant 0 : i32
      scf.yield %while3A_266 : i32
    }
    %scan3A_132 = arith.constant 0 : i32
    %scan3A_133 = arith.constant 0 : i32
    %scan3A_134 = arith.constant 0 : i32
    %scan3A_135 = arith.constant 17 : i32
    %scan3A_136 = arith.addi %scan3A_134, %scan3A_135 : i32
    %scan3A_137 = arith.constant 1 : i32
    %scan3A_138:2 = scf.for %scan3A_248 = %scan3A_134 to %scan3A_136 step %scan3A_137 iter_args(%scan3A_249 = %scan3A_132, %scan3A_250 = %scan3A_133) -> (i32, i32)  : i32 {
      %mul3A_251 = arith.constant 16 : i32
      %mul3A_252 = arith.muli %scan3A_248, %mul3A_251 : i32
      %get3A_253 = arith.index_cast %mul3A_252 : i32 to index
      %get3A_254 = tpu.vector_load %arg11[%get3A_253] {strides = array<i32>} : memref<272xi32, #tpu.memory_space<vmem>>, vector<16xi32>,
      %broadcast_in_dim3A_255 = arith.constant true
      %broadcast_in_dim3A_256 = vector.broadcast %broadcast_in_dim3A_255 : i1 to vector<16xi1>
      %masked_cumsum3A = tpu.scan <sum>, %get3A_254 masked %broadcast_in_dim3A_256 : vector<16xi32>, vector<16xi1> -> vector<16xi32>
      %sub3A_257 = arith.subi %masked_cumsum3A, %get3A_254 : vector<16xi32>
      %broadcast_in_dim3A_258 = vector.broadcast %scan3A_249 : i32 to vector<16xi32>
      %add3A_259 = arith.addi %sub3A_257, %broadcast_in_dim3A_258 : vector<16xi32>
      %mul3A_260 = arith.constant 16 : i32
      %mul3A_261 = arith.muli %scan3A_248, %mul3A_260 : i32
      %swap3A_262 = arith.index_cast %mul3A_261 : i32 to index
      %swap3A_263 = tpu.vector_load %arg10[%swap3A_262] {strides = array<i32>} : memref<272xi32, #tpu.memory_space<vmem>>, vector<16xi32>,
      tpu.vector_store %arg10[%swap3A_262], %add3A_259 {strides = array<i32>} : memref<272xi32, #tpu.memory_space<vmem>>, vector<16xi32>,
      %gt3A_264 = arith.constant 0 : i32
      %gt3A_265 = vector.broadcast %gt3A_264 : i32 to vector<16xi32>
      %gt3A_266 = arith.cmpi sgt, %get3A_254, %gt3A_265 : vector<16xi32>
      %convert_element_type3A_267 = arith.extui %gt3A_266 : vector<16xi1> to vector<16xi32>
      %broadcast_in_dim3A_268 = arith.constant true
      %broadcast_in_dim3A_269 = vector.broadcast %broadcast_in_dim3A_268 : i1 to vector<16xi1>
      %masked_cumsum3A_270 = tpu.scan <sum>, %convert_element_type3A_267 masked %broadcast_in_dim3A_269 : vector<16xi32>, vector<16xi1> -> vector<16xi32>
      %broadcast_in_dim3A_271 = vector.broadcast %scan3A_250 : i32 to vector<16xi32>
      %add3A_272 = arith.addi %broadcast_in_dim3A_271, %masked_cumsum3A_270 : vector<16xi32>
      %sub3A_273 = arith.constant 1 : i32
      %sub3A_274 = vector.broadcast %sub3A_273 : i32 to vector<16xi32>
      %sub3A_275 = arith.subi %add3A_272, %sub3A_274 : vector<16xi32>
      %mul3A_276 = arith.constant 16 : i32
      %mul3A_277 = arith.muli %scan3A_248, %mul3A_276 : i32
      %add3A_278 = vector.broadcast %mul3A_277 : i32 to vector<16xi32>
      %add3A_279 = arith.addi %iota3A, %add3A_278 : vector<16xi32>
      tpu.vector_store_idx %arg12[%sub3A_275], %add3A_279 masked %gt3A_266 : memref<272xi32, #tpu.memory_space<vmem>>[vector<16xi32>], vector<16xi32>, vector<16xi1>
      tpu.vector_store_idx %arg13[%sub3A_275], %add3A_259 masked %gt3A_266 : memref<272xi32, #tpu.memory_space<vmem>>[vector<16xi32>], vector<16xi32>, vector<16xi1>
      %slice3A = vector.extract_strided_slice %masked_cumsum3A {offsets = [15], sizes = [1], strides = [1]} : vector<16xi32> to vector<1xi32>
      %squeeze3A = vector.extract %slice3A[0] : i32 from vector<1xi32>
      %add3A_280 = arith.addi %scan3A_249, %squeeze3A : i32
      %slice3A_281 = vector.extract_strided_slice %masked_cumsum3A_270 {offsets = [15], sizes = [1], strides = [1]} : vector<16xi32> to vector<1xi32>
      %squeeze3A_282 = vector.extract %slice3A_281[0] : i32 from vector<1xi32>
      %add3A_283 = arith.addi %scan3A_250, %squeeze3A_282 : i32
      scf.yield %add3A_280, %add3A_283 : i32, i32
    }
    %scan3A_139 = arith.constant 17 : i32
    %broadcast_in_dim3A_140 = vector.broadcast %scan3A_138#1 : i32 to vector<16xi32>
    %broadcast_in_dim3A_141 = vector.broadcast %scan3A_96 : i32 to vector<16xi32>
    %eq3A = arith.constant 0 : i32
    %eq3A_142 = vector.broadcast %eq3A : i32 to vector<16xi32>
    %eq3A_143 = arith.cmpi eq, %iota3A, %eq3A_142 : vector<16xi32>
    tpu.vector_store_idx %arg13[%broadcast_in_dim3A_140], %broadcast_in_dim3A_141 masked %eq3A_143 : memref<272xi32, #tpu.memory_space<vmem>>[vector<16xi32>], vector<16xi32>, vector<16xi1>
    %swap3A_144 = arith.constant 0 : index
    %swap3A_145 = tpu.vector_load %arg11[%swap3A_144] {strides = array<i32>} : memref<272xi32, #tpu.memory_space<vmem>>, vector<16xi32>,
    tpu.vector_store %arg11[%swap3A_144], %broadcast_in_dim3A_23 {strides = array<i32>} : memref<272xi32, #tpu.memory_space<vmem>>, vector<16xi32>,
    %swap3A_146 = arith.constant 16 : index
    %swap3A_147 = tpu.vector_load %arg11[%swap3A_146] {strides = array<i32>} : memref<272xi32, #tpu.memory_space<vmem>>, vector<16xi32>,
    tpu.vector_store %arg11[%swap3A_146], %broadcast_in_dim3A_23 {strides = array<i32>} : memref<272xi32, #tpu.memory_space<vmem>>, vector<16xi32>,
    %swap3A_148 = arith.constant 32 : index
    %swap3A_149 = tpu.vector_load %arg11[%swap3A_148] {strides = array<i32>} : memref<272xi32, #tpu.memory_space<vmem>>, vector<16xi32>,
    tpu.vector_store %arg11[%swap3A_148], %broadcast_in_dim3A_23 {strides = array<i32>} : memref<272xi32, #tpu.memory_space<vmem>>, vector<16xi32>,
    %swap3A_150 = arith.constant 48 : index
    %swap3A_151 = tpu.vector_load %arg11[%swap3A_150] {strides = array<i32>} : memref<272xi32, #tpu.memory_space<vmem>>, vector<16xi32>,
    tpu.vector_store %arg11[%swap3A_150], %broadcast_in_dim3A_23 {strides = array<i32>} : memref<272xi32, #tpu.memory_space<vmem>>, vector<16xi32>,
    %swap3A_152 = arith.constant 64 : index
    %swap3A_153 = tpu.vector_load %arg11[%swap3A_152] {strides = array<i32>} : memref<272xi32, #tpu.memory_space<vmem>>, vector<16xi32>,
    tpu.vector_store %arg11[%swap3A_152], %broadcast_in_dim3A_23 {strides = array<i32>} : memref<272xi32, #tpu.memory_space<vmem>>, vector<16xi32>,
    %swap3A_154 = arith.constant 80 : index
    %swap3A_155 = tpu.vector_load %arg11[%swap3A_154] {strides = array<i32>} : memref<272xi32, #tpu.memory_space<vmem>>, vector<16xi32>,
    tpu.vector_store %arg11[%swap3A_154], %broadcast_in_dim3A_23 {strides = array<i32>} : memref<272xi32, #tpu.memory_space<vmem>>, vector<16xi32>,
    %swap3A_156 = arith.constant 96 : index
    %swap3A_157 = tpu.vector_load %arg11[%swap3A_156] {strides = array<i32>} : memref<272xi32, #tpu.memory_space<vmem>>, vector<16xi32>,
    tpu.vector_store %arg11[%swap3A_156], %broadcast_in_dim3A_23 {strides = array<i32>} : memref<272xi32, #tpu.memory_space<vmem>>, vector<16xi32>,
    %swap3A_158 = arith.constant 112 : index
    %swap3A_159 = tpu.vector_load %arg11[%swap3A_158] {strides = array<i32>} : memref<272xi32, #tpu.memory_space<vmem>>, vector<16xi32>,
    tpu.vector_store %arg11[%swap3A_158], %broadcast_in_dim3A_23 {strides = array<i32>} : memref<272xi32, #tpu.memory_space<vmem>>, vector<16xi32>,
    %swap3A_160 = arith.constant 128 : index
    %swap3A_161 = tpu.vector_load %arg11[%swap3A_160] {strides = array<i32>} : memref<272xi32, #tpu.memory_space<vmem>>, vector<16xi32>,
    tpu.vector_store %arg11[%swap3A_160], %broadcast_in_dim3A_23 {strides = array<i32>} : memref<272xi32, #tpu.memory_space<vmem>>, vector<16xi32>,
    %swap3A_162 = arith.constant 144 : index
    %swap3A_163 = tpu.vector_load %arg11[%swap3A_162] {strides = array<i32>} : memref<272xi32, #tpu.memory_space<vmem>>, vector<16xi32>,
    tpu.vector_store %arg11[%swap3A_162], %broadcast_in_dim3A_23 {strides = array<i32>} : memref<272xi32, #tpu.memory_space<vmem>>, vector<16xi32>,
    %swap3A_164 = arith.constant 160 : index
    %swap3A_165 = tpu.vector_load %arg11[%swap3A_164] {strides = array<i32>} : memref<272xi32, #tpu.memory_space<vmem>>, vector<16xi32>,
    tpu.vector_store %arg11[%swap3A_164], %broadcast_in_dim3A_23 {strides = array<i32>} : memref<272xi32, #tpu.memory_space<vmem>>, vector<16xi32>,
    %swap3A_166 = arith.constant 176 : index
    %swap3A_167 = tpu.vector_load %arg11[%swap3A_166] {strides = array<i32>} : memref<272xi32, #tpu.memory_space<vmem>>, vector<16xi32>,
    tpu.vector_store %arg11[%swap3A_166], %broadcast_in_dim3A_23 {strides = array<i32>} : memref<272xi32, #tpu.memory_space<vmem>>, vector<16xi32>,
    %swap3A_168 = arith.constant 192 : index
    %swap3A_169 = tpu.vector_load %arg11[%swap3A_168] {strides = array<i32>} : memref<272xi32, #tpu.memory_space<vmem>>, vector<16xi32>,
    tpu.vector_store %arg11[%swap3A_168], %broadcast_in_dim3A_23 {strides = array<i32>} : memref<272xi32, #tpu.memory_space<vmem>>, vector<16xi32>,
    %swap3A_170 = arith.constant 208 : index
    %swap3A_171 = tpu.vector_load %arg11[%swap3A_170] {strides = array<i32>} : memref<272xi32, #tpu.memory_space<vmem>>, vector<16xi32>,
    tpu.vector_store %arg11[%swap3A_170], %broadcast_in_dim3A_23 {strides = array<i32>} : memref<272xi32, #tpu.memory_space<vmem>>, vector<16xi32>,
    %swap3A_172 = arith.constant 224 : index
    %swap3A_173 = tpu.vector_load %arg11[%swap3A_172] {strides = array<i32>} : memref<272xi32, #tpu.memory_space<vmem>>, vector<16xi32>,
    tpu.vector_store %arg11[%swap3A_172], %broadcast_in_dim3A_23 {strides = array<i32>} : memref<272xi32, #tpu.memory_space<vmem>>, vector<16xi32>,
    %swap3A_174 = arith.constant 240 : index
    %swap3A_175 = tpu.vector_load %arg11[%swap3A_174] {strides = array<i32>} : memref<272xi32, #tpu.memory_space<vmem>>, vector<16xi32>,
    tpu.vector_store %arg11[%swap3A_174], %broadcast_in_dim3A_23 {strides = array<i32>} : memref<272xi32, #tpu.memory_space<vmem>>, vector<16xi32>,
    %swap3A_176 = arith.constant 256 : index
    %swap3A_177 = tpu.vector_load %arg11[%swap3A_176] {strides = array<i32>} : memref<272xi32, #tpu.memory_space<vmem>>, vector<16xi32>,
    tpu.vector_store %arg11[%swap3A_176], %broadcast_in_dim3A_23 {strides = array<i32>} : memref<272xi32, #tpu.memory_space<vmem>>, vector<16xi32>,
    %while3A_178 = arith.constant 0 : i32
    %while3A_179 = arith.constant 0 : i32
    %while3A_180 = arith.subi %scan3A_96, %while3A_178 : i32
    %while3A_181 = arith.addi %while3A_178, %while3A_180 : i32
    %while3A_182 = arith.constant 1 : i32
    %while3A_183 = arith.divsi %while3A_180, %while3A_182 : i32
    %while3A_184 = arith.muli %while3A_183, %while3A_182 : i32
    %while3A_185 = arith.addi %while3A_178, %while3A_184 : i32
    %while3A_186 = arith.constant 1 : i32
    %while3A_187 = scf.for %while3A_248 = %while3A_178 to %while3A_185 step %while3A_186 iter_args(%while3A_249 = %while3A_179) -> (i32)  : i32 {
      %get3A_250 = arith.index_cast %while3A_248 : i32 to index
      %get3A_251 = tpu.vector_load %arg6[%get3A_250] {strides = array<i32>} : memref<16400xi32, #tpu.memory_space<vmem>>, vector<16xi32>,
      %slice3A = vector.extract_strided_slice %get3A_251 {offsets = [0], sizes = [1], strides = [1]} : vector<16xi32> to vector<1xi32>
      %squeeze3A = vector.extract %slice3A[0] : i32 from vector<1xi32>
      %shift_right_arithmetic3A = arith.constant 7 : i32
      %shift_right_arithmetic3A_252 = arith.shrsi %squeeze3A, %shift_right_arithmetic3A : i32
      %sub3A_253 = arith.subi %shift_right_arithmetic3A_252, %mul3A_2 : i32
      %get3A_254 = arith.index_cast %sub3A_253 : i32 to index
      %get3A_255 = tpu.vector_load %arg10[%get3A_254] {strides = array<i32>} : memref<272xi32, #tpu.memory_space<vmem>>, vector<16xi32>,
      %slice3A_256 = vector.extract_strided_slice %get3A_255 {offsets = [0], sizes = [1], strides = [1]} : vector<16xi32> to vector<1xi32>
      %squeeze3A_257 = vector.extract %slice3A_256[0] : i32 from vector<1xi32>
      %get3A_258 = arith.index_cast %sub3A_253 : i32 to index
      %get3A_259 = tpu.vector_load %arg11[%get3A_258] {strides = array<i32>} : memref<272xi32, #tpu.memory_space<vmem>>, vector<16xi32>,
      %slice3A_260 = vector.extract_strided_slice %get3A_259 {offsets = [0], sizes = [1], strides = [1]} : vector<16xi32> to vector<1xi32>
      %squeeze3A_261 = vector.extract %slice3A_260[0] : i32 from vector<1xi32>
      %add3A_262 = arith.addi %squeeze3A_257, %squeeze3A_261 : i32
      %broadcast_in_dim3A_263 = vector.broadcast %add3A_262 : i32 to vector<16xi32>
      %broadcast_in_dim3A_264 = vector.broadcast %squeeze3A : i32 to vector<16xi32>
      %eq3A_265 = arith.constant 0 : i32
      %eq3A_266 = vector.broadcast %eq3A_265 : i32 to vector<16xi32>
      %eq3A_267 = arith.cmpi eq, %iota3A, %eq3A_266 : vector<16xi32>
      tpu.vector_store_idx %arg5[%broadcast_in_dim3A_263], %broadcast_in_dim3A_264 masked %eq3A_267 : memref<16400xi32, #tpu.memory_space<vmem>>[vector<16xi32>], vector<16xi32>, vector<16xi1>
      %get3A_268 = arith.index_cast %while3A_248 : i32 to index
      %get3A_269 = tpu.vector_load %arg7[%get3A_268] {strides = array<i32>} : memref<16400xi32, #tpu.memory_space<vmem>>, vector<16xi32>,
      %slice3A_270 = vector.extract_strided_slice %get3A_269 {offsets = [0], sizes = [1], strides = [1]} : vector<16xi32> to vector<1xi32>
      %squeeze3A_271 = vector.extract %slice3A_270[0] : i32 from vector<1xi32>
      %broadcast_in_dim3A_272 = vector.broadcast %add3A_262 : i32 to vector<16xi32>
      %broadcast_in_dim3A_273 = vector.broadcast %squeeze3A_271 : i32 to vector<16xi32>
      %eq3A_274 = arith.constant 0 : i32
      %eq3A_275 = vector.broadcast %eq3A_274 : i32 to vector<16xi32>
      %eq3A_276 = arith.cmpi eq, %iota3A, %eq3A_275 : vector<16xi32>
      tpu.vector_store_idx %arg8[%broadcast_in_dim3A_272], %broadcast_in_dim3A_273 masked %eq3A_276 : memref<16400xi32, #tpu.memory_space<vmem>>[vector<16xi32>], vector<16xi32>, vector<16xi1>
      %get3A_277 = arith.index_cast %sub3A_253 : i32 to index
      %get3A_278 = tpu.vector_load %arg11[%get3A_277] {strides = array<i32>} : memref<272xi32, #tpu.memory_space<vmem>>, vector<16xi32>,
      %slice3A_279 = vector.extract_strided_slice %get3A_278 {offsets = [0], sizes = [1], strides = [1]} : vector<16xi32> to vector<1xi32>
      %squeeze3A_280 = vector.extract %slice3A_279[0] : i32 from vector<1xi32>
      %add3A_281 = arith.constant 1 : i32
      %add3A_282 = arith.addi %squeeze3A_280, %add3A_281 : i32
      %broadcast_in_dim3A_283 = vector.broadcast %sub3A_253 : i32 to vector<16xi32>
      %broadcast_in_dim3A_284 = vector.broadcast %add3A_282 : i32 to vector<16xi32>
      %eq3A_285 = arith.constant 0 : i32
      %eq3A_286 = vector.broadcast %eq3A_285 : i32 to vector<16xi32>
      %eq3A_287 = arith.cmpi eq, %iota3A, %eq3A_286 : vector<16xi32>
      tpu.vector_store_idx %arg11[%broadcast_in_dim3A_283], %broadcast_in_dim3A_284 masked %eq3A_287 : memref<272xi32, #tpu.memory_space<vmem>>[vector<16xi32>], vector<16xi32>, vector<16xi1>
      %while3A_288 = arith.constant 0 : i32
      scf.yield %while3A_288 : i32
    }
    %while3A_188 = arith.constant 1 : i32
    %while3A_189 = scf.for %while3A_248 = %while3A_185 to %while3A_181 step %while3A_188 iter_args(%while3A_249 = %while3A_187) -> (i32)  : i32 {
      %get3A_250 = arith.index_cast %while3A_248 : i32 to index
      %get3A_251 = tpu.vector_load %arg6[%get3A_250] {strides = array<i32>} : memref<16400xi32, #tpu.memory_space<vmem>>, vector<16xi32>,
      %slice3A = vector.extract_strided_slice %get3A_251 {offsets = [0], sizes = [1], strides = [1]} : vector<16xi32> to vector<1xi32>
      %squeeze3A = vector.extract %slice3A[0] : i32 from vector<1xi32>
      %shift_right_arithmetic3A = arith.constant 7 : i32
      %shift_right_arithmetic3A_252 = arith.shrsi %squeeze3A, %shift_right_arithmetic3A : i32
      %sub3A_253 = arith.subi %shift_right_arithmetic3A_252, %mul3A_2 : i32
      %get3A_254 = arith.index_cast %sub3A_253 : i32 to index
      %get3A_255 = tpu.vector_load %arg10[%get3A_254] {strides = array<i32>} : memref<272xi32, #tpu.memory_space<vmem>>, vector<16xi32>,
      %slice3A_256 = vector.extract_strided_slice %get3A_255 {offsets = [0], sizes = [1], strides = [1]} : vector<16xi32> to vector<1xi32>
      %squeeze3A_257 = vector.extract %slice3A_256[0] : i32 from vector<1xi32>
      %get3A_258 = arith.index_cast %sub3A_253 : i32 to index
      %get3A_259 = tpu.vector_load %arg11[%get3A_258] {strides = array<i32>} : memref<272xi32, #tpu.memory_space<vmem>>, vector<16xi32>,
      %slice3A_260 = vector.extract_strided_slice %get3A_259 {offsets = [0], sizes = [1], strides = [1]} : vector<16xi32> to vector<1xi32>
      %squeeze3A_261 = vector.extract %slice3A_260[0] : i32 from vector<1xi32>
      %add3A_262 = arith.addi %squeeze3A_257, %squeeze3A_261 : i32
      %broadcast_in_dim3A_263 = vector.broadcast %add3A_262 : i32 to vector<16xi32>
      %broadcast_in_dim3A_264 = vector.broadcast %squeeze3A : i32 to vector<16xi32>
      %eq3A_265 = arith.constant 0 : i32
      %eq3A_266 = vector.broadcast %eq3A_265 : i32 to vector<16xi32>
      %eq3A_267 = arith.cmpi eq, %iota3A, %eq3A_266 : vector<16xi32>
      tpu.vector_store_idx %arg5[%broadcast_in_dim3A_263], %broadcast_in_dim3A_264 masked %eq3A_267 : memref<16400xi32, #tpu.memory_space<vmem>>[vector<16xi32>], vector<16xi32>, vector<16xi1>
      %get3A_268 = arith.index_cast %while3A_248 : i32 to index
      %get3A_269 = tpu.vector_load %arg7[%get3A_268] {strides = array<i32>} : memref<16400xi32, #tpu.memory_space<vmem>>, vector<16xi32>,
      %slice3A_270 = vector.extract_strided_slice %get3A_269 {offsets = [0], sizes = [1], strides = [1]} : vector<16xi32> to vector<1xi32>
      %squeeze3A_271 = vector.extract %slice3A_270[0] : i32 from vector<1xi32>
      %broadcast_in_dim3A_272 = vector.broadcast %add3A_262 : i32 to vector<16xi32>
      %broadcast_in_dim3A_273 = vector.broadcast %squeeze3A_271 : i32 to vector<16xi32>
      %eq3A_274 = arith.constant 0 : i32
      %eq3A_275 = vector.broadcast %eq3A_274 : i32 to vector<16xi32>
      %eq3A_276 = arith.cmpi eq, %iota3A, %eq3A_275 : vector<16xi32>
      tpu.vector_store_idx %arg8[%broadcast_in_dim3A_272], %broadcast_in_dim3A_273 masked %eq3A_276 : memref<16400xi32, #tpu.memory_space<vmem>>[vector<16xi32>], vector<16xi32>, vector<16xi1>
      %get3A_277 = arith.index_cast %sub3A_253 : i32 to index
      %get3A_278 = tpu.vector_load %arg11[%get3A_277] {strides = array<i32>} : memref<272xi32, #tpu.memory_space<vmem>>, vector<16xi32>,
      %slice3A_279 = vector.extract_strided_slice %get3A_278 {offsets = [0], sizes = [1], strides = [1]} : vector<16xi32> to vector<1xi32>
      %squeeze3A_280 = vector.extract %slice3A_279[0] : i32 from vector<1xi32>
      %add3A_281 = arith.constant 1 : i32
      %add3A_282 = arith.addi %squeeze3A_280, %add3A_281 : i32
      %broadcast_in_dim3A_283 = vector.broadcast %sub3A_253 : i32 to vector<16xi32>
      %broadcast_in_dim3A_284 = vector.broadcast %add3A_282 : i32 to vector<16xi32>
      %eq3A_285 = arith.constant 0 : i32
      %eq3A_286 = vector.broadcast %eq3A_285 : i32 to vector<16xi32>
      %eq3A_287 = arith.cmpi eq, %iota3A, %eq3A_286 : vector<16xi32>
      tpu.vector_store_idx %arg11[%broadcast_in_dim3A_283], %broadcast_in_dim3A_284 masked %eq3A_287 : memref<272xi32, #tpu.memory_space<vmem>>[vector<16xi32>], vector<16xi32>, vector<16xi1>
      %while3A_288 = arith.constant 0 : i32
      scf.yield %while3A_288 : i32
    }
    %gt3A = arith.constant 0 : i32
    %gt3A_190 = arith.cmpi sgt, %scan3A_138#1, %gt3A : i32
    %convert_element_type3A = arith.extui %gt3A_190 : i1 to i32
    %cond3A = arith.constant 0 : i32
    %cond3A_191 = arith.cmpi ne, %convert_element_type3A, %cond3A : i32
    scf.if %cond3A_191 {
      %get3A_248 = arith.constant 0 : index
      %get3A_249 = tpu.vector_load %arg12[%get3A_248] {strides = array<i32>} : memref<272xi32, #tpu.memory_space<vmem>>, vector<16xi32>,
      %slice3A = vector.extract_strided_slice %get3A_249 {offsets = [0], sizes = [1], strides = [1]} : vector<16xi32> to vector<1xi32>
      %squeeze3A = vector.extract %slice3A[0] : i32 from vector<1xi32>
      %add3A_250 = arith.addi %squeeze3A, %mul3A_2 : i32
      %mul3A_251 = arith.constant 128 : i32
      %mul3A_252 = arith.muli %add3A_250, %mul3A_251 : i32
      %multiple_of3A = tpu.assume_multiple %mul3A_252, 128 : i32
      %dma_start3A = arith.constant 0 : i32
      %dma_start3A_253 = arith.constant 0 : i32
      %dma_start3A_254 = arith.constant 0 : i32
      %dma_start3A_255 = tpu.memref_slice %arg9[%dma_start3A, %dma_start3A_253, %dma_start3A_254] : memref<7x64x128xf32, #tpu.memory_space<vmem>> -> memref<1x64x128xf32, #tpu.memory_space<vmem>>
      %dma_start3A_256 = tpu.memref_squeeze %dma_start3A_255 : memref<1x64x128xf32, #tpu.memory_space<vmem>> -> memref<64x128xf32, #tpu.memory_space<vmem>>
      %dma_start3A_257 = arith.constant 0 : i32
      %dma_start3A_258 = tpu.memref_slice %arg3[%dma_start3A_257, %multiple_of3A] : memref<64x1000000xf32, #tpu.memory_space<hbm>> -> memref<64x128xf32, #tpu.memory_space<hbm>>
      %dma_start3A_259 = arith.constant 0 : i32
      %dma_start3A_260 = arith.constant 0 : i32
      %dma_start3A_261 = tpu.memref_slice %arg9[%dma_start3A, %dma_start3A_259, %dma_start3A_260] : memref<7x64x128xf32, #tpu.memory_space<vmem>> -> memref<1x64x128xf32, #tpu.memory_space<vmem>>
      %dma_start3A_262 = tpu.memref_squeeze %dma_start3A_261 : memref<1x64x128xf32, #tpu.memory_space<vmem>> -> memref<64x128xf32, #tpu.memory_space<vmem>>
      %dma_start3A_263 = arith.constant 0 : i32
      %dma_start3A_264 = tpu.memref_slice %arg3[%dma_start3A_263, %multiple_of3A] : memref<64x1000000xf32, #tpu.memory_space<hbm>> -> memref<64x128xf32, #tpu.memory_space<hbm>>
      tpu.enqueue_dma source(%dma_start3A_264 : memref<64x128xf32, #tpu.memory_space<hbm>>) target(%dma_start3A_262 : memref<64x128xf32, #tpu.memory_space<vmem>>) target_semaphore(%arg17 : memref<!tpu.dma_semaphore, #tpu.memory_space<semaphore_mem>>)
    } else {
    }
    %gt3A_192 = arith.constant 1 : i32
    %gt3A_193 = arith.cmpi sgt, %scan3A_138#1, %gt3A_192 : i32
    %convert_element_type3A_194 = arith.extui %gt3A_193 : i1 to i32
    %cond3A_195 = arith.constant 0 : i32
    %cond3A_196 = arith.cmpi ne, %convert_element_type3A_194, %cond3A_195 : i32
    scf.if %cond3A_196 {
      %get3A_248 = arith.constant 1 : index
      %get3A_249 = tpu.vector_load %arg12[%get3A_248] {strides = array<i32>} : memref<272xi32, #tpu.memory_space<vmem>>, vector<16xi32>,
      %slice3A = vector.extract_strided_slice %get3A_249 {offsets = [0], sizes = [1], strides = [1]} : vector<16xi32> to vector<1xi32>
      %squeeze3A = vector.extract %slice3A[0] : i32 from vector<1xi32>
      %add3A_250 = arith.addi %squeeze3A, %mul3A_2 : i32
      %mul3A_251 = arith.constant 128 : i32
      %mul3A_252 = arith.muli %add3A_250, %mul3A_251 : i32
      %multiple_of3A = tpu.assume_multiple %mul3A_252, 128 : i32
      %dma_start3A = arith.constant 1 : i32
      %dma_start3A_253 = arith.constant 0 : i32
      %dma_start3A_254 = arith.constant 0 : i32
      %dma_start3A_255 = tpu.memref_slice %arg9[%dma_start3A, %dma_start3A_253, %dma_start3A_254] : memref<7x64x128xf32, #tpu.memory_space<vmem>> -> memref<1x64x128xf32, #tpu.memory_space<vmem>>
      %dma_start3A_256 = tpu.memref_squeeze %dma_start3A_255 : memref<1x64x128xf32, #tpu.memory_space<vmem>> -> memref<64x128xf32, #tpu.memory_space<vmem>>
      %dma_start3A_257 = arith.constant 0 : i32
      %dma_start3A_258 = tpu.memref_slice %arg3[%dma_start3A_257, %multiple_of3A] : memref<64x1000000xf32, #tpu.memory_space<hbm>> -> memref<64x128xf32, #tpu.memory_space<hbm>>
      %dma_start3A_259 = arith.constant 0 : i32
      %dma_start3A_260 = arith.constant 0 : i32
      %dma_start3A_261 = tpu.memref_slice %arg9[%dma_start3A, %dma_start3A_259, %dma_start3A_260] : memref<7x64x128xf32, #tpu.memory_space<vmem>> -> memref<1x64x128xf32, #tpu.memory_space<vmem>>
      %dma_start3A_262 = tpu.memref_squeeze %dma_start3A_261 : memref<1x64x128xf32, #tpu.memory_space<vmem>> -> memref<64x128xf32, #tpu.memory_space<vmem>>
      %dma_start3A_263 = arith.constant 0 : i32
      %dma_start3A_264 = tpu.memref_slice %arg3[%dma_start3A_263, %multiple_of3A] : memref<64x1000000xf32, #tpu.memory_space<hbm>> -> memref<64x128xf32, #tpu.memory_space<hbm>>
      tpu.enqueue_dma source(%dma_start3A_264 : memref<64x128xf32, #tpu.memory_space<hbm>>) target(%dma_start3A_262 : memref<64x128xf32, #tpu.memory_space<vmem>>) target_semaphore(%arg17 : memref<!tpu.dma_semaphore, #tpu.memory_space<semaphore_mem>>)
    } else {
    }
    %gt3A_197 = arith.constant 2 : i32
    %gt3A_198 = arith.cmpi sgt, %scan3A_138#1, %gt3A_197 : i32
    %convert_element_type3A_199 = arith.extui %gt3A_198 : i1 to i32
    %cond3A_200 = arith.constant 0 : i32
    %cond3A_201 = arith.cmpi ne, %convert_element_type3A_199, %cond3A_200 : i32
    scf.if %cond3A_201 {
      %get3A_248 = arith.constant 2 : index
      %get3A_249 = tpu.vector_load %arg12[%get3A_248] {strides = array<i32>} : memref<272xi32, #tpu.memory_space<vmem>>, vector<16xi32>,
      %slice3A = vector.extract_strided_slice %get3A_249 {offsets = [0], sizes = [1], strides = [1]} : vector<16xi32> to vector<1xi32>
      %squeeze3A = vector.extract %slice3A[0] : i32 from vector<1xi32>
      %add3A_250 = arith.addi %squeeze3A, %mul3A_2 : i32
      %mul3A_251 = arith.constant 128 : i32
      %mul3A_252 = arith.muli %add3A_250, %mul3A_251 : i32
      %multiple_of3A = tpu.assume_multiple %mul3A_252, 128 : i32
      %dma_start3A = arith.constant 2 : i32
      %dma_start3A_253 = arith.constant 0 : i32
      %dma_start3A_254 = arith.constant 0 : i32
      %dma_start3A_255 = tpu.memref_slice %arg9[%dma_start3A, %dma_start3A_253, %dma_start3A_254] : memref<7x64x128xf32, #tpu.memory_space<vmem>> -> memref<1x64x128xf32, #tpu.memory_space<vmem>>
      %dma_start3A_256 = tpu.memref_squeeze %dma_start3A_255 : memref<1x64x128xf32, #tpu.memory_space<vmem>> -> memref<64x128xf32, #tpu.memory_space<vmem>>
      %dma_start3A_257 = arith.constant 0 : i32
      %dma_start3A_258 = tpu.memref_slice %arg3[%dma_start3A_257, %multiple_of3A] : memref<64x1000000xf32, #tpu.memory_space<hbm>> -> memref<64x128xf32, #tpu.memory_space<hbm>>
      %dma_start3A_259 = arith.constant 0 : i32
      %dma_start3A_260 = arith.constant 0 : i32
      %dma_start3A_261 = tpu.memref_slice %arg9[%dma_start3A, %dma_start3A_259, %dma_start3A_260] : memref<7x64x128xf32, #tpu.memory_space<vmem>> -> memref<1x64x128xf32, #tpu.memory_space<vmem>>
      %dma_start3A_262 = tpu.memref_squeeze %dma_start3A_261 : memref<1x64x128xf32, #tpu.memory_space<vmem>> -> memref<64x128xf32, #tpu.memory_space<vmem>>
      %dma_start3A_263 = arith.constant 0 : i32
      %dma_start3A_264 = tpu.memref_slice %arg3[%dma_start3A_263, %multiple_of3A] : memref<64x1000000xf32, #tpu.memory_space<hbm>> -> memref<64x128xf32, #tpu.memory_space<hbm>>
      tpu.enqueue_dma source(%dma_start3A_264 : memref<64x128xf32, #tpu.memory_space<hbm>>) target(%dma_start3A_262 : memref<64x128xf32, #tpu.memory_space<vmem>>) target_semaphore(%arg17 : memref<!tpu.dma_semaphore, #tpu.memory_space<semaphore_mem>>)
    } else {
    }
    %gt3A_202 = arith.constant 3 : i32
    %gt3A_203 = arith.cmpi sgt, %scan3A_138#1, %gt3A_202 : i32
    %convert_element_type3A_204 = arith.extui %gt3A_203 : i1 to i32
    %cond3A_205 = arith.constant 0 : i32
    %cond3A_206 = arith.cmpi ne, %convert_element_type3A_204, %cond3A_205 : i32
    scf.if %cond3A_206 {
      %get3A_248 = arith.constant 3 : index
      %get3A_249 = tpu.vector_load %arg12[%get3A_248] {strides = array<i32>} : memref<272xi32, #tpu.memory_space<vmem>>, vector<16xi32>,
      %slice3A = vector.extract_strided_slice %get3A_249 {offsets = [0], sizes = [1], strides = [1]} : vector<16xi32> to vector<1xi32>
      %squeeze3A = vector.extract %slice3A[0] : i32 from vector<1xi32>
      %add3A_250 = arith.addi %squeeze3A, %mul3A_2 : i32
      %mul3A_251 = arith.constant 128 : i32
      %mul3A_252 = arith.muli %add3A_250, %mul3A_251 : i32
      %multiple_of3A = tpu.assume_multiple %mul3A_252, 128 : i32
      %dma_start3A = arith.constant 3 : i32
      %dma_start3A_253 = arith.constant 0 : i32
      %dma_start3A_254 = arith.constant 0 : i32
      %dma_start3A_255 = tpu.memref_slice %arg9[%dma_start3A, %dma_start3A_253, %dma_start3A_254] : memref<7x64x128xf32, #tpu.memory_space<vmem>> -> memref<1x64x128xf32, #tpu.memory_space<vmem>>
      %dma_start3A_256 = tpu.memref_squeeze %dma_start3A_255 : memref<1x64x128xf32, #tpu.memory_space<vmem>> -> memref<64x128xf32, #tpu.memory_space<vmem>>
      %dma_start3A_257 = arith.constant 0 : i32
      %dma_start3A_258 = tpu.memref_slice %arg3[%dma_start3A_257, %multiple_of3A] : memref<64x1000000xf32, #tpu.memory_space<hbm>> -> memref<64x128xf32, #tpu.memory_space<hbm>>
      %dma_start3A_259 = arith.constant 0 : i32
      %dma_start3A_260 = arith.constant 0 : i32
      %dma_start3A_261 = tpu.memref_slice %arg9[%dma_start3A, %dma_start3A_259, %dma_start3A_260] : memref<7x64x128xf32, #tpu.memory_space<vmem>> -> memref<1x64x128xf32, #tpu.memory_space<vmem>>
      %dma_start3A_262 = tpu.memref_squeeze %dma_start3A_261 : memref<1x64x128xf32, #tpu.memory_space<vmem>> -> memref<64x128xf32, #tpu.memory_space<vmem>>
      %dma_start3A_263 = arith.constant 0 : i32
      %dma_start3A_264 = tpu.memref_slice %arg3[%dma_start3A_263, %multiple_of3A] : memref<64x1000000xf32, #tpu.memory_space<hbm>> -> memref<64x128xf32, #tpu.memory_space<hbm>>
      tpu.enqueue_dma source(%dma_start3A_264 : memref<64x128xf32, #tpu.memory_space<hbm>>) target(%dma_start3A_262 : memref<64x128xf32, #tpu.memory_space<vmem>>) target_semaphore(%arg17 : memref<!tpu.dma_semaphore, #tpu.memory_space<semaphore_mem>>)
    } else {
    }
    %gt3A_207 = arith.constant 4 : i32
    %gt3A_208 = arith.cmpi sgt, %scan3A_138#1, %gt3A_207 : i32
    %convert_element_type3A_209 = arith.extui %gt3A_208 : i1 to i32
    %cond3A_210 = arith.constant 0 : i32
    %cond3A_211 = arith.cmpi ne, %convert_element_type3A_209, %cond3A_210 : i32
    scf.if %cond3A_211 {
      %get3A_248 = arith.constant 4 : index
      %get3A_249 = tpu.vector_load %arg12[%get3A_248] {strides = array<i32>} : memref<272xi32, #tpu.memory_space<vmem>>, vector<16xi32>,
      %slice3A = vector.extract_strided_slice %get3A_249 {offsets = [0], sizes = [1], strides = [1]} : vector<16xi32> to vector<1xi32>
      %squeeze3A = vector.extract %slice3A[0] : i32 from vector<1xi32>
      %add3A_250 = arith.addi %squeeze3A, %mul3A_2 : i32
      %mul3A_251 = arith.constant 128 : i32
      %mul3A_252 = arith.muli %add3A_250, %mul3A_251 : i32
      %multiple_of3A = tpu.assume_multiple %mul3A_252, 128 : i32
      %dma_start3A = arith.constant 4 : i32
      %dma_start3A_253 = arith.constant 0 : i32
      %dma_start3A_254 = arith.constant 0 : i32
      %dma_start3A_255 = tpu.memref_slice %arg9[%dma_start3A, %dma_start3A_253, %dma_start3A_254] : memref<7x64x128xf32, #tpu.memory_space<vmem>> -> memref<1x64x128xf32, #tpu.memory_space<vmem>>
      %dma_start3A_256 = tpu.memref_squeeze %dma_start3A_255 : memref<1x64x128xf32, #tpu.memory_space<vmem>> -> memref<64x128xf32, #tpu.memory_space<vmem>>
      %dma_start3A_257 = arith.constant 0 : i32
      %dma_start3A_258 = tpu.memref_slice %arg3[%dma_start3A_257, %multiple_of3A] : memref<64x1000000xf32, #tpu.memory_space<hbm>> -> memref<64x128xf32, #tpu.memory_space<hbm>>
      %dma_start3A_259 = arith.constant 0 : i32
      %dma_start3A_260 = arith.constant 0 : i32
      %dma_start3A_261 = tpu.memref_slice %arg9[%dma_start3A, %dma_start3A_259, %dma_start3A_260] : memref<7x64x128xf32, #tpu.memory_space<vmem>> -> memref<1x64x128xf32, #tpu.memory_space<vmem>>
      %dma_start3A_262 = tpu.memref_squeeze %dma_start3A_261 : memref<1x64x128xf32, #tpu.memory_space<vmem>> -> memref<64x128xf32, #tpu.memory_space<vmem>>
      %dma_start3A_263 = arith.constant 0 : i32
      %dma_start3A_264 = tpu.memref_slice %arg3[%dma_start3A_263, %multiple_of3A] : memref<64x1000000xf32, #tpu.memory_space<hbm>> -> memref<64x128xf32, #tpu.memory_space<hbm>>
      tpu.enqueue_dma source(%dma_start3A_264 : memref<64x128xf32, #tpu.memory_space<hbm>>) target(%dma_start3A_262 : memref<64x128xf32, #tpu.memory_space<vmem>>) target_semaphore(%arg17 : memref<!tpu.dma_semaphore, #tpu.memory_space<semaphore_mem>>)
    } else {
    }
    %gt3A_212 = arith.constant 5 : i32
    %gt3A_213 = arith.cmpi sgt, %scan3A_138#1, %gt3A_212 : i32
    %convert_element_type3A_214 = arith.extui %gt3A_213 : i1 to i32
    %cond3A_215 = arith.constant 0 : i32
    %cond3A_216 = arith.cmpi ne, %convert_element_type3A_214, %cond3A_215 : i32
    scf.if %cond3A_216 {
      %get3A_248 = arith.constant 5 : index
      %get3A_249 = tpu.vector_load %arg12[%get3A_248] {strides = array<i32>} : memref<272xi32, #tpu.memory_space<vmem>>, vector<16xi32>,
      %slice3A = vector.extract_strided_slice %get3A_249 {offsets = [0], sizes = [1], strides = [1]} : vector<16xi32> to vector<1xi32>
      %squeeze3A = vector.extract %slice3A[0] : i32 from vector<1xi32>
      %add3A_250 = arith.addi %squeeze3A, %mul3A_2 : i32
      %mul3A_251 = arith.constant 128 : i32
      %mul3A_252 = arith.muli %add3A_250, %mul3A_251 : i32
      %multiple_of3A = tpu.assume_multiple %mul3A_252, 128 : i32
      %dma_start3A = arith.constant 5 : i32
      %dma_start3A_253 = arith.constant 0 : i32
      %dma_start3A_254 = arith.constant 0 : i32
      %dma_start3A_255 = tpu.memref_slice %arg9[%dma_start3A, %dma_start3A_253, %dma_start3A_254] : memref<7x64x128xf32, #tpu.memory_space<vmem>> -> memref<1x64x128xf32, #tpu.memory_space<vmem>>
      %dma_start3A_256 = tpu.memref_squeeze %dma_start3A_255 : memref<1x64x128xf32, #tpu.memory_space<vmem>> -> memref<64x128xf32, #tpu.memory_space<vmem>>
      %dma_start3A_257 = arith.constant 0 : i32
      %dma_start3A_258 = tpu.memref_slice %arg3[%dma_start3A_257, %multiple_of3A] : memref<64x1000000xf32, #tpu.memory_space<hbm>> -> memref<64x128xf32, #tpu.memory_space<hbm>>
      %dma_start3A_259 = arith.constant 0 : i32
      %dma_start3A_260 = arith.constant 0 : i32
      %dma_start3A_261 = tpu.memref_slice %arg9[%dma_start3A, %dma_start3A_259, %dma_start3A_260] : memref<7x64x128xf32, #tpu.memory_space<vmem>> -> memref<1x64x128xf32, #tpu.memory_space<vmem>>
      %dma_start3A_262 = tpu.memref_squeeze %dma_start3A_261 : memref<1x64x128xf32, #tpu.memory_space<vmem>> -> memref<64x128xf32, #tpu.memory_space<vmem>>
      %dma_start3A_263 = arith.constant 0 : i32
      %dma_start3A_264 = tpu.memref_slice %arg3[%dma_start3A_263, %multiple_of3A] : memref<64x1000000xf32, #tpu.memory_space<hbm>> -> memref<64x128xf32, #tpu.memory_space<hbm>>
      tpu.enqueue_dma source(%dma_start3A_264 : memref<64x128xf32, #tpu.memory_space<hbm>>) target(%dma_start3A_262 : memref<64x128xf32, #tpu.memory_space<vmem>>) target_semaphore(%arg17 : memref<!tpu.dma_semaphore, #tpu.memory_space<semaphore_mem>>)
    } else {
    }
    %gt3A_217 = arith.constant 6 : i32
    %gt3A_218 = arith.cmpi sgt, %scan3A_138#1, %gt3A_217 : i32
    %convert_element_type3A_219 = arith.extui %gt3A_218 : i1 to i32
    %cond3A_220 = arith.constant 0 : i32
    %cond3A_221 = arith.cmpi ne, %convert_element_type3A_219, %cond3A_220 : i32
    scf.if %cond3A_221 {
      %get3A_248 = arith.constant 6 : index
      %get3A_249 = tpu.vector_load %arg12[%get3A_248] {strides = array<i32>} : memref<272xi32, #tpu.memory_space<vmem>>, vector<16xi32>,
      %slice3A = vector.extract_strided_slice %get3A_249 {offsets = [0], sizes = [1], strides = [1]} : vector<16xi32> to vector<1xi32>
      %squeeze3A = vector.extract %slice3A[0] : i32 from vector<1xi32>
      %add3A_250 = arith.addi %squeeze3A, %mul3A_2 : i32
      %mul3A_251 = arith.constant 128 : i32
      %mul3A_252 = arith.muli %add3A_250, %mul3A_251 : i32
      %multiple_of3A = tpu.assume_multiple %mul3A_252, 128 : i32
      %dma_start3A = arith.constant 6 : i32
      %dma_start3A_253 = arith.constant 0 : i32
      %dma_start3A_254 = arith.constant 0 : i32
      %dma_start3A_255 = tpu.memref_slice %arg9[%dma_start3A, %dma_start3A_253, %dma_start3A_254] : memref<7x64x128xf32, #tpu.memory_space<vmem>> -> memref<1x64x128xf32, #tpu.memory_space<vmem>>
      %dma_start3A_256 = tpu.memref_squeeze %dma_start3A_255 : memref<1x64x128xf32, #tpu.memory_space<vmem>> -> memref<64x128xf32, #tpu.memory_space<vmem>>
      %dma_start3A_257 = arith.constant 0 : i32
      %dma_start3A_258 = tpu.memref_slice %arg3[%dma_start3A_257, %multiple_of3A] : memref<64x1000000xf32, #tpu.memory_space<hbm>> -> memref<64x128xf32, #tpu.memory_space<hbm>>
      %dma_start3A_259 = arith.constant 0 : i32
      %dma_start3A_260 = arith.constant 0 : i32
      %dma_start3A_261 = tpu.memref_slice %arg9[%dma_start3A, %dma_start3A_259, %dma_start3A_260] : memref<7x64x128xf32, #tpu.memory_space<vmem>> -> memref<1x64x128xf32, #tpu.memory_space<vmem>>
      %dma_start3A_262 = tpu.memref_squeeze %dma_start3A_261 : memref<1x64x128xf32, #tpu.memory_space<vmem>> -> memref<64x128xf32, #tpu.memory_space<vmem>>
      %dma_start3A_263 = arith.constant 0 : i32
      %dma_start3A_264 = tpu.memref_slice %arg3[%dma_start3A_263, %multiple_of3A] : memref<64x1000000xf32, #tpu.memory_space<hbm>> -> memref<64x128xf32, #tpu.memory_space<hbm>>
      tpu.enqueue_dma source(%dma_start3A_264 : memref<64x128xf32, #tpu.memory_space<hbm>>) target(%dma_start3A_262 : memref<64x128xf32, #tpu.memory_space<vmem>>) target_semaphore(%arg17 : memref<!tpu.dma_semaphore, #tpu.memory_space<semaphore_mem>>)
    } else {
    }
    %scan3A_222 = arith.constant 0 : i32
    %scan3A_223 = arith.constant 0 : i32
    %scan3A_224 = arith.constant 35 : i32
    %scan3A_225 = arith.addi %scan3A_223, %scan3A_224 : i32
    %scan3A_226 = arith.constant 1 : i32
    %scan3A_227 = scf.for %scan3A_248 = %scan3A_223 to %scan3A_225 step %scan3A_226 iter_args(%scan3A_249 = %scan3A_222) -> (i32)  : i32 {
      %mul3A_250 = arith.constant 7 : i32
      %mul3A_251 = arith.muli %scan3A_248, %mul3A_250 : i32
      %add3A_252 = arith.constant 0 : i32
      %add3A_253 = arith.addi %mul3A_251, %add3A_252 : i32
      %lt3A = arith.cmpi slt, %add3A_253, %scan3A_138#1 : i32
      %convert_element_type3A_254 = arith.extui %lt3A : i1 to i32
      %cond3A_255 = arith.constant 0 : i32
      %cond3A_256 = arith.cmpi ne, %convert_element_type3A_254, %cond3A_255 : i32
      scf.if %cond3A_256 {
        %get3A_306 = arith.index_cast %add3A_253 : i32 to index
        %get3A_307 = tpu.vector_load %arg12[%get3A_306] {strides = array<i32>} : memref<272xi32, #tpu.memory_space<vmem>>, vector<16xi32>,
        %slice3A = vector.extract_strided_slice %get3A_307 {offsets = [0], sizes = [1], strides = [1]} : vector<16xi32> to vector<1xi32>
        %squeeze3A = vector.extract %slice3A[0] : i32 from vector<1xi32>
        %add3A_308 = arith.addi %squeeze3A, %mul3A_2 : i32
        %mul3A_309 = arith.constant 128 : i32
        %mul3A_310 = arith.muli %add3A_308, %mul3A_309 : i32
        %multiple_of3A = tpu.assume_multiple %mul3A_310, 128 : i32
        %dma_wait3A = arith.constant 0 : i32
        %dma_wait3A_311 = arith.constant 0 : i32
        %dma_wait3A_312 = arith.constant 0 : i32
        %dma_wait3A_313 = tpu.memref_slice %arg9[%dma_wait3A, %dma_wait3A_311, %dma_wait3A_312] : memref<7x64x128xf32, #tpu.memory_space<vmem>> -> memref<1x64x128xf32, #tpu.memory_space<vmem>>
        %dma_wait3A_314 = tpu.memref_squeeze %dma_wait3A_313 : memref<1x64x128xf32, #tpu.memory_space<vmem>> -> memref<64x128xf32, #tpu.memory_space<vmem>>
        %dma_wait3A_315 = arith.constant 0 : i32
        %dma_wait3A_316 = tpu.memref_slice %arg3[%dma_wait3A_315, %multiple_of3A] : memref<64x1000000xf32, #tpu.memory_space<hbm>> -> memref<64x128xf32, #tpu.memory_space<hbm>>
        %dma_wait3A_317 = arith.constant 0 : i32
        %dma_wait3A_318 = arith.constant 0 : i32
        %dma_wait3A_319 = tpu.memref_slice %arg9[%dma_wait3A, %dma_wait3A_317, %dma_wait3A_318] : memref<7x64x128xf32, #tpu.memory_space<vmem>> -> memref<1x64x128xf32, #tpu.memory_space<vmem>>
        %dma_wait3A_320 = tpu.memref_squeeze %dma_wait3A_319 : memref<1x64x128xf32, #tpu.memory_space<vmem>> -> memref<64x128xf32, #tpu.memory_space<vmem>>
        %dma_wait3A_321 = arith.constant 0 : i32
        %dma_wait3A_322 = tpu.memref_slice %arg3[%dma_wait3A_321, %multiple_of3A] : memref<64x1000000xf32, #tpu.memory_space<hbm>> -> memref<64x128xf32, #tpu.memory_space<hbm>>
        tpu.wait_dma2 semaphore(%arg17 : memref<!tpu.dma_semaphore, #tpu.memory_space<semaphore_mem>>) src(%dma_wait3A_322 : memref<64x128xf32, #tpu.memory_space<hbm>>) dst(%dma_wait3A_320 : memref<64x128xf32, #tpu.memory_space<vmem>>)
        %get3A_323 = arith.index_cast %add3A_253 : i32 to index
        %get3A_324 = tpu.vector_load %arg13[%get3A_323] {strides = array<i32>} : memref<272xi32, #tpu.memory_space<vmem>>, vector<16xi32>,
        %slice3A_325 = vector.extract_strided_slice %get3A_324 {offsets = [0], sizes = [1], strides = [1]} : vector<16xi32> to vector<1xi32>
        %squeeze3A_326 = vector.extract %slice3A_325[0] : i32 from vector<1xi32>
        %add3A_327 = arith.constant 1 : i32
        %add3A_328 = arith.addi %add3A_253, %add3A_327 : i32
        %get3A_329 = arith.index_cast %add3A_328 : i32 to index
        %get3A_330 = tpu.vector_load %arg13[%get3A_329] {strides = array<i32>} : memref<272xi32, #tpu.memory_space<vmem>>, vector<16xi32>,
        %slice3A_331 = vector.extract_strided_slice %get3A_330 {offsets = [0], sizes = [1], strides = [1]} : vector<16xi32> to vector<1xi32>
        %squeeze3A_332 = vector.extract %slice3A_331[0] : i32 from vector<1xi32>
        %while3A_333 = arith.constant 0 : i32
        %while3A_334 = arith.subi %squeeze3A_332, %squeeze3A_326 : i32
        %while3A_335 = arith.addi %squeeze3A_326, %while3A_334 : i32
        %while3A_336 = arith.constant 1 : i32
        %while3A_337 = arith.divsi %while3A_334, %while3A_336 : i32
        %while3A_338 = arith.muli %while3A_337, %while3A_336 : i32
        %while3A_339 = arith.addi %squeeze3A_326, %while3A_338 : i32
        %while3A_340 = arith.constant 1 : i32
        %while3A_341 = scf.for %while3A_350 = %squeeze3A_326 to %while3A_339 step %while3A_340 iter_args(%while3A_351 = %while3A_333) -> (i32)  : i32 {
          %get3A_352 = arith.index_cast %while3A_350 : i32 to index
          %get3A_353 = tpu.vector_load %arg5[%get3A_352] {strides = array<i32>} : memref<16400xi32, #tpu.memory_space<vmem>>, vector<16xi32>,
          %slice3A_354 = vector.extract_strided_slice %get3A_353 {offsets = [0], sizes = [1], strides = [1]} : vector<16xi32> to vector<1xi32>
          %squeeze3A_355 = vector.extract %slice3A_354[0] : i32 from vector<1xi32>
          %get3A_356 = arith.index_cast %while3A_350 : i32 to index
          %get3A_357 = tpu.vector_load %arg8[%get3A_356] {strides = array<i32>} : memref<16400xi32, #tpu.memory_space<vmem>>, vector<16xi32>,
          %slice3A_358 = vector.extract_strided_slice %get3A_357 {offsets = [0], sizes = [1], strides = [1]} : vector<16xi32> to vector<1xi32>
          %squeeze3A_359 = vector.extract %slice3A_358[0] : i32 from vector<1xi32>
          %and3A_360 = arith.constant 127 : i32
          %and3A_361 = arith.andi %squeeze3A_355, %and3A_360 : i32
          %broadcast_in_dim3A_362 = vector.broadcast %and3A_361 : i32 to vector<16xi32>
          %get3A_363 = arith.constant 0 : i32
          %get3A_364 = arith.index_cast %get3A_363 : i32 to index
          %get3A_365 = memref.load %arg16[%get3A_364] : memref<2xi32, #tpu.memory_space<smem>>
          %broadcast_in_dim3A_366 = vector.broadcast %get3A_365 : i32 to vector<16xi32>
          %get3A_367 = arith.constant 1 : i32
          %get3A_368 = arith.index_cast %get3A_367 : i32 to index
          %get3A_369 = memref.load %arg16[%get3A_368] : memref<2xi32, #tpu.memory_space<smem>>
          %and3A_370 = arith.constant 1 : i32
          %and3A_371 = arith.andi %get3A_369, %and3A_370 : i32
          %broadcast_in_dim3A_372 = vector.broadcast %and3A_371 : i32 to vector<16xi32>
          %add3A_373 = arith.constant 0 : i32
          %add3A_374 = vector.broadcast %add3A_373 : i32 to vector<16xi32>
          %add3A_375 = arith.addi %iota3A, %add3A_374 : vector<16xi32>
          %gather3A = arith.constant 0 : i32
          %gather3A_376 = arith.constant 0 : i32
          %gather3A_377 = arith.constant 0 : i32
          %gather3A_378 = tpu.memref_slice %arg9[%gather3A, %gather3A_376, %gather3A_377] : memref<7x64x128xf32, #tpu.memory_space<vmem>> -> memref<1x64x128xf32, #tpu.memory_space<vmem>>
          %gather3A_379 = tpu.memref_squeeze %gather3A_378 : memref<1x64x128xf32, #tpu.memory_space<vmem>> -> memref<64x128xf32, #tpu.memory_space<vmem>>
          %gather3A_380 = tpu.vector_load_idx %gather3A_379[%add3A_375, %broadcast_in_dim3A_362] : memref<64x128xf32, #tpu.memory_space<vmem>>[vector<16xi32>, vector<16xi32>], vector<16xf32>,
          tpu.vector_store_idx %arg14[%broadcast_in_dim3A_372, %broadcast_in_dim3A_366, %add3A_375], %gather3A_380 : memref<2x16x128xf32, #tpu.memory_space<vmem>>[vector<16xi32>, vector<16xi32>, vector<16xi32>], vector<16xf32>,
          %add3A_381 = arith.constant 16 : i32
          %add3A_382 = vector.broadcast %add3A_381 : i32 to vector<16xi32>
          %add3A_383 = arith.addi %iota3A, %add3A_382 : vector<16xi32>
          %gather3A_384 = arith.constant 0 : i32
          %gather3A_385 = arith.constant 0 : i32
          %gather3A_386 = arith.constant 0 : i32
          %gather3A_387 = tpu.memref_slice %arg9[%gather3A_384, %gather3A_385, %gather3A_386] : memref<7x64x128xf32, #tpu.memory_space<vmem>> -> memref<1x64x128xf32, #tpu.memory_space<vmem>>
          %gather3A_388 = tpu.memref_squeeze %gather3A_387 : memref<1x64x128xf32, #tpu.memory_space<vmem>> -> memref<64x128xf32, #tpu.memory_space<vmem>>
          %gather3A_389 = tpu.vector_load_idx %gather3A_388[%add3A_383, %broadcast_in_dim3A_362] : memref<64x128xf32, #tpu.memory_space<vmem>>[vector<16xi32>, vector<16xi32>], vector<16xf32>,
          tpu.vector_store_idx %arg14[%broadcast_in_dim3A_372, %broadcast_in_dim3A_366, %add3A_383], %gather3A_389 : memref<2x16x128xf32, #tpu.memory_space<vmem>>[vector<16xi32>, vector<16xi32>, vector<16xi32>], vector<16xf32>,
          %add3A_390 = arith.constant 32 : i32
          %add3A_391 = vector.broadcast %add3A_390 : i32 to vector<16xi32>
          %add3A_392 = arith.addi %iota3A, %add3A_391 : vector<16xi32>
          %gather3A_393 = arith.constant 0 : i32
          %gather3A_394 = arith.constant 0 : i32
          %gather3A_395 = arith.constant 0 : i32
          %gather3A_396 = tpu.memref_slice %arg9[%gather3A_393, %gather3A_394, %gather3A_395] : memref<7x64x128xf32, #tpu.memory_space<vmem>> -> memref<1x64x128xf32, #tpu.memory_space<vmem>>
          %gather3A_397 = tpu.memref_squeeze %gather3A_396 : memref<1x64x128xf32, #tpu.memory_space<vmem>> -> memref<64x128xf32, #tpu.memory_space<vmem>>
          %gather3A_398 = tpu.vector_load_idx %gather3A_397[%add3A_392, %broadcast_in_dim3A_362] : memref<64x128xf32, #tpu.memory_space<vmem>>[vector<16xi32>, vector<16xi32>], vector<16xf32>,
          tpu.vector_store_idx %arg14[%broadcast_in_dim3A_372, %broadcast_in_dim3A_366, %add3A_392], %gather3A_398 : memref<2x16x128xf32, #tpu.memory_space<vmem>>[vector<16xi32>, vector<16xi32>, vector<16xi32>], vector<16xf32>,
          %add3A_399 = arith.constant 48 : i32
          %add3A_400 = vector.broadcast %add3A_399 : i32 to vector<16xi32>
          %add3A_401 = arith.addi %iota3A, %add3A_400 : vector<16xi32>
          %gather3A_402 = arith.constant 0 : i32
          %gather3A_403 = arith.constant 0 : i32
          %gather3A_404 = arith.constant 0 : i32
          %gather3A_405 = tpu.memref_slice %arg9[%gather3A_402, %gather3A_403, %gather3A_404] : memref<7x64x128xf32, #tpu.memory_space<vmem>> -> memref<1x64x128xf32, #tpu.memory_space<vmem>>
          %gather3A_406 = tpu.memref_squeeze %gather3A_405 : memref<1x64x128xf32, #tpu.memory_space<vmem>> -> memref<64x128xf32, #tpu.memory_space<vmem>>
          %gather3A_407 = tpu.vector_load_idx %gather3A_406[%add3A_401, %broadcast_in_dim3A_362] : memref<64x128xf32, #tpu.memory_space<vmem>>[vector<16xi32>, vector<16xi32>], vector<16xf32>,
          tpu.vector_store_idx %arg14[%broadcast_in_dim3A_372, %broadcast_in_dim3A_366, %add3A_401], %gather3A_407 : memref<2x16x128xf32, #tpu.memory_space<vmem>>[vector<16xi32>, vector<16xi32>, vector<16xi32>], vector<16xf32>,
          %broadcast_in_dim3A_408 = vector.broadcast %squeeze3A_359 : i32 to vector<16xi32>
          %eq3A_409 = arith.constant 0 : i32
          %eq3A_410 = vector.broadcast %eq3A_409 : i32 to vector<16xi32>
          %eq3A_411 = arith.cmpi eq, %iota3A, %eq3A_410 : vector<16xi32>
          tpu.vector_store_idx %arg15[%broadcast_in_dim3A_372, %broadcast_in_dim3A_366], %broadcast_in_dim3A_408 masked %eq3A_411 : memref<2x16xi32, #tpu.memory_space<vmem>>[vector<16xi32>, vector<16xi32>], vector<16xi32>, vector<16xi1>
          %add3A_412 = arith.constant 1 : i32
          %add3A_413 = arith.addi %get3A_365, %add3A_412 : i32
          %swap3A_414 = arith.constant 0 : i32
          %swap3A_415 = arith.index_cast %swap3A_414 : i32 to index
          %swap3A_416 = memref.load %arg16[%swap3A_415] : memref<2xi32, #tpu.memory_space<smem>>
          memref.store %add3A_413, %arg16[%swap3A_415] : memref<2xi32, #tpu.memory_space<smem>>
          %add3A_417 = arith.constant 1 : i32
          %add3A_418 = arith.addi %get3A_365, %add3A_417 : i32
          %eq3A_419 = arith.constant 16 : i32
          %eq3A_420 = arith.cmpi eq, %add3A_418, %eq3A_419 : i32
          %convert_element_type3A_421 = arith.extui %eq3A_420 : i1 to i32
          %cond3A_422 = arith.constant 0 : i32
          %cond3A_423 = arith.cmpi ne, %convert_element_type3A_421, %cond3A_422 : i32
          scf.if %cond3A_423 {
            %get3A_425 = arith.constant 1 : i32
            %get3A_426 = arith.index_cast %get3A_425 : i32 to index
            %get3A_427 = memref.load %arg16[%get3A_426] : memref<2xi32, #tpu.memory_space<smem>>
            %and3A_428 = arith.constant 1 : i32
            %and3A_429 = arith.andi %get3A_427, %and3A_428 : i32
            %eq3A_430 = arith.constant 0 : i32
            %eq3A_431 = arith.cmpi eq, %and3A_429, %eq3A_430 : i32
            %convert_element_type3A_432 = arith.extui %eq3A_431 : i1 to i32
            %cond3A_433 = arith.constant 0 : i32
            %cond3A_434 = arith.cmpi ne, %convert_element_type3A_432, %cond3A_433 : i32
            scf.if %cond3A_434 {
              %ge3A_451 = arith.constant 2 : i32
              %ge3A_452 = arith.cmpi sge, %get3A_427, %ge3A_451 : i32
              %convert_element_type3A_453 = arith.extui %ge3A_452 : i1 to i32
              %cond3A_454 = arith.constant 0 : i32
              %cond3A_455 = arith.cmpi ne, %convert_element_type3A_453, %cond3A_454 : i32
              scf.if %cond3A_455 {
                %dma_wait3A_467 = arith.constant 0 : i32
                %dma_wait3A_468 = arith.constant 0 : i32
                %dma_wait3A_469 = arith.constant 0 : i32
                %dma_wait3A_470 = arith.constant 0 : i32
                %dma_wait3A_471 = tpu.memref_slice %arg14[%dma_wait3A_467, %dma_wait3A_469, %dma_wait3A_470] : memref<2x16x128xf32, #tpu.memory_space<vmem>> -> memref<1x16x128xf32, #tpu.memory_space<vmem>>
                %dma_wait3A_472 = tpu.memref_squeeze %dma_wait3A_471 : memref<1x16x128xf32, #tpu.memory_space<vmem>> -> memref<16x128xf32, #tpu.memory_space<vmem>>
                %dma_wait3A_473 = arith.constant 0 : i32
                %dma_wait3A_474 = tpu.memref_slice %arg15[%dma_wait3A_468, %dma_wait3A_473] : memref<2x16xi32, #tpu.memory_space<vmem>> -> memref<1x16xi32, #tpu.memory_space<vmem>>
                %dma_wait3A_475 = tpu.memref_squeeze %dma_wait3A_474 : memref<1x16xi32, #tpu.memory_space<vmem>> -> memref<16xi32, #tpu.memory_space<vmem>>
                %dma_wait3A_476 = arith.constant 0 : i32
                %dma_wait3A_477 = arith.constant 0 : i32
                %dma_wait3A_478 = tpu.memref_slice %arg4[%dma_wait3A_476, %dma_wait3A_477] : memref<16400x128xf32, #tpu.memory_space<hbm>> -> memref<16400x128xf32, #tpu.memory_space<hbm>>
                tpu.wait_indirect_dma semaphore(%arg18 : memref<!tpu.dma_semaphore, #tpu.memory_space<semaphore_mem>>) src(%dma_wait3A_472 : memref<16x128xf32, #tpu.memory_space<vmem>>) dst(%dma_wait3A_478 : memref<16400x128xf32, #tpu.memory_space<hbm>>)
              } else {
              }
              %dma_start3A = arith.constant 0 : i32
              %dma_start3A_456 = arith.constant 0 : i32
              %dma_start3A_457 = arith.constant 0 : i32
              %dma_start3A_458 = arith.constant 0 : i32
              %dma_start3A_459 = tpu.memref_slice %arg14[%dma_start3A, %dma_start3A_457, %dma_start3A_458] : memref<2x16x128xf32, #tpu.memory_space<vmem>> -> memref<1x16x128xf32, #tpu.memory_space<vmem>>
              %dma_start3A_460 = tpu.memref_squeeze %dma_start3A_459 : memref<1x16x128xf32, #tpu.memory_space<vmem>> -> memref<16x128xf32, #tpu.memory_space<vmem>>
              %dma_start3A_461 = arith.constant 0 : i32
              %dma_start3A_462 = tpu.memref_slice %arg15[%dma_start3A_456, %dma_start3A_461] : memref<2x16xi32, #tpu.memory_space<vmem>> -> memref<1x16xi32, #tpu.memory_space<vmem>>
              %dma_start3A_463 = tpu.memref_squeeze %dma_start3A_462 : memref<1x16xi32, #tpu.memory_space<vmem>> -> memref<16xi32, #tpu.memory_space<vmem>>
              %dma_start3A_464 = arith.constant 0 : i32
              %dma_start3A_465 = arith.constant 0 : i32
              %dma_start3A_466 = tpu.memref_slice %arg4[%dma_start3A_464, %dma_start3A_465] : memref<16400x128xf32, #tpu.memory_space<hbm>> -> memref<16400x128xf32, #tpu.memory_space<hbm>>
              tpu.enqueue_indirect_dma source(%dma_start3A_460 : memref<16x128xf32, #tpu.memory_space<vmem>>) target(%dma_start3A_466 : memref<16400x128xf32, #tpu.memory_space<hbm>>) offsets(%dma_start3A_463 : memref<16xi32, #tpu.memory_space<vmem>>) semaphore(%arg18 : memref<!tpu.dma_semaphore, #tpu.memory_space<semaphore_mem>>)
            } else {
            }
            %and3A_435 = arith.constant 1 : i32
            %and3A_436 = arith.andi %get3A_427, %and3A_435 : i32
            %eq3A_437 = arith.constant 1 : i32
            %eq3A_438 = arith.cmpi eq, %and3A_436, %eq3A_437 : i32
            %convert_element_type3A_439 = arith.extui %eq3A_438 : i1 to i32
            %cond3A_440 = arith.constant 0 : i32
            %cond3A_441 = arith.cmpi ne, %convert_element_type3A_439, %cond3A_440 : i32
            scf.if %cond3A_441 {
              %ge3A_451 = arith.constant 2 : i32
              %ge3A_452 = arith.cmpi sge, %get3A_427, %ge3A_451 : i32
              %convert_element_type3A_453 = arith.extui %ge3A_452 : i1 to i32
              %cond3A_454 = arith.constant 0 : i32
              %cond3A_455 = arith.cmpi ne, %convert_element_type3A_453, %cond3A_454 : i32
              scf.if %cond3A_455 {
                %dma_wait3A_467 = arith.constant 1 : i32
                %dma_wait3A_468 = arith.constant 1 : i32
                %dma_wait3A_469 = arith.constant 0 : i32
                %dma_wait3A_470 = arith.constant 0 : i32
                %dma_wait3A_471 = tpu.memref_slice %arg14[%dma_wait3A_467, %dma_wait3A_469, %dma_wait3A_470] : memref<2x16x128xf32, #tpu.memory_space<vmem>> -> memref<1x16x128xf32, #tpu.memory_space<vmem>>
                %dma_wait3A_472 = tpu.memref_squeeze %dma_wait3A_471 : memref<1x16x128xf32, #tpu.memory_space<vmem>> -> memref<16x128xf32, #tpu.memory_space<vmem>>
                %dma_wait3A_473 = arith.constant 0 : i32
                %dma_wait3A_474 = tpu.memref_slice %arg15[%dma_wait3A_468, %dma_wait3A_473] : memref<2x16xi32, #tpu.memory_space<vmem>> -> memref<1x16xi32, #tpu.memory_space<vmem>>
                %dma_wait3A_475 = tpu.memref_squeeze %dma_wait3A_474 : memref<1x16xi32, #tpu.memory_space<vmem>> -> memref<16xi32, #tpu.memory_space<vmem>>
                %dma_wait3A_476 = arith.constant 0 : i32
                %dma_wait3A_477 = arith.constant 0 : i32
                %dma_wait3A_478 = tpu.memref_slice %arg4[%dma_wait3A_476, %dma_wait3A_477] : memref<16400x128xf32, #tpu.memory_space<hbm>> -> memref<16400x128xf32, #tpu.memory_space<hbm>>
                tpu.wait_indirect_dma semaphore(%arg19 : memref<!tpu.dma_semaphore, #tpu.memory_space<semaphore_mem>>) src(%dma_wait3A_472 : memref<16x128xf32, #tpu.memory_space<vmem>>) dst(%dma_wait3A_478 : memref<16400x128xf32, #tpu.memory_space<hbm>>)
              } else {
              }
              %dma_start3A = arith.constant 1 : i32
              %dma_start3A_456 = arith.constant 1 : i32
              %dma_start3A_457 = arith.constant 0 : i32
              %dma_start3A_458 = arith.constant 0 : i32
              %dma_start3A_459 = tpu.memref_slice %arg14[%dma_start3A, %dma_start3A_457, %dma_start3A_458] : memref<2x16x128xf32, #tpu.memory_space<vmem>> -> memref<1x16x128xf32, #tpu.memory_space<vmem>>
              %dma_start3A_460 = tpu.memref_squeeze %dma_start3A_459 : memref<1x16x128xf32, #tpu.memory_space<vmem>> -> memref<16x128xf32, #tpu.memory_space<vmem>>
              %dma_start3A_461 = arith.constant 0 : i32
              %dma_start3A_462 = tpu.memref_slice %arg15[%dma_start3A_456, %dma_start3A_461] : memref<2x16xi32, #tpu.memory_space<vmem>> -> memref<1x16xi32, #tpu.memory_space<vmem>>
              %dma_start3A_463 = tpu.memref_squeeze %dma_start3A_462 : memref<1x16xi32, #tpu.memory_space<vmem>> -> memref<16xi32, #tpu.memory_space<vmem>>
              %dma_start3A_464 = arith.constant 0 : i32
              %dma_start3A_465 = arith.constant 0 : i32
              %dma_start3A_466 = tpu.memref_slice %arg4[%dma_start3A_464, %dma_start3A_465] : memref<16400x128xf32, #tpu.memory_space<hbm>> -> memref<16400x128xf32, #tpu.memory_space<hbm>>
              tpu.enqueue_indirect_dma source(%dma_start3A_460 : memref<16x128xf32, #tpu.memory_space<vmem>>) target(%dma_start3A_466 : memref<16400x128xf32, #tpu.memory_space<hbm>>) offsets(%dma_start3A_463 : memref<16xi32, #tpu.memory_space<vmem>>) semaphore(%arg19 : memref<!tpu.dma_semaphore, #tpu.memory_space<semaphore_mem>>)
            } else {
            }
            %add3A_442 = arith.constant 1 : i32
            %add3A_443 = arith.addi %get3A_427, %add3A_442 : i32
            %swap3A_444 = arith.constant 1 : i32
            %swap3A_445 = arith.index_cast %swap3A_444 : i32 to index
            %swap3A_446 = memref.load %arg16[%swap3A_445] : memref<2xi32, #tpu.memory_space<smem>>
            memref.store %add3A_443, %arg16[%swap3A_445] : memref<2xi32, #tpu.memory_space<smem>>
            %swap3A_447 = arith.constant 0 : i32
            %swap3A_448 = arith.constant 0 : i32
            %swap3A_449 = arith.index_cast %swap3A_448 : i32 to index
            %swap3A_450 = memref.load %arg16[%swap3A_449] : memref<2xi32, #tpu.memory_space<smem>>
            memref.store %swap3A_447, %arg16[%swap3A_449] : memref<2xi32, #tpu.memory_space<smem>>
          } else {
          }
          %while3A_424 = arith.constant 0 : i32
          scf.yield %while3A_424 : i32
        }
        %while3A_342 = arith.constant 1 : i32
        %while3A_343 = scf.for %while3A_350 = %while3A_339 to %while3A_335 step %while3A_342 iter_args(%while3A_351 = %while3A_341) -> (i32)  : i32 {
          %get3A_352 = arith.index_cast %while3A_350 : i32 to index
          %get3A_353 = tpu.vector_load %arg5[%get3A_352] {strides = array<i32>} : memref<16400xi32, #tpu.memory_space<vmem>>, vector<16xi32>,
          %slice3A_354 = vector.extract_strided_slice %get3A_353 {offsets = [0], sizes = [1], strides = [1]} : vector<16xi32> to vector<1xi32>
          %squeeze3A_355 = vector.extract %slice3A_354[0] : i32 from vector<1xi32>
          %get3A_356 = arith.index_cast %while3A_350 : i32 to index
          %get3A_357 = tpu.vector_load %arg8[%get3A_356] {strides = array<i32>} : memref<16400xi32, #tpu.memory_space<vmem>>, vector<16xi32>,
          %slice3A_358 = vector.extract_strided_slice %get3A_357 {offsets = [0], sizes = [1], strides = [1]} : vector<16xi32> to vector<1xi32>
          %squeeze3A_359 = vector.extract %slice3A_358[0] : i32 from vector<1xi32>
          %and3A_360 = arith.constant 127 : i32
          %and3A_361 = arith.andi %squeeze3A_355, %and3A_360 : i32
          %broadcast_in_dim3A_362 = vector.broadcast %and3A_361 : i32 to vector<16xi32>
          %get3A_363 = arith.constant 0 : i32
          %get3A_364 = arith.index_cast %get3A_363 : i32 to index
          %get3A_365 = memref.load %arg16[%get3A_364] : memref<2xi32, #tpu.memory_space<smem>>
          %broadcast_in_dim3A_366 = vector.broadcast %get3A_365 : i32 to vector<16xi32>
          %get3A_367 = arith.constant 1 : i32
          %get3A_368 = arith.index_cast %get3A_367 : i32 to index
          %get3A_369 = memref.load %arg16[%get3A_368] : memref<2xi32, #tpu.memory_space<smem>>
          %and3A_370 = arith.constant 1 : i32
          %and3A_371 = arith.andi %get3A_369, %and3A_370 : i32
          %broadcast_in_dim3A_372 = vector.broadcast %and3A_371 : i32 to vector<16xi32>
          %add3A_373 = arith.constant 0 : i32
          %add3A_374 = vector.broadcast %add3A_373 : i32 to vector<16xi32>
          %add3A_375 = arith.addi %iota3A, %add3A_374 : vector<16xi32>
          %gather3A = arith.constant 0 : i32
          %gather3A_376 = arith.constant 0 : i32
          %gather3A_377 = arith.constant 0 : i32
          %gather3A_378 = tpu.memref_slice %arg9[%gather3A, %gather3A_376, %gather3A_377] : memref<7x64x128xf32, #tpu.memory_space<vmem>> -> memref<1x64x128xf32, #tpu.memory_space<vmem>>
          %gather3A_379 = tpu.memref_squeeze %gather3A_378 : memref<1x64x128xf32, #tpu.memory_space<vmem>> -> memref<64x128xf32, #tpu.memory_space<vmem>>
          %gather3A_380 = tpu.vector_load_idx %gather3A_379[%add3A_375, %broadcast_in_dim3A_362] : memref<64x128xf32, #tpu.memory_space<vmem>>[vector<16xi32>, vector<16xi32>], vector<16xf32>,
          tpu.vector_store_idx %arg14[%broadcast_in_dim3A_372, %broadcast_in_dim3A_366, %add3A_375], %gather3A_380 : memref<2x16x128xf32, #tpu.memory_space<vmem>>[vector<16xi32>, vector<16xi32>, vector<16xi32>], vector<16xf32>,
          %add3A_381 = arith.constant 16 : i32
          %add3A_382 = vector.broadcast %add3A_381 : i32 to vector<16xi32>
          %add3A_383 = arith.addi %iota3A, %add3A_382 : vector<16xi32>
          %gather3A_384 = arith.constant 0 : i32
          %gather3A_385 = arith.constant 0 : i32
          %gather3A_386 = arith.constant 0 : i32
          %gather3A_387 = tpu.memref_slice %arg9[%gather3A_384, %gather3A_385, %gather3A_386] : memref<7x64x128xf32, #tpu.memory_space<vmem>> -> memref<1x64x128xf32, #tpu.memory_space<vmem>>
          %gather3A_388 = tpu.memref_squeeze %gather3A_387 : memref<1x64x128xf32, #tpu.memory_space<vmem>> -> memref<64x128xf32, #tpu.memory_space<vmem>>
          %gather3A_389 = tpu.vector_load_idx %gather3A_388[%add3A_383, %broadcast_in_dim3A_362] : memref<64x128xf32, #tpu.memory_space<vmem>>[vector<16xi32>, vector<16xi32>], vector<16xf32>,
          tpu.vector_store_idx %arg14[%broadcast_in_dim3A_372, %broadcast_in_dim3A_366, %add3A_383], %gather3A_389 : memref<2x16x128xf32, #tpu.memory_space<vmem>>[vector<16xi32>, vector<16xi32>, vector<16xi32>], vector<16xf32>,
          %add3A_390 = arith.constant 32 : i32
          %add3A_391 = vector.broadcast %add3A_390 : i32 to vector<16xi32>
          %add3A_392 = arith.addi %iota3A, %add3A_391 : vector<16xi32>
          %gather3A_393 = arith.constant 0 : i32
          %gather3A_394 = arith.constant 0 : i32
          %gather3A_395 = arith.constant 0 : i32
          %gather3A_396 = tpu.memref_slice %arg9[%gather3A_393, %gather3A_394, %gather3A_395] : memref<7x64x128xf32, #tpu.memory_space<vmem>> -> memref<1x64x128xf32, #tpu.memory_space<vmem>>
          %gather3A_397 = tpu.memref_squeeze %gather3A_396 : memref<1x64x128xf32, #tpu.memory_space<vmem>> -> memref<64x128xf32, #tpu.memory_space<vmem>>
          %gather3A_398 = tpu.vector_load_idx %gather3A_397[%add3A_392, %broadcast_in_dim3A_362] : memref<64x128xf32, #tpu.memory_space<vmem>>[vector<16xi32>, vector<16xi32>], vector<16xf32>,
          tpu.vector_store_idx %arg14[%broadcast_in_dim3A_372, %broadcast_in_dim3A_366, %add3A_392], %gather3A_398 : memref<2x16x128xf32, #tpu.memory_space<vmem>>[vector<16xi32>, vector<16xi32>, vector<16xi32>], vector<16xf32>,
          %add3A_399 = arith.constant 48 : i32
          %add3A_400 = vector.broadcast %add3A_399 : i32 to vector<16xi32>
          %add3A_401 = arith.addi %iota3A, %add3A_400 : vector<16xi32>
          %gather3A_402 = arith.constant 0 : i32
          %gather3A_403 = arith.constant 0 : i32
          %gather3A_404 = arith.constant 0 : i32
          %gather3A_405 = tpu.memref_slice %arg9[%gather3A_402, %gather3A_403, %gather3A_404] : memref<7x64x128xf32, #tpu.memory_space<vmem>> -> memref<1x64x128xf32, #tpu.memory_space<vmem>>
          %gather3A_406 = tpu.memref_squeeze %gather3A_405 : memref<1x64x128xf32, #tpu.memory_space<vmem>> -> memref<64x128xf32, #tpu.memory_space<vmem>>
          %gather3A_407 = tpu.vector_load_idx %gather3A_406[%add3A_401, %broadcast_in_dim3A_362] : memref<64x128xf32, #tpu.memory_space<vmem>>[vector<16xi32>, vector<16xi32>], vector<16xf32>,
          tpu.vector_store_idx %arg14[%broadcast_in_dim3A_372, %broadcast_in_dim3A_366, %add3A_401], %gather3A_407 : memref<2x16x128xf32, #tpu.memory_space<vmem>>[vector<16xi32>, vector<16xi32>, vector<16xi32>], vector<16xf32>,
          %broadcast_in_dim3A_408 = vector.broadcast %squeeze3A_359 : i32 to vector<16xi32>
          %eq3A_409 = arith.constant 0 : i32
          %eq3A_410 = vector.broadcast %eq3A_409 : i32 to vector<16xi32>
          %eq3A_411 = arith.cmpi eq, %iota3A, %eq3A_410 : vector<16xi32>
          tpu.vector_store_idx %arg15[%broadcast_in_dim3A_372, %broadcast_in_dim3A_366], %broadcast_in_dim3A_408 masked %eq3A_411 : memref<2x16xi32, #tpu.memory_space<vmem>>[vector<16xi32>, vector<16xi32>], vector<16xi32>, vector<16xi1>
          %add3A_412 = arith.constant 1 : i32
          %add3A_413 = arith.addi %get3A_365, %add3A_412 : i32
          %swap3A_414 = arith.constant 0 : i32
          %swap3A_415 = arith.index_cast %swap3A_414 : i32 to index
          %swap3A_416 = memref.load %arg16[%swap3A_415] : memref<2xi32, #tpu.memory_space<smem>>
          memref.store %add3A_413, %arg16[%swap3A_415] : memref<2xi32, #tpu.memory_space<smem>>
          %add3A_417 = arith.constant 1 : i32
          %add3A_418 = arith.addi %get3A_365, %add3A_417 : i32
          %eq3A_419 = arith.constant 16 : i32
          %eq3A_420 = arith.cmpi eq, %add3A_418, %eq3A_419 : i32
          %convert_element_type3A_421 = arith.extui %eq3A_420 : i1 to i32
          %cond3A_422 = arith.constant 0 : i32
          %cond3A_423 = arith.cmpi ne, %convert_element_type3A_421, %cond3A_422 : i32
          scf.if %cond3A_423 {
            %get3A_425 = arith.constant 1 : i32
            %get3A_426 = arith.index_cast %get3A_425 : i32 to index
            %get3A_427 = memref.load %arg16[%get3A_426] : memref<2xi32, #tpu.memory_space<smem>>
            %and3A_428 = arith.constant 1 : i32
            %and3A_429 = arith.andi %get3A_427, %and3A_428 : i32
            %eq3A_430 = arith.constant 0 : i32
            %eq3A_431 = arith.cmpi eq, %and3A_429, %eq3A_430 : i32
            %convert_element_type3A_432 = arith.extui %eq3A_431 : i1 to i32
            %cond3A_433 = arith.constant 0 : i32
            %cond3A_434 = arith.cmpi ne, %convert_element_type3A_432, %cond3A_433 : i32
            scf.if %cond3A_434 {
              %ge3A_451 = arith.constant 2 : i32
              %ge3A_452 = arith.cmpi sge, %get3A_427, %ge3A_451 : i32
              %convert_element_type3A_453 = arith.extui %ge3A_452 : i1 to i32
              %cond3A_454 = arith.constant 0 : i32
              %cond3A_455 = arith.cmpi ne, %convert_element_type3A_453, %cond3A_454 : i32
              scf.if %cond3A_455 {
                %dma_wait3A_467 = arith.constant 0 : i32
                %dma_wait3A_468 = arith.constant 0 : i32
                %dma_wait3A_469 = arith.constant 0 : i32
                %dma_wait3A_470 = arith.constant 0 : i32
                %dma_wait3A_471 = tpu.memref_slice %arg14[%dma_wait3A_467, %dma_wait3A_469, %dma_wait3A_470] : memref<2x16x128xf32, #tpu.memory_space<vmem>> -> memref<1x16x128xf32, #tpu.memory_space<vmem>>
                %dma_wait3A_472 = tpu.memref_squeeze %dma_wait3A_471 : memref<1x16x128xf32, #tpu.memory_space<vmem>> -> memref<16x128xf32, #tpu.memory_space<vmem>>
                %dma_wait3A_473 = arith.constant 0 : i32
                %dma_wait3A_474 = tpu.memref_slice %arg15[%dma_wait3A_468, %dma_wait3A_473] : memref<2x16xi32, #tpu.memory_space<vmem>> -> memref<1x16xi32, #tpu.memory_space<vmem>>
                %dma_wait3A_475 = tpu.memref_squeeze %dma_wait3A_474 : memref<1x16xi32, #tpu.memory_space<vmem>> -> memref<16xi32, #tpu.memory_space<vmem>>
                %dma_wait3A_476 = arith.constant 0 : i32
                %dma_wait3A_477 = arith.constant 0 : i32
                %dma_wait3A_478 = tpu.memref_slice %arg4[%dma_wait3A_476, %dma_wait3A_477] : memref<16400x128xf32, #tpu.memory_space<hbm>> -> memref<16400x128xf32, #tpu.memory_space<hbm>>
                tpu.wait_indirect_dma semaphore(%arg18 : memref<!tpu.dma_semaphore, #tpu.memory_space<semaphore_mem>>) src(%dma_wait3A_472 : memref<16x128xf32, #tpu.memory_space<vmem>>) dst(%dma_wait3A_478 : memref<16400x128xf32, #tpu.memory_space<hbm>>)
              } else {
              }
              %dma_start3A = arith.constant 0 : i32
              %dma_start3A_456 = arith.constant 0 : i32
              %dma_start3A_457 = arith.constant 0 : i32
              %dma_start3A_458 = arith.constant 0 : i32
              %dma_start3A_459 = tpu.memref_slice %arg14[%dma_start3A, %dma_start3A_457, %dma_start3A_458] : memref<2x16x128xf32, #tpu.memory_space<vmem>> -> memref<1x16x128xf32, #tpu.memory_space<vmem>>
              %dma_start3A_460 = tpu.memref_squeeze %dma_start3A_459 : memref<1x16x128xf32, #tpu.memory_space<vmem>> -> memref<16x128xf32, #tpu.memory_space<vmem>>
              %dma_start3A_461 = arith.constant 0 : i32
              %dma_start3A_462 = tpu.memref_slice %arg15[%dma_start3A_456, %dma_start3A_461] : memref<2x16xi32, #tpu.memory_space<vmem>> -> memref<1x16xi32, #tpu.memory_space<vmem>>
              %dma_start3A_463 = tpu.memref_squeeze %dma_start3A_462 : memref<1x16xi32, #tpu.memory_space<vmem>> -> memref<16xi32, #tpu.memory_space<vmem>>
              %dma_start3A_464 = arith.constant 0 : i32
              %dma_start3A_465 = arith.constant 0 : i32
              %dma_start3A_466 = tpu.memref_slice %arg4[%dma_start3A_464, %dma_start3A_465] : memref<16400x128xf32, #tpu.memory_space<hbm>> -> memref<16400x128xf32, #tpu.memory_space<hbm>>
              tpu.enqueue_indirect_dma source(%dma_start3A_460 : memref<16x128xf32, #tpu.memory_space<vmem>>) target(%dma_start3A_466 : memref<16400x128xf32, #tpu.memory_space<hbm>>) offsets(%dma_start3A_463 : memref<16xi32, #tpu.memory_space<vmem>>) semaphore(%arg18 : memref<!tpu.dma_semaphore, #tpu.memory_space<semaphore_mem>>)
            } else {
            }
            %and3A_435 = arith.constant 1 : i32
            %and3A_436 = arith.andi %get3A_427, %and3A_435 : i32
            %eq3A_437 = arith.constant 1 : i32
            %eq3A_438 = arith.cmpi eq, %and3A_436, %eq3A_437 : i32
            %convert_element_type3A_439 = arith.extui %eq3A_438 : i1 to i32
            %cond3A_440 = arith.constant 0 : i32
            %cond3A_441 = arith.cmpi ne, %convert_element_type3A_439, %cond3A_440 : i32
            scf.if %cond3A_441 {
              %ge3A_451 = arith.constant 2 : i32
              %ge3A_452 = arith.cmpi sge, %get3A_427, %ge3A_451 : i32
              %convert_element_type3A_453 = arith.extui %ge3A_452 : i1 to i32
              %cond3A_454 = arith.constant 0 : i32
              %cond3A_455 = arith.cmpi ne, %convert_element_type3A_453, %cond3A_454 : i32
              scf.if %cond3A_455 {
                %dma_wait3A_467 = arith.constant 1 : i32
                %dma_wait3A_468 = arith.constant 1 : i32
                %dma_wait3A_469 = arith.constant 0 : i32
                %dma_wait3A_470 = arith.constant 0 : i32
                %dma_wait3A_471 = tpu.memref_slice %arg14[%dma_wait3A_467, %dma_wait3A_469, %dma_wait3A_470] : memref<2x16x128xf32, #tpu.memory_space<vmem>> -> memref<1x16x128xf32, #tpu.memory_space<vmem>>
                %dma_wait3A_472 = tpu.memref_squeeze %dma_wait3A_471 : memref<1x16x128xf32, #tpu.memory_space<vmem>> -> memref<16x128xf32, #tpu.memory_space<vmem>>
                %dma_wait3A_473 = arith.constant 0 : i32
                %dma_wait3A_474 = tpu.memref_slice %arg15[%dma_wait3A_468, %dma_wait3A_473] : memref<2x16xi32, #tpu.memory_space<vmem>> -> memref<1x16xi32, #tpu.memory_space<vmem>>
                %dma_wait3A_475 = tpu.memref_squeeze %dma_wait3A_474 : memref<1x16xi32, #tpu.memory_space<vmem>> -> memref<16xi32, #tpu.memory_space<vmem>>
                %dma_wait3A_476 = arith.constant 0 : i32
                %dma_wait3A_477 = arith.constant 0 : i32
                %dma_wait3A_478 = tpu.memref_slice %arg4[%dma_wait3A_476, %dma_wait3A_477] : memref<16400x128xf32, #tpu.memory_space<hbm>> -> memref<16400x128xf32, #tpu.memory_space<hbm>>
                tpu.wait_indirect_dma semaphore(%arg19 : memref<!tpu.dma_semaphore, #tpu.memory_space<semaphore_mem>>) src(%dma_wait3A_472 : memref<16x128xf32, #tpu.memory_space<vmem>>) dst(%dma_wait3A_478 : memref<16400x128xf32, #tpu.memory_space<hbm>>)
              } else {
              }
              %dma_start3A = arith.constant 1 : i32
              %dma_start3A_456 = arith.constant 1 : i32
              %dma_start3A_457 = arith.constant 0 : i32
              %dma_start3A_458 = arith.constant 0 : i32
              %dma_start3A_459 = tpu.memref_slice %arg14[%dma_start3A, %dma_start3A_457, %dma_start3A_458] : memref<2x16x128xf32, #tpu.memory_space<vmem>> -> memref<1x16x128xf32, #tpu.memory_space<vmem>>
              %dma_start3A_460 = tpu.memref_squeeze %dma_start3A_459 : memref<1x16x128xf32, #tpu.memory_space<vmem>> -> memref<16x128xf32, #tpu.memory_space<vmem>>
              %dma_start3A_461 = arith.constant 0 : i32
              %dma_start3A_462 = tpu.memref_slice %arg15[%dma_start3A_456, %dma_start3A_461] : memref<2x16xi32, #tpu.memory_space<vmem>> -> memref<1x16xi32, #tpu.memory_space<vmem>>
              %dma_start3A_463 = tpu.memref_squeeze %dma_start3A_462 : memref<1x16xi32, #tpu.memory_space<vmem>> -> memref<16xi32, #tpu.memory_space<vmem>>
              %dma_start3A_464 = arith.constant 0 : i32
              %dma_start3A_465 = arith.constant 0 : i32
              %dma_start3A_466 = tpu.memref_slice %arg4[%dma_start3A_464, %dma_start3A_465] : memref<16400x128xf32, #tpu.memory_space<hbm>> -> memref<16400x128xf32, #tpu.memory_space<hbm>>
              tpu.enqueue_indirect_dma source(%dma_start3A_460 : memref<16x128xf32, #tpu.memory_space<vmem>>) target(%dma_start3A_466 : memref<16400x128xf32, #tpu.memory_space<hbm>>) offsets(%dma_start3A_463 : memref<16xi32, #tpu.memory_space<vmem>>) semaphore(%arg19 : memref<!tpu.dma_semaphore, #tpu.memory_space<semaphore_mem>>)
            } else {
            }
            %add3A_442 = arith.constant 1 : i32
            %add3A_443 = arith.addi %get3A_427, %add3A_442 : i32
            %swap3A_444 = arith.constant 1 : i32
            %swap3A_445 = arith.index_cast %swap3A_444 : i32 to index
            %swap3A_446 = memref.load %arg16[%swap3A_445] : memref<2xi32, #tpu.memory_space<smem>>
            memref.store %add3A_443, %arg16[%swap3A_445] : memref<2xi32, #tpu.memory_space<smem>>
            %swap3A_447 = arith.constant 0 : i32
            %swap3A_448 = arith.constant 0 : i32
            %swap3A_449 = arith.index_cast %swap3A_448 : i32 to index
            %swap3A_450 = memref.load %arg16[%swap3A_449] : memref<2xi32, #tpu.memory_space<smem>>
            memref.store %swap3A_447, %arg16[%swap3A_449] : memref<2xi32, #tpu.memory_space<smem>>
          } else {
          }
          %while3A_424 = arith.constant 0 : i32
          scf.yield %while3A_424 : i32
        }
        %add3A_344 = arith.constant 7 : i32
        %add3A_345 = arith.addi %add3A_253, %add3A_344 : i32
        %lt3A_346 = arith.cmpi slt, %add3A_345, %scan3A_138#1 : i32
        %convert_element_type3A_347 = arith.extui %lt3A_346 : i1 to i32
        %cond3A_348 = arith.constant 0 : i32
        %cond3A_349 = arith.cmpi ne, %convert_element_type3A_347, %cond3A_348 : i32
        scf.if %cond3A_349 {
          %add3A_350 = arith.constant 7 : i32
          %add3A_351 = arith.addi %add3A_253, %add3A_350 : i32
          %get3A_352 = arith.index_cast %add3A_351 : i32 to index
          %get3A_353 = tpu.vector_load %arg12[%get3A_352] {strides = array<i32>} : memref<272xi32, #tpu.memory_space<vmem>>, vector<16xi32>,
          %slice3A_354 = vector.extract_strided_slice %get3A_353 {offsets = [0], sizes = [1], strides = [1]} : vector<16xi32> to vector<1xi32>
          %squeeze3A_355 = vector.extract %slice3A_354[0] : i32 from vector<1xi32>
          %add3A_356 = arith.addi %squeeze3A_355, %mul3A_2 : i32
          %mul3A_357 = arith.constant 128 : i32
          %mul3A_358 = arith.muli %add3A_356, %mul3A_357 : i32
          %multiple_of3A_359 = tpu.assume_multiple %mul3A_358, 128 : i32
          %dma_start3A = arith.constant 0 : i32
          %dma_start3A_360 = arith.constant 0 : i32
          %dma_start3A_361 = arith.constant 0 : i32
          %dma_start3A_362 = tpu.memref_slice %arg9[%dma_start3A, %dma_start3A_360, %dma_start3A_361] : memref<7x64x128xf32, #tpu.memory_space<vmem>> -> memref<1x64x128xf32, #tpu.memory_space<vmem>>
          %dma_start3A_363 = tpu.memref_squeeze %dma_start3A_362 : memref<1x64x128xf32, #tpu.memory_space<vmem>> -> memref<64x128xf32, #tpu.memory_space<vmem>>
          %dma_start3A_364 = arith.constant 0 : i32
          %dma_start3A_365 = tpu.memref_slice %arg3[%dma_start3A_364, %multiple_of3A_359] : memref<64x1000000xf32, #tpu.memory_space<hbm>> -> memref<64x128xf32, #tpu.memory_space<hbm>>
          %dma_start3A_366 = arith.constant 0 : i32
          %dma_start3A_367 = arith.constant 0 : i32
          %dma_start3A_368 = tpu.memref_slice %arg9[%dma_start3A, %dma_start3A_366, %dma_start3A_367] : memref<7x64x128xf32, #tpu.memory_space<vmem>> -> memref<1x64x128xf32, #tpu.memory_space<vmem>>
          %dma_start3A_369 = tpu.memref_squeeze %dma_start3A_368 : memref<1x64x128xf32, #tpu.memory_space<vmem>> -> memref<64x128xf32, #tpu.memory_space<vmem>>
          %dma_start3A_370 = arith.constant 0 : i32
          %dma_start3A_371 = tpu.memref_slice %arg3[%dma_start3A_370, %multiple_of3A_359] : memref<64x1000000xf32, #tpu.memory_space<hbm>> -> memref<64x128xf32, #tpu.memory_space<hbm>>
          tpu.enqueue_dma source(%dma_start3A_371 : memref<64x128xf32, #tpu.memory_space<hbm>>) target(%dma_start3A_369 : memref<64x128xf32, #tpu.memory_space<vmem>>) target_semaphore(%arg17 : memref<!tpu.dma_semaphore, #tpu.memory_space<semaphore_mem>>)
        } else {
        }
      } else {
      }
      %mul3A_257 = arith.constant 7 : i32
      %mul3A_258 = arith.muli %scan3A_248, %mul3A_257 : i32
      %add3A_259 = arith.constant 1 : i32
      %add3A_260 = arith.addi %mul3A_258, %add3A_259 : i32
      %lt3A_261 = arith.cmpi slt, %add3A_260, %scan3A_138#1 : i32
      %convert_element_type3A_262 = arith.extui %lt3A_261 : i1 to i32
      %cond3A_263 = arith.constant 0 : i32
      %cond3A_264 = arith.cmpi ne, %convert_element_type3A_262, %cond3A_263 : i32
      scf.if %cond3A_264 {
        %get3A_306 = arith.index_cast %add3A_260 : i32 to index
        %get3A_307 = tpu.vector_load %arg12[%get3A_306] {strides = array<i32>} : memref<272xi32, #tpu.memory_space<vmem>>, vector<16xi32>,
        %slice3A = vector.extract_strided_slice %get3A_307 {offsets = [0], sizes = [1], strides = [1]} : vector<16xi32> to vector<1xi32>
        %squeeze3A = vector.extract %slice3A[0] : i32 from vector<1xi32>
        %add3A_308 = arith.addi %squeeze3A, %mul3A_2 : i32
        %mul3A_309 = arith.constant 128 : i32
        %mul3A_310 = arith.muli %add3A_308, %mul3A_309 : i32
        %multiple_of3A = tpu.assume_multiple %mul3A_310, 128 : i32
        %dma_wait3A = arith.constant 1 : i32
        %dma_wait3A_311 = arith.constant 0 : i32
        %dma_wait3A_312 = arith.constant 0 : i32
        %dma_wait3A_313 = tpu.memref_slice %arg9[%dma_wait3A, %dma_wait3A_311, %dma_wait3A_312] : memref<7x64x128xf32, #tpu.memory_space<vmem>> -> memref<1x64x128xf32, #tpu.memory_space<vmem>>
        %dma_wait3A_314 = tpu.memref_squeeze %dma_wait3A_313 : memref<1x64x128xf32, #tpu.memory_space<vmem>> -> memref<64x128xf32, #tpu.memory_space<vmem>>
        %dma_wait3A_315 = arith.constant 0 : i32
        %dma_wait3A_316 = tpu.memref_slice %arg3[%dma_wait3A_315, %multiple_of3A] : memref<64x1000000xf32, #tpu.memory_space<hbm>> -> memref<64x128xf32, #tpu.memory_space<hbm>>
        %dma_wait3A_317 = arith.constant 0 : i32
        %dma_wait3A_318 = arith.constant 0 : i32
        %dma_wait3A_319 = tpu.memref_slice %arg9[%dma_wait3A, %dma_wait3A_317, %dma_wait3A_318] : memref<7x64x128xf32, #tpu.memory_space<vmem>> -> memref<1x64x128xf32, #tpu.memory_space<vmem>>
        %dma_wait3A_320 = tpu.memref_squeeze %dma_wait3A_319 : memref<1x64x128xf32, #tpu.memory_space<vmem>> -> memref<64x128xf32, #tpu.memory_space<vmem>>
        %dma_wait3A_321 = arith.constant 0 : i32
        %dma_wait3A_322 = tpu.memref_slice %arg3[%dma_wait3A_321, %multiple_of3A] : memref<64x1000000xf32, #tpu.memory_space<hbm>> -> memref<64x128xf32, #tpu.memory_space<hbm>>
        tpu.wait_dma2 semaphore(%arg17 : memref<!tpu.dma_semaphore, #tpu.memory_space<semaphore_mem>>) src(%dma_wait3A_322 : memref<64x128xf32, #tpu.memory_space<hbm>>) dst(%dma_wait3A_320 : memref<64x128xf32, #tpu.memory_space<vmem>>)
        %get3A_323 = arith.index_cast %add3A_260 : i32 to index
        %get3A_324 = tpu.vector_load %arg13[%get3A_323] {strides = array<i32>} : memref<272xi32, #tpu.memory_space<vmem>>, vector<16xi32>,
        %slice3A_325 = vector.extract_strided_slice %get3A_324 {offsets = [0], sizes = [1], strides = [1]} : vector<16xi32> to vector<1xi32>
        %squeeze3A_326 = vector.extract %slice3A_325[0] : i32 from vector<1xi32>
        %add3A_327 = arith.constant 1 : i32
        %add3A_328 = arith.addi %add3A_260, %add3A_327 : i32
        %get3A_329 = arith.index_cast %add3A_328 : i32 to index
        %get3A_330 = tpu.vector_load %arg13[%get3A_329] {strides = array<i32>} : memref<272xi32, #tpu.memory_space<vmem>>, vector<16xi32>,
        %slice3A_331 = vector.extract_strided_slice %get3A_330 {offsets = [0], sizes = [1], strides = [1]} : vector<16xi32> to vector<1xi32>
        %squeeze3A_332 = vector.extract %slice3A_331[0] : i32 from vector<1xi32>
        %while3A_333 = arith.constant 0 : i32
        %while3A_334 = arith.subi %squeeze3A_332, %squeeze3A_326 : i32
        %while3A_335 = arith.addi %squeeze3A_326, %while3A_334 : i32
        %while3A_336 = arith.constant 1 : i32
        %while3A_337 = arith.divsi %while3A_334, %while3A_336 : i32
        %while3A_338 = arith.muli %while3A_337, %while3A_336 : i32
        %while3A_339 = arith.addi %squeeze3A_326, %while3A_338 : i32
        %while3A_340 = arith.constant 1 : i32
        %while3A_341 = scf.for %while3A_350 = %squeeze3A_326 to %while3A_339 step %while3A_340 iter_args(%while3A_351 = %while3A_333) -> (i32)  : i32 {
          %get3A_352 = arith.index_cast %while3A_350 : i32 to index
          %get3A_353 = tpu.vector_load %arg5[%get3A_352] {strides = array<i32>} : memref<16400xi32, #tpu.memory_space<vmem>>, vector<16xi32>,
          %slice3A_354 = vector.extract_strided_slice %get3A_353 {offsets = [0], sizes = [1], strides = [1]} : vector<16xi32> to vector<1xi32>
          %squeeze3A_355 = vector.extract %slice3A_354[0] : i32 from vector<1xi32>
          %get3A_356 = arith.index_cast %while3A_350 : i32 to index
          %get3A_357 = tpu.vector_load %arg8[%get3A_356] {strides = array<i32>} : memref<16400xi32, #tpu.memory_space<vmem>>, vector<16xi32>,
          %slice3A_358 = vector.extract_strided_slice %get3A_357 {offsets = [0], sizes = [1], strides = [1]} : vector<16xi32> to vector<1xi32>
          %squeeze3A_359 = vector.extract %slice3A_358[0] : i32 from vector<1xi32>
          %and3A_360 = arith.constant 127 : i32
          %and3A_361 = arith.andi %squeeze3A_355, %and3A_360 : i32
          %broadcast_in_dim3A_362 = vector.broadcast %and3A_361 : i32 to vector<16xi32>
          %get3A_363 = arith.constant 0 : i32
          %get3A_364 = arith.index_cast %get3A_363 : i32 to index
          %get3A_365 = memref.load %arg16[%get3A_364] : memref<2xi32, #tpu.memory_space<smem>>
          %broadcast_in_dim3A_366 = vector.broadcast %get3A_365 : i32 to vector<16xi32>
          %get3A_367 = arith.constant 1 : i32
          %get3A_368 = arith.index_cast %get3A_367 : i32 to index
          %get3A_369 = memref.load %arg16[%get3A_368] : memref<2xi32, #tpu.memory_space<smem>>
          %and3A_370 = arith.constant 1 : i32
          %and3A_371 = arith.andi %get3A_369, %and3A_370 : i32
          %broadcast_in_dim3A_372 = vector.broadcast %and3A_371 : i32 to vector<16xi32>
          %add3A_373 = arith.constant 0 : i32
          %add3A_374 = vector.broadcast %add3A_373 : i32 to vector<16xi32>
          %add3A_375 = arith.addi %iota3A, %add3A_374 : vector<16xi32>
          %gather3A = arith.constant 1 : i32
          %gather3A_376 = arith.constant 0 : i32
          %gather3A_377 = arith.constant 0 : i32
          %gather3A_378 = tpu.memref_slice %arg9[%gather3A, %gather3A_376, %gather3A_377] : memref<7x64x128xf32, #tpu.memory_space<vmem>> -> memref<1x64x128xf32, #tpu.memory_space<vmem>>
          %gather3A_379 = tpu.memref_squeeze %gather3A_378 : memref<1x64x128xf32, #tpu.memory_space<vmem>> -> memref<64x128xf32, #tpu.memory_space<vmem>>
          %gather3A_380 = tpu.vector_load_idx %gather3A_379[%add3A_375, %broadcast_in_dim3A_362] : memref<64x128xf32, #tpu.memory_space<vmem>>[vector<16xi32>, vector<16xi32>], vector<16xf32>,
          tpu.vector_store_idx %arg14[%broadcast_in_dim3A_372, %broadcast_in_dim3A_366, %add3A_375], %gather3A_380 : memref<2x16x128xf32, #tpu.memory_space<vmem>>[vector<16xi32>, vector<16xi32>, vector<16xi32>], vector<16xf32>,
          %add3A_381 = arith.constant 16 : i32
          %add3A_382 = vector.broadcast %add3A_381 : i32 to vector<16xi32>
          %add3A_383 = arith.addi %iota3A, %add3A_382 : vector<16xi32>
          %gather3A_384 = arith.constant 1 : i32
          %gather3A_385 = arith.constant 0 : i32
          %gather3A_386 = arith.constant 0 : i32
          %gather3A_387 = tpu.memref_slice %arg9[%gather3A_384, %gather3A_385, %gather3A_386] : memref<7x64x128xf32, #tpu.memory_space<vmem>> -> memref<1x64x128xf32, #tpu.memory_space<vmem>>
          %gather3A_388 = tpu.memref_squeeze %gather3A_387 : memref<1x64x128xf32, #tpu.memory_space<vmem>> -> memref<64x128xf32, #tpu.memory_space<vmem>>
          %gather3A_389 = tpu.vector_load_idx %gather3A_388[%add3A_383, %broadcast_in_dim3A_362] : memref<64x128xf32, #tpu.memory_space<vmem>>[vector<16xi32>, vector<16xi32>], vector<16xf32>,
          tpu.vector_store_idx %arg14[%broadcast_in_dim3A_372, %broadcast_in_dim3A_366, %add3A_383], %gather3A_389 : memref<2x16x128xf32, #tpu.memory_space<vmem>>[vector<16xi32>, vector<16xi32>, vector<16xi32>], vector<16xf32>,
          %add3A_390 = arith.constant 32 : i32
          %add3A_391 = vector.broadcast %add3A_390 : i32 to vector<16xi32>
          %add3A_392 = arith.addi %iota3A, %add3A_391 : vector<16xi32>
          %gather3A_393 = arith.constant 1 : i32
          %gather3A_394 = arith.constant 0 : i32
          %gather3A_395 = arith.constant 0 : i32
          %gather3A_396 = tpu.memref_slice %arg9[%gather3A_393, %gather3A_394, %gather3A_395] : memref<7x64x128xf32, #tpu.memory_space<vmem>> -> memref<1x64x128xf32, #tpu.memory_space<vmem>>
          %gather3A_397 = tpu.memref_squeeze %gather3A_396 : memref<1x64x128xf32, #tpu.memory_space<vmem>> -> memref<64x128xf32, #tpu.memory_space<vmem>>
          %gather3A_398 = tpu.vector_load_idx %gather3A_397[%add3A_392, %broadcast_in_dim3A_362] : memref<64x128xf32, #tpu.memory_space<vmem>>[vector<16xi32>, vector<16xi32>], vector<16xf32>,
          tpu.vector_store_idx %arg14[%broadcast_in_dim3A_372, %broadcast_in_dim3A_366, %add3A_392], %gather3A_398 : memref<2x16x128xf32, #tpu.memory_space<vmem>>[vector<16xi32>, vector<16xi32>, vector<16xi32>], vector<16xf32>,
          %add3A_399 = arith.constant 48 : i32
          %add3A_400 = vector.broadcast %add3A_399 : i32 to vector<16xi32>
          %add3A_401 = arith.addi %iota3A, %add3A_400 : vector<16xi32>
          %gather3A_402 = arith.constant 1 : i32
          %gather3A_403 = arith.constant 0 : i32
          %gather3A_404 = arith.constant 0 : i32
          %gather3A_405 = tpu.memref_slice %arg9[%gather3A_402, %gather3A_403, %gather3A_404] : memref<7x64x128xf32, #tpu.memory_space<vmem>> -> memref<1x64x128xf32, #tpu.memory_space<vmem>>
          %gather3A_406 = tpu.memref_squeeze %gather3A_405 : memref<1x64x128xf32, #tpu.memory_space<vmem>> -> memref<64x128xf32, #tpu.memory_space<vmem>>
          %gather3A_407 = tpu.vector_load_idx %gather3A_406[%add3A_401, %broadcast_in_dim3A_362] : memref<64x128xf32, #tpu.memory_space<vmem>>[vector<16xi32>, vector<16xi32>], vector<16xf32>,
          tpu.vector_store_idx %arg14[%broadcast_in_dim3A_372, %broadcast_in_dim3A_366, %add3A_401], %gather3A_407 : memref<2x16x128xf32, #tpu.memory_space<vmem>>[vector<16xi32>, vector<16xi32>, vector<16xi32>], vector<16xf32>,
          %broadcast_in_dim3A_408 = vector.broadcast %squeeze3A_359 : i32 to vector<16xi32>
          %eq3A_409 = arith.constant 0 : i32
          %eq3A_410 = vector.broadcast %eq3A_409 : i32 to vector<16xi32>
          %eq3A_411 = arith.cmpi eq, %iota3A, %eq3A_410 : vector<16xi32>
          tpu.vector_store_idx %arg15[%broadcast_in_dim3A_372, %broadcast_in_dim3A_366], %broadcast_in_dim3A_408 masked %eq3A_411 : memref<2x16xi32, #tpu.memory_space<vmem>>[vector<16xi32>, vector<16xi32>], vector<16xi32>, vector<16xi1>
          %add3A_412 = arith.constant 1 : i32
          %add3A_413 = arith.addi %get3A_365, %add3A_412 : i32
          %swap3A_414 = arith.constant 0 : i32
          %swap3A_415 = arith.index_cast %swap3A_414 : i32 to index
          %swap3A_416 = memref.load %arg16[%swap3A_415] : memref<2xi32, #tpu.memory_space<smem>>
          memref.store %add3A_413, %arg16[%swap3A_415] : memref<2xi32, #tpu.memory_space<smem>>
          %add3A_417 = arith.constant 1 : i32
          %add3A_418 = arith.addi %get3A_365, %add3A_417 : i32
          %eq3A_419 = arith.constant 16 : i32
          %eq3A_420 = arith.cmpi eq, %add3A_418, %eq3A_419 : i32
          %convert_element_type3A_421 = arith.extui %eq3A_420 : i1 to i32
          %cond3A_422 = arith.constant 0 : i32
          %cond3A_423 = arith.cmpi ne, %convert_element_type3A_421, %cond3A_422 : i32
          scf.if %cond3A_423 {
            %get3A_425 = arith.constant 1 : i32
            %get3A_426 = arith.index_cast %get3A_425 : i32 to index
            %get3A_427 = memref.load %arg16[%get3A_426] : memref<2xi32, #tpu.memory_space<smem>>
            %and3A_428 = arith.constant 1 : i32
            %and3A_429 = arith.andi %get3A_427, %and3A_428 : i32
            %eq3A_430 = arith.constant 0 : i32
            %eq3A_431 = arith.cmpi eq, %and3A_429, %eq3A_430 : i32
            %convert_element_type3A_432 = arith.extui %eq3A_431 : i1 to i32
            %cond3A_433 = arith.constant 0 : i32
            %cond3A_434 = arith.cmpi ne, %convert_element_type3A_432, %cond3A_433 : i32
            scf.if %cond3A_434 {
              %ge3A_451 = arith.constant 2 : i32
              %ge3A_452 = arith.cmpi sge, %get3A_427, %ge3A_451 : i32
              %convert_element_type3A_453 = arith.extui %ge3A_452 : i1 to i32
              %cond3A_454 = arith.constant 0 : i32
              %cond3A_455 = arith.cmpi ne, %convert_element_type3A_453, %cond3A_454 : i32
              scf.if %cond3A_455 {
                %dma_wait3A_467 = arith.constant 0 : i32
                %dma_wait3A_468 = arith.constant 0 : i32
                %dma_wait3A_469 = arith.constant 0 : i32
                %dma_wait3A_470 = arith.constant 0 : i32
                %dma_wait3A_471 = tpu.memref_slice %arg14[%dma_wait3A_467, %dma_wait3A_469, %dma_wait3A_470] : memref<2x16x128xf32, #tpu.memory_space<vmem>> -> memref<1x16x128xf32, #tpu.memory_space<vmem>>
                %dma_wait3A_472 = tpu.memref_squeeze %dma_wait3A_471 : memref<1x16x128xf32, #tpu.memory_space<vmem>> -> memref<16x128xf32, #tpu.memory_space<vmem>>
                %dma_wait3A_473 = arith.constant 0 : i32
                %dma_wait3A_474 = tpu.memref_slice %arg15[%dma_wait3A_468, %dma_wait3A_473] : memref<2x16xi32, #tpu.memory_space<vmem>> -> memref<1x16xi32, #tpu.memory_space<vmem>>
                %dma_wait3A_475 = tpu.memref_squeeze %dma_wait3A_474 : memref<1x16xi32, #tpu.memory_space<vmem>> -> memref<16xi32, #tpu.memory_space<vmem>>
                %dma_wait3A_476 = arith.constant 0 : i32
                %dma_wait3A_477 = arith.constant 0 : i32
                %dma_wait3A_478 = tpu.memref_slice %arg4[%dma_wait3A_476, %dma_wait3A_477] : memref<16400x128xf32, #tpu.memory_space<hbm>> -> memref<16400x128xf32, #tpu.memory_space<hbm>>
                tpu.wait_indirect_dma semaphore(%arg18 : memref<!tpu.dma_semaphore, #tpu.memory_space<semaphore_mem>>) src(%dma_wait3A_472 : memref<16x128xf32, #tpu.memory_space<vmem>>) dst(%dma_wait3A_478 : memref<16400x128xf32, #tpu.memory_space<hbm>>)
              } else {
              }
              %dma_start3A = arith.constant 0 : i32
              %dma_start3A_456 = arith.constant 0 : i32
              %dma_start3A_457 = arith.constant 0 : i32
              %dma_start3A_458 = arith.constant 0 : i32
              %dma_start3A_459 = tpu.memref_slice %arg14[%dma_start3A, %dma_start3A_457, %dma_start3A_458] : memref<2x16x128xf32, #tpu.memory_space<vmem>> -> memref<1x16x128xf32, #tpu.memory_space<vmem>>
              %dma_start3A_460 = tpu.memref_squeeze %dma_start3A_459 : memref<1x16x128xf32, #tpu.memory_space<vmem>> -> memref<16x128xf32, #tpu.memory_space<vmem>>
              %dma_start3A_461 = arith.constant 0 : i32
              %dma_start3A_462 = tpu.memref_slice %arg15[%dma_start3A_456, %dma_start3A_461] : memref<2x16xi32, #tpu.memory_space<vmem>> -> memref<1x16xi32, #tpu.memory_space<vmem>>
              %dma_start3A_463 = tpu.memref_squeeze %dma_start3A_462 : memref<1x16xi32, #tpu.memory_space<vmem>> -> memref<16xi32, #tpu.memory_space<vmem>>
              %dma_start3A_464 = arith.constant 0 : i32
              %dma_start3A_465 = arith.constant 0 : i32
              %dma_start3A_466 = tpu.memref_slice %arg4[%dma_start3A_464, %dma_start3A_465] : memref<16400x128xf32, #tpu.memory_space<hbm>> -> memref<16400x128xf32, #tpu.memory_space<hbm>>
              tpu.enqueue_indirect_dma source(%dma_start3A_460 : memref<16x128xf32, #tpu.memory_space<vmem>>) target(%dma_start3A_466 : memref<16400x128xf32, #tpu.memory_space<hbm>>) offsets(%dma_start3A_463 : memref<16xi32, #tpu.memory_space<vmem>>) semaphore(%arg18 : memref<!tpu.dma_semaphore, #tpu.memory_space<semaphore_mem>>)
            } else {
            }
            %and3A_435 = arith.constant 1 : i32
            %and3A_436 = arith.andi %get3A_427, %and3A_435 : i32
            %eq3A_437 = arith.constant 1 : i32
            %eq3A_438 = arith.cmpi eq, %and3A_436, %eq3A_437 : i32
            %convert_element_type3A_439 = arith.extui %eq3A_438 : i1 to i32
            %cond3A_440 = arith.constant 0 : i32
            %cond3A_441 = arith.cmpi ne, %convert_element_type3A_439, %cond3A_440 : i32
            scf.if %cond3A_441 {
              %ge3A_451 = arith.constant 2 : i32
              %ge3A_452 = arith.cmpi sge, %get3A_427, %ge3A_451 : i32
              %convert_element_type3A_453 = arith.extui %ge3A_452 : i1 to i32
              %cond3A_454 = arith.constant 0 : i32
              %cond3A_455 = arith.cmpi ne, %convert_element_type3A_453, %cond3A_454 : i32
              scf.if %cond3A_455 {
                %dma_wait3A_467 = arith.constant 1 : i32
                %dma_wait3A_468 = arith.constant 1 : i32
                %dma_wait3A_469 = arith.constant 0 : i32
                %dma_wait3A_470 = arith.constant 0 : i32
                %dma_wait3A_471 = tpu.memref_slice %arg14[%dma_wait3A_467, %dma_wait3A_469, %dma_wait3A_470] : memref<2x16x128xf32, #tpu.memory_space<vmem>> -> memref<1x16x128xf32, #tpu.memory_space<vmem>>
                %dma_wait3A_472 = tpu.memref_squeeze %dma_wait3A_471 : memref<1x16x128xf32, #tpu.memory_space<vmem>> -> memref<16x128xf32, #tpu.memory_space<vmem>>
                %dma_wait3A_473 = arith.constant 0 : i32
                %dma_wait3A_474 = tpu.memref_slice %arg15[%dma_wait3A_468, %dma_wait3A_473] : memref<2x16xi32, #tpu.memory_space<vmem>> -> memref<1x16xi32, #tpu.memory_space<vmem>>
                %dma_wait3A_475 = tpu.memref_squeeze %dma_wait3A_474 : memref<1x16xi32, #tpu.memory_space<vmem>> -> memref<16xi32, #tpu.memory_space<vmem>>
                %dma_wait3A_476 = arith.constant 0 : i32
                %dma_wait3A_477 = arith.constant 0 : i32
                %dma_wait3A_478 = tpu.memref_slice %arg4[%dma_wait3A_476, %dma_wait3A_477] : memref<16400x128xf32, #tpu.memory_space<hbm>> -> memref<16400x128xf32, #tpu.memory_space<hbm>>
                tpu.wait_indirect_dma semaphore(%arg19 : memref<!tpu.dma_semaphore, #tpu.memory_space<semaphore_mem>>) src(%dma_wait3A_472 : memref<16x128xf32, #tpu.memory_space<vmem>>) dst(%dma_wait3A_478 : memref<16400x128xf32, #tpu.memory_space<hbm>>)
              } else {
              }
              %dma_start3A = arith.constant 1 : i32
              %dma_start3A_456 = arith.constant 1 : i32
              %dma_start3A_457 = arith.constant 0 : i32
              %dma_start3A_458 = arith.constant 0 : i32
              %dma_start3A_459 = tpu.memref_slice %arg14[%dma_start3A, %dma_start3A_457, %dma_start3A_458] : memref<2x16x128xf32, #tpu.memory_space<vmem>> -> memref<1x16x128xf32, #tpu.memory_space<vmem>>
              %dma_start3A_460 = tpu.memref_squeeze %dma_start3A_459 : memref<1x16x128xf32, #tpu.memory_space<vmem>> -> memref<16x128xf32, #tpu.memory_space<vmem>>
              %dma_start3A_461 = arith.constant 0 : i32
              %dma_start3A_462 = tpu.memref_slice %arg15[%dma_start3A_456, %dma_start3A_461] : memref<2x16xi32, #tpu.memory_space<vmem>> -> memref<1x16xi32, #tpu.memory_space<vmem>>
              %dma_start3A_463 = tpu.memref_squeeze %dma_start3A_462 : memref<1x16xi32, #tpu.memory_space<vmem>> -> memref<16xi32, #tpu.memory_space<vmem>>
              %dma_start3A_464 = arith.constant 0 : i32
              %dma_start3A_465 = arith.constant 0 : i32
              %dma_start3A_466 = tpu.memref_slice %arg4[%dma_start3A_464, %dma_start3A_465] : memref<16400x128xf32, #tpu.memory_space<hbm>> -> memref<16400x128xf32, #tpu.memory_space<hbm>>
              tpu.enqueue_indirect_dma source(%dma_start3A_460 : memref<16x128xf32, #tpu.memory_space<vmem>>) target(%dma_start3A_466 : memref<16400x128xf32, #tpu.memory_space<hbm>>) offsets(%dma_start3A_463 : memref<16xi32, #tpu.memory_space<vmem>>) semaphore(%arg19 : memref<!tpu.dma_semaphore, #tpu.memory_space<semaphore_mem>>)
            } else {
            }
            %add3A_442 = arith.constant 1 : i32
            %add3A_443 = arith.addi %get3A_427, %add3A_442 : i32
            %swap3A_444 = arith.constant 1 : i32
            %swap3A_445 = arith.index_cast %swap3A_444 : i32 to index
            %swap3A_446 = memref.load %arg16[%swap3A_445] : memref<2xi32, #tpu.memory_space<smem>>
            memref.store %add3A_443, %arg16[%swap3A_445] : memref<2xi32, #tpu.memory_space<smem>>
            %swap3A_447 = arith.constant 0 : i32
            %swap3A_448 = arith.constant 0 : i32
            %swap3A_449 = arith.index_cast %swap3A_448 : i32 to index
            %swap3A_450 = memref.load %arg16[%swap3A_449] : memref<2xi32, #tpu.memory_space<smem>>
            memref.store %swap3A_447, %arg16[%swap3A_449] : memref<2xi32, #tpu.memory_space<smem>>
          } else {
          }
          %while3A_424 = arith.constant 0 : i32
          scf.yield %while3A_424 : i32
        }
        %while3A_342 = arith.constant 1 : i32
        %while3A_343 = scf.for %while3A_350 = %while3A_339 to %while3A_335 step %while3A_342 iter_args(%while3A_351 = %while3A_341) -> (i32)  : i32 {
          %get3A_352 = arith.index_cast %while3A_350 : i32 to index
          %get3A_353 = tpu.vector_load %arg5[%get3A_352] {strides = array<i32>} : memref<16400xi32, #tpu.memory_space<vmem>>, vector<16xi32>,
          %slice3A_354 = vector.extract_strided_slice %get3A_353 {offsets = [0], sizes = [1], strides = [1]} : vector<16xi32> to vector<1xi32>
          %squeeze3A_355 = vector.extract %slice3A_354[0] : i32 from vector<1xi32>
          %get3A_356 = arith.index_cast %while3A_350 : i32 to index
          %get3A_357 = tpu.vector_load %arg8[%get3A_356] {strides = array<i32>} : memref<16400xi32, #tpu.memory_space<vmem>>, vector<16xi32>,
          %slice3A_358 = vector.extract_strided_slice %get3A_357 {offsets = [0], sizes = [1], strides = [1]} : vector<16xi32> to vector<1xi32>
          %squeeze3A_359 = vector.extract %slice3A_358[0] : i32 from vector<1xi32>
          %and3A_360 = arith.constant 127 : i32
          %and3A_361 = arith.andi %squeeze3A_355, %and3A_360 : i32
          %broadcast_in_dim3A_362 = vector.broadcast %and3A_361 : i32 to vector<16xi32>
          %get3A_363 = arith.constant 0 : i32
          %get3A_364 = arith.index_cast %get3A_363 : i32 to index
          %get3A_365 = memref.load %arg16[%get3A_364] : memref<2xi32, #tpu.memory_space<smem>>
          %broadcast_in_dim3A_366 = vector.broadcast %get3A_365 : i32 to vector<16xi32>
          %get3A_367 = arith.constant 1 : i32
          %get3A_368 = arith.index_cast %get3A_367 : i32 to index
          %get3A_369 = memref.load %arg16[%get3A_368] : memref<2xi32, #tpu.memory_space<smem>>
          %and3A_370 = arith.constant 1 : i32
          %and3A_371 = arith.andi %get3A_369, %and3A_370 : i32
          %broadcast_in_dim3A_372 = vector.broadcast %and3A_371 : i32 to vector<16xi32>
          %add3A_373 = arith.constant 0 : i32
          %add3A_374 = vector.broadcast %add3A_373 : i32 to vector<16xi32>
          %add3A_375 = arith.addi %iota3A, %add3A_374 : vector<16xi32>
          %gather3A = arith.constant 1 : i32
          %gather3A_376 = arith.constant 0 : i32
          %gather3A_377 = arith.constant 0 : i32
          %gather3A_378 = tpu.memref_slice %arg9[%gather3A, %gather3A_376, %gather3A_377] : memref<7x64x128xf32, #tpu.memory_space<vmem>> -> memref<1x64x128xf32, #tpu.memory_space<vmem>>
          %gather3A_379 = tpu.memref_squeeze %gather3A_378 : memref<1x64x128xf32, #tpu.memory_space<vmem>> -> memref<64x128xf32, #tpu.memory_space<vmem>>
          %gather3A_380 = tpu.vector_load_idx %gather3A_379[%add3A_375, %broadcast_in_dim3A_362] : memref<64x128xf32, #tpu.memory_space<vmem>>[vector<16xi32>, vector<16xi32>], vector<16xf32>,
          tpu.vector_store_idx %arg14[%broadcast_in_dim3A_372, %broadcast_in_dim3A_366, %add3A_375], %gather3A_380 : memref<2x16x128xf32, #tpu.memory_space<vmem>>[vector<16xi32>, vector<16xi32>, vector<16xi32>], vector<16xf32>,
          %add3A_381 = arith.constant 16 : i32
          %add3A_382 = vector.broadcast %add3A_381 : i32 to vector<16xi32>
          %add3A_383 = arith.addi %iota3A, %add3A_382 : vector<16xi32>
          %gather3A_384 = arith.constant 1 : i32
          %gather3A_385 = arith.constant 0 : i32
          %gather3A_386 = arith.constant 0 : i32
          %gather3A_387 = tpu.memref_slice %arg9[%gather3A_384, %gather3A_385, %gather3A_386] : memref<7x64x128xf32, #tpu.memory_space<vmem>> -> memref<1x64x128xf32, #tpu.memory_space<vmem>>
          %gather3A_388 = tpu.memref_squeeze %gather3A_387 : memref<1x64x128xf32, #tpu.memory_space<vmem>> -> memref<64x128xf32, #tpu.memory_space<vmem>>
          %gather3A_389 = tpu.vector_load_idx %gather3A_388[%add3A_383, %broadcast_in_dim3A_362] : memref<64x128xf32, #tpu.memory_space<vmem>>[vector<16xi32>, vector<16xi32>], vector<16xf32>,
          tpu.vector_store_idx %arg14[%broadcast_in_dim3A_372, %broadcast_in_dim3A_366, %add3A_383], %gather3A_389 : memref<2x16x128xf32, #tpu.memory_space<vmem>>[vector<16xi32>, vector<16xi32>, vector<16xi32>], vector<16xf32>,
          %add3A_390 = arith.constant 32 : i32
          %add3A_391 = vector.broadcast %add3A_390 : i32 to vector<16xi32>
          %add3A_392 = arith.addi %iota3A, %add3A_391 : vector<16xi32>
          %gather3A_393 = arith.constant 1 : i32
          %gather3A_394 = arith.constant 0 : i32
          %gather3A_395 = arith.constant 0 : i32
          %gather3A_396 = tpu.memref_slice %arg9[%gather3A_393, %gather3A_394, %gather3A_395] : memref<7x64x128xf32, #tpu.memory_space<vmem>> -> memref<1x64x128xf32, #tpu.memory_space<vmem>>
          %gather3A_397 = tpu.memref_squeeze %gather3A_396 : memref<1x64x128xf32, #tpu.memory_space<vmem>> -> memref<64x128xf32, #tpu.memory_space<vmem>>
          %gather3A_398 = tpu.vector_load_idx %gather3A_397[%add3A_392, %broadcast_in_dim3A_362] : memref<64x128xf32, #tpu.memory_space<vmem>>[vector<16xi32>, vector<16xi32>], vector<16xf32>,
          tpu.vector_store_idx %arg14[%broadcast_in_dim3A_372, %broadcast_in_dim3A_366, %add3A_392], %gather3A_398 : memref<2x16x128xf32, #tpu.memory_space<vmem>>[vector<16xi32>, vector<16xi32>, vector<16xi32>], vector<16xf32>,
          %add3A_399 = arith.constant 48 : i32
          %add3A_400 = vector.broadcast %add3A_399 : i32 to vector<16xi32>
          %add3A_401 = arith.addi %iota3A, %add3A_400 : vector<16xi32>
          %gather3A_402 = arith.constant 1 : i32
          %gather3A_403 = arith.constant 0 : i32
          %gather3A_404 = arith.constant 0 : i32
          %gather3A_405 = tpu.memref_slice %arg9[%gather3A_402, %gather3A_403, %gather3A_404] : memref<7x64x128xf32, #tpu.memory_space<vmem>> -> memref<1x64x128xf32, #tpu.memory_space<vmem>>
          %gather3A_406 = tpu.memref_squeeze %gather3A_405 : memref<1x64x128xf32, #tpu.memory_space<vmem>> -> memref<64x128xf32, #tpu.memory_space<vmem>>
          %gather3A_407 = tpu.vector_load_idx %gather3A_406[%add3A_401, %broadcast_in_dim3A_362] : memref<64x128xf32, #tpu.memory_space<vmem>>[vector<16xi32>, vector<16xi32>], vector<16xf32>,
          tpu.vector_store_idx %arg14[%broadcast_in_dim3A_372, %broadcast_in_dim3A_366, %add3A_401], %gather3A_407 : memref<2x16x128xf32, #tpu.memory_space<vmem>>[vector<16xi32>, vector<16xi32>, vector<16xi32>], vector<16xf32>,
          %broadcast_in_dim3A_408 = vector.broadcast %squeeze3A_359 : i32 to vector<16xi32>
          %eq3A_409 = arith.constant 0 : i32
          %eq3A_410 = vector.broadcast %eq3A_409 : i32 to vector<16xi32>
          %eq3A_411 = arith.cmpi eq, %iota3A, %eq3A_410 : vector<16xi32>
          tpu.vector_store_idx %arg15[%broadcast_in_dim3A_372, %broadcast_in_dim3A_366], %broadcast_in_dim3A_408 masked %eq3A_411 : memref<2x16xi32, #tpu.memory_space<vmem>>[vector<16xi32>, vector<16xi32>], vector<16xi32>, vector<16xi1>
          %add3A_412 = arith.constant 1 : i32
          %add3A_413 = arith.addi %get3A_365, %add3A_412 : i32
          %swap3A_414 = arith.constant 0 : i32
          %swap3A_415 = arith.index_cast %swap3A_414 : i32 to index
          %swap3A_416 = memref.load %arg16[%swap3A_415] : memref<2xi32, #tpu.memory_space<smem>>
          memref.store %add3A_413, %arg16[%swap3A_415] : memref<2xi32, #tpu.memory_space<smem>>
          %add3A_417 = arith.constant 1 : i32
          %add3A_418 = arith.addi %get3A_365, %add3A_417 : i32
          %eq3A_419 = arith.constant 16 : i32
          %eq3A_420 = arith.cmpi eq, %add3A_418, %eq3A_419 : i32
          %convert_element_type3A_421 = arith.extui %eq3A_420 : i1 to i32
          %cond3A_422 = arith.constant 0 : i32
          %cond3A_423 = arith.cmpi ne, %convert_element_type3A_421, %cond3A_422 : i32
          scf.if %cond3A_423 {
            %get3A_425 = arith.constant 1 : i32
            %get3A_426 = arith.index_cast %get3A_425 : i32 to index
            %get3A_427 = memref.load %arg16[%get3A_426] : memref<2xi32, #tpu.memory_space<smem>>
            %and3A_428 = arith.constant 1 : i32
            %and3A_429 = arith.andi %get3A_427, %and3A_428 : i32
            %eq3A_430 = arith.constant 0 : i32
            %eq3A_431 = arith.cmpi eq, %and3A_429, %eq3A_430 : i32
            %convert_element_type3A_432 = arith.extui %eq3A_431 : i1 to i32
            %cond3A_433 = arith.constant 0 : i32
            %cond3A_434 = arith.cmpi ne, %convert_element_type3A_432, %cond3A_433 : i32
            scf.if %cond3A_434 {
              %ge3A_451 = arith.constant 2 : i32
              %ge3A_452 = arith.cmpi sge, %get3A_427, %ge3A_451 : i32
              %convert_element_type3A_453 = arith.extui %ge3A_452 : i1 to i32
              %cond3A_454 = arith.constant 0 : i32
              %cond3A_455 = arith.cmpi ne, %convert_element_type3A_453, %cond3A_454 : i32
              scf.if %cond3A_455 {
                %dma_wait3A_467 = arith.constant 0 : i32
                %dma_wait3A_468 = arith.constant 0 : i32
                %dma_wait3A_469 = arith.constant 0 : i32
                %dma_wait3A_470 = arith.constant 0 : i32
                %dma_wait3A_471 = tpu.memref_slice %arg14[%dma_wait3A_467, %dma_wait3A_469, %dma_wait3A_470] : memref<2x16x128xf32, #tpu.memory_space<vmem>> -> memref<1x16x128xf32, #tpu.memory_space<vmem>>
                %dma_wait3A_472 = tpu.memref_squeeze %dma_wait3A_471 : memref<1x16x128xf32, #tpu.memory_space<vmem>> -> memref<16x128xf32, #tpu.memory_space<vmem>>
                %dma_wait3A_473 = arith.constant 0 : i32
                %dma_wait3A_474 = tpu.memref_slice %arg15[%dma_wait3A_468, %dma_wait3A_473] : memref<2x16xi32, #tpu.memory_space<vmem>> -> memref<1x16xi32, #tpu.memory_space<vmem>>
                %dma_wait3A_475 = tpu.memref_squeeze %dma_wait3A_474 : memref<1x16xi32, #tpu.memory_space<vmem>> -> memref<16xi32, #tpu.memory_space<vmem>>
                %dma_wait3A_476 = arith.constant 0 : i32
                %dma_wait3A_477 = arith.constant 0 : i32
                %dma_wait3A_478 = tpu.memref_slice %arg4[%dma_wait3A_476, %dma_wait3A_477] : memref<16400x128xf32, #tpu.memory_space<hbm>> -> memref<16400x128xf32, #tpu.memory_space<hbm>>
                tpu.wait_indirect_dma semaphore(%arg18 : memref<!tpu.dma_semaphore, #tpu.memory_space<semaphore_mem>>) src(%dma_wait3A_472 : memref<16x128xf32, #tpu.memory_space<vmem>>) dst(%dma_wait3A_478 : memref<16400x128xf32, #tpu.memory_space<hbm>>)
              } else {
              }
              %dma_start3A = arith.constant 0 : i32
              %dma_start3A_456 = arith.constant 0 : i32
              %dma_start3A_457 = arith.constant 0 : i32
              %dma_start3A_458 = arith.constant 0 : i32
              %dma_start3A_459 = tpu.memref_slice %arg14[%dma_start3A, %dma_start3A_457, %dma_start3A_458] : memref<2x16x128xf32, #tpu.memory_space<vmem>> -> memref<1x16x128xf32, #tpu.memory_space<vmem>>
              %dma_start3A_460 = tpu.memref_squeeze %dma_start3A_459 : memref<1x16x128xf32, #tpu.memory_space<vmem>> -> memref<16x128xf32, #tpu.memory_space<vmem>>
              %dma_start3A_461 = arith.constant 0 : i32
              %dma_start3A_462 = tpu.memref_slice %arg15[%dma_start3A_456, %dma_start3A_461] : memref<2x16xi32, #tpu.memory_space<vmem>> -> memref<1x16xi32, #tpu.memory_space<vmem>>
              %dma_start3A_463 = tpu.memref_squeeze %dma_start3A_462 : memref<1x16xi32, #tpu.memory_space<vmem>> -> memref<16xi32, #tpu.memory_space<vmem>>
              %dma_start3A_464 = arith.constant 0 : i32
              %dma_start3A_465 = arith.constant 0 : i32
              %dma_start3A_466 = tpu.memref_slice %arg4[%dma_start3A_464, %dma_start3A_465] : memref<16400x128xf32, #tpu.memory_space<hbm>> -> memref<16400x128xf32, #tpu.memory_space<hbm>>
              tpu.enqueue_indirect_dma source(%dma_start3A_460 : memref<16x128xf32, #tpu.memory_space<vmem>>) target(%dma_start3A_466 : memref<16400x128xf32, #tpu.memory_space<hbm>>) offsets(%dma_start3A_463 : memref<16xi32, #tpu.memory_space<vmem>>) semaphore(%arg18 : memref<!tpu.dma_semaphore, #tpu.memory_space<semaphore_mem>>)
            } else {
            }
            %and3A_435 = arith.constant 1 : i32
            %and3A_436 = arith.andi %get3A_427, %and3A_435 : i32
            %eq3A_437 = arith.constant 1 : i32
            %eq3A_438 = arith.cmpi eq, %and3A_436, %eq3A_437 : i32
            %convert_element_type3A_439 = arith.extui %eq3A_438 : i1 to i32
            %cond3A_440 = arith.constant 0 : i32
            %cond3A_441 = arith.cmpi ne, %convert_element_type3A_439, %cond3A_440 : i32
            scf.if %cond3A_441 {
              %ge3A_451 = arith.constant 2 : i32
              %ge3A_452 = arith.cmpi sge, %get3A_427, %ge3A_451 : i32
              %convert_element_type3A_453 = arith.extui %ge3A_452 : i1 to i32
              %cond3A_454 = arith.constant 0 : i32
              %cond3A_455 = arith.cmpi ne, %convert_element_type3A_453, %cond3A_454 : i32
              scf.if %cond3A_455 {
                %dma_wait3A_467 = arith.constant 1 : i32
                %dma_wait3A_468 = arith.constant 1 : i32
                %dma_wait3A_469 = arith.constant 0 : i32
                %dma_wait3A_470 = arith.constant 0 : i32
                %dma_wait3A_471 = tpu.memref_slice %arg14[%dma_wait3A_467, %dma_wait3A_469, %dma_wait3A_470] : memref<2x16x128xf32, #tpu.memory_space<vmem>> -> memref<1x16x128xf32, #tpu.memory_space<vmem>>
                %dma_wait3A_472 = tpu.memref_squeeze %dma_wait3A_471 : memref<1x16x128xf32, #tpu.memory_space<vmem>> -> memref<16x128xf32, #tpu.memory_space<vmem>>
                %dma_wait3A_473 = arith.constant 0 : i32
                %dma_wait3A_474 = tpu.memref_slice %arg15[%dma_wait3A_468, %dma_wait3A_473] : memref<2x16xi32, #tpu.memory_space<vmem>> -> memref<1x16xi32, #tpu.memory_space<vmem>>
                %dma_wait3A_475 = tpu.memref_squeeze %dma_wait3A_474 : memref<1x16xi32, #tpu.memory_space<vmem>> -> memref<16xi32, #tpu.memory_space<vmem>>
                %dma_wait3A_476 = arith.constant 0 : i32
                %dma_wait3A_477 = arith.constant 0 : i32
                %dma_wait3A_478 = tpu.memref_slice %arg4[%dma_wait3A_476, %dma_wait3A_477] : memref<16400x128xf32, #tpu.memory_space<hbm>> -> memref<16400x128xf32, #tpu.memory_space<hbm>>
                tpu.wait_indirect_dma semaphore(%arg19 : memref<!tpu.dma_semaphore, #tpu.memory_space<semaphore_mem>>) src(%dma_wait3A_472 : memref<16x128xf32, #tpu.memory_space<vmem>>) dst(%dma_wait3A_478 : memref<16400x128xf32, #tpu.memory_space<hbm>>)
              } else {
              }
              %dma_start3A = arith.constant 1 : i32
              %dma_start3A_456 = arith.constant 1 : i32
              %dma_start3A_457 = arith.constant 0 : i32
              %dma_start3A_458 = arith.constant 0 : i32
              %dma_start3A_459 = tpu.memref_slice %arg14[%dma_start3A, %dma_start3A_457, %dma_start3A_458] : memref<2x16x128xf32, #tpu.memory_space<vmem>> -> memref<1x16x128xf32, #tpu.memory_space<vmem>>
              %dma_start3A_460 = tpu.memref_squeeze %dma_start3A_459 : memref<1x16x128xf32, #tpu.memory_space<vmem>> -> memref<16x128xf32, #tpu.memory_space<vmem>>
              %dma_start3A_461 = arith.constant 0 : i32
              %dma_start3A_462 = tpu.memref_slice %arg15[%dma_start3A_456, %dma_start3A_461] : memref<2x16xi32, #tpu.memory_space<vmem>> -> memref<1x16xi32, #tpu.memory_space<vmem>>
              %dma_start3A_463 = tpu.memref_squeeze %dma_start3A_462 : memref<1x16xi32, #tpu.memory_space<vmem>> -> memref<16xi32, #tpu.memory_space<vmem>>
              %dma_start3A_464 = arith.constant 0 : i32
              %dma_start3A_465 = arith.constant 0 : i32
              %dma_start3A_466 = tpu.memref_slice %arg4[%dma_start3A_464, %dma_start3A_465] : memref<16400x128xf32, #tpu.memory_space<hbm>> -> memref<16400x128xf32, #tpu.memory_space<hbm>>
              tpu.enqueue_indirect_dma source(%dma_start3A_460 : memref<16x128xf32, #tpu.memory_space<vmem>>) target(%dma_start3A_466 : memref<16400x128xf32, #tpu.memory_space<hbm>>) offsets(%dma_start3A_463 : memref<16xi32, #tpu.memory_space<vmem>>) semaphore(%arg19 : memref<!tpu.dma_semaphore, #tpu.memory_space<semaphore_mem>>)
            } else {
            }
            %add3A_442 = arith.constant 1 : i32
            %add3A_443 = arith.addi %get3A_427, %add3A_442 : i32
            %swap3A_444 = arith.constant 1 : i32
            %swap3A_445 = arith.index_cast %swap3A_444 : i32 to index
            %swap3A_446 = memref.load %arg16[%swap3A_445] : memref<2xi32, #tpu.memory_space<smem>>
            memref.store %add3A_443, %arg16[%swap3A_445] : memref<2xi32, #tpu.memory_space<smem>>
            %swap3A_447 = arith.constant 0 : i32
            %swap3A_448 = arith.constant 0 : i32
            %swap3A_449 = arith.index_cast %swap3A_448 : i32 to index
            %swap3A_450 = memref.load %arg16[%swap3A_449] : memref<2xi32, #tpu.memory_space<smem>>
            memref.store %swap3A_447, %arg16[%swap3A_449] : memref<2xi32, #tpu.memory_space<smem>>
          } else {
          }
          %while3A_424 = arith.constant 0 : i32
          scf.yield %while3A_424 : i32
        }
        %add3A_344 = arith.constant 7 : i32
        %add3A_345 = arith.addi %add3A_260, %add3A_344 : i32
        %lt3A_346 = arith.cmpi slt, %add3A_345, %scan3A_138#1 : i32
        %convert_element_type3A_347 = arith.extui %lt3A_346 : i1 to i32
        %cond3A_348 = arith.constant 0 : i32
        %cond3A_349 = arith.cmpi ne, %convert_element_type3A_347, %cond3A_348 : i32
        scf.if %cond3A_349 {
          %add3A_350 = arith.constant 7 : i32
          %add3A_351 = arith.addi %add3A_260, %add3A_350 : i32
          %get3A_352 = arith.index_cast %add3A_351 : i32 to index
          %get3A_353 = tpu.vector_load %arg12[%get3A_352] {strides = array<i32>} : memref<272xi32, #tpu.memory_space<vmem>>, vector<16xi32>,
          %slice3A_354 = vector.extract_strided_slice %get3A_353 {offsets = [0], sizes = [1], strides = [1]} : vector<16xi32> to vector<1xi32>
          %squeeze3A_355 = vector.extract %slice3A_354[0] : i32 from vector<1xi32>
          %add3A_356 = arith.addi %squeeze3A_355, %mul3A_2 : i32
          %mul3A_357 = arith.constant 128 : i32
          %mul3A_358 = arith.muli %add3A_356, %mul3A_357 : i32
          %multiple_of3A_359 = tpu.assume_multiple %mul3A_358, 128 : i32
          %dma_start3A = arith.constant 1 : i32
          %dma_start3A_360 = arith.constant 0 : i32
          %dma_start3A_361 = arith.constant 0 : i32
          %dma_start3A_362 = tpu.memref_slice %arg9[%dma_start3A, %dma_start3A_360, %dma_start3A_361] : memref<7x64x128xf32, #tpu.memory_space<vmem>> -> memref<1x64x128xf32, #tpu.memory_space<vmem>>
          %dma_start3A_363 = tpu.memref_squeeze %dma_start3A_362 : memref<1x64x128xf32, #tpu.memory_space<vmem>> -> memref<64x128xf32, #tpu.memory_space<vmem>>
          %dma_start3A_364 = arith.constant 0 : i32
          %dma_start3A_365 = tpu.memref_slice %arg3[%dma_start3A_364, %multiple_of3A_359] : memref<64x1000000xf32, #tpu.memory_space<hbm>> -> memref<64x128xf32, #tpu.memory_space<hbm>>
          %dma_start3A_366 = arith.constant 0 : i32
          %dma_start3A_367 = arith.constant 0 : i32
          %dma_start3A_368 = tpu.memref_slice %arg9[%dma_start3A, %dma_start3A_366, %dma_start3A_367] : memref<7x64x128xf32, #tpu.memory_space<vmem>> -> memref<1x64x128xf32, #tpu.memory_space<vmem>>
          %dma_start3A_369 = tpu.memref_squeeze %dma_start3A_368 : memref<1x64x128xf32, #tpu.memory_space<vmem>> -> memref<64x128xf32, #tpu.memory_space<vmem>>
          %dma_start3A_370 = arith.constant 0 : i32
          %dma_start3A_371 = tpu.memref_slice %arg3[%dma_start3A_370, %multiple_of3A_359] : memref<64x1000000xf32, #tpu.memory_space<hbm>> -> memref<64x128xf32, #tpu.memory_space<hbm>>
          tpu.enqueue_dma source(%dma_start3A_371 : memref<64x128xf32, #tpu.memory_space<hbm>>) target(%dma_start3A_369 : memref<64x128xf32, #tpu.memory_space<vmem>>) target_semaphore(%arg17 : memref<!tpu.dma_semaphore, #tpu.memory_space<semaphore_mem>>)
        } else {
        }
      } else {
      }
      %mul3A_265 = arith.constant 7 : i32
      %mul3A_266 = arith.muli %scan3A_248, %mul3A_265 : i32
      %add3A_267 = arith.constant 2 : i32
      %add3A_268 = arith.addi %mul3A_266, %add3A_267 : i32
      %lt3A_269 = arith.cmpi slt, %add3A_268, %scan3A_138#1 : i32
      %convert_element_type3A_270 = arith.extui %lt3A_269 : i1 to i32
      %cond3A_271 = arith.constant 0 : i32
      %cond3A_272 = arith.cmpi ne, %convert_element_type3A_270, %cond3A_271 : i32
      scf.if %cond3A_272 {
        %get3A_306 = arith.index_cast %add3A_268 : i32 to index
        %get3A_307 = tpu.vector_load %arg12[%get3A_306] {strides = array<i32>} : memref<272xi32, #tpu.memory_space<vmem>>, vector<16xi32>,
        %slice3A = vector.extract_strided_slice %get3A_307 {offsets = [0], sizes = [1], strides = [1]} : vector<16xi32> to vector<1xi32>
        %squeeze3A = vector.extract %slice3A[0] : i32 from vector<1xi32>
        %add3A_308 = arith.addi %squeeze3A, %mul3A_2 : i32
        %mul3A_309 = arith.constant 128 : i32
        %mul3A_310 = arith.muli %add3A_308, %mul3A_309 : i32
        %multiple_of3A = tpu.assume_multiple %mul3A_310, 128 : i32
        %dma_wait3A = arith.constant 2 : i32
        %dma_wait3A_311 = arith.constant 0 : i32
        %dma_wait3A_312 = arith.constant 0 : i32
        %dma_wait3A_313 = tpu.memref_slice %arg9[%dma_wait3A, %dma_wait3A_311, %dma_wait3A_312] : memref<7x64x128xf32, #tpu.memory_space<vmem>> -> memref<1x64x128xf32, #tpu.memory_space<vmem>>
        %dma_wait3A_314 = tpu.memref_squeeze %dma_wait3A_313 : memref<1x64x128xf32, #tpu.memory_space<vmem>> -> memref<64x128xf32, #tpu.memory_space<vmem>>
        %dma_wait3A_315 = arith.constant 0 : i32
        %dma_wait3A_316 = tpu.memref_slice %arg3[%dma_wait3A_315, %multiple_of3A] : memref<64x1000000xf32, #tpu.memory_space<hbm>> -> memref<64x128xf32, #tpu.memory_space<hbm>>
        %dma_wait3A_317 = arith.constant 0 : i32
        %dma_wait3A_318 = arith.constant 0 : i32
        %dma_wait3A_319 = tpu.memref_slice %arg9[%dma_wait3A, %dma_wait3A_317, %dma_wait3A_318] : memref<7x64x128xf32, #tpu.memory_space<vmem>> -> memref<1x64x128xf32, #tpu.memory_space<vmem>>
        %dma_wait3A_320 = tpu.memref_squeeze %dma_wait3A_319 : memref<1x64x128xf32, #tpu.memory_space<vmem>> -> memref<64x128xf32, #tpu.memory_space<vmem>>
        %dma_wait3A_321 = arith.constant 0 : i32
        %dma_wait3A_322 = tpu.memref_slice %arg3[%dma_wait3A_321, %multiple_of3A] : memref<64x1000000xf32, #tpu.memory_space<hbm>> -> memref<64x128xf32, #tpu.memory_space<hbm>>
        tpu.wait_dma2 semaphore(%arg17 : memref<!tpu.dma_semaphore, #tpu.memory_space<semaphore_mem>>) src(%dma_wait3A_322 : memref<64x128xf32, #tpu.memory_space<hbm>>) dst(%dma_wait3A_320 : memref<64x128xf32, #tpu.memory_space<vmem>>)
        %get3A_323 = arith.index_cast %add3A_268 : i32 to index
        %get3A_324 = tpu.vector_load %arg13[%get3A_323] {strides = array<i32>} : memref<272xi32, #tpu.memory_space<vmem>>, vector<16xi32>,
        %slice3A_325 = vector.extract_strided_slice %get3A_324 {offsets = [0], sizes = [1], strides = [1]} : vector<16xi32> to vector<1xi32>
        %squeeze3A_326 = vector.extract %slice3A_325[0] : i32 from vector<1xi32>
        %add3A_327 = arith.constant 1 : i32
        %add3A_328 = arith.addi %add3A_268, %add3A_327 : i32
        %get3A_329 = arith.index_cast %add3A_328 : i32 to index
        %get3A_330 = tpu.vector_load %arg13[%get3A_329] {strides = array<i32>} : memref<272xi32, #tpu.memory_space<vmem>>, vector<16xi32>,
        %slice3A_331 = vector.extract_strided_slice %get3A_330 {offsets = [0], sizes = [1], strides = [1]} : vector<16xi32> to vector<1xi32>
        %squeeze3A_332 = vector.extract %slice3A_331[0] : i32 from vector<1xi32>
        %while3A_333 = arith.constant 0 : i32
        %while3A_334 = arith.subi %squeeze3A_332, %squeeze3A_326 : i32
        %while3A_335 = arith.addi %squeeze3A_326, %while3A_334 : i32
        %while3A_336 = arith.constant 1 : i32
        %while3A_337 = arith.divsi %while3A_334, %while3A_336 : i32
        %while3A_338 = arith.muli %while3A_337, %while3A_336 : i32
        %while3A_339 = arith.addi %squeeze3A_326, %while3A_338 : i32
        %while3A_340 = arith.constant 1 : i32
        %while3A_341 = scf.for %while3A_350 = %squeeze3A_326 to %while3A_339 step %while3A_340 iter_args(%while3A_351 = %while3A_333) -> (i32)  : i32 {
          %get3A_352 = arith.index_cast %while3A_350 : i32 to index
          %get3A_353 = tpu.vector_load %arg5[%get3A_352] {strides = array<i32>} : memref<16400xi32, #tpu.memory_space<vmem>>, vector<16xi32>,
          %slice3A_354 = vector.extract_strided_slice %get3A_353 {offsets = [0], sizes = [1], strides = [1]} : vector<16xi32> to vector<1xi32>
          %squeeze3A_355 = vector.extract %slice3A_354[0] : i32 from vector<1xi32>
          %get3A_356 = arith.index_cast %while3A_350 : i32 to index
          %get3A_357 = tpu.vector_load %arg8[%get3A_356] {strides = array<i32>} : memref<16400xi32, #tpu.memory_space<vmem>>, vector<16xi32>,
          %slice3A_358 = vector.extract_strided_slice %get3A_357 {offsets = [0], sizes = [1], strides = [1]} : vector<16xi32> to vector<1xi32>
          %squeeze3A_359 = vector.extract %slice3A_358[0] : i32 from vector<1xi32>
          %and3A_360 = arith.constant 127 : i32
          %and3A_361 = arith.andi %squeeze3A_355, %and3A_360 : i32
          %broadcast_in_dim3A_362 = vector.broadcast %and3A_361 : i32 to vector<16xi32>
          %get3A_363 = arith.constant 0 : i32
          %get3A_364 = arith.index_cast %get3A_363 : i32 to index
          %get3A_365 = memref.load %arg16[%get3A_364] : memref<2xi32, #tpu.memory_space<smem>>
          %broadcast_in_dim3A_366 = vector.broadcast %get3A_365 : i32 to vector<16xi32>
          %get3A_367 = arith.constant 1 : i32
          %get3A_368 = arith.index_cast %get3A_367 : i32 to index
          %get3A_369 = memref.load %arg16[%get3A_368] : memref<2xi32, #tpu.memory_space<smem>>
          %and3A_370 = arith.constant 1 : i32
          %and3A_371 = arith.andi %get3A_369, %and3A_370 : i32
          %broadcast_in_dim3A_372 = vector.broadcast %and3A_371 : i32 to vector<16xi32>
          %add3A_373 = arith.constant 0 : i32
          %add3A_374 = vector.broadcast %add3A_373 : i32 to vector<16xi32>
          %add3A_375 = arith.addi %iota3A, %add3A_374 : vector<16xi32>
          %gather3A = arith.constant 2 : i32
          %gather3A_376 = arith.constant 0 : i32
          %gather3A_377 = arith.constant 0 : i32
          %gather3A_378 = tpu.memref_slice %arg9[%gather3A, %gather3A_376, %gather3A_377] : memref<7x64x128xf32, #tpu.memory_space<vmem>> -> memref<1x64x128xf32, #tpu.memory_space<vmem>>
          %gather3A_379 = tpu.memref_squeeze %gather3A_378 : memref<1x64x128xf32, #tpu.memory_space<vmem>> -> memref<64x128xf32, #tpu.memory_space<vmem>>
          %gather3A_380 = tpu.vector_load_idx %gather3A_379[%add3A_375, %broadcast_in_dim3A_362] : memref<64x128xf32, #tpu.memory_space<vmem>>[vector<16xi32>, vector<16xi32>], vector<16xf32>,
          tpu.vector_store_idx %arg14[%broadcast_in_dim3A_372, %broadcast_in_dim3A_366, %add3A_375], %gather3A_380 : memref<2x16x128xf32, #tpu.memory_space<vmem>>[vector<16xi32>, vector<16xi32>, vector<16xi32>], vector<16xf32>,
          %add3A_381 = arith.constant 16 : i32
          %add3A_382 = vector.broadcast %add3A_381 : i32 to vector<16xi32>
          %add3A_383 = arith.addi %iota3A, %add3A_382 : vector<16xi32>
          %gather3A_384 = arith.constant 2 : i32
          %gather3A_385 = arith.constant 0 : i32
          %gather3A_386 = arith.constant 0 : i32
          %gather3A_387 = tpu.memref_slice %arg9[%gather3A_384, %gather3A_385, %gather3A_386] : memref<7x64x128xf32, #tpu.memory_space<vmem>> -> memref<1x64x128xf32, #tpu.memory_space<vmem>>
          %gather3A_388 = tpu.memref_squeeze %gather3A_387 : memref<1x64x128xf32, #tpu.memory_space<vmem>> -> memref<64x128xf32, #tpu.memory_space<vmem>>
          %gather3A_389 = tpu.vector_load_idx %gather3A_388[%add3A_383, %broadcast_in_dim3A_362] : memref<64x128xf32, #tpu.memory_space<vmem>>[vector<16xi32>, vector<16xi32>], vector<16xf32>,
          tpu.vector_store_idx %arg14[%broadcast_in_dim3A_372, %broadcast_in_dim3A_366, %add3A_383], %gather3A_389 : memref<2x16x128xf32, #tpu.memory_space<vmem>>[vector<16xi32>, vector<16xi32>, vector<16xi32>], vector<16xf32>,
          %add3A_390 = arith.constant 32 : i32
          %add3A_391 = vector.broadcast %add3A_390 : i32 to vector<16xi32>
          %add3A_392 = arith.addi %iota3A, %add3A_391 : vector<16xi32>
          %gather3A_393 = arith.constant 2 : i32
          %gather3A_394 = arith.constant 0 : i32
          %gather3A_395 = arith.constant 0 : i32
          %gather3A_396 = tpu.memref_slice %arg9[%gather3A_393, %gather3A_394, %gather3A_395] : memref<7x64x128xf32, #tpu.memory_space<vmem>> -> memref<1x64x128xf32, #tpu.memory_space<vmem>>
          %gather3A_397 = tpu.memref_squeeze %gather3A_396 : memref<1x64x128xf32, #tpu.memory_space<vmem>> -> memref<64x128xf32, #tpu.memory_space<vmem>>
          %gather3A_398 = tpu.vector_load_idx %gather3A_397[%add3A_392, %broadcast_in_dim3A_362] : memref<64x128xf32, #tpu.memory_space<vmem>>[vector<16xi32>, vector<16xi32>], vector<16xf32>,
          tpu.vector_store_idx %arg14[%broadcast_in_dim3A_372, %broadcast_in_dim3A_366, %add3A_392], %gather3A_398 : memref<2x16x128xf32, #tpu.memory_space<vmem>>[vector<16xi32>, vector<16xi32>, vector<16xi32>], vector<16xf32>,
          %add3A_399 = arith.constant 48 : i32
          %add3A_400 = vector.broadcast %add3A_399 : i32 to vector<16xi32>
          %add3A_401 = arith.addi %iota3A, %add3A_400 : vector<16xi32>
          %gather3A_402 = arith.constant 2 : i32
          %gather3A_403 = arith.constant 0 : i32
          %gather3A_404 = arith.constant 0 : i32
          %gather3A_405 = tpu.memref_slice %arg9[%gather3A_402, %gather3A_403, %gather3A_404] : memref<7x64x128xf32, #tpu.memory_space<vmem>> -> memref<1x64x128xf32, #tpu.memory_space<vmem>>
          %gather3A_406 = tpu.memref_squeeze %gather3A_405 : memref<1x64x128xf32, #tpu.memory_space<vmem>> -> memref<64x128xf32, #tpu.memory_space<vmem>>
          %gather3A_407 = tpu.vector_load_idx %gather3A_406[%add3A_401, %broadcast_in_dim3A_362] : memref<64x128xf32, #tpu.memory_space<vmem>>[vector<16xi32>, vector<16xi32>], vector<16xf32>,
          tpu.vector_store_idx %arg14[%broadcast_in_dim3A_372, %broadcast_in_dim3A_366, %add3A_401], %gather3A_407 : memref<2x16x128xf32, #tpu.memory_space<vmem>>[vector<16xi32>, vector<16xi32>, vector<16xi32>], vector<16xf32>,
          %broadcast_in_dim3A_408 = vector.broadcast %squeeze3A_359 : i32 to vector<16xi32>
          %eq3A_409 = arith.constant 0 : i32
          %eq3A_410 = vector.broadcast %eq3A_409 : i32 to vector<16xi32>
          %eq3A_411 = arith.cmpi eq, %iota3A, %eq3A_410 : vector<16xi32>
          tpu.vector_store_idx %arg15[%broadcast_in_dim3A_372, %broadcast_in_dim3A_366], %broadcast_in_dim3A_408 masked %eq3A_411 : memref<2x16xi32, #tpu.memory_space<vmem>>[vector<16xi32>, vector<16xi32>], vector<16xi32>, vector<16xi1>
          %add3A_412 = arith.constant 1 : i32
          %add3A_413 = arith.addi %get3A_365, %add3A_412 : i32
          %swap3A_414 = arith.constant 0 : i32
          %swap3A_415 = arith.index_cast %swap3A_414 : i32 to index
          %swap3A_416 = memref.load %arg16[%swap3A_415] : memref<2xi32, #tpu.memory_space<smem>>
          memref.store %add3A_413, %arg16[%swap3A_415] : memref<2xi32, #tpu.memory_space<smem>>
          %add3A_417 = arith.constant 1 : i32
          %add3A_418 = arith.addi %get3A_365, %add3A_417 : i32
          %eq3A_419 = arith.constant 16 : i32
          %eq3A_420 = arith.cmpi eq, %add3A_418, %eq3A_419 : i32
          %convert_element_type3A_421 = arith.extui %eq3A_420 : i1 to i32
          %cond3A_422 = arith.constant 0 : i32
          %cond3A_423 = arith.cmpi ne, %convert_element_type3A_421, %cond3A_422 : i32
          scf.if %cond3A_423 {
            %get3A_425 = arith.constant 1 : i32
            %get3A_426 = arith.index_cast %get3A_425 : i32 to index
            %get3A_427 = memref.load %arg16[%get3A_426] : memref<2xi32, #tpu.memory_space<smem>>
            %and3A_428 = arith.constant 1 : i32
            %and3A_429 = arith.andi %get3A_427, %and3A_428 : i32
            %eq3A_430 = arith.constant 0 : i32
            %eq3A_431 = arith.cmpi eq, %and3A_429, %eq3A_430 : i32
            %convert_element_type3A_432 = arith.extui %eq3A_431 : i1 to i32
            %cond3A_433 = arith.constant 0 : i32
            %cond3A_434 = arith.cmpi ne, %convert_element_type3A_432, %cond3A_433 : i32
            scf.if %cond3A_434 {
              %ge3A_451 = arith.constant 2 : i32
              %ge3A_452 = arith.cmpi sge, %get3A_427, %ge3A_451 : i32
              %convert_element_type3A_453 = arith.extui %ge3A_452 : i1 to i32
              %cond3A_454 = arith.constant 0 : i32
              %cond3A_455 = arith.cmpi ne, %convert_element_type3A_453, %cond3A_454 : i32
              scf.if %cond3A_455 {
                %dma_wait3A_467 = arith.constant 0 : i32
                %dma_wait3A_468 = arith.constant 0 : i32
                %dma_wait3A_469 = arith.constant 0 : i32
                %dma_wait3A_470 = arith.constant 0 : i32
                %dma_wait3A_471 = tpu.memref_slice %arg14[%dma_wait3A_467, %dma_wait3A_469, %dma_wait3A_470] : memref<2x16x128xf32, #tpu.memory_space<vmem>> -> memref<1x16x128xf32, #tpu.memory_space<vmem>>
                %dma_wait3A_472 = tpu.memref_squeeze %dma_wait3A_471 : memref<1x16x128xf32, #tpu.memory_space<vmem>> -> memref<16x128xf32, #tpu.memory_space<vmem>>
                %dma_wait3A_473 = arith.constant 0 : i32
                %dma_wait3A_474 = tpu.memref_slice %arg15[%dma_wait3A_468, %dma_wait3A_473] : memref<2x16xi32, #tpu.memory_space<vmem>> -> memref<1x16xi32, #tpu.memory_space<vmem>>
                %dma_wait3A_475 = tpu.memref_squeeze %dma_wait3A_474 : memref<1x16xi32, #tpu.memory_space<vmem>> -> memref<16xi32, #tpu.memory_space<vmem>>
                %dma_wait3A_476 = arith.constant 0 : i32
                %dma_wait3A_477 = arith.constant 0 : i32
                %dma_wait3A_478 = tpu.memref_slice %arg4[%dma_wait3A_476, %dma_wait3A_477] : memref<16400x128xf32, #tpu.memory_space<hbm>> -> memref<16400x128xf32, #tpu.memory_space<hbm>>
                tpu.wait_indirect_dma semaphore(%arg18 : memref<!tpu.dma_semaphore, #tpu.memory_space<semaphore_mem>>) src(%dma_wait3A_472 : memref<16x128xf32, #tpu.memory_space<vmem>>) dst(%dma_wait3A_478 : memref<16400x128xf32, #tpu.memory_space<hbm>>)
              } else {
              }
              %dma_start3A = arith.constant 0 : i32
              %dma_start3A_456 = arith.constant 0 : i32
              %dma_start3A_457 = arith.constant 0 : i32
              %dma_start3A_458 = arith.constant 0 : i32
              %dma_start3A_459 = tpu.memref_slice %arg14[%dma_start3A, %dma_start3A_457, %dma_start3A_458] : memref<2x16x128xf32, #tpu.memory_space<vmem>> -> memref<1x16x128xf32, #tpu.memory_space<vmem>>
              %dma_start3A_460 = tpu.memref_squeeze %dma_start3A_459 : memref<1x16x128xf32, #tpu.memory_space<vmem>> -> memref<16x128xf32, #tpu.memory_space<vmem>>
              %dma_start3A_461 = arith.constant 0 : i32
              %dma_start3A_462 = tpu.memref_slice %arg15[%dma_start3A_456, %dma_start3A_461] : memref<2x16xi32, #tpu.memory_space<vmem>> -> memref<1x16xi32, #tpu.memory_space<vmem>>
              %dma_start3A_463 = tpu.memref_squeeze %dma_start3A_462 : memref<1x16xi32, #tpu.memory_space<vmem>> -> memref<16xi32, #tpu.memory_space<vmem>>
              %dma_start3A_464 = arith.constant 0 : i32
              %dma_start3A_465 = arith.constant 0 : i32
              %dma_start3A_466 = tpu.memref_slice %arg4[%dma_start3A_464, %dma_start3A_465] : memref<16400x128xf32, #tpu.memory_space<hbm>> -> memref<16400x128xf32, #tpu.memory_space<hbm>>
              tpu.enqueue_indirect_dma source(%dma_start3A_460 : memref<16x128xf32, #tpu.memory_space<vmem>>) target(%dma_start3A_466 : memref<16400x128xf32, #tpu.memory_space<hbm>>) offsets(%dma_start3A_463 : memref<16xi32, #tpu.memory_space<vmem>>) semaphore(%arg18 : memref<!tpu.dma_semaphore, #tpu.memory_space<semaphore_mem>>)
            } else {
            }
            %and3A_435 = arith.constant 1 : i32
            %and3A_436 = arith.andi %get3A_427, %and3A_435 : i32
            %eq3A_437 = arith.constant 1 : i32
            %eq3A_438 = arith.cmpi eq, %and3A_436, %eq3A_437 : i32
            %convert_element_type3A_439 = arith.extui %eq3A_438 : i1 to i32
            %cond3A_440 = arith.constant 0 : i32
            %cond3A_441 = arith.cmpi ne, %convert_element_type3A_439, %cond3A_440 : i32
            scf.if %cond3A_441 {
              %ge3A_451 = arith.constant 2 : i32
              %ge3A_452 = arith.cmpi sge, %get3A_427, %ge3A_451 : i32
              %convert_element_type3A_453 = arith.extui %ge3A_452 : i1 to i32
              %cond3A_454 = arith.constant 0 : i32
              %cond3A_455 = arith.cmpi ne, %convert_element_type3A_453, %cond3A_454 : i32
              scf.if %cond3A_455 {
                %dma_wait3A_467 = arith.constant 1 : i32
                %dma_wait3A_468 = arith.constant 1 : i32
                %dma_wait3A_469 = arith.constant 0 : i32
                %dma_wait3A_470 = arith.constant 0 : i32
                %dma_wait3A_471 = tpu.memref_slice %arg14[%dma_wait3A_467, %dma_wait3A_469, %dma_wait3A_470] : memref<2x16x128xf32, #tpu.memory_space<vmem>> -> memref<1x16x128xf32, #tpu.memory_space<vmem>>
                %dma_wait3A_472 = tpu.memref_squeeze %dma_wait3A_471 : memref<1x16x128xf32, #tpu.memory_space<vmem>> -> memref<16x128xf32, #tpu.memory_space<vmem>>
                %dma_wait3A_473 = arith.constant 0 : i32
                %dma_wait3A_474 = tpu.memref_slice %arg15[%dma_wait3A_468, %dma_wait3A_473] : memref<2x16xi32, #tpu.memory_space<vmem>> -> memref<1x16xi32, #tpu.memory_space<vmem>>
                %dma_wait3A_475 = tpu.memref_squeeze %dma_wait3A_474 : memref<1x16xi32, #tpu.memory_space<vmem>> -> memref<16xi32, #tpu.memory_space<vmem>>
                %dma_wait3A_476 = arith.constant 0 : i32
                %dma_wait3A_477 = arith.constant 0 : i32
                %dma_wait3A_478 = tpu.memref_slice %arg4[%dma_wait3A_476, %dma_wait3A_477] : memref<16400x128xf32, #tpu.memory_space<hbm>> -> memref<16400x128xf32, #tpu.memory_space<hbm>>
                tpu.wait_indirect_dma semaphore(%arg19 : memref<!tpu.dma_semaphore, #tpu.memory_space<semaphore_mem>>) src(%dma_wait3A_472 : memref<16x128xf32, #tpu.memory_space<vmem>>) dst(%dma_wait3A_478 : memref<16400x128xf32, #tpu.memory_space<hbm>>)
              } else {
              }
              %dma_start3A = arith.constant 1 : i32
              %dma_start3A_456 = arith.constant 1 : i32
              %dma_start3A_457 = arith.constant 0 : i32
              %dma_start3A_458 = arith.constant 0 : i32
              %dma_start3A_459 = tpu.memref_slice %arg14[%dma_start3A, %dma_start3A_457, %dma_start3A_458] : memref<2x16x128xf32, #tpu.memory_space<vmem>> -> memref<1x16x128xf32, #tpu.memory_space<vmem>>
              %dma_start3A_460 = tpu.memref_squeeze %dma_start3A_459 : memref<1x16x128xf32, #tpu.memory_space<vmem>> -> memref<16x128xf32, #tpu.memory_space<vmem>>
              %dma_start3A_461 = arith.constant 0 : i32
              %dma_start3A_462 = tpu.memref_slice %arg15[%dma_start3A_456, %dma_start3A_461] : memref<2x16xi32, #tpu.memory_space<vmem>> -> memref<1x16xi32, #tpu.memory_space<vmem>>
              %dma_start3A_463 = tpu.memref_squeeze %dma_start3A_462 : memref<1x16xi32, #tpu.memory_space<vmem>> -> memref<16xi32, #tpu.memory_space<vmem>>
              %dma_start3A_464 = arith.constant 0 : i32
              %dma_start3A_465 = arith.constant 0 : i32
              %dma_start3A_466 = tpu.memref_slice %arg4[%dma_start3A_464, %dma_start3A_465] : memref<16400x128xf32, #tpu.memory_space<hbm>> -> memref<16400x128xf32, #tpu.memory_space<hbm>>
              tpu.enqueue_indirect_dma source(%dma_start3A_460 : memref<16x128xf32, #tpu.memory_space<vmem>>) target(%dma_start3A_466 : memref<16400x128xf32, #tpu.memory_space<hbm>>) offsets(%dma_start3A_463 : memref<16xi32, #tpu.memory_space<vmem>>) semaphore(%arg19 : memref<!tpu.dma_semaphore, #tpu.memory_space<semaphore_mem>>)
            } else {
            }
            %add3A_442 = arith.constant 1 : i32
            %add3A_443 = arith.addi %get3A_427, %add3A_442 : i32
            %swap3A_444 = arith.constant 1 : i32
            %swap3A_445 = arith.index_cast %swap3A_444 : i32 to index
            %swap3A_446 = memref.load %arg16[%swap3A_445] : memref<2xi32, #tpu.memory_space<smem>>
            memref.store %add3A_443, %arg16[%swap3A_445] : memref<2xi32, #tpu.memory_space<smem>>
            %swap3A_447 = arith.constant 0 : i32
            %swap3A_448 = arith.constant 0 : i32
            %swap3A_449 = arith.index_cast %swap3A_448 : i32 to index
            %swap3A_450 = memref.load %arg16[%swap3A_449] : memref<2xi32, #tpu.memory_space<smem>>
            memref.store %swap3A_447, %arg16[%swap3A_449] : memref<2xi32, #tpu.memory_space<smem>>
          } else {
          }
          %while3A_424 = arith.constant 0 : i32
          scf.yield %while3A_424 : i32
        }
        %while3A_342 = arith.constant 1 : i32
        %while3A_343 = scf.for %while3A_350 = %while3A_339 to %while3A_335 step %while3A_342 iter_args(%while3A_351 = %while3A_341) -> (i32)  : i32 {
          %get3A_352 = arith.index_cast %while3A_350 : i32 to index
          %get3A_353 = tpu.vector_load %arg5[%get3A_352] {strides = array<i32>} : memref<16400xi32, #tpu.memory_space<vmem>>, vector<16xi32>,
          %slice3A_354 = vector.extract_strided_slice %get3A_353 {offsets = [0], sizes = [1], strides = [1]} : vector<16xi32> to vector<1xi32>
          %squeeze3A_355 = vector.extract %slice3A_354[0] : i32 from vector<1xi32>
          %get3A_356 = arith.index_cast %while3A_350 : i32 to index
          %get3A_357 = tpu.vector_load %arg8[%get3A_356] {strides = array<i32>} : memref<16400xi32, #tpu.memory_space<vmem>>, vector<16xi32>,
          %slice3A_358 = vector.extract_strided_slice %get3A_357 {offsets = [0], sizes = [1], strides = [1]} : vector<16xi32> to vector<1xi32>
          %squeeze3A_359 = vector.extract %slice3A_358[0] : i32 from vector<1xi32>
          %and3A_360 = arith.constant 127 : i32
          %and3A_361 = arith.andi %squeeze3A_355, %and3A_360 : i32
          %broadcast_in_dim3A_362 = vector.broadcast %and3A_361 : i32 to vector<16xi32>
          %get3A_363 = arith.constant 0 : i32
          %get3A_364 = arith.index_cast %get3A_363 : i32 to index
          %get3A_365 = memref.load %arg16[%get3A_364] : memref<2xi32, #tpu.memory_space<smem>>
          %broadcast_in_dim3A_366 = vector.broadcast %get3A_365 : i32 to vector<16xi32>
          %get3A_367 = arith.constant 1 : i32
          %get3A_368 = arith.index_cast %get3A_367 : i32 to index
          %get3A_369 = memref.load %arg16[%get3A_368] : memref<2xi32, #tpu.memory_space<smem>>
          %and3A_370 = arith.constant 1 : i32
          %and3A_371 = arith.andi %get3A_369, %and3A_370 : i32
          %broadcast_in_dim3A_372 = vector.broadcast %and3A_371 : i32 to vector<16xi32>
          %add3A_373 = arith.constant 0 : i32
          %add3A_374 = vector.broadcast %add3A_373 : i32 to vector<16xi32>
          %add3A_375 = arith.addi %iota3A, %add3A_374 : vector<16xi32>
          %gather3A = arith.constant 2 : i32
          %gather3A_376 = arith.constant 0 : i32
          %gather3A_377 = arith.constant 0 : i32
          %gather3A_378 = tpu.memref_slice %arg9[%gather3A, %gather3A_376, %gather3A_377] : memref<7x64x128xf32, #tpu.memory_space<vmem>> -> memref<1x64x128xf32, #tpu.memory_space<vmem>>
          %gather3A_379 = tpu.memref_squeeze %gather3A_378 : memref<1x64x128xf32, #tpu.memory_space<vmem>> -> memref<64x128xf32, #tpu.memory_space<vmem>>
          %gather3A_380 = tpu.vector_load_idx %gather3A_379[%add3A_375, %broadcast_in_dim3A_362] : memref<64x128xf32, #tpu.memory_space<vmem>>[vector<16xi32>, vector<16xi32>], vector<16xf32>,
          tpu.vector_store_idx %arg14[%broadcast_in_dim3A_372, %broadcast_in_dim3A_366, %add3A_375], %gather3A_380 : memref<2x16x128xf32, #tpu.memory_space<vmem>>[vector<16xi32>, vector<16xi32>, vector<16xi32>], vector<16xf32>,
          %add3A_381 = arith.constant 16 : i32
          %add3A_382 = vector.broadcast %add3A_381 : i32 to vector<16xi32>
          %add3A_383 = arith.addi %iota3A, %add3A_382 : vector<16xi32>
          %gather3A_384 = arith.constant 2 : i32
          %gather3A_385 = arith.constant 0 : i32
          %gather3A_386 = arith.constant 0 : i32
          %gather3A_387 = tpu.memref_slice %arg9[%gather3A_384, %gather3A_385, %gather3A_386] : memref<7x64x128xf32, #tpu.memory_space<vmem>> -> memref<1x64x128xf32, #tpu.memory_space<vmem>>
          %gather3A_388 = tpu.memref_squeeze %gather3A_387 : memref<1x64x128xf32, #tpu.memory_space<vmem>> -> memref<64x128xf32, #tpu.memory_space<vmem>>
          %gather3A_389 = tpu.vector_load_idx %gather3A_388[%add3A_383, %broadcast_in_dim3A_362] : memref<64x128xf32, #tpu.memory_space<vmem>>[vector<16xi32>, vector<16xi32>], vector<16xf32>,
          tpu.vector_store_idx %arg14[%broadcast_in_dim3A_372, %broadcast_in_dim3A_366, %add3A_383], %gather3A_389 : memref<2x16x128xf32, #tpu.memory_space<vmem>>[vector<16xi32>, vector<16xi32>, vector<16xi32>], vector<16xf32>,
          %add3A_390 = arith.constant 32 : i32
          %add3A_391 = vector.broadcast %add3A_390 : i32 to vector<16xi32>
          %add3A_392 = arith.addi %iota3A, %add3A_391 : vector<16xi32>
          %gather3A_393 = arith.constant 2 : i32
          %gather3A_394 = arith.constant 0 : i32
          %gather3A_395 = arith.constant 0 : i32
          %gather3A_396 = tpu.memref_slice %arg9[%gather3A_393, %gather3A_394, %gather3A_395] : memref<7x64x128xf32, #tpu.memory_space<vmem>> -> memref<1x64x128xf32, #tpu.memory_space<vmem>>
          %gather3A_397 = tpu.memref_squeeze %gather3A_396 : memref<1x64x128xf32, #tpu.memory_space<vmem>> -> memref<64x128xf32, #tpu.memory_space<vmem>>
          %gather3A_398 = tpu.vector_load_idx %gather3A_397[%add3A_392, %broadcast_in_dim3A_362] : memref<64x128xf32, #tpu.memory_space<vmem>>[vector<16xi32>, vector<16xi32>], vector<16xf32>,
          tpu.vector_store_idx %arg14[%broadcast_in_dim3A_372, %broadcast_in_dim3A_366, %add3A_392], %gather3A_398 : memref<2x16x128xf32, #tpu.memory_space<vmem>>[vector<16xi32>, vector<16xi32>, vector<16xi32>], vector<16xf32>,
          %add3A_399 = arith.constant 48 : i32
          %add3A_400 = vector.broadcast %add3A_399 : i32 to vector<16xi32>
          %add3A_401 = arith.addi %iota3A, %add3A_400 : vector<16xi32>
          %gather3A_402 = arith.constant 2 : i32
          %gather3A_403 = arith.constant 0 : i32
          %gather3A_404 = arith.constant 0 : i32
          %gather3A_405 = tpu.memref_slice %arg9[%gather3A_402, %gather3A_403, %gather3A_404] : memref<7x64x128xf32, #tpu.memory_space<vmem>> -> memref<1x64x128xf32, #tpu.memory_space<vmem>>
          %gather3A_406 = tpu.memref_squeeze %gather3A_405 : memref<1x64x128xf32, #tpu.memory_space<vmem>> -> memref<64x128xf32, #tpu.memory_space<vmem>>
          %gather3A_407 = tpu.vector_load_idx %gather3A_406[%add3A_401, %broadcast_in_dim3A_362] : memref<64x128xf32, #tpu.memory_space<vmem>>[vector<16xi32>, vector<16xi32>], vector<16xf32>,
          tpu.vector_store_idx %arg14[%broadcast_in_dim3A_372, %broadcast_in_dim3A_366, %add3A_401], %gather3A_407 : memref<2x16x128xf32, #tpu.memory_space<vmem>>[vector<16xi32>, vector<16xi32>, vector<16xi32>], vector<16xf32>,
          %broadcast_in_dim3A_408 = vector.broadcast %squeeze3A_359 : i32 to vector<16xi32>
          %eq3A_409 = arith.constant 0 : i32
          %eq3A_410 = vector.broadcast %eq3A_409 : i32 to vector<16xi32>
          %eq3A_411 = arith.cmpi eq, %iota3A, %eq3A_410 : vector<16xi32>
          tpu.vector_store_idx %arg15[%broadcast_in_dim3A_372, %broadcast_in_dim3A_366], %broadcast_in_dim3A_408 masked %eq3A_411 : memref<2x16xi32, #tpu.memory_space<vmem>>[vector<16xi32>, vector<16xi32>], vector<16xi32>, vector<16xi1>
          %add3A_412 = arith.constant 1 : i32
          %add3A_413 = arith.addi %get3A_365, %add3A_412 : i32
          %swap3A_414 = arith.constant 0 : i32
          %swap3A_415 = arith.index_cast %swap3A_414 : i32 to index
          %swap3A_416 = memref.load %arg16[%swap3A_415] : memref<2xi32, #tpu.memory_space<smem>>
          memref.store %add3A_413, %arg16[%swap3A_415] : memref<2xi32, #tpu.memory_space<smem>>
          %add3A_417 = arith.constant 1 : i32
          %add3A_418 = arith.addi %get3A_365, %add3A_417 : i32
          %eq3A_419 = arith.constant 16 : i32
          %eq3A_420 = arith.cmpi eq, %add3A_418, %eq3A_419 : i32
          %convert_element_type3A_421 = arith.extui %eq3A_420 : i1 to i32
          %cond3A_422 = arith.constant 0 : i32
          %cond3A_423 = arith.cmpi ne, %convert_element_type3A_421, %cond3A_422 : i32
          scf.if %cond3A_423 {
            %get3A_425 = arith.constant 1 : i32
            %get3A_426 = arith.index_cast %get3A_425 : i32 to index
            %get3A_427 = memref.load %arg16[%get3A_426] : memref<2xi32, #tpu.memory_space<smem>>
            %and3A_428 = arith.constant 1 : i32
            %and3A_429 = arith.andi %get3A_427, %and3A_428 : i32
            %eq3A_430 = arith.constant 0 : i32
            %eq3A_431 = arith.cmpi eq, %and3A_429, %eq3A_430 : i32
            %convert_element_type3A_432 = arith.extui %eq3A_431 : i1 to i32
            %cond3A_433 = arith.constant 0 : i32
            %cond3A_434 = arith.cmpi ne, %convert_element_type3A_432, %cond3A_433 : i32
            scf.if %cond3A_434 {
              %ge3A_451 = arith.constant 2 : i32
              %ge3A_452 = arith.cmpi sge, %get3A_427, %ge3A_451 : i32
              %convert_element_type3A_453 = arith.extui %ge3A_452 : i1 to i32
              %cond3A_454 = arith.constant 0 : i32
              %cond3A_455 = arith.cmpi ne, %convert_element_type3A_453, %cond3A_454 : i32
              scf.if %cond3A_455 {
                %dma_wait3A_467 = arith.constant 0 : i32
                %dma_wait3A_468 = arith.constant 0 : i32
                %dma_wait3A_469 = arith.constant 0 : i32
                %dma_wait3A_470 = arith.constant 0 : i32
                %dma_wait3A_471 = tpu.memref_slice %arg14[%dma_wait3A_467, %dma_wait3A_469, %dma_wait3A_470] : memref<2x16x128xf32, #tpu.memory_space<vmem>> -> memref<1x16x128xf32, #tpu.memory_space<vmem>>
                %dma_wait3A_472 = tpu.memref_squeeze %dma_wait3A_471 : memref<1x16x128xf32, #tpu.memory_space<vmem>> -> memref<16x128xf32, #tpu.memory_space<vmem>>
                %dma_wait3A_473 = arith.constant 0 : i32
                %dma_wait3A_474 = tpu.memref_slice %arg15[%dma_wait3A_468, %dma_wait3A_473] : memref<2x16xi32, #tpu.memory_space<vmem>> -> memref<1x16xi32, #tpu.memory_space<vmem>>
                %dma_wait3A_475 = tpu.memref_squeeze %dma_wait3A_474 : memref<1x16xi32, #tpu.memory_space<vmem>> -> memref<16xi32, #tpu.memory_space<vmem>>
                %dma_wait3A_476 = arith.constant 0 : i32
                %dma_wait3A_477 = arith.constant 0 : i32
                %dma_wait3A_478 = tpu.memref_slice %arg4[%dma_wait3A_476, %dma_wait3A_477] : memref<16400x128xf32, #tpu.memory_space<hbm>> -> memref<16400x128xf32, #tpu.memory_space<hbm>>
                tpu.wait_indirect_dma semaphore(%arg18 : memref<!tpu.dma_semaphore, #tpu.memory_space<semaphore_mem>>) src(%dma_wait3A_472 : memref<16x128xf32, #tpu.memory_space<vmem>>) dst(%dma_wait3A_478 : memref<16400x128xf32, #tpu.memory_space<hbm>>)
              } else {
              }
              %dma_start3A = arith.constant 0 : i32
              %dma_start3A_456 = arith.constant 0 : i32
              %dma_start3A_457 = arith.constant 0 : i32
              %dma_start3A_458 = arith.constant 0 : i32
              %dma_start3A_459 = tpu.memref_slice %arg14[%dma_start3A, %dma_start3A_457, %dma_start3A_458] : memref<2x16x128xf32, #tpu.memory_space<vmem>> -> memref<1x16x128xf32, #tpu.memory_space<vmem>>
              %dma_start3A_460 = tpu.memref_squeeze %dma_start3A_459 : memref<1x16x128xf32, #tpu.memory_space<vmem>> -> memref<16x128xf32, #tpu.memory_space<vmem>>
              %dma_start3A_461 = arith.constant 0 : i32
              %dma_start3A_462 = tpu.memref_slice %arg15[%dma_start3A_456, %dma_start3A_461] : memref<2x16xi32, #tpu.memory_space<vmem>> -> memref<1x16xi32, #tpu.memory_space<vmem>>
              %dma_start3A_463 = tpu.memref_squeeze %dma_start3A_462 : memref<1x16xi32, #tpu.memory_space<vmem>> -> memref<16xi32, #tpu.memory_space<vmem>>
              %dma_start3A_464 = arith.constant 0 : i32
              %dma_start3A_465 = arith.constant 0 : i32
              %dma_start3A_466 = tpu.memref_slice %arg4[%dma_start3A_464, %dma_start3A_465] : memref<16400x128xf32, #tpu.memory_space<hbm>> -> memref<16400x128xf32, #tpu.memory_space<hbm>>
              tpu.enqueue_indirect_dma source(%dma_start3A_460 : memref<16x128xf32, #tpu.memory_space<vmem>>) target(%dma_start3A_466 : memref<16400x128xf32, #tpu.memory_space<hbm>>) offsets(%dma_start3A_463 : memref<16xi32, #tpu.memory_space<vmem>>) semaphore(%arg18 : memref<!tpu.dma_semaphore, #tpu.memory_space<semaphore_mem>>)
            } else {
            }
            %and3A_435 = arith.constant 1 : i32
            %and3A_436 = arith.andi %get3A_427, %and3A_435 : i32
            %eq3A_437 = arith.constant 1 : i32
            %eq3A_438 = arith.cmpi eq, %and3A_436, %eq3A_437 : i32
            %convert_element_type3A_439 = arith.extui %eq3A_438 : i1 to i32
            %cond3A_440 = arith.constant 0 : i32
            %cond3A_441 = arith.cmpi ne, %convert_element_type3A_439, %cond3A_440 : i32
            scf.if %cond3A_441 {
              %ge3A_451 = arith.constant 2 : i32
              %ge3A_452 = arith.cmpi sge, %get3A_427, %ge3A_451 : i32
              %convert_element_type3A_453 = arith.extui %ge3A_452 : i1 to i32
              %cond3A_454 = arith.constant 0 : i32
              %cond3A_455 = arith.cmpi ne, %convert_element_type3A_453, %cond3A_454 : i32
              scf.if %cond3A_455 {
                %dma_wait3A_467 = arith.constant 1 : i32
                %dma_wait3A_468 = arith.constant 1 : i32
                %dma_wait3A_469 = arith.constant 0 : i32
                %dma_wait3A_470 = arith.constant 0 : i32
                %dma_wait3A_471 = tpu.memref_slice %arg14[%dma_wait3A_467, %dma_wait3A_469, %dma_wait3A_470] : memref<2x16x128xf32, #tpu.memory_space<vmem>> -> memref<1x16x128xf32, #tpu.memory_space<vmem>>
                %dma_wait3A_472 = tpu.memref_squeeze %dma_wait3A_471 : memref<1x16x128xf32, #tpu.memory_space<vmem>> -> memref<16x128xf32, #tpu.memory_space<vmem>>
                %dma_wait3A_473 = arith.constant 0 : i32
                %dma_wait3A_474 = tpu.memref_slice %arg15[%dma_wait3A_468, %dma_wait3A_473] : memref<2x16xi32, #tpu.memory_space<vmem>> -> memref<1x16xi32, #tpu.memory_space<vmem>>
                %dma_wait3A_475 = tpu.memref_squeeze %dma_wait3A_474 : memref<1x16xi32, #tpu.memory_space<vmem>> -> memref<16xi32, #tpu.memory_space<vmem>>
                %dma_wait3A_476 = arith.constant 0 : i32
                %dma_wait3A_477 = arith.constant 0 : i32
                %dma_wait3A_478 = tpu.memref_slice %arg4[%dma_wait3A_476, %dma_wait3A_477] : memref<16400x128xf32, #tpu.memory_space<hbm>> -> memref<16400x128xf32, #tpu.memory_space<hbm>>
                tpu.wait_indirect_dma semaphore(%arg19 : memref<!tpu.dma_semaphore, #tpu.memory_space<semaphore_mem>>) src(%dma_wait3A_472 : memref<16x128xf32, #tpu.memory_space<vmem>>) dst(%dma_wait3A_478 : memref<16400x128xf32, #tpu.memory_space<hbm>>)
              } else {
              }
              %dma_start3A = arith.constant 1 : i32
              %dma_start3A_456 = arith.constant 1 : i32
              %dma_start3A_457 = arith.constant 0 : i32
              %dma_start3A_458 = arith.constant 0 : i32
              %dma_start3A_459 = tpu.memref_slice %arg14[%dma_start3A, %dma_start3A_457, %dma_start3A_458] : memref<2x16x128xf32, #tpu.memory_space<vmem>> -> memref<1x16x128xf32, #tpu.memory_space<vmem>>
              %dma_start3A_460 = tpu.memref_squeeze %dma_start3A_459 : memref<1x16x128xf32, #tpu.memory_space<vmem>> -> memref<16x128xf32, #tpu.memory_space<vmem>>
              %dma_start3A_461 = arith.constant 0 : i32
              %dma_start3A_462 = tpu.memref_slice %arg15[%dma_start3A_456, %dma_start3A_461] : memref<2x16xi32, #tpu.memory_space<vmem>> -> memref<1x16xi32, #tpu.memory_space<vmem>>
              %dma_start3A_463 = tpu.memref_squeeze %dma_start3A_462 : memref<1x16xi32, #tpu.memory_space<vmem>> -> memref<16xi32, #tpu.memory_space<vmem>>
              %dma_start3A_464 = arith.constant 0 : i32
              %dma_start3A_465 = arith.constant 0 : i32
              %dma_start3A_466 = tpu.memref_slice %arg4[%dma_start3A_464, %dma_start3A_465] : memref<16400x128xf32, #tpu.memory_space<hbm>> -> memref<16400x128xf32, #tpu.memory_space<hbm>>
              tpu.enqueue_indirect_dma source(%dma_start3A_460 : memref<16x128xf32, #tpu.memory_space<vmem>>) target(%dma_start3A_466 : memref<16400x128xf32, #tpu.memory_space<hbm>>) offsets(%dma_start3A_463 : memref<16xi32, #tpu.memory_space<vmem>>) semaphore(%arg19 : memref<!tpu.dma_semaphore, #tpu.memory_space<semaphore_mem>>)
            } else {
            }
            %add3A_442 = arith.constant 1 : i32
            %add3A_443 = arith.addi %get3A_427, %add3A_442 : i32
            %swap3A_444 = arith.constant 1 : i32
            %swap3A_445 = arith.index_cast %swap3A_444 : i32 to index
            %swap3A_446 = memref.load %arg16[%swap3A_445] : memref<2xi32, #tpu.memory_space<smem>>
            memref.store %add3A_443, %arg16[%swap3A_445] : memref<2xi32, #tpu.memory_space<smem>>
            %swap3A_447 = arith.constant 0 : i32
            %swap3A_448 = arith.constant 0 : i32
            %swap3A_449 = arith.index_cast %swap3A_448 : i32 to index
            %swap3A_450 = memref.load %arg16[%swap3A_449] : memref<2xi32, #tpu.memory_space<smem>>
            memref.store %swap3A_447, %arg16[%swap3A_449] : memref<2xi32, #tpu.memory_space<smem>>
          } else {
          }
          %while3A_424 = arith.constant 0 : i32
          scf.yield %while3A_424 : i32
        }
        %add3A_344 = arith.constant 7 : i32
        %add3A_345 = arith.addi %add3A_268, %add3A_344 : i32
        %lt3A_346 = arith.cmpi slt, %add3A_345, %scan3A_138#1 : i32
        %convert_element_type3A_347 = arith.extui %lt3A_346 : i1 to i32
        %cond3A_348 = arith.constant 0 : i32
        %cond3A_349 = arith.cmpi ne, %convert_element_type3A_347, %cond3A_348 : i32
        scf.if %cond3A_349 {
          %add3A_350 = arith.constant 7 : i32
          %add3A_351 = arith.addi %add3A_268, %add3A_350 : i32
          %get3A_352 = arith.index_cast %add3A_351 : i32 to index
          %get3A_353 = tpu.vector_load %arg12[%get3A_352] {strides = array<i32>} : memref<272xi32, #tpu.memory_space<vmem>>, vector<16xi32>,
          %slice3A_354 = vector.extract_strided_slice %get3A_353 {offsets = [0], sizes = [1], strides = [1]} : vector<16xi32> to vector<1xi32>
          %squeeze3A_355 = vector.extract %slice3A_354[0] : i32 from vector<1xi32>
          %add3A_356 = arith.addi %squeeze3A_355, %mul3A_2 : i32
          %mul3A_357 = arith.constant 128 : i32
          %mul3A_358 = arith.muli %add3A_356, %mul3A_357 : i32
          %multiple_of3A_359 = tpu.assume_multiple %mul3A_358, 128 : i32
          %dma_start3A = arith.constant 2 : i32
          %dma_start3A_360 = arith.constant 0 : i32
          %dma_start3A_361 = arith.constant 0 : i32
          %dma_start3A_362 = tpu.memref_slice %arg9[%dma_start3A, %dma_start3A_360, %dma_start3A_361] : memref<7x64x128xf32, #tpu.memory_space<vmem>> -> memref<1x64x128xf32, #tpu.memory_space<vmem>>
          %dma_start3A_363 = tpu.memref_squeeze %dma_start3A_362 : memref<1x64x128xf32, #tpu.memory_space<vmem>> -> memref<64x128xf32, #tpu.memory_space<vmem>>
          %dma_start3A_364 = arith.constant 0 : i32
          %dma_start3A_365 = tpu.memref_slice %arg3[%dma_start3A_364, %multiple_of3A_359] : memref<64x1000000xf32, #tpu.memory_space<hbm>> -> memref<64x128xf32, #tpu.memory_space<hbm>>
          %dma_start3A_366 = arith.constant 0 : i32
          %dma_start3A_367 = arith.constant 0 : i32
          %dma_start3A_368 = tpu.memref_slice %arg9[%dma_start3A, %dma_start3A_366, %dma_start3A_367] : memref<7x64x128xf32, #tpu.memory_space<vmem>> -> memref<1x64x128xf32, #tpu.memory_space<vmem>>
          %dma_start3A_369 = tpu.memref_squeeze %dma_start3A_368 : memref<1x64x128xf32, #tpu.memory_space<vmem>> -> memref<64x128xf32, #tpu.memory_space<vmem>>
          %dma_start3A_370 = arith.constant 0 : i32
          %dma_start3A_371 = tpu.memref_slice %arg3[%dma_start3A_370, %multiple_of3A_359] : memref<64x1000000xf32, #tpu.memory_space<hbm>> -> memref<64x128xf32, #tpu.memory_space<hbm>>
          tpu.enqueue_dma source(%dma_start3A_371 : memref<64x128xf32, #tpu.memory_space<hbm>>) target(%dma_start3A_369 : memref<64x128xf32, #tpu.memory_space<vmem>>) target_semaphore(%arg17 : memref<!tpu.dma_semaphore, #tpu.memory_space<semaphore_mem>>)
        } else {
        }
      } else {
      }
      %mul3A_273 = arith.constant 7 : i32
      %mul3A_274 = arith.muli %scan3A_248, %mul3A_273 : i32
      %add3A_275 = arith.constant 3 : i32
      %add3A_276 = arith.addi %mul3A_274, %add3A_275 : i32
      %lt3A_277 = arith.cmpi slt, %add3A_276, %scan3A_138#1 : i32
      %convert_element_type3A_278 = arith.extui %lt3A_277 : i1 to i32
      %cond3A_279 = arith.constant 0 : i32
      %cond3A_280 = arith.cmpi ne, %convert_element_type3A_278, %cond3A_279 : i32
      scf.if %cond3A_280 {
        %get3A_306 = arith.index_cast %add3A_276 : i32 to index
        %get3A_307 = tpu.vector_load %arg12[%get3A_306] {strides = array<i32>} : memref<272xi32, #tpu.memory_space<vmem>>, vector<16xi32>,
        %slice3A = vector.extract_strided_slice %get3A_307 {offsets = [0], sizes = [1], strides = [1]} : vector<16xi32> to vector<1xi32>
        %squeeze3A = vector.extract %slice3A[0] : i32 from vector<1xi32>
        %add3A_308 = arith.addi %squeeze3A, %mul3A_2 : i32
        %mul3A_309 = arith.constant 128 : i32
        %mul3A_310 = arith.muli %add3A_308, %mul3A_309 : i32
        %multiple_of3A = tpu.assume_multiple %mul3A_310, 128 : i32
        %dma_wait3A = arith.constant 3 : i32
        %dma_wait3A_311 = arith.constant 0 : i32
        %dma_wait3A_312 = arith.constant 0 : i32
        %dma_wait3A_313 = tpu.memref_slice %arg9[%dma_wait3A, %dma_wait3A_311, %dma_wait3A_312] : memref<7x64x128xf32, #tpu.memory_space<vmem>> -> memref<1x64x128xf32, #tpu.memory_space<vmem>>
        %dma_wait3A_314 = tpu.memref_squeeze %dma_wait3A_313 : memref<1x64x128xf32, #tpu.memory_space<vmem>> -> memref<64x128xf32, #tpu.memory_space<vmem>>
        %dma_wait3A_315 = arith.constant 0 : i32
        %dma_wait3A_316 = tpu.memref_slice %arg3[%dma_wait3A_315, %multiple_of3A] : memref<64x1000000xf32, #tpu.memory_space<hbm>> -> memref<64x128xf32, #tpu.memory_space<hbm>>
        %dma_wait3A_317 = arith.constant 0 : i32
        %dma_wait3A_318 = arith.constant 0 : i32
        %dma_wait3A_319 = tpu.memref_slice %arg9[%dma_wait3A, %dma_wait3A_317, %dma_wait3A_318] : memref<7x64x128xf32, #tpu.memory_space<vmem>> -> memref<1x64x128xf32, #tpu.memory_space<vmem>>
        %dma_wait3A_320 = tpu.memref_squeeze %dma_wait3A_319 : memref<1x64x128xf32, #tpu.memory_space<vmem>> -> memref<64x128xf32, #tpu.memory_space<vmem>>
        %dma_wait3A_321 = arith.constant 0 : i32
        %dma_wait3A_322 = tpu.memref_slice %arg3[%dma_wait3A_321, %multiple_of3A] : memref<64x1000000xf32, #tpu.memory_space<hbm>> -> memref<64x128xf32, #tpu.memory_space<hbm>>
        tpu.wait_dma2 semaphore(%arg17 : memref<!tpu.dma_semaphore, #tpu.memory_space<semaphore_mem>>) src(%dma_wait3A_322 : memref<64x128xf32, #tpu.memory_space<hbm>>) dst(%dma_wait3A_320 : memref<64x128xf32, #tpu.memory_space<vmem>>)
        %get3A_323 = arith.index_cast %add3A_276 : i32 to index
        %get3A_324 = tpu.vector_load %arg13[%get3A_323] {strides = array<i32>} : memref<272xi32, #tpu.memory_space<vmem>>, vector<16xi32>,
        %slice3A_325 = vector.extract_strided_slice %get3A_324 {offsets = [0], sizes = [1], strides = [1]} : vector<16xi32> to vector<1xi32>
        %squeeze3A_326 = vector.extract %slice3A_325[0] : i32 from vector<1xi32>
        %add3A_327 = arith.constant 1 : i32
        %add3A_328 = arith.addi %add3A_276, %add3A_327 : i32
        %get3A_329 = arith.index_cast %add3A_328 : i32 to index
        %get3A_330 = tpu.vector_load %arg13[%get3A_329] {strides = array<i32>} : memref<272xi32, #tpu.memory_space<vmem>>, vector<16xi32>,
        %slice3A_331 = vector.extract_strided_slice %get3A_330 {offsets = [0], sizes = [1], strides = [1]} : vector<16xi32> to vector<1xi32>
        %squeeze3A_332 = vector.extract %slice3A_331[0] : i32 from vector<1xi32>
        %while3A_333 = arith.constant 0 : i32
        %while3A_334 = arith.subi %squeeze3A_332, %squeeze3A_326 : i32
        %while3A_335 = arith.addi %squeeze3A_326, %while3A_334 : i32
        %while3A_336 = arith.constant 1 : i32
        %while3A_337 = arith.divsi %while3A_334, %while3A_336 : i32
        %while3A_338 = arith.muli %while3A_337, %while3A_336 : i32
        %while3A_339 = arith.addi %squeeze3A_326, %while3A_338 : i32
        %while3A_340 = arith.constant 1 : i32
        %while3A_341 = scf.for %while3A_350 = %squeeze3A_326 to %while3A_339 step %while3A_340 iter_args(%while3A_351 = %while3A_333) -> (i32)  : i32 {
          %get3A_352 = arith.index_cast %while3A_350 : i32 to index
          %get3A_353 = tpu.vector_load %arg5[%get3A_352] {strides = array<i32>} : memref<16400xi32, #tpu.memory_space<vmem>>, vector<16xi32>,
          %slice3A_354 = vector.extract_strided_slice %get3A_353 {offsets = [0], sizes = [1], strides = [1]} : vector<16xi32> to vector<1xi32>
          %squeeze3A_355 = vector.extract %slice3A_354[0] : i32 from vector<1xi32>
          %get3A_356 = arith.index_cast %while3A_350 : i32 to index
          %get3A_357 = tpu.vector_load %arg8[%get3A_356] {strides = array<i32>} : memref<16400xi32, #tpu.memory_space<vmem>>, vector<16xi32>,
          %slice3A_358 = vector.extract_strided_slice %get3A_357 {offsets = [0], sizes = [1], strides = [1]} : vector<16xi32> to vector<1xi32>
          %squeeze3A_359 = vector.extract %slice3A_358[0] : i32 from vector<1xi32>
          %and3A_360 = arith.constant 127 : i32
          %and3A_361 = arith.andi %squeeze3A_355, %and3A_360 : i32
          %broadcast_in_dim3A_362 = vector.broadcast %and3A_361 : i32 to vector<16xi32>
          %get3A_363 = arith.constant 0 : i32
          %get3A_364 = arith.index_cast %get3A_363 : i32 to index
          %get3A_365 = memref.load %arg16[%get3A_364] : memref<2xi32, #tpu.memory_space<smem>>
          %broadcast_in_dim3A_366 = vector.broadcast %get3A_365 : i32 to vector<16xi32>
          %get3A_367 = arith.constant 1 : i32
          %get3A_368 = arith.index_cast %get3A_367 : i32 to index
          %get3A_369 = memref.load %arg16[%get3A_368] : memref<2xi32, #tpu.memory_space<smem>>
          %and3A_370 = arith.constant 1 : i32
          %and3A_371 = arith.andi %get3A_369, %and3A_370 : i32
          %broadcast_in_dim3A_372 = vector.broadcast %and3A_371 : i32 to vector<16xi32>
          %add3A_373 = arith.constant 0 : i32
          %add3A_374 = vector.broadcast %add3A_373 : i32 to vector<16xi32>
          %add3A_375 = arith.addi %iota3A, %add3A_374 : vector<16xi32>
          %gather3A = arith.constant 3 : i32
          %gather3A_376 = arith.constant 0 : i32
          %gather3A_377 = arith.constant 0 : i32
          %gather3A_378 = tpu.memref_slice %arg9[%gather3A, %gather3A_376, %gather3A_377] : memref<7x64x128xf32, #tpu.memory_space<vmem>> -> memref<1x64x128xf32, #tpu.memory_space<vmem>>
          %gather3A_379 = tpu.memref_squeeze %gather3A_378 : memref<1x64x128xf32, #tpu.memory_space<vmem>> -> memref<64x128xf32, #tpu.memory_space<vmem>>
          %gather3A_380 = tpu.vector_load_idx %gather3A_379[%add3A_375, %broadcast_in_dim3A_362] : memref<64x128xf32, #tpu.memory_space<vmem>>[vector<16xi32>, vector<16xi32>], vector<16xf32>,
          tpu.vector_store_idx %arg14[%broadcast_in_dim3A_372, %broadcast_in_dim3A_366, %add3A_375], %gather3A_380 : memref<2x16x128xf32, #tpu.memory_space<vmem>>[vector<16xi32>, vector<16xi32>, vector<16xi32>], vector<16xf32>,
          %add3A_381 = arith.constant 16 : i32
          %add3A_382 = vector.broadcast %add3A_381 : i32 to vector<16xi32>
          %add3A_383 = arith.addi %iota3A, %add3A_382 : vector<16xi32>
          %gather3A_384 = arith.constant 3 : i32
          %gather3A_385 = arith.constant 0 : i32
          %gather3A_386 = arith.constant 0 : i32
          %gather3A_387 = tpu.memref_slice %arg9[%gather3A_384, %gather3A_385, %gather3A_386] : memref<7x64x128xf32, #tpu.memory_space<vmem>> -> memref<1x64x128xf32, #tpu.memory_space<vmem>>
          %gather3A_388 = tpu.memref_squeeze %gather3A_387 : memref<1x64x128xf32, #tpu.memory_space<vmem>> -> memref<64x128xf32, #tpu.memory_space<vmem>>
          %gather3A_389 = tpu.vector_load_idx %gather3A_388[%add3A_383, %broadcast_in_dim3A_362] : memref<64x128xf32, #tpu.memory_space<vmem>>[vector<16xi32>, vector<16xi32>], vector<16xf32>,
          tpu.vector_store_idx %arg14[%broadcast_in_dim3A_372, %broadcast_in_dim3A_366, %add3A_383], %gather3A_389 : memref<2x16x128xf32, #tpu.memory_space<vmem>>[vector<16xi32>, vector<16xi32>, vector<16xi32>], vector<16xf32>,
          %add3A_390 = arith.constant 32 : i32
          %add3A_391 = vector.broadcast %add3A_390 : i32 to vector<16xi32>
          %add3A_392 = arith.addi %iota3A, %add3A_391 : vector<16xi32>
          %gather3A_393 = arith.constant 3 : i32
          %gather3A_394 = arith.constant 0 : i32
          %gather3A_395 = arith.constant 0 : i32
          %gather3A_396 = tpu.memref_slice %arg9[%gather3A_393, %gather3A_394, %gather3A_395] : memref<7x64x128xf32, #tpu.memory_space<vmem>> -> memref<1x64x128xf32, #tpu.memory_space<vmem>>
          %gather3A_397 = tpu.memref_squeeze %gather3A_396 : memref<1x64x128xf32, #tpu.memory_space<vmem>> -> memref<64x128xf32, #tpu.memory_space<vmem>>
          %gather3A_398 = tpu.vector_load_idx %gather3A_397[%add3A_392, %broadcast_in_dim3A_362] : memref<64x128xf32, #tpu.memory_space<vmem>>[vector<16xi32>, vector<16xi32>], vector<16xf32>,
          tpu.vector_store_idx %arg14[%broadcast_in_dim3A_372, %broadcast_in_dim3A_366, %add3A_392], %gather3A_398 : memref<2x16x128xf32, #tpu.memory_space<vmem>>[vector<16xi32>, vector<16xi32>, vector<16xi32>], vector<16xf32>,
          %add3A_399 = arith.constant 48 : i32
          %add3A_400 = vector.broadcast %add3A_399 : i32 to vector<16xi32>
          %add3A_401 = arith.addi %iota3A, %add3A_400 : vector<16xi32>
          %gather3A_402 = arith.constant 3 : i32
          %gather3A_403 = arith.constant 0 : i32
          %gather3A_404 = arith.constant 0 : i32
          %gather3A_405 = tpu.memref_slice %arg9[%gather3A_402, %gather3A_403, %gather3A_404] : memref<7x64x128xf32, #tpu.memory_space<vmem>> -> memref<1x64x128xf32, #tpu.memory_space<vmem>>
          %gather3A_406 = tpu.memref_squeeze %gather3A_405 : memref<1x64x128xf32, #tpu.memory_space<vmem>> -> memref<64x128xf32, #tpu.memory_space<vmem>>
          %gather3A_407 = tpu.vector_load_idx %gather3A_406[%add3A_401, %broadcast_in_dim3A_362] : memref<64x128xf32, #tpu.memory_space<vmem>>[vector<16xi32>, vector<16xi32>], vector<16xf32>,
          tpu.vector_store_idx %arg14[%broadcast_in_dim3A_372, %broadcast_in_dim3A_366, %add3A_401], %gather3A_407 : memref<2x16x128xf32, #tpu.memory_space<vmem>>[vector<16xi32>, vector<16xi32>, vector<16xi32>], vector<16xf32>,
          %broadcast_in_dim3A_408 = vector.broadcast %squeeze3A_359 : i32 to vector<16xi32>
          %eq3A_409 = arith.constant 0 : i32
          %eq3A_410 = vector.broadcast %eq3A_409 : i32 to vector<16xi32>
          %eq3A_411 = arith.cmpi eq, %iota3A, %eq3A_410 : vector<16xi32>
          tpu.vector_store_idx %arg15[%broadcast_in_dim3A_372, %broadcast_in_dim3A_366], %broadcast_in_dim3A_408 masked %eq3A_411 : memref<2x16xi32, #tpu.memory_space<vmem>>[vector<16xi32>, vector<16xi32>], vector<16xi32>, vector<16xi1>
          %add3A_412 = arith.constant 1 : i32
          %add3A_413 = arith.addi %get3A_365, %add3A_412 : i32
          %swap3A_414 = arith.constant 0 : i32
          %swap3A_415 = arith.index_cast %swap3A_414 : i32 to index
          %swap3A_416 = memref.load %arg16[%swap3A_415] : memref<2xi32, #tpu.memory_space<smem>>
          memref.store %add3A_413, %arg16[%swap3A_415] : memref<2xi32, #tpu.memory_space<smem>>
          %add3A_417 = arith.constant 1 : i32
          %add3A_418 = arith.addi %get3A_365, %add3A_417 : i32
          %eq3A_419 = arith.constant 16 : i32
          %eq3A_420 = arith.cmpi eq, %add3A_418, %eq3A_419 : i32
          %convert_element_type3A_421 = arith.extui %eq3A_420 : i1 to i32
          %cond3A_422 = arith.constant 0 : i32
          %cond3A_423 = arith.cmpi ne, %convert_element_type3A_421, %cond3A_422 : i32
          scf.if %cond3A_423 {
            %get3A_425 = arith.constant 1 : i32
            %get3A_426 = arith.index_cast %get3A_425 : i32 to index
            %get3A_427 = memref.load %arg16[%get3A_426] : memref<2xi32, #tpu.memory_space<smem>>
            %and3A_428 = arith.constant 1 : i32
            %and3A_429 = arith.andi %get3A_427, %and3A_428 : i32
            %eq3A_430 = arith.constant 0 : i32
            %eq3A_431 = arith.cmpi eq, %and3A_429, %eq3A_430 : i32
            %convert_element_type3A_432 = arith.extui %eq3A_431 : i1 to i32
            %cond3A_433 = arith.constant 0 : i32
            %cond3A_434 = arith.cmpi ne, %convert_element_type3A_432, %cond3A_433 : i32
            scf.if %cond3A_434 {
              %ge3A_451 = arith.constant 2 : i32
              %ge3A_452 = arith.cmpi sge, %get3A_427, %ge3A_451 : i32
              %convert_element_type3A_453 = arith.extui %ge3A_452 : i1 to i32
              %cond3A_454 = arith.constant 0 : i32
              %cond3A_455 = arith.cmpi ne, %convert_element_type3A_453, %cond3A_454 : i32
              scf.if %cond3A_455 {
                %dma_wait3A_467 = arith.constant 0 : i32
                %dma_wait3A_468 = arith.constant 0 : i32
                %dma_wait3A_469 = arith.constant 0 : i32
                %dma_wait3A_470 = arith.constant 0 : i32
                %dma_wait3A_471 = tpu.memref_slice %arg14[%dma_wait3A_467, %dma_wait3A_469, %dma_wait3A_470] : memref<2x16x128xf32, #tpu.memory_space<vmem>> -> memref<1x16x128xf32, #tpu.memory_space<vmem>>
                %dma_wait3A_472 = tpu.memref_squeeze %dma_wait3A_471 : memref<1x16x128xf32, #tpu.memory_space<vmem>> -> memref<16x128xf32, #tpu.memory_space<vmem>>
                %dma_wait3A_473 = arith.constant 0 : i32
                %dma_wait3A_474 = tpu.memref_slice %arg15[%dma_wait3A_468, %dma_wait3A_473] : memref<2x16xi32, #tpu.memory_space<vmem>> -> memref<1x16xi32, #tpu.memory_space<vmem>>
                %dma_wait3A_475 = tpu.memref_squeeze %dma_wait3A_474 : memref<1x16xi32, #tpu.memory_space<vmem>> -> memref<16xi32, #tpu.memory_space<vmem>>
                %dma_wait3A_476 = arith.constant 0 : i32
                %dma_wait3A_477 = arith.constant 0 : i32
                %dma_wait3A_478 = tpu.memref_slice %arg4[%dma_wait3A_476, %dma_wait3A_477] : memref<16400x128xf32, #tpu.memory_space<hbm>> -> memref<16400x128xf32, #tpu.memory_space<hbm>>
                tpu.wait_indirect_dma semaphore(%arg18 : memref<!tpu.dma_semaphore, #tpu.memory_space<semaphore_mem>>) src(%dma_wait3A_472 : memref<16x128xf32, #tpu.memory_space<vmem>>) dst(%dma_wait3A_478 : memref<16400x128xf32, #tpu.memory_space<hbm>>)
              } else {
              }
              %dma_start3A = arith.constant 0 : i32
              %dma_start3A_456 = arith.constant 0 : i32
              %dma_start3A_457 = arith.constant 0 : i32
              %dma_start3A_458 = arith.constant 0 : i32
              %dma_start3A_459 = tpu.memref_slice %arg14[%dma_start3A, %dma_start3A_457, %dma_start3A_458] : memref<2x16x128xf32, #tpu.memory_space<vmem>> -> memref<1x16x128xf32, #tpu.memory_space<vmem>>
              %dma_start3A_460 = tpu.memref_squeeze %dma_start3A_459 : memref<1x16x128xf32, #tpu.memory_space<vmem>> -> memref<16x128xf32, #tpu.memory_space<vmem>>
              %dma_start3A_461 = arith.constant 0 : i32
              %dma_start3A_462 = tpu.memref_slice %arg15[%dma_start3A_456, %dma_start3A_461] : memref<2x16xi32, #tpu.memory_space<vmem>> -> memref<1x16xi32, #tpu.memory_space<vmem>>
              %dma_start3A_463 = tpu.memref_squeeze %dma_start3A_462 : memref<1x16xi32, #tpu.memory_space<vmem>> -> memref<16xi32, #tpu.memory_space<vmem>>
              %dma_start3A_464 = arith.constant 0 : i32
              %dma_start3A_465 = arith.constant 0 : i32
              %dma_start3A_466 = tpu.memref_slice %arg4[%dma_start3A_464, %dma_start3A_465] : memref<16400x128xf32, #tpu.memory_space<hbm>> -> memref<16400x128xf32, #tpu.memory_space<hbm>>
              tpu.enqueue_indirect_dma source(%dma_start3A_460 : memref<16x128xf32, #tpu.memory_space<vmem>>) target(%dma_start3A_466 : memref<16400x128xf32, #tpu.memory_space<hbm>>) offsets(%dma_start3A_463 : memref<16xi32, #tpu.memory_space<vmem>>) semaphore(%arg18 : memref<!tpu.dma_semaphore, #tpu.memory_space<semaphore_mem>>)
            } else {
            }
            %and3A_435 = arith.constant 1 : i32
            %and3A_436 = arith.andi %get3A_427, %and3A_435 : i32
            %eq3A_437 = arith.constant 1 : i32
            %eq3A_438 = arith.cmpi eq, %and3A_436, %eq3A_437 : i32
            %convert_element_type3A_439 = arith.extui %eq3A_438 : i1 to i32
            %cond3A_440 = arith.constant 0 : i32
            %cond3A_441 = arith.cmpi ne, %convert_element_type3A_439, %cond3A_440 : i32
            scf.if %cond3A_441 {
              %ge3A_451 = arith.constant 2 : i32
              %ge3A_452 = arith.cmpi sge, %get3A_427, %ge3A_451 : i32
              %convert_element_type3A_453 = arith.extui %ge3A_452 : i1 to i32
              %cond3A_454 = arith.constant 0 : i32
              %cond3A_455 = arith.cmpi ne, %convert_element_type3A_453, %cond3A_454 : i32
              scf.if %cond3A_455 {
                %dma_wait3A_467 = arith.constant 1 : i32
                %dma_wait3A_468 = arith.constant 1 : i32
                %dma_wait3A_469 = arith.constant 0 : i32
                %dma_wait3A_470 = arith.constant 0 : i32
                %dma_wait3A_471 = tpu.memref_slice %arg14[%dma_wait3A_467, %dma_wait3A_469, %dma_wait3A_470] : memref<2x16x128xf32, #tpu.memory_space<vmem>> -> memref<1x16x128xf32, #tpu.memory_space<vmem>>
                %dma_wait3A_472 = tpu.memref_squeeze %dma_wait3A_471 : memref<1x16x128xf32, #tpu.memory_space<vmem>> -> memref<16x128xf32, #tpu.memory_space<vmem>>
                %dma_wait3A_473 = arith.constant 0 : i32
                %dma_wait3A_474 = tpu.memref_slice %arg15[%dma_wait3A_468, %dma_wait3A_473] : memref<2x16xi32, #tpu.memory_space<vmem>> -> memref<1x16xi32, #tpu.memory_space<vmem>>
                %dma_wait3A_475 = tpu.memref_squeeze %dma_wait3A_474 : memref<1x16xi32, #tpu.memory_space<vmem>> -> memref<16xi32, #tpu.memory_space<vmem>>
                %dma_wait3A_476 = arith.constant 0 : i32
                %dma_wait3A_477 = arith.constant 0 : i32
                %dma_wait3A_478 = tpu.memref_slice %arg4[%dma_wait3A_476, %dma_wait3A_477] : memref<16400x128xf32, #tpu.memory_space<hbm>> -> memref<16400x128xf32, #tpu.memory_space<hbm>>
                tpu.wait_indirect_dma semaphore(%arg19 : memref<!tpu.dma_semaphore, #tpu.memory_space<semaphore_mem>>) src(%dma_wait3A_472 : memref<16x128xf32, #tpu.memory_space<vmem>>) dst(%dma_wait3A_478 : memref<16400x128xf32, #tpu.memory_space<hbm>>)
              } else {
              }
              %dma_start3A = arith.constant 1 : i32
              %dma_start3A_456 = arith.constant 1 : i32
              %dma_start3A_457 = arith.constant 0 : i32
              %dma_start3A_458 = arith.constant 0 : i32
              %dma_start3A_459 = tpu.memref_slice %arg14[%dma_start3A, %dma_start3A_457, %dma_start3A_458] : memref<2x16x128xf32, #tpu.memory_space<vmem>> -> memref<1x16x128xf32, #tpu.memory_space<vmem>>
              %dma_start3A_460 = tpu.memref_squeeze %dma_start3A_459 : memref<1x16x128xf32, #tpu.memory_space<vmem>> -> memref<16x128xf32, #tpu.memory_space<vmem>>
              %dma_start3A_461 = arith.constant 0 : i32
              %dma_start3A_462 = tpu.memref_slice %arg15[%dma_start3A_456, %dma_start3A_461] : memref<2x16xi32, #tpu.memory_space<vmem>> -> memref<1x16xi32, #tpu.memory_space<vmem>>
              %dma_start3A_463 = tpu.memref_squeeze %dma_start3A_462 : memref<1x16xi32, #tpu.memory_space<vmem>> -> memref<16xi32, #tpu.memory_space<vmem>>
              %dma_start3A_464 = arith.constant 0 : i32
              %dma_start3A_465 = arith.constant 0 : i32
              %dma_start3A_466 = tpu.memref_slice %arg4[%dma_start3A_464, %dma_start3A_465] : memref<16400x128xf32, #tpu.memory_space<hbm>> -> memref<16400x128xf32, #tpu.memory_space<hbm>>
              tpu.enqueue_indirect_dma source(%dma_start3A_460 : memref<16x128xf32, #tpu.memory_space<vmem>>) target(%dma_start3A_466 : memref<16400x128xf32, #tpu.memory_space<hbm>>) offsets(%dma_start3A_463 : memref<16xi32, #tpu.memory_space<vmem>>) semaphore(%arg19 : memref<!tpu.dma_semaphore, #tpu.memory_space<semaphore_mem>>)
            } else {
            }
            %add3A_442 = arith.constant 1 : i32
            %add3A_443 = arith.addi %get3A_427, %add3A_442 : i32
            %swap3A_444 = arith.constant 1 : i32
            %swap3A_445 = arith.index_cast %swap3A_444 : i32 to index
            %swap3A_446 = memref.load %arg16[%swap3A_445] : memref<2xi32, #tpu.memory_space<smem>>
            memref.store %add3A_443, %arg16[%swap3A_445] : memref<2xi32, #tpu.memory_space<smem>>
            %swap3A_447 = arith.constant 0 : i32
            %swap3A_448 = arith.constant 0 : i32
            %swap3A_449 = arith.index_cast %swap3A_448 : i32 to index
            %swap3A_450 = memref.load %arg16[%swap3A_449] : memref<2xi32, #tpu.memory_space<smem>>
            memref.store %swap3A_447, %arg16[%swap3A_449] : memref<2xi32, #tpu.memory_space<smem>>
          } else {
          }
          %while3A_424 = arith.constant 0 : i32
          scf.yield %while3A_424 : i32
        }
        %while3A_342 = arith.constant 1 : i32
        %while3A_343 = scf.for %while3A_350 = %while3A_339 to %while3A_335 step %while3A_342 iter_args(%while3A_351 = %while3A_341) -> (i32)  : i32 {
          %get3A_352 = arith.index_cast %while3A_350 : i32 to index
          %get3A_353 = tpu.vector_load %arg5[%get3A_352] {strides = array<i32>} : memref<16400xi32, #tpu.memory_space<vmem>>, vector<16xi32>,
          %slice3A_354 = vector.extract_strided_slice %get3A_353 {offsets = [0], sizes = [1], strides = [1]} : vector<16xi32> to vector<1xi32>
          %squeeze3A_355 = vector.extract %slice3A_354[0] : i32 from vector<1xi32>
          %get3A_356 = arith.index_cast %while3A_350 : i32 to index
          %get3A_357 = tpu.vector_load %arg8[%get3A_356] {strides = array<i32>} : memref<16400xi32, #tpu.memory_space<vmem>>, vector<16xi32>,
          %slice3A_358 = vector.extract_strided_slice %get3A_357 {offsets = [0], sizes = [1], strides = [1]} : vector<16xi32> to vector<1xi32>
          %squeeze3A_359 = vector.extract %slice3A_358[0] : i32 from vector<1xi32>
          %and3A_360 = arith.constant 127 : i32
          %and3A_361 = arith.andi %squeeze3A_355, %and3A_360 : i32
          %broadcast_in_dim3A_362 = vector.broadcast %and3A_361 : i32 to vector<16xi32>
          %get3A_363 = arith.constant 0 : i32
          %get3A_364 = arith.index_cast %get3A_363 : i32 to index
          %get3A_365 = memref.load %arg16[%get3A_364] : memref<2xi32, #tpu.memory_space<smem>>
          %broadcast_in_dim3A_366 = vector.broadcast %get3A_365 : i32 to vector<16xi32>
          %get3A_367 = arith.constant 1 : i32
          %get3A_368 = arith.index_cast %get3A_367 : i32 to index
          %get3A_369 = memref.load %arg16[%get3A_368] : memref<2xi32, #tpu.memory_space<smem>>
          %and3A_370 = arith.constant 1 : i32
          %and3A_371 = arith.andi %get3A_369, %and3A_370 : i32
          %broadcast_in_dim3A_372 = vector.broadcast %and3A_371 : i32 to vector<16xi32>
          %add3A_373 = arith.constant 0 : i32
          %add3A_374 = vector.broadcast %add3A_373 : i32 to vector<16xi32>
          %add3A_375 = arith.addi %iota3A, %add3A_374 : vector<16xi32>
          %gather3A = arith.constant 3 : i32
          %gather3A_376 = arith.constant 0 : i32
          %gather3A_377 = arith.constant 0 : i32
          %gather3A_378 = tpu.memref_slice %arg9[%gather3A, %gather3A_376, %gather3A_377] : memref<7x64x128xf32, #tpu.memory_space<vmem>> -> memref<1x64x128xf32, #tpu.memory_space<vmem>>
          %gather3A_379 = tpu.memref_squeeze %gather3A_378 : memref<1x64x128xf32, #tpu.memory_space<vmem>> -> memref<64x128xf32, #tpu.memory_space<vmem>>
          %gather3A_380 = tpu.vector_load_idx %gather3A_379[%add3A_375, %broadcast_in_dim3A_362] : memref<64x128xf32, #tpu.memory_space<vmem>>[vector<16xi32>, vector<16xi32>], vector<16xf32>,
          tpu.vector_store_idx %arg14[%broadcast_in_dim3A_372, %broadcast_in_dim3A_366, %add3A_375], %gather3A_380 : memref<2x16x128xf32, #tpu.memory_space<vmem>>[vector<16xi32>, vector<16xi32>, vector<16xi32>], vector<16xf32>,
          %add3A_381 = arith.constant 16 : i32
          %add3A_382 = vector.broadcast %add3A_381 : i32 to vector<16xi32>
          %add3A_383 = arith.addi %iota3A, %add3A_382 : vector<16xi32>
          %gather3A_384 = arith.constant 3 : i32
          %gather3A_385 = arith.constant 0 : i32
          %gather3A_386 = arith.constant 0 : i32
          %gather3A_387 = tpu.memref_slice %arg9[%gather3A_384, %gather3A_385, %gather3A_386] : memref<7x64x128xf32, #tpu.memory_space<vmem>> -> memref<1x64x128xf32, #tpu.memory_space<vmem>>
          %gather3A_388 = tpu.memref_squeeze %gather3A_387 : memref<1x64x128xf32, #tpu.memory_space<vmem>> -> memref<64x128xf32, #tpu.memory_space<vmem>>
          %gather3A_389 = tpu.vector_load_idx %gather3A_388[%add3A_383, %broadcast_in_dim3A_362] : memref<64x128xf32, #tpu.memory_space<vmem>>[vector<16xi32>, vector<16xi32>], vector<16xf32>,
          tpu.vector_store_idx %arg14[%broadcast_in_dim3A_372, %broadcast_in_dim3A_366, %add3A_383], %gather3A_389 : memref<2x16x128xf32, #tpu.memory_space<vmem>>[vector<16xi32>, vector<16xi32>, vector<16xi32>], vector<16xf32>,
          %add3A_390 = arith.constant 32 : i32
          %add3A_391 = vector.broadcast %add3A_390 : i32 to vector<16xi32>
          %add3A_392 = arith.addi %iota3A, %add3A_391 : vector<16xi32>
          %gather3A_393 = arith.constant 3 : i32
          %gather3A_394 = arith.constant 0 : i32
          %gather3A_395 = arith.constant 0 : i32
          %gather3A_396 = tpu.memref_slice %arg9[%gather3A_393, %gather3A_394, %gather3A_395] : memref<7x64x128xf32, #tpu.memory_space<vmem>> -> memref<1x64x128xf32, #tpu.memory_space<vmem>>
          %gather3A_397 = tpu.memref_squeeze %gather3A_396 : memref<1x64x128xf32, #tpu.memory_space<vmem>> -> memref<64x128xf32, #tpu.memory_space<vmem>>
          %gather3A_398 = tpu.vector_load_idx %gather3A_397[%add3A_392, %broadcast_in_dim3A_362] : memref<64x128xf32, #tpu.memory_space<vmem>>[vector<16xi32>, vector<16xi32>], vector<16xf32>,
          tpu.vector_store_idx %arg14[%broadcast_in_dim3A_372, %broadcast_in_dim3A_366, %add3A_392], %gather3A_398 : memref<2x16x128xf32, #tpu.memory_space<vmem>>[vector<16xi32>, vector<16xi32>, vector<16xi32>], vector<16xf32>,
          %add3A_399 = arith.constant 48 : i32
          %add3A_400 = vector.broadcast %add3A_399 : i32 to vector<16xi32>
          %add3A_401 = arith.addi %iota3A, %add3A_400 : vector<16xi32>
          %gather3A_402 = arith.constant 3 : i32
          %gather3A_403 = arith.constant 0 : i32
          %gather3A_404 = arith.constant 0 : i32
          %gather3A_405 = tpu.memref_slice %arg9[%gather3A_402, %gather3A_403, %gather3A_404] : memref<7x64x128xf32, #tpu.memory_space<vmem>> -> memref<1x64x128xf32, #tpu.memory_space<vmem>>
          %gather3A_406 = tpu.memref_squeeze %gather3A_405 : memref<1x64x128xf32, #tpu.memory_space<vmem>> -> memref<64x128xf32, #tpu.memory_space<vmem>>
          %gather3A_407 = tpu.vector_load_idx %gather3A_406[%add3A_401, %broadcast_in_dim3A_362] : memref<64x128xf32, #tpu.memory_space<vmem>>[vector<16xi32>, vector<16xi32>], vector<16xf32>,
          tpu.vector_store_idx %arg14[%broadcast_in_dim3A_372, %broadcast_in_dim3A_366, %add3A_401], %gather3A_407 : memref<2x16x128xf32, #tpu.memory_space<vmem>>[vector<16xi32>, vector<16xi32>, vector<16xi32>], vector<16xf32>,
          %broadcast_in_dim3A_408 = vector.broadcast %squeeze3A_359 : i32 to vector<16xi32>
          %eq3A_409 = arith.constant 0 : i32
          %eq3A_410 = vector.broadcast %eq3A_409 : i32 to vector<16xi32>
          %eq3A_411 = arith.cmpi eq, %iota3A, %eq3A_410 : vector<16xi32>
          tpu.vector_store_idx %arg15[%broadcast_in_dim3A_372, %broadcast_in_dim3A_366], %broadcast_in_dim3A_408 masked %eq3A_411 : memref<2x16xi32, #tpu.memory_space<vmem>>[vector<16xi32>, vector<16xi32>], vector<16xi32>, vector<16xi1>
          %add3A_412 = arith.constant 1 : i32
          %add3A_413 = arith.addi %get3A_365, %add3A_412 : i32
          %swap3A_414 = arith.constant 0 : i32
          %swap3A_415 = arith.index_cast %swap3A_414 : i32 to index
          %swap3A_416 = memref.load %arg16[%swap3A_415] : memref<2xi32, #tpu.memory_space<smem>>
          memref.store %add3A_413, %arg16[%swap3A_415] : memref<2xi32, #tpu.memory_space<smem>>
          %add3A_417 = arith.constant 1 : i32
          %add3A_418 = arith.addi %get3A_365, %add3A_417 : i32
          %eq3A_419 = arith.constant 16 : i32
          %eq3A_420 = arith.cmpi eq, %add3A_418, %eq3A_419 : i32
          %convert_element_type3A_421 = arith.extui %eq3A_420 : i1 to i32
          %cond3A_422 = arith.constant 0 : i32
          %cond3A_423 = arith.cmpi ne, %convert_element_type3A_421, %cond3A_422 : i32
          scf.if %cond3A_423 {
            %get3A_425 = arith.constant 1 : i32
            %get3A_426 = arith.index_cast %get3A_425 : i32 to index
            %get3A_427 = memref.load %arg16[%get3A_426] : memref<2xi32, #tpu.memory_space<smem>>
            %and3A_428 = arith.constant 1 : i32
            %and3A_429 = arith.andi %get3A_427, %and3A_428 : i32
            %eq3A_430 = arith.constant 0 : i32
            %eq3A_431 = arith.cmpi eq, %and3A_429, %eq3A_430 : i32
            %convert_element_type3A_432 = arith.extui %eq3A_431 : i1 to i32
            %cond3A_433 = arith.constant 0 : i32
            %cond3A_434 = arith.cmpi ne, %convert_element_type3A_432, %cond3A_433 : i32
            scf.if %cond3A_434 {
              %ge3A_451 = arith.constant 2 : i32
              %ge3A_452 = arith.cmpi sge, %get3A_427, %ge3A_451 : i32
              %convert_element_type3A_453 = arith.extui %ge3A_452 : i1 to i32
              %cond3A_454 = arith.constant 0 : i32
              %cond3A_455 = arith.cmpi ne, %convert_element_type3A_453, %cond3A_454 : i32
              scf.if %cond3A_455 {
                %dma_wait3A_467 = arith.constant 0 : i32
                %dma_wait3A_468 = arith.constant 0 : i32
                %dma_wait3A_469 = arith.constant 0 : i32
                %dma_wait3A_470 = arith.constant 0 : i32
                %dma_wait3A_471 = tpu.memref_slice %arg14[%dma_wait3A_467, %dma_wait3A_469, %dma_wait3A_470] : memref<2x16x128xf32, #tpu.memory_space<vmem>> -> memref<1x16x128xf32, #tpu.memory_space<vmem>>
                %dma_wait3A_472 = tpu.memref_squeeze %dma_wait3A_471 : memref<1x16x128xf32, #tpu.memory_space<vmem>> -> memref<16x128xf32, #tpu.memory_space<vmem>>
                %dma_wait3A_473 = arith.constant 0 : i32
                %dma_wait3A_474 = tpu.memref_slice %arg15[%dma_wait3A_468, %dma_wait3A_473] : memref<2x16xi32, #tpu.memory_space<vmem>> -> memref<1x16xi32, #tpu.memory_space<vmem>>
                %dma_wait3A_475 = tpu.memref_squeeze %dma_wait3A_474 : memref<1x16xi32, #tpu.memory_space<vmem>> -> memref<16xi32, #tpu.memory_space<vmem>>
                %dma_wait3A_476 = arith.constant 0 : i32
                %dma_wait3A_477 = arith.constant 0 : i32
                %dma_wait3A_478 = tpu.memref_slice %arg4[%dma_wait3A_476, %dma_wait3A_477] : memref<16400x128xf32, #tpu.memory_space<hbm>> -> memref<16400x128xf32, #tpu.memory_space<hbm>>
                tpu.wait_indirect_dma semaphore(%arg18 : memref<!tpu.dma_semaphore, #tpu.memory_space<semaphore_mem>>) src(%dma_wait3A_472 : memref<16x128xf32, #tpu.memory_space<vmem>>) dst(%dma_wait3A_478 : memref<16400x128xf32, #tpu.memory_space<hbm>>)
              } else {
              }
              %dma_start3A = arith.constant 0 : i32
              %dma_start3A_456 = arith.constant 0 : i32
              %dma_start3A_457 = arith.constant 0 : i32
              %dma_start3A_458 = arith.constant 0 : i32
              %dma_start3A_459 = tpu.memref_slice %arg14[%dma_start3A, %dma_start3A_457, %dma_start3A_458] : memref<2x16x128xf32, #tpu.memory_space<vmem>> -> memref<1x16x128xf32, #tpu.memory_space<vmem>>
              %dma_start3A_460 = tpu.memref_squeeze %dma_start3A_459 : memref<1x16x128xf32, #tpu.memory_space<vmem>> -> memref<16x128xf32, #tpu.memory_space<vmem>>
              %dma_start3A_461 = arith.constant 0 : i32
              %dma_start3A_462 = tpu.memref_slice %arg15[%dma_start3A_456, %dma_start3A_461] : memref<2x16xi32, #tpu.memory_space<vmem>> -> memref<1x16xi32, #tpu.memory_space<vmem>>
              %dma_start3A_463 = tpu.memref_squeeze %dma_start3A_462 : memref<1x16xi32, #tpu.memory_space<vmem>> -> memref<16xi32, #tpu.memory_space<vmem>>
              %dma_start3A_464 = arith.constant 0 : i32
              %dma_start3A_465 = arith.constant 0 : i32
              %dma_start3A_466 = tpu.memref_slice %arg4[%dma_start3A_464, %dma_start3A_465] : memref<16400x128xf32, #tpu.memory_space<hbm>> -> memref<16400x128xf32, #tpu.memory_space<hbm>>
              tpu.enqueue_indirect_dma source(%dma_start3A_460 : memref<16x128xf32, #tpu.memory_space<vmem>>) target(%dma_start3A_466 : memref<16400x128xf32, #tpu.memory_space<hbm>>) offsets(%dma_start3A_463 : memref<16xi32, #tpu.memory_space<vmem>>) semaphore(%arg18 : memref<!tpu.dma_semaphore, #tpu.memory_space<semaphore_mem>>)
            } else {
            }
            %and3A_435 = arith.constant 1 : i32
            %and3A_436 = arith.andi %get3A_427, %and3A_435 : i32
            %eq3A_437 = arith.constant 1 : i32
            %eq3A_438 = arith.cmpi eq, %and3A_436, %eq3A_437 : i32
            %convert_element_type3A_439 = arith.extui %eq3A_438 : i1 to i32
            %cond3A_440 = arith.constant 0 : i32
            %cond3A_441 = arith.cmpi ne, %convert_element_type3A_439, %cond3A_440 : i32
            scf.if %cond3A_441 {
              %ge3A_451 = arith.constant 2 : i32
              %ge3A_452 = arith.cmpi sge, %get3A_427, %ge3A_451 : i32
              %convert_element_type3A_453 = arith.extui %ge3A_452 : i1 to i32
              %cond3A_454 = arith.constant 0 : i32
              %cond3A_455 = arith.cmpi ne, %convert_element_type3A_453, %cond3A_454 : i32
              scf.if %cond3A_455 {
                %dma_wait3A_467 = arith.constant 1 : i32
                %dma_wait3A_468 = arith.constant 1 : i32
                %dma_wait3A_469 = arith.constant 0 : i32
                %dma_wait3A_470 = arith.constant 0 : i32
                %dma_wait3A_471 = tpu.memref_slice %arg14[%dma_wait3A_467, %dma_wait3A_469, %dma_wait3A_470] : memref<2x16x128xf32, #tpu.memory_space<vmem>> -> memref<1x16x128xf32, #tpu.memory_space<vmem>>
                %dma_wait3A_472 = tpu.memref_squeeze %dma_wait3A_471 : memref<1x16x128xf32, #tpu.memory_space<vmem>> -> memref<16x128xf32, #tpu.memory_space<vmem>>
                %dma_wait3A_473 = arith.constant 0 : i32
                %dma_wait3A_474 = tpu.memref_slice %arg15[%dma_wait3A_468, %dma_wait3A_473] : memref<2x16xi32, #tpu.memory_space<vmem>> -> memref<1x16xi32, #tpu.memory_space<vmem>>
                %dma_wait3A_475 = tpu.memref_squeeze %dma_wait3A_474 : memref<1x16xi32, #tpu.memory_space<vmem>> -> memref<16xi32, #tpu.memory_space<vmem>>
                %dma_wait3A_476 = arith.constant 0 : i32
                %dma_wait3A_477 = arith.constant 0 : i32
                %dma_wait3A_478 = tpu.memref_slice %arg4[%dma_wait3A_476, %dma_wait3A_477] : memref<16400x128xf32, #tpu.memory_space<hbm>> -> memref<16400x128xf32, #tpu.memory_space<hbm>>
                tpu.wait_indirect_dma semaphore(%arg19 : memref<!tpu.dma_semaphore, #tpu.memory_space<semaphore_mem>>) src(%dma_wait3A_472 : memref<16x128xf32, #tpu.memory_space<vmem>>) dst(%dma_wait3A_478 : memref<16400x128xf32, #tpu.memory_space<hbm>>)
              } else {
              }
              %dma_start3A = arith.constant 1 : i32
              %dma_start3A_456 = arith.constant 1 : i32
              %dma_start3A_457 = arith.constant 0 : i32
              %dma_start3A_458 = arith.constant 0 : i32
              %dma_start3A_459 = tpu.memref_slice %arg14[%dma_start3A, %dma_start3A_457, %dma_start3A_458] : memref<2x16x128xf32, #tpu.memory_space<vmem>> -> memref<1x16x128xf32, #tpu.memory_space<vmem>>
              %dma_start3A_460 = tpu.memref_squeeze %dma_start3A_459 : memref<1x16x128xf32, #tpu.memory_space<vmem>> -> memref<16x128xf32, #tpu.memory_space<vmem>>
              %dma_start3A_461 = arith.constant 0 : i32
              %dma_start3A_462 = tpu.memref_slice %arg15[%dma_start3A_456, %dma_start3A_461] : memref<2x16xi32, #tpu.memory_space<vmem>> -> memref<1x16xi32, #tpu.memory_space<vmem>>
              %dma_start3A_463 = tpu.memref_squeeze %dma_start3A_462 : memref<1x16xi32, #tpu.memory_space<vmem>> -> memref<16xi32, #tpu.memory_space<vmem>>
              %dma_start3A_464 = arith.constant 0 : i32
              %dma_start3A_465 = arith.constant 0 : i32
              %dma_start3A_466 = tpu.memref_slice %arg4[%dma_start3A_464, %dma_start3A_465] : memref<16400x128xf32, #tpu.memory_space<hbm>> -> memref<16400x128xf32, #tpu.memory_space<hbm>>
              tpu.enqueue_indirect_dma source(%dma_start3A_460 : memref<16x128xf32, #tpu.memory_space<vmem>>) target(%dma_start3A_466 : memref<16400x128xf32, #tpu.memory_space<hbm>>) offsets(%dma_start3A_463 : memref<16xi32, #tpu.memory_space<vmem>>) semaphore(%arg19 : memref<!tpu.dma_semaphore, #tpu.memory_space<semaphore_mem>>)
            } else {
            }
            %add3A_442 = arith.constant 1 : i32
            %add3A_443 = arith.addi %get3A_427, %add3A_442 : i32
            %swap3A_444 = arith.constant 1 : i32
            %swap3A_445 = arith.index_cast %swap3A_444 : i32 to index
            %swap3A_446 = memref.load %arg16[%swap3A_445] : memref<2xi32, #tpu.memory_space<smem>>
            memref.store %add3A_443, %arg16[%swap3A_445] : memref<2xi32, #tpu.memory_space<smem>>
            %swap3A_447 = arith.constant 0 : i32
            %swap3A_448 = arith.constant 0 : i32
            %swap3A_449 = arith.index_cast %swap3A_448 : i32 to index
            %swap3A_450 = memref.load %arg16[%swap3A_449] : memref<2xi32, #tpu.memory_space<smem>>
            memref.store %swap3A_447, %arg16[%swap3A_449] : memref<2xi32, #tpu.memory_space<smem>>
          } else {
          }
          %while3A_424 = arith.constant 0 : i32
          scf.yield %while3A_424 : i32
        }
        %add3A_344 = arith.constant 7 : i32
        %add3A_345 = arith.addi %add3A_276, %add3A_344 : i32
        %lt3A_346 = arith.cmpi slt, %add3A_345, %scan3A_138#1 : i32
        %convert_element_type3A_347 = arith.extui %lt3A_346 : i1 to i32
        %cond3A_348 = arith.constant 0 : i32
        %cond3A_349 = arith.cmpi ne, %convert_element_type3A_347, %cond3A_348 : i32
        scf.if %cond3A_349 {
          %add3A_350 = arith.constant 7 : i32
          %add3A_351 = arith.addi %add3A_276, %add3A_350 : i32
          %get3A_352 = arith.index_cast %add3A_351 : i32 to index
          %get3A_353 = tpu.vector_load %arg12[%get3A_352] {strides = array<i32>} : memref<272xi32, #tpu.memory_space<vmem>>, vector<16xi32>,
          %slice3A_354 = vector.extract_strided_slice %get3A_353 {offsets = [0], sizes = [1], strides = [1]} : vector<16xi32> to vector<1xi32>
          %squeeze3A_355 = vector.extract %slice3A_354[0] : i32 from vector<1xi32>
          %add3A_356 = arith.addi %squeeze3A_355, %mul3A_2 : i32
          %mul3A_357 = arith.constant 128 : i32
          %mul3A_358 = arith.muli %add3A_356, %mul3A_357 : i32
          %multiple_of3A_359 = tpu.assume_multiple %mul3A_358, 128 : i32
          %dma_start3A = arith.constant 3 : i32
          %dma_start3A_360 = arith.constant 0 : i32
          %dma_start3A_361 = arith.constant 0 : i32
          %dma_start3A_362 = tpu.memref_slice %arg9[%dma_start3A, %dma_start3A_360, %dma_start3A_361] : memref<7x64x128xf32, #tpu.memory_space<vmem>> -> memref<1x64x128xf32, #tpu.memory_space<vmem>>
          %dma_start3A_363 = tpu.memref_squeeze %dma_start3A_362 : memref<1x64x128xf32, #tpu.memory_space<vmem>> -> memref<64x128xf32, #tpu.memory_space<vmem>>
          %dma_start3A_364 = arith.constant 0 : i32
          %dma_start3A_365 = tpu.memref_slice %arg3[%dma_start3A_364, %multiple_of3A_359] : memref<64x1000000xf32, #tpu.memory_space<hbm>> -> memref<64x128xf32, #tpu.memory_space<hbm>>
          %dma_start3A_366 = arith.constant 0 : i32
          %dma_start3A_367 = arith.constant 0 : i32
          %dma_start3A_368 = tpu.memref_slice %arg9[%dma_start3A, %dma_start3A_366, %dma_start3A_367] : memref<7x64x128xf32, #tpu.memory_space<vmem>> -> memref<1x64x128xf32, #tpu.memory_space<vmem>>
          %dma_start3A_369 = tpu.memref_squeeze %dma_start3A_368 : memref<1x64x128xf32, #tpu.memory_space<vmem>> -> memref<64x128xf32, #tpu.memory_space<vmem>>
          %dma_start3A_370 = arith.constant 0 : i32
          %dma_start3A_371 = tpu.memref_slice %arg3[%dma_start3A_370, %multiple_of3A_359] : memref<64x1000000xf32, #tpu.memory_space<hbm>> -> memref<64x128xf32, #tpu.memory_space<hbm>>
          tpu.enqueue_dma source(%dma_start3A_371 : memref<64x128xf32, #tpu.memory_space<hbm>>) target(%dma_start3A_369 : memref<64x128xf32, #tpu.memory_space<vmem>>) target_semaphore(%arg17 : memref<!tpu.dma_semaphore, #tpu.memory_space<semaphore_mem>>)
        } else {
        }
      } else {
      }
      %mul3A_281 = arith.constant 7 : i32
      %mul3A_282 = arith.muli %scan3A_248, %mul3A_281 : i32
      %add3A_283 = arith.constant 4 : i32
      %add3A_284 = arith.addi %mul3A_282, %add3A_283 : i32
      %lt3A_285 = arith.cmpi slt, %add3A_284, %scan3A_138#1 : i32
      %convert_element_type3A_286 = arith.extui %lt3A_285 : i1 to i32
      %cond3A_287 = arith.constant 0 : i32
      %cond3A_288 = arith.cmpi ne, %convert_element_type3A_286, %cond3A_287 : i32
      scf.if %cond3A_288 {
        %get3A_306 = arith.index_cast %add3A_284 : i32 to index
        %get3A_307 = tpu.vector_load %arg12[%get3A_306] {strides = array<i32>} : memref<272xi32, #tpu.memory_space<vmem>>, vector<16xi32>,
        %slice3A = vector.extract_strided_slice %get3A_307 {offsets = [0], sizes = [1], strides = [1]} : vector<16xi32> to vector<1xi32>
        %squeeze3A = vector.extract %slice3A[0] : i32 from vector<1xi32>
        %add3A_308 = arith.addi %squeeze3A, %mul3A_2 : i32
        %mul3A_309 = arith.constant 128 : i32
        %mul3A_310 = arith.muli %add3A_308, %mul3A_309 : i32
        %multiple_of3A = tpu.assume_multiple %mul3A_310, 128 : i32
        %dma_wait3A = arith.constant 4 : i32
        %dma_wait3A_311 = arith.constant 0 : i32
        %dma_wait3A_312 = arith.constant 0 : i32
        %dma_wait3A_313 = tpu.memref_slice %arg9[%dma_wait3A, %dma_wait3A_311, %dma_wait3A_312] : memref<7x64x128xf32, #tpu.memory_space<vmem>> -> memref<1x64x128xf32, #tpu.memory_space<vmem>>
        %dma_wait3A_314 = tpu.memref_squeeze %dma_wait3A_313 : memref<1x64x128xf32, #tpu.memory_space<vmem>> -> memref<64x128xf32, #tpu.memory_space<vmem>>
        %dma_wait3A_315 = arith.constant 0 : i32
        %dma_wait3A_316 = tpu.memref_slice %arg3[%dma_wait3A_315, %multiple_of3A] : memref<64x1000000xf32, #tpu.memory_space<hbm>> -> memref<64x128xf32, #tpu.memory_space<hbm>>
        %dma_wait3A_317 = arith.constant 0 : i32
        %dma_wait3A_318 = arith.constant 0 : i32
        %dma_wait3A_319 = tpu.memref_slice %arg9[%dma_wait3A, %dma_wait3A_317, %dma_wait3A_318] : memref<7x64x128xf32, #tpu.memory_space<vmem>> -> memref<1x64x128xf32, #tpu.memory_space<vmem>>
        %dma_wait3A_320 = tpu.memref_squeeze %dma_wait3A_319 : memref<1x64x128xf32, #tpu.memory_space<vmem>> -> memref<64x128xf32, #tpu.memory_space<vmem>>
        %dma_wait3A_321 = arith.constant 0 : i32
        %dma_wait3A_322 = tpu.memref_slice %arg3[%dma_wait3A_321, %multiple_of3A] : memref<64x1000000xf32, #tpu.memory_space<hbm>> -> memref<64x128xf32, #tpu.memory_space<hbm>>
        tpu.wait_dma2 semaphore(%arg17 : memref<!tpu.dma_semaphore, #tpu.memory_space<semaphore_mem>>) src(%dma_wait3A_322 : memref<64x128xf32, #tpu.memory_space<hbm>>) dst(%dma_wait3A_320 : memref<64x128xf32, #tpu.memory_space<vmem>>)
        %get3A_323 = arith.index_cast %add3A_284 : i32 to index
        %get3A_324 = tpu.vector_load %arg13[%get3A_323] {strides = array<i32>} : memref<272xi32, #tpu.memory_space<vmem>>, vector<16xi32>,
        %slice3A_325 = vector.extract_strided_slice %get3A_324 {offsets = [0], sizes = [1], strides = [1]} : vector<16xi32> to vector<1xi32>
        %squeeze3A_326 = vector.extract %slice3A_325[0] : i32 from vector<1xi32>
        %add3A_327 = arith.constant 1 : i32
        %add3A_328 = arith.addi %add3A_284, %add3A_327 : i32
        %get3A_329 = arith.index_cast %add3A_328 : i32 to index
        %get3A_330 = tpu.vector_load %arg13[%get3A_329] {strides = array<i32>} : memref<272xi32, #tpu.memory_space<vmem>>, vector<16xi32>,
        %slice3A_331 = vector.extract_strided_slice %get3A_330 {offsets = [0], sizes = [1], strides = [1]} : vector<16xi32> to vector<1xi32>
        %squeeze3A_332 = vector.extract %slice3A_331[0] : i32 from vector<1xi32>
        %while3A_333 = arith.constant 0 : i32
        %while3A_334 = arith.subi %squeeze3A_332, %squeeze3A_326 : i32
        %while3A_335 = arith.addi %squeeze3A_326, %while3A_334 : i32
        %while3A_336 = arith.constant 1 : i32
        %while3A_337 = arith.divsi %while3A_334, %while3A_336 : i32
        %while3A_338 = arith.muli %while3A_337, %while3A_336 : i32
        %while3A_339 = arith.addi %squeeze3A_326, %while3A_338 : i32
        %while3A_340 = arith.constant 1 : i32
        %while3A_341 = scf.for %while3A_350 = %squeeze3A_326 to %while3A_339 step %while3A_340 iter_args(%while3A_351 = %while3A_333) -> (i32)  : i32 {
          %get3A_352 = arith.index_cast %while3A_350 : i32 to index
          %get3A_353 = tpu.vector_load %arg5[%get3A_352] {strides = array<i32>} : memref<16400xi32, #tpu.memory_space<vmem>>, vector<16xi32>,
          %slice3A_354 = vector.extract_strided_slice %get3A_353 {offsets = [0], sizes = [1], strides = [1]} : vector<16xi32> to vector<1xi32>
          %squeeze3A_355 = vector.extract %slice3A_354[0] : i32 from vector<1xi32>
          %get3A_356 = arith.index_cast %while3A_350 : i32 to index
          %get3A_357 = tpu.vector_load %arg8[%get3A_356] {strides = array<i32>} : memref<16400xi32, #tpu.memory_space<vmem>>, vector<16xi32>,
          %slice3A_358 = vector.extract_strided_slice %get3A_357 {offsets = [0], sizes = [1], strides = [1]} : vector<16xi32> to vector<1xi32>
          %squeeze3A_359 = vector.extract %slice3A_358[0] : i32 from vector<1xi32>
          %and3A_360 = arith.constant 127 : i32
          %and3A_361 = arith.andi %squeeze3A_355, %and3A_360 : i32
          %broadcast_in_dim3A_362 = vector.broadcast %and3A_361 : i32 to vector<16xi32>
          %get3A_363 = arith.constant 0 : i32
          %get3A_364 = arith.index_cast %get3A_363 : i32 to index
          %get3A_365 = memref.load %arg16[%get3A_364] : memref<2xi32, #tpu.memory_space<smem>>
          %broadcast_in_dim3A_366 = vector.broadcast %get3A_365 : i32 to vector<16xi32>
          %get3A_367 = arith.constant 1 : i32
          %get3A_368 = arith.index_cast %get3A_367 : i32 to index
          %get3A_369 = memref.load %arg16[%get3A_368] : memref<2xi32, #tpu.memory_space<smem>>
          %and3A_370 = arith.constant 1 : i32
          %and3A_371 = arith.andi %get3A_369, %and3A_370 : i32
          %broadcast_in_dim3A_372 = vector.broadcast %and3A_371 : i32 to vector<16xi32>
          %add3A_373 = arith.constant 0 : i32
          %add3A_374 = vector.broadcast %add3A_373 : i32 to vector<16xi32>
          %add3A_375 = arith.addi %iota3A, %add3A_374 : vector<16xi32>
          %gather3A = arith.constant 4 : i32
          %gather3A_376 = arith.constant 0 : i32
          %gather3A_377 = arith.constant 0 : i32
          %gather3A_378 = tpu.memref_slice %arg9[%gather3A, %gather3A_376, %gather3A_377] : memref<7x64x128xf32, #tpu.memory_space<vmem>> -> memref<1x64x128xf32, #tpu.memory_space<vmem>>
          %gather3A_379 = tpu.memref_squeeze %gather3A_378 : memref<1x64x128xf32, #tpu.memory_space<vmem>> -> memref<64x128xf32, #tpu.memory_space<vmem>>
          %gather3A_380 = tpu.vector_load_idx %gather3A_379[%add3A_375, %broadcast_in_dim3A_362] : memref<64x128xf32, #tpu.memory_space<vmem>>[vector<16xi32>, vector<16xi32>], vector<16xf32>,
          tpu.vector_store_idx %arg14[%broadcast_in_dim3A_372, %broadcast_in_dim3A_366, %add3A_375], %gather3A_380 : memref<2x16x128xf32, #tpu.memory_space<vmem>>[vector<16xi32>, vector<16xi32>, vector<16xi32>], vector<16xf32>,
          %add3A_381 = arith.constant 16 : i32
          %add3A_382 = vector.broadcast %add3A_381 : i32 to vector<16xi32>
          %add3A_383 = arith.addi %iota3A, %add3A_382 : vector<16xi32>
          %gather3A_384 = arith.constant 4 : i32
          %gather3A_385 = arith.constant 0 : i32
          %gather3A_386 = arith.constant 0 : i32
          %gather3A_387 = tpu.memref_slice %arg9[%gather3A_384, %gather3A_385, %gather3A_386] : memref<7x64x128xf32, #tpu.memory_space<vmem>> -> memref<1x64x128xf32, #tpu.memory_space<vmem>>
          %gather3A_388 = tpu.memref_squeeze %gather3A_387 : memref<1x64x128xf32, #tpu.memory_space<vmem>> -> memref<64x128xf32, #tpu.memory_space<vmem>>
          %gather3A_389 = tpu.vector_load_idx %gather3A_388[%add3A_383, %broadcast_in_dim3A_362] : memref<64x128xf32, #tpu.memory_space<vmem>>[vector<16xi32>, vector<16xi32>], vector<16xf32>,
          tpu.vector_store_idx %arg14[%broadcast_in_dim3A_372, %broadcast_in_dim3A_366, %add3A_383], %gather3A_389 : memref<2x16x128xf32, #tpu.memory_space<vmem>>[vector<16xi32>, vector<16xi32>, vector<16xi32>], vector<16xf32>,
          %add3A_390 = arith.constant 32 : i32
          %add3A_391 = vector.broadcast %add3A_390 : i32 to vector<16xi32>
          %add3A_392 = arith.addi %iota3A, %add3A_391 : vector<16xi32>
          %gather3A_393 = arith.constant 4 : i32
          %gather3A_394 = arith.constant 0 : i32
          %gather3A_395 = arith.constant 0 : i32
          %gather3A_396 = tpu.memref_slice %arg9[%gather3A_393, %gather3A_394, %gather3A_395] : memref<7x64x128xf32, #tpu.memory_space<vmem>> -> memref<1x64x128xf32, #tpu.memory_space<vmem>>
          %gather3A_397 = tpu.memref_squeeze %gather3A_396 : memref<1x64x128xf32, #tpu.memory_space<vmem>> -> memref<64x128xf32, #tpu.memory_space<vmem>>
          %gather3A_398 = tpu.vector_load_idx %gather3A_397[%add3A_392, %broadcast_in_dim3A_362] : memref<64x128xf32, #tpu.memory_space<vmem>>[vector<16xi32>, vector<16xi32>], vector<16xf32>,
          tpu.vector_store_idx %arg14[%broadcast_in_dim3A_372, %broadcast_in_dim3A_366, %add3A_392], %gather3A_398 : memref<2x16x128xf32, #tpu.memory_space<vmem>>[vector<16xi32>, vector<16xi32>, vector<16xi32>], vector<16xf32>,
          %add3A_399 = arith.constant 48 : i32
          %add3A_400 = vector.broadcast %add3A_399 : i32 to vector<16xi32>
          %add3A_401 = arith.addi %iota3A, %add3A_400 : vector<16xi32>
          %gather3A_402 = arith.constant 4 : i32
          %gather3A_403 = arith.constant 0 : i32
          %gather3A_404 = arith.constant 0 : i32
          %gather3A_405 = tpu.memref_slice %arg9[%gather3A_402, %gather3A_403, %gather3A_404] : memref<7x64x128xf32, #tpu.memory_space<vmem>> -> memref<1x64x128xf32, #tpu.memory_space<vmem>>
          %gather3A_406 = tpu.memref_squeeze %gather3A_405 : memref<1x64x128xf32, #tpu.memory_space<vmem>> -> memref<64x128xf32, #tpu.memory_space<vmem>>
          %gather3A_407 = tpu.vector_load_idx %gather3A_406[%add3A_401, %broadcast_in_dim3A_362] : memref<64x128xf32, #tpu.memory_space<vmem>>[vector<16xi32>, vector<16xi32>], vector<16xf32>,
          tpu.vector_store_idx %arg14[%broadcast_in_dim3A_372, %broadcast_in_dim3A_366, %add3A_401], %gather3A_407 : memref<2x16x128xf32, #tpu.memory_space<vmem>>[vector<16xi32>, vector<16xi32>, vector<16xi32>], vector<16xf32>,
          %broadcast_in_dim3A_408 = vector.broadcast %squeeze3A_359 : i32 to vector<16xi32>
          %eq3A_409 = arith.constant 0 : i32
          %eq3A_410 = vector.broadcast %eq3A_409 : i32 to vector<16xi32>
          %eq3A_411 = arith.cmpi eq, %iota3A, %eq3A_410 : vector<16xi32>
          tpu.vector_store_idx %arg15[%broadcast_in_dim3A_372, %broadcast_in_dim3A_366], %broadcast_in_dim3A_408 masked %eq3A_411 : memref<2x16xi32, #tpu.memory_space<vmem>>[vector<16xi32>, vector<16xi32>], vector<16xi32>, vector<16xi1>
          %add3A_412 = arith.constant 1 : i32
          %add3A_413 = arith.addi %get3A_365, %add3A_412 : i32
          %swap3A_414 = arith.constant 0 : i32
          %swap3A_415 = arith.index_cast %swap3A_414 : i32 to index
          %swap3A_416 = memref.load %arg16[%swap3A_415] : memref<2xi32, #tpu.memory_space<smem>>
          memref.store %add3A_413, %arg16[%swap3A_415] : memref<2xi32, #tpu.memory_space<smem>>
          %add3A_417 = arith.constant 1 : i32
          %add3A_418 = arith.addi %get3A_365, %add3A_417 : i32
          %eq3A_419 = arith.constant 16 : i32
          %eq3A_420 = arith.cmpi eq, %add3A_418, %eq3A_419 : i32
          %convert_element_type3A_421 = arith.extui %eq3A_420 : i1 to i32
          %cond3A_422 = arith.constant 0 : i32
          %cond3A_423 = arith.cmpi ne, %convert_element_type3A_421, %cond3A_422 : i32
          scf.if %cond3A_423 {
            %get3A_425 = arith.constant 1 : i32
            %get3A_426 = arith.index_cast %get3A_425 : i32 to index
            %get3A_427 = memref.load %arg16[%get3A_426] : memref<2xi32, #tpu.memory_space<smem>>
            %and3A_428 = arith.constant 1 : i32
            %and3A_429 = arith.andi %get3A_427, %and3A_428 : i32
            %eq3A_430 = arith.constant 0 : i32
            %eq3A_431 = arith.cmpi eq, %and3A_429, %eq3A_430 : i32
            %convert_element_type3A_432 = arith.extui %eq3A_431 : i1 to i32
            %cond3A_433 = arith.constant 0 : i32
            %cond3A_434 = arith.cmpi ne, %convert_element_type3A_432, %cond3A_433 : i32
            scf.if %cond3A_434 {
              %ge3A_451 = arith.constant 2 : i32
              %ge3A_452 = arith.cmpi sge, %get3A_427, %ge3A_451 : i32
              %convert_element_type3A_453 = arith.extui %ge3A_452 : i1 to i32
              %cond3A_454 = arith.constant 0 : i32
              %cond3A_455 = arith.cmpi ne, %convert_element_type3A_453, %cond3A_454 : i32
              scf.if %cond3A_455 {
                %dma_wait3A_467 = arith.constant 0 : i32
                %dma_wait3A_468 = arith.constant 0 : i32
                %dma_wait3A_469 = arith.constant 0 : i32
                %dma_wait3A_470 = arith.constant 0 : i32
                %dma_wait3A_471 = tpu.memref_slice %arg14[%dma_wait3A_467, %dma_wait3A_469, %dma_wait3A_470] : memref<2x16x128xf32, #tpu.memory_space<vmem>> -> memref<1x16x128xf32, #tpu.memory_space<vmem>>
                %dma_wait3A_472 = tpu.memref_squeeze %dma_wait3A_471 : memref<1x16x128xf32, #tpu.memory_space<vmem>> -> memref<16x128xf32, #tpu.memory_space<vmem>>
                %dma_wait3A_473 = arith.constant 0 : i32
                %dma_wait3A_474 = tpu.memref_slice %arg15[%dma_wait3A_468, %dma_wait3A_473] : memref<2x16xi32, #tpu.memory_space<vmem>> -> memref<1x16xi32, #tpu.memory_space<vmem>>
                %dma_wait3A_475 = tpu.memref_squeeze %dma_wait3A_474 : memref<1x16xi32, #tpu.memory_space<vmem>> -> memref<16xi32, #tpu.memory_space<vmem>>
                %dma_wait3A_476 = arith.constant 0 : i32
                %dma_wait3A_477 = arith.constant 0 : i32
                %dma_wait3A_478 = tpu.memref_slice %arg4[%dma_wait3A_476, %dma_wait3A_477] : memref<16400x128xf32, #tpu.memory_space<hbm>> -> memref<16400x128xf32, #tpu.memory_space<hbm>>
                tpu.wait_indirect_dma semaphore(%arg18 : memref<!tpu.dma_semaphore, #tpu.memory_space<semaphore_mem>>) src(%dma_wait3A_472 : memref<16x128xf32, #tpu.memory_space<vmem>>) dst(%dma_wait3A_478 : memref<16400x128xf32, #tpu.memory_space<hbm>>)
              } else {
              }
              %dma_start3A = arith.constant 0 : i32
              %dma_start3A_456 = arith.constant 0 : i32
              %dma_start3A_457 = arith.constant 0 : i32
              %dma_start3A_458 = arith.constant 0 : i32
              %dma_start3A_459 = tpu.memref_slice %arg14[%dma_start3A, %dma_start3A_457, %dma_start3A_458] : memref<2x16x128xf32, #tpu.memory_space<vmem>> -> memref<1x16x128xf32, #tpu.memory_space<vmem>>
              %dma_start3A_460 = tpu.memref_squeeze %dma_start3A_459 : memref<1x16x128xf32, #tpu.memory_space<vmem>> -> memref<16x128xf32, #tpu.memory_space<vmem>>
              %dma_start3A_461 = arith.constant 0 : i32
              %dma_start3A_462 = tpu.memref_slice %arg15[%dma_start3A_456, %dma_start3A_461] : memref<2x16xi32, #tpu.memory_space<vmem>> -> memref<1x16xi32, #tpu.memory_space<vmem>>
              %dma_start3A_463 = tpu.memref_squeeze %dma_start3A_462 : memref<1x16xi32, #tpu.memory_space<vmem>> -> memref<16xi32, #tpu.memory_space<vmem>>
              %dma_start3A_464 = arith.constant 0 : i32
              %dma_start3A_465 = arith.constant 0 : i32
              %dma_start3A_466 = tpu.memref_slice %arg4[%dma_start3A_464, %dma_start3A_465] : memref<16400x128xf32, #tpu.memory_space<hbm>> -> memref<16400x128xf32, #tpu.memory_space<hbm>>
              tpu.enqueue_indirect_dma source(%dma_start3A_460 : memref<16x128xf32, #tpu.memory_space<vmem>>) target(%dma_start3A_466 : memref<16400x128xf32, #tpu.memory_space<hbm>>) offsets(%dma_start3A_463 : memref<16xi32, #tpu.memory_space<vmem>>) semaphore(%arg18 : memref<!tpu.dma_semaphore, #tpu.memory_space<semaphore_mem>>)
            } else {
            }
            %and3A_435 = arith.constant 1 : i32
            %and3A_436 = arith.andi %get3A_427, %and3A_435 : i32
            %eq3A_437 = arith.constant 1 : i32
            %eq3A_438 = arith.cmpi eq, %and3A_436, %eq3A_437 : i32
            %convert_element_type3A_439 = arith.extui %eq3A_438 : i1 to i32
            %cond3A_440 = arith.constant 0 : i32
            %cond3A_441 = arith.cmpi ne, %convert_element_type3A_439, %cond3A_440 : i32
            scf.if %cond3A_441 {
              %ge3A_451 = arith.constant 2 : i32
              %ge3A_452 = arith.cmpi sge, %get3A_427, %ge3A_451 : i32
              %convert_element_type3A_453 = arith.extui %ge3A_452 : i1 to i32
              %cond3A_454 = arith.constant 0 : i32
              %cond3A_455 = arith.cmpi ne, %convert_element_type3A_453, %cond3A_454 : i32
              scf.if %cond3A_455 {
                %dma_wait3A_467 = arith.constant 1 : i32
                %dma_wait3A_468 = arith.constant 1 : i32
                %dma_wait3A_469 = arith.constant 0 : i32
                %dma_wait3A_470 = arith.constant 0 : i32
                %dma_wait3A_471 = tpu.memref_slice %arg14[%dma_wait3A_467, %dma_wait3A_469, %dma_wait3A_470] : memref<2x16x128xf32, #tpu.memory_space<vmem>> -> memref<1x16x128xf32, #tpu.memory_space<vmem>>
                %dma_wait3A_472 = tpu.memref_squeeze %dma_wait3A_471 : memref<1x16x128xf32, #tpu.memory_space<vmem>> -> memref<16x128xf32, #tpu.memory_space<vmem>>
                %dma_wait3A_473 = arith.constant 0 : i32
                %dma_wait3A_474 = tpu.memref_slice %arg15[%dma_wait3A_468, %dma_wait3A_473] : memref<2x16xi32, #tpu.memory_space<vmem>> -> memref<1x16xi32, #tpu.memory_space<vmem>>
                %dma_wait3A_475 = tpu.memref_squeeze %dma_wait3A_474 : memref<1x16xi32, #tpu.memory_space<vmem>> -> memref<16xi32, #tpu.memory_space<vmem>>
                %dma_wait3A_476 = arith.constant 0 : i32
                %dma_wait3A_477 = arith.constant 0 : i32
                %dma_wait3A_478 = tpu.memref_slice %arg4[%dma_wait3A_476, %dma_wait3A_477] : memref<16400x128xf32, #tpu.memory_space<hbm>> -> memref<16400x128xf32, #tpu.memory_space<hbm>>
                tpu.wait_indirect_dma semaphore(%arg19 : memref<!tpu.dma_semaphore, #tpu.memory_space<semaphore_mem>>) src(%dma_wait3A_472 : memref<16x128xf32, #tpu.memory_space<vmem>>) dst(%dma_wait3A_478 : memref<16400x128xf32, #tpu.memory_space<hbm>>)
              } else {
              }
              %dma_start3A = arith.constant 1 : i32
              %dma_start3A_456 = arith.constant 1 : i32
              %dma_start3A_457 = arith.constant 0 : i32
              %dma_start3A_458 = arith.constant 0 : i32
              %dma_start3A_459 = tpu.memref_slice %arg14[%dma_start3A, %dma_start3A_457, %dma_start3A_458] : memref<2x16x128xf32, #tpu.memory_space<vmem>> -> memref<1x16x128xf32, #tpu.memory_space<vmem>>
              %dma_start3A_460 = tpu.memref_squeeze %dma_start3A_459 : memref<1x16x128xf32, #tpu.memory_space<vmem>> -> memref<16x128xf32, #tpu.memory_space<vmem>>
              %dma_start3A_461 = arith.constant 0 : i32
              %dma_start3A_462 = tpu.memref_slice %arg15[%dma_start3A_456, %dma_start3A_461] : memref<2x16xi32, #tpu.memory_space<vmem>> -> memref<1x16xi32, #tpu.memory_space<vmem>>
              %dma_start3A_463 = tpu.memref_squeeze %dma_start3A_462 : memref<1x16xi32, #tpu.memory_space<vmem>> -> memref<16xi32, #tpu.memory_space<vmem>>
              %dma_start3A_464 = arith.constant 0 : i32
              %dma_start3A_465 = arith.constant 0 : i32
              %dma_start3A_466 = tpu.memref_slice %arg4[%dma_start3A_464, %dma_start3A_465] : memref<16400x128xf32, #tpu.memory_space<hbm>> -> memref<16400x128xf32, #tpu.memory_space<hbm>>
              tpu.enqueue_indirect_dma source(%dma_start3A_460 : memref<16x128xf32, #tpu.memory_space<vmem>>) target(%dma_start3A_466 : memref<16400x128xf32, #tpu.memory_space<hbm>>) offsets(%dma_start3A_463 : memref<16xi32, #tpu.memory_space<vmem>>) semaphore(%arg19 : memref<!tpu.dma_semaphore, #tpu.memory_space<semaphore_mem>>)
            } else {
            }
            %add3A_442 = arith.constant 1 : i32
            %add3A_443 = arith.addi %get3A_427, %add3A_442 : i32
            %swap3A_444 = arith.constant 1 : i32
            %swap3A_445 = arith.index_cast %swap3A_444 : i32 to index
            %swap3A_446 = memref.load %arg16[%swap3A_445] : memref<2xi32, #tpu.memory_space<smem>>
            memref.store %add3A_443, %arg16[%swap3A_445] : memref<2xi32, #tpu.memory_space<smem>>
            %swap3A_447 = arith.constant 0 : i32
            %swap3A_448 = arith.constant 0 : i32
            %swap3A_449 = arith.index_cast %swap3A_448 : i32 to index
            %swap3A_450 = memref.load %arg16[%swap3A_449] : memref<2xi32, #tpu.memory_space<smem>>
            memref.store %swap3A_447, %arg16[%swap3A_449] : memref<2xi32, #tpu.memory_space<smem>>
          } else {
          }
          %while3A_424 = arith.constant 0 : i32
          scf.yield %while3A_424 : i32
        }
        %while3A_342 = arith.constant 1 : i32
        %while3A_343 = scf.for %while3A_350 = %while3A_339 to %while3A_335 step %while3A_342 iter_args(%while3A_351 = %while3A_341) -> (i32)  : i32 {
          %get3A_352 = arith.index_cast %while3A_350 : i32 to index
          %get3A_353 = tpu.vector_load %arg5[%get3A_352] {strides = array<i32>} : memref<16400xi32, #tpu.memory_space<vmem>>, vector<16xi32>,
          %slice3A_354 = vector.extract_strided_slice %get3A_353 {offsets = [0], sizes = [1], strides = [1]} : vector<16xi32> to vector<1xi32>
          %squeeze3A_355 = vector.extract %slice3A_354[0] : i32 from vector<1xi32>
          %get3A_356 = arith.index_cast %while3A_350 : i32 to index
          %get3A_357 = tpu.vector_load %arg8[%get3A_356] {strides = array<i32>} : memref<16400xi32, #tpu.memory_space<vmem>>, vector<16xi32>,
          %slice3A_358 = vector.extract_strided_slice %get3A_357 {offsets = [0], sizes = [1], strides = [1]} : vector<16xi32> to vector<1xi32>
          %squeeze3A_359 = vector.extract %slice3A_358[0] : i32 from vector<1xi32>
          %and3A_360 = arith.constant 127 : i32
          %and3A_361 = arith.andi %squeeze3A_355, %and3A_360 : i32
          %broadcast_in_dim3A_362 = vector.broadcast %and3A_361 : i32 to vector<16xi32>
          %get3A_363 = arith.constant 0 : i32
          %get3A_364 = arith.index_cast %get3A_363 : i32 to index
          %get3A_365 = memref.load %arg16[%get3A_364] : memref<2xi32, #tpu.memory_space<smem>>
          %broadcast_in_dim3A_366 = vector.broadcast %get3A_365 : i32 to vector<16xi32>
          %get3A_367 = arith.constant 1 : i32
          %get3A_368 = arith.index_cast %get3A_367 : i32 to index
          %get3A_369 = memref.load %arg16[%get3A_368] : memref<2xi32, #tpu.memory_space<smem>>
          %and3A_370 = arith.constant 1 : i32
          %and3A_371 = arith.andi %get3A_369, %and3A_370 : i32
          %broadcast_in_dim3A_372 = vector.broadcast %and3A_371 : i32 to vector<16xi32>
          %add3A_373 = arith.constant 0 : i32
          %add3A_374 = vector.broadcast %add3A_373 : i32 to vector<16xi32>
          %add3A_375 = arith.addi %iota3A, %add3A_374 : vector<16xi32>
          %gather3A = arith.constant 4 : i32
          %gather3A_376 = arith.constant 0 : i32
          %gather3A_377 = arith.constant 0 : i32
          %gather3A_378 = tpu.memref_slice %arg9[%gather3A, %gather3A_376, %gather3A_377] : memref<7x64x128xf32, #tpu.memory_space<vmem>> -> memref<1x64x128xf32, #tpu.memory_space<vmem>>
          %gather3A_379 = tpu.memref_squeeze %gather3A_378 : memref<1x64x128xf32, #tpu.memory_space<vmem>> -> memref<64x128xf32, #tpu.memory_space<vmem>>
          %gather3A_380 = tpu.vector_load_idx %gather3A_379[%add3A_375, %broadcast_in_dim3A_362] : memref<64x128xf32, #tpu.memory_space<vmem>>[vector<16xi32>, vector<16xi32>], vector<16xf32>,
          tpu.vector_store_idx %arg14[%broadcast_in_dim3A_372, %broadcast_in_dim3A_366, %add3A_375], %gather3A_380 : memref<2x16x128xf32, #tpu.memory_space<vmem>>[vector<16xi32>, vector<16xi32>, vector<16xi32>], vector<16xf32>,
          %add3A_381 = arith.constant 16 : i32
          %add3A_382 = vector.broadcast %add3A_381 : i32 to vector<16xi32>
          %add3A_383 = arith.addi %iota3A, %add3A_382 : vector<16xi32>
          %gather3A_384 = arith.constant 4 : i32
          %gather3A_385 = arith.constant 0 : i32
          %gather3A_386 = arith.constant 0 : i32
          %gather3A_387 = tpu.memref_slice %arg9[%gather3A_384, %gather3A_385, %gather3A_386] : memref<7x64x128xf32, #tpu.memory_space<vmem>> -> memref<1x64x128xf32, #tpu.memory_space<vmem>>
          %gather3A_388 = tpu.memref_squeeze %gather3A_387 : memref<1x64x128xf32, #tpu.memory_space<vmem>> -> memref<64x128xf32, #tpu.memory_space<vmem>>
          %gather3A_389 = tpu.vector_load_idx %gather3A_388[%add3A_383, %broadcast_in_dim3A_362] : memref<64x128xf32, #tpu.memory_space<vmem>>[vector<16xi32>, vector<16xi32>], vector<16xf32>,
          tpu.vector_store_idx %arg14[%broadcast_in_dim3A_372, %broadcast_in_dim3A_366, %add3A_383], %gather3A_389 : memref<2x16x128xf32, #tpu.memory_space<vmem>>[vector<16xi32>, vector<16xi32>, vector<16xi32>], vector<16xf32>,
          %add3A_390 = arith.constant 32 : i32
          %add3A_391 = vector.broadcast %add3A_390 : i32 to vector<16xi32>
          %add3A_392 = arith.addi %iota3A, %add3A_391 : vector<16xi32>
          %gather3A_393 = arith.constant 4 : i32
          %gather3A_394 = arith.constant 0 : i32
          %gather3A_395 = arith.constant 0 : i32
          %gather3A_396 = tpu.memref_slice %arg9[%gather3A_393, %gather3A_394, %gather3A_395] : memref<7x64x128xf32, #tpu.memory_space<vmem>> -> memref<1x64x128xf32, #tpu.memory_space<vmem>>
          %gather3A_397 = tpu.memref_squeeze %gather3A_396 : memref<1x64x128xf32, #tpu.memory_space<vmem>> -> memref<64x128xf32, #tpu.memory_space<vmem>>
          %gather3A_398 = tpu.vector_load_idx %gather3A_397[%add3A_392, %broadcast_in_dim3A_362] : memref<64x128xf32, #tpu.memory_space<vmem>>[vector<16xi32>, vector<16xi32>], vector<16xf32>,
          tpu.vector_store_idx %arg14[%broadcast_in_dim3A_372, %broadcast_in_dim3A_366, %add3A_392], %gather3A_398 : memref<2x16x128xf32, #tpu.memory_space<vmem>>[vector<16xi32>, vector<16xi32>, vector<16xi32>], vector<16xf32>,
          %add3A_399 = arith.constant 48 : i32
          %add3A_400 = vector.broadcast %add3A_399 : i32 to vector<16xi32>
          %add3A_401 = arith.addi %iota3A, %add3A_400 : vector<16xi32>
          %gather3A_402 = arith.constant 4 : i32
          %gather3A_403 = arith.constant 0 : i32
          %gather3A_404 = arith.constant 0 : i32
          %gather3A_405 = tpu.memref_slice %arg9[%gather3A_402, %gather3A_403, %gather3A_404] : memref<7x64x128xf32, #tpu.memory_space<vmem>> -> memref<1x64x128xf32, #tpu.memory_space<vmem>>
          %gather3A_406 = tpu.memref_squeeze %gather3A_405 : memref<1x64x128xf32, #tpu.memory_space<vmem>> -> memref<64x128xf32, #tpu.memory_space<vmem>>
          %gather3A_407 = tpu.vector_load_idx %gather3A_406[%add3A_401, %broadcast_in_dim3A_362] : memref<64x128xf32, #tpu.memory_space<vmem>>[vector<16xi32>, vector<16xi32>], vector<16xf32>,
          tpu.vector_store_idx %arg14[%broadcast_in_dim3A_372, %broadcast_in_dim3A_366, %add3A_401], %gather3A_407 : memref<2x16x128xf32, #tpu.memory_space<vmem>>[vector<16xi32>, vector<16xi32>, vector<16xi32>], vector<16xf32>,
          %broadcast_in_dim3A_408 = vector.broadcast %squeeze3A_359 : i32 to vector<16xi32>
          %eq3A_409 = arith.constant 0 : i32
          %eq3A_410 = vector.broadcast %eq3A_409 : i32 to vector<16xi32>
          %eq3A_411 = arith.cmpi eq, %iota3A, %eq3A_410 : vector<16xi32>
          tpu.vector_store_idx %arg15[%broadcast_in_dim3A_372, %broadcast_in_dim3A_366], %broadcast_in_dim3A_408 masked %eq3A_411 : memref<2x16xi32, #tpu.memory_space<vmem>>[vector<16xi32>, vector<16xi32>], vector<16xi32>, vector<16xi1>
          %add3A_412 = arith.constant 1 : i32
          %add3A_413 = arith.addi %get3A_365, %add3A_412 : i32
          %swap3A_414 = arith.constant 0 : i32
          %swap3A_415 = arith.index_cast %swap3A_414 : i32 to index
          %swap3A_416 = memref.load %arg16[%swap3A_415] : memref<2xi32, #tpu.memory_space<smem>>
          memref.store %add3A_413, %arg16[%swap3A_415] : memref<2xi32, #tpu.memory_space<smem>>
          %add3A_417 = arith.constant 1 : i32
          %add3A_418 = arith.addi %get3A_365, %add3A_417 : i32
          %eq3A_419 = arith.constant 16 : i32
          %eq3A_420 = arith.cmpi eq, %add3A_418, %eq3A_419 : i32
          %convert_element_type3A_421 = arith.extui %eq3A_420 : i1 to i32
          %cond3A_422 = arith.constant 0 : i32
          %cond3A_423 = arith.cmpi ne, %convert_element_type3A_421, %cond3A_422 : i32
          scf.if %cond3A_423 {
            %get3A_425 = arith.constant 1 : i32
            %get3A_426 = arith.index_cast %get3A_425 : i32 to index
            %get3A_427 = memref.load %arg16[%get3A_426] : memref<2xi32, #tpu.memory_space<smem>>
            %and3A_428 = arith.constant 1 : i32
            %and3A_429 = arith.andi %get3A_427, %and3A_428 : i32
            %eq3A_430 = arith.constant 0 : i32
            %eq3A_431 = arith.cmpi eq, %and3A_429, %eq3A_430 : i32
            %convert_element_type3A_432 = arith.extui %eq3A_431 : i1 to i32
            %cond3A_433 = arith.constant 0 : i32
            %cond3A_434 = arith.cmpi ne, %convert_element_type3A_432, %cond3A_433 : i32
            scf.if %cond3A_434 {
              %ge3A_451 = arith.constant 2 : i32
              %ge3A_452 = arith.cmpi sge, %get3A_427, %ge3A_451 : i32
              %convert_element_type3A_453 = arith.extui %ge3A_452 : i1 to i32
              %cond3A_454 = arith.constant 0 : i32
              %cond3A_455 = arith.cmpi ne, %convert_element_type3A_453, %cond3A_454 : i32
              scf.if %cond3A_455 {
                %dma_wait3A_467 = arith.constant 0 : i32
                %dma_wait3A_468 = arith.constant 0 : i32
                %dma_wait3A_469 = arith.constant 0 : i32
                %dma_wait3A_470 = arith.constant 0 : i32
                %dma_wait3A_471 = tpu.memref_slice %arg14[%dma_wait3A_467, %dma_wait3A_469, %dma_wait3A_470] : memref<2x16x128xf32, #tpu.memory_space<vmem>> -> memref<1x16x128xf32, #tpu.memory_space<vmem>>
                %dma_wait3A_472 = tpu.memref_squeeze %dma_wait3A_471 : memref<1x16x128xf32, #tpu.memory_space<vmem>> -> memref<16x128xf32, #tpu.memory_space<vmem>>
                %dma_wait3A_473 = arith.constant 0 : i32
                %dma_wait3A_474 = tpu.memref_slice %arg15[%dma_wait3A_468, %dma_wait3A_473] : memref<2x16xi32, #tpu.memory_space<vmem>> -> memref<1x16xi32, #tpu.memory_space<vmem>>
                %dma_wait3A_475 = tpu.memref_squeeze %dma_wait3A_474 : memref<1x16xi32, #tpu.memory_space<vmem>> -> memref<16xi32, #tpu.memory_space<vmem>>
                %dma_wait3A_476 = arith.constant 0 : i32
                %dma_wait3A_477 = arith.constant 0 : i32
                %dma_wait3A_478 = tpu.memref_slice %arg4[%dma_wait3A_476, %dma_wait3A_477] : memref<16400x128xf32, #tpu.memory_space<hbm>> -> memref<16400x128xf32, #tpu.memory_space<hbm>>
                tpu.wait_indirect_dma semaphore(%arg18 : memref<!tpu.dma_semaphore, #tpu.memory_space<semaphore_mem>>) src(%dma_wait3A_472 : memref<16x128xf32, #tpu.memory_space<vmem>>) dst(%dma_wait3A_478 : memref<16400x128xf32, #tpu.memory_space<hbm>>)
              } else {
              }
              %dma_start3A = arith.constant 0 : i32
              %dma_start3A_456 = arith.constant 0 : i32
              %dma_start3A_457 = arith.constant 0 : i32
              %dma_start3A_458 = arith.constant 0 : i32
              %dma_start3A_459 = tpu.memref_slice %arg14[%dma_start3A, %dma_start3A_457, %dma_start3A_458] : memref<2x16x128xf32, #tpu.memory_space<vmem>> -> memref<1x16x128xf32, #tpu.memory_space<vmem>>
              %dma_start3A_460 = tpu.memref_squeeze %dma_start3A_459 : memref<1x16x128xf32, #tpu.memory_space<vmem>> -> memref<16x128xf32, #tpu.memory_space<vmem>>
              %dma_start3A_461 = arith.constant 0 : i32
              %dma_start3A_462 = tpu.memref_slice %arg15[%dma_start3A_456, %dma_start3A_461] : memref<2x16xi32, #tpu.memory_space<vmem>> -> memref<1x16xi32, #tpu.memory_space<vmem>>
              %dma_start3A_463 = tpu.memref_squeeze %dma_start3A_462 : memref<1x16xi32, #tpu.memory_space<vmem>> -> memref<16xi32, #tpu.memory_space<vmem>>
              %dma_start3A_464 = arith.constant 0 : i32
              %dma_start3A_465 = arith.constant 0 : i32
              %dma_start3A_466 = tpu.memref_slice %arg4[%dma_start3A_464, %dma_start3A_465] : memref<16400x128xf32, #tpu.memory_space<hbm>> -> memref<16400x128xf32, #tpu.memory_space<hbm>>
              tpu.enqueue_indirect_dma source(%dma_start3A_460 : memref<16x128xf32, #tpu.memory_space<vmem>>) target(%dma_start3A_466 : memref<16400x128xf32, #tpu.memory_space<hbm>>) offsets(%dma_start3A_463 : memref<16xi32, #tpu.memory_space<vmem>>) semaphore(%arg18 : memref<!tpu.dma_semaphore, #tpu.memory_space<semaphore_mem>>)
            } else {
            }
            %and3A_435 = arith.constant 1 : i32
            %and3A_436 = arith.andi %get3A_427, %and3A_435 : i32
            %eq3A_437 = arith.constant 1 : i32
            %eq3A_438 = arith.cmpi eq, %and3A_436, %eq3A_437 : i32
            %convert_element_type3A_439 = arith.extui %eq3A_438 : i1 to i32
            %cond3A_440 = arith.constant 0 : i32
            %cond3A_441 = arith.cmpi ne, %convert_element_type3A_439, %cond3A_440 : i32
            scf.if %cond3A_441 {
              %ge3A_451 = arith.constant 2 : i32
              %ge3A_452 = arith.cmpi sge, %get3A_427, %ge3A_451 : i32
              %convert_element_type3A_453 = arith.extui %ge3A_452 : i1 to i32
              %cond3A_454 = arith.constant 0 : i32
              %cond3A_455 = arith.cmpi ne, %convert_element_type3A_453, %cond3A_454 : i32
              scf.if %cond3A_455 {
                %dma_wait3A_467 = arith.constant 1 : i32
                %dma_wait3A_468 = arith.constant 1 : i32
                %dma_wait3A_469 = arith.constant 0 : i32
                %dma_wait3A_470 = arith.constant 0 : i32
                %dma_wait3A_471 = tpu.memref_slice %arg14[%dma_wait3A_467, %dma_wait3A_469, %dma_wait3A_470] : memref<2x16x128xf32, #tpu.memory_space<vmem>> -> memref<1x16x128xf32, #tpu.memory_space<vmem>>
                %dma_wait3A_472 = tpu.memref_squeeze %dma_wait3A_471 : memref<1x16x128xf32, #tpu.memory_space<vmem>> -> memref<16x128xf32, #tpu.memory_space<vmem>>
                %dma_wait3A_473 = arith.constant 0 : i32
                %dma_wait3A_474 = tpu.memref_slice %arg15[%dma_wait3A_468, %dma_wait3A_473] : memref<2x16xi32, #tpu.memory_space<vmem>> -> memref<1x16xi32, #tpu.memory_space<vmem>>
                %dma_wait3A_475 = tpu.memref_squeeze %dma_wait3A_474 : memref<1x16xi32, #tpu.memory_space<vmem>> -> memref<16xi32, #tpu.memory_space<vmem>>
                %dma_wait3A_476 = arith.constant 0 : i32
                %dma_wait3A_477 = arith.constant 0 : i32
                %dma_wait3A_478 = tpu.memref_slice %arg4[%dma_wait3A_476, %dma_wait3A_477] : memref<16400x128xf32, #tpu.memory_space<hbm>> -> memref<16400x128xf32, #tpu.memory_space<hbm>>
                tpu.wait_indirect_dma semaphore(%arg19 : memref<!tpu.dma_semaphore, #tpu.memory_space<semaphore_mem>>) src(%dma_wait3A_472 : memref<16x128xf32, #tpu.memory_space<vmem>>) dst(%dma_wait3A_478 : memref<16400x128xf32, #tpu.memory_space<hbm>>)
              } else {
              }
              %dma_start3A = arith.constant 1 : i32
              %dma_start3A_456 = arith.constant 1 : i32
              %dma_start3A_457 = arith.constant 0 : i32
              %dma_start3A_458 = arith.constant 0 : i32
              %dma_start3A_459 = tpu.memref_slice %arg14[%dma_start3A, %dma_start3A_457, %dma_start3A_458] : memref<2x16x128xf32, #tpu.memory_space<vmem>> -> memref<1x16x128xf32, #tpu.memory_space<vmem>>
              %dma_start3A_460 = tpu.memref_squeeze %dma_start3A_459 : memref<1x16x128xf32, #tpu.memory_space<vmem>> -> memref<16x128xf32, #tpu.memory_space<vmem>>
              %dma_start3A_461 = arith.constant 0 : i32
              %dma_start3A_462 = tpu.memref_slice %arg15[%dma_start3A_456, %dma_start3A_461] : memref<2x16xi32, #tpu.memory_space<vmem>> -> memref<1x16xi32, #tpu.memory_space<vmem>>
              %dma_start3A_463 = tpu.memref_squeeze %dma_start3A_462 : memref<1x16xi32, #tpu.memory_space<vmem>> -> memref<16xi32, #tpu.memory_space<vmem>>
              %dma_start3A_464 = arith.constant 0 : i32
              %dma_start3A_465 = arith.constant 0 : i32
              %dma_start3A_466 = tpu.memref_slice %arg4[%dma_start3A_464, %dma_start3A_465] : memref<16400x128xf32, #tpu.memory_space<hbm>> -> memref<16400x128xf32, #tpu.memory_space<hbm>>
              tpu.enqueue_indirect_dma source(%dma_start3A_460 : memref<16x128xf32, #tpu.memory_space<vmem>>) target(%dma_start3A_466 : memref<16400x128xf32, #tpu.memory_space<hbm>>) offsets(%dma_start3A_463 : memref<16xi32, #tpu.memory_space<vmem>>) semaphore(%arg19 : memref<!tpu.dma_semaphore, #tpu.memory_space<semaphore_mem>>)
            } else {
            }
            %add3A_442 = arith.constant 1 : i32
            %add3A_443 = arith.addi %get3A_427, %add3A_442 : i32
            %swap3A_444 = arith.constant 1 : i32
            %swap3A_445 = arith.index_cast %swap3A_444 : i32 to index
            %swap3A_446 = memref.load %arg16[%swap3A_445] : memref<2xi32, #tpu.memory_space<smem>>
            memref.store %add3A_443, %arg16[%swap3A_445] : memref<2xi32, #tpu.memory_space<smem>>
            %swap3A_447 = arith.constant 0 : i32
            %swap3A_448 = arith.constant 0 : i32
            %swap3A_449 = arith.index_cast %swap3A_448 : i32 to index
            %swap3A_450 = memref.load %arg16[%swap3A_449] : memref<2xi32, #tpu.memory_space<smem>>
            memref.store %swap3A_447, %arg16[%swap3A_449] : memref<2xi32, #tpu.memory_space<smem>>
          } else {
          }
          %while3A_424 = arith.constant 0 : i32
          scf.yield %while3A_424 : i32
        }
        %add3A_344 = arith.constant 7 : i32
        %add3A_345 = arith.addi %add3A_284, %add3A_344 : i32
        %lt3A_346 = arith.cmpi slt, %add3A_345, %scan3A_138#1 : i32
        %convert_element_type3A_347 = arith.extui %lt3A_346 : i1 to i32
        %cond3A_348 = arith.constant 0 : i32
        %cond3A_349 = arith.cmpi ne, %convert_element_type3A_347, %cond3A_348 : i32
        scf.if %cond3A_349 {
          %add3A_350 = arith.constant 7 : i32
          %add3A_351 = arith.addi %add3A_284, %add3A_350 : i32
          %get3A_352 = arith.index_cast %add3A_351 : i32 to index
          %get3A_353 = tpu.vector_load %arg12[%get3A_352] {strides = array<i32>} : memref<272xi32, #tpu.memory_space<vmem>>, vector<16xi32>,
          %slice3A_354 = vector.extract_strided_slice %get3A_353 {offsets = [0], sizes = [1], strides = [1]} : vector<16xi32> to vector<1xi32>
          %squeeze3A_355 = vector.extract %slice3A_354[0] : i32 from vector<1xi32>
          %add3A_356 = arith.addi %squeeze3A_355, %mul3A_2 : i32
          %mul3A_357 = arith.constant 128 : i32
          %mul3A_358 = arith.muli %add3A_356, %mul3A_357 : i32
          %multiple_of3A_359 = tpu.assume_multiple %mul3A_358, 128 : i32
          %dma_start3A = arith.constant 4 : i32
          %dma_start3A_360 = arith.constant 0 : i32
          %dma_start3A_361 = arith.constant 0 : i32
          %dma_start3A_362 = tpu.memref_slice %arg9[%dma_start3A, %dma_start3A_360, %dma_start3A_361] : memref<7x64x128xf32, #tpu.memory_space<vmem>> -> memref<1x64x128xf32, #tpu.memory_space<vmem>>
          %dma_start3A_363 = tpu.memref_squeeze %dma_start3A_362 : memref<1x64x128xf32, #tpu.memory_space<vmem>> -> memref<64x128xf32, #tpu.memory_space<vmem>>
          %dma_start3A_364 = arith.constant 0 : i32
          %dma_start3A_365 = tpu.memref_slice %arg3[%dma_start3A_364, %multiple_of3A_359] : memref<64x1000000xf32, #tpu.memory_space<hbm>> -> memref<64x128xf32, #tpu.memory_space<hbm>>
          %dma_start3A_366 = arith.constant 0 : i32
          %dma_start3A_367 = arith.constant 0 : i32
          %dma_start3A_368 = tpu.memref_slice %arg9[%dma_start3A, %dma_start3A_366, %dma_start3A_367] : memref<7x64x128xf32, #tpu.memory_space<vmem>> -> memref<1x64x128xf32, #tpu.memory_space<vmem>>
          %dma_start3A_369 = tpu.memref_squeeze %dma_start3A_368 : memref<1x64x128xf32, #tpu.memory_space<vmem>> -> memref<64x128xf32, #tpu.memory_space<vmem>>
          %dma_start3A_370 = arith.constant 0 : i32
          %dma_start3A_371 = tpu.memref_slice %arg3[%dma_start3A_370, %multiple_of3A_359] : memref<64x1000000xf32, #tpu.memory_space<hbm>> -> memref<64x128xf32, #tpu.memory_space<hbm>>
          tpu.enqueue_dma source(%dma_start3A_371 : memref<64x128xf32, #tpu.memory_space<hbm>>) target(%dma_start3A_369 : memref<64x128xf32, #tpu.memory_space<vmem>>) target_semaphore(%arg17 : memref<!tpu.dma_semaphore, #tpu.memory_space<semaphore_mem>>)
        } else {
        }
      } else {
      }
      %mul3A_289 = arith.constant 7 : i32
      %mul3A_290 = arith.muli %scan3A_248, %mul3A_289 : i32
      %add3A_291 = arith.constant 5 : i32
      %add3A_292 = arith.addi %mul3A_290, %add3A_291 : i32
      %lt3A_293 = arith.cmpi slt, %add3A_292, %scan3A_138#1 : i32
      %convert_element_type3A_294 = arith.extui %lt3A_293 : i1 to i32
      %cond3A_295 = arith.constant 0 : i32
      %cond3A_296 = arith.cmpi ne, %convert_element_type3A_294, %cond3A_295 : i32
      scf.if %cond3A_296 {
        %get3A_306 = arith.index_cast %add3A_292 : i32 to index
        %get3A_307 = tpu.vector_load %arg12[%get3A_306] {strides = array<i32>} : memref<272xi32, #tpu.memory_space<vmem>>, vector<16xi32>,
        %slice3A = vector.extract_strided_slice %get3A_307 {offsets = [0], sizes = [1], strides = [1]} : vector<16xi32> to vector<1xi32>
        %squeeze3A = vector.extract %slice3A[0] : i32 from vector<1xi32>
        %add3A_308 = arith.addi %squeeze3A, %mul3A_2 : i32
        %mul3A_309 = arith.constant 128 : i32
        %mul3A_310 = arith.muli %add3A_308, %mul3A_309 : i32
        %multiple_of3A = tpu.assume_multiple %mul3A_310, 128 : i32
        %dma_wait3A = arith.constant 5 : i32
        %dma_wait3A_311 = arith.constant 0 : i32
        %dma_wait3A_312 = arith.constant 0 : i32
        %dma_wait3A_313 = tpu.memref_slice %arg9[%dma_wait3A, %dma_wait3A_311, %dma_wait3A_312] : memref<7x64x128xf32, #tpu.memory_space<vmem>> -> memref<1x64x128xf32, #tpu.memory_space<vmem>>
        %dma_wait3A_314 = tpu.memref_squeeze %dma_wait3A_313 : memref<1x64x128xf32, #tpu.memory_space<vmem>> -> memref<64x128xf32, #tpu.memory_space<vmem>>
        %dma_wait3A_315 = arith.constant 0 : i32
        %dma_wait3A_316 = tpu.memref_slice %arg3[%dma_wait3A_315, %multiple_of3A] : memref<64x1000000xf32, #tpu.memory_space<hbm>> -> memref<64x128xf32, #tpu.memory_space<hbm>>
        %dma_wait3A_317 = arith.constant 0 : i32
        %dma_wait3A_318 = arith.constant 0 : i32
        %dma_wait3A_319 = tpu.memref_slice %arg9[%dma_wait3A, %dma_wait3A_317, %dma_wait3A_318] : memref<7x64x128xf32, #tpu.memory_space<vmem>> -> memref<1x64x128xf32, #tpu.memory_space<vmem>>
        %dma_wait3A_320 = tpu.memref_squeeze %dma_wait3A_319 : memref<1x64x128xf32, #tpu.memory_space<vmem>> -> memref<64x128xf32, #tpu.memory_space<vmem>>
        %dma_wait3A_321 = arith.constant 0 : i32
        %dma_wait3A_322 = tpu.memref_slice %arg3[%dma_wait3A_321, %multiple_of3A] : memref<64x1000000xf32, #tpu.memory_space<hbm>> -> memref<64x128xf32, #tpu.memory_space<hbm>>
        tpu.wait_dma2 semaphore(%arg17 : memref<!tpu.dma_semaphore, #tpu.memory_space<semaphore_mem>>) src(%dma_wait3A_322 : memref<64x128xf32, #tpu.memory_space<hbm>>) dst(%dma_wait3A_320 : memref<64x128xf32, #tpu.memory_space<vmem>>)
        %get3A_323 = arith.index_cast %add3A_292 : i32 to index
        %get3A_324 = tpu.vector_load %arg13[%get3A_323] {strides = array<i32>} : memref<272xi32, #tpu.memory_space<vmem>>, vector<16xi32>,
        %slice3A_325 = vector.extract_strided_slice %get3A_324 {offsets = [0], sizes = [1], strides = [1]} : vector<16xi32> to vector<1xi32>
        %squeeze3A_326 = vector.extract %slice3A_325[0] : i32 from vector<1xi32>
        %add3A_327 = arith.constant 1 : i32
        %add3A_328 = arith.addi %add3A_292, %add3A_327 : i32
        %get3A_329 = arith.index_cast %add3A_328 : i32 to index
        %get3A_330 = tpu.vector_load %arg13[%get3A_329] {strides = array<i32>} : memref<272xi32, #tpu.memory_space<vmem>>, vector<16xi32>,
        %slice3A_331 = vector.extract_strided_slice %get3A_330 {offsets = [0], sizes = [1], strides = [1]} : vector<16xi32> to vector<1xi32>
        %squeeze3A_332 = vector.extract %slice3A_331[0] : i32 from vector<1xi32>
        %while3A_333 = arith.constant 0 : i32
        %while3A_334 = arith.subi %squeeze3A_332, %squeeze3A_326 : i32
        %while3A_335 = arith.addi %squeeze3A_326, %while3A_334 : i32
        %while3A_336 = arith.constant 1 : i32
        %while3A_337 = arith.divsi %while3A_334, %while3A_336 : i32
        %while3A_338 = arith.muli %while3A_337, %while3A_336 : i32
        %while3A_339 = arith.addi %squeeze3A_326, %while3A_338 : i32
        %while3A_340 = arith.constant 1 : i32
        %while3A_341 = scf.for %while3A_350 = %squeeze3A_326 to %while3A_339 step %while3A_340 iter_args(%while3A_351 = %while3A_333) -> (i32)  : i32 {
          %get3A_352 = arith.index_cast %while3A_350 : i32 to index
          %get3A_353 = tpu.vector_load %arg5[%get3A_352] {strides = array<i32>} : memref<16400xi32, #tpu.memory_space<vmem>>, vector<16xi32>,
          %slice3A_354 = vector.extract_strided_slice %get3A_353 {offsets = [0], sizes = [1], strides = [1]} : vector<16xi32> to vector<1xi32>
          %squeeze3A_355 = vector.extract %slice3A_354[0] : i32 from vector<1xi32>
          %get3A_356 = arith.index_cast %while3A_350 : i32 to index
          %get3A_357 = tpu.vector_load %arg8[%get3A_356] {strides = array<i32>} : memref<16400xi32, #tpu.memory_space<vmem>>, vector<16xi32>,
          %slice3A_358 = vector.extract_strided_slice %get3A_357 {offsets = [0], sizes = [1], strides = [1]} : vector<16xi32> to vector<1xi32>
          %squeeze3A_359 = vector.extract %slice3A_358[0] : i32 from vector<1xi32>
          %and3A_360 = arith.constant 127 : i32
          %and3A_361 = arith.andi %squeeze3A_355, %and3A_360 : i32
          %broadcast_in_dim3A_362 = vector.broadcast %and3A_361 : i32 to vector<16xi32>
          %get3A_363 = arith.constant 0 : i32
          %get3A_364 = arith.index_cast %get3A_363 : i32 to index
          %get3A_365 = memref.load %arg16[%get3A_364] : memref<2xi32, #tpu.memory_space<smem>>
          %broadcast_in_dim3A_366 = vector.broadcast %get3A_365 : i32 to vector<16xi32>
          %get3A_367 = arith.constant 1 : i32
          %get3A_368 = arith.index_cast %get3A_367 : i32 to index
          %get3A_369 = memref.load %arg16[%get3A_368] : memref<2xi32, #tpu.memory_space<smem>>
          %and3A_370 = arith.constant 1 : i32
          %and3A_371 = arith.andi %get3A_369, %and3A_370 : i32
          %broadcast_in_dim3A_372 = vector.broadcast %and3A_371 : i32 to vector<16xi32>
          %add3A_373 = arith.constant 0 : i32
          %add3A_374 = vector.broadcast %add3A_373 : i32 to vector<16xi32>
          %add3A_375 = arith.addi %iota3A, %add3A_374 : vector<16xi32>
          %gather3A = arith.constant 5 : i32
          %gather3A_376 = arith.constant 0 : i32
          %gather3A_377 = arith.constant 0 : i32
          %gather3A_378 = tpu.memref_slice %arg9[%gather3A, %gather3A_376, %gather3A_377] : memref<7x64x128xf32, #tpu.memory_space<vmem>> -> memref<1x64x128xf32, #tpu.memory_space<vmem>>
          %gather3A_379 = tpu.memref_squeeze %gather3A_378 : memref<1x64x128xf32, #tpu.memory_space<vmem>> -> memref<64x128xf32, #tpu.memory_space<vmem>>
          %gather3A_380 = tpu.vector_load_idx %gather3A_379[%add3A_375, %broadcast_in_dim3A_362] : memref<64x128xf32, #tpu.memory_space<vmem>>[vector<16xi32>, vector<16xi32>], vector<16xf32>,
          tpu.vector_store_idx %arg14[%broadcast_in_dim3A_372, %broadcast_in_dim3A_366, %add3A_375], %gather3A_380 : memref<2x16x128xf32, #tpu.memory_space<vmem>>[vector<16xi32>, vector<16xi32>, vector<16xi32>], vector<16xf32>,
          %add3A_381 = arith.constant 16 : i32
          %add3A_382 = vector.broadcast %add3A_381 : i32 to vector<16xi32>
          %add3A_383 = arith.addi %iota3A, %add3A_382 : vector<16xi32>
          %gather3A_384 = arith.constant 5 : i32
          %gather3A_385 = arith.constant 0 : i32
          %gather3A_386 = arith.constant 0 : i32
          %gather3A_387 = tpu.memref_slice %arg9[%gather3A_384, %gather3A_385, %gather3A_386] : memref<7x64x128xf32, #tpu.memory_space<vmem>> -> memref<1x64x128xf32, #tpu.memory_space<vmem>>
          %gather3A_388 = tpu.memref_squeeze %gather3A_387 : memref<1x64x128xf32, #tpu.memory_space<vmem>> -> memref<64x128xf32, #tpu.memory_space<vmem>>
          %gather3A_389 = tpu.vector_load_idx %gather3A_388[%add3A_383, %broadcast_in_dim3A_362] : memref<64x128xf32, #tpu.memory_space<vmem>>[vector<16xi32>, vector<16xi32>], vector<16xf32>,
          tpu.vector_store_idx %arg14[%broadcast_in_dim3A_372, %broadcast_in_dim3A_366, %add3A_383], %gather3A_389 : memref<2x16x128xf32, #tpu.memory_space<vmem>>[vector<16xi32>, vector<16xi32>, vector<16xi32>], vector<16xf32>,
          %add3A_390 = arith.constant 32 : i32
          %add3A_391 = vector.broadcast %add3A_390 : i32 to vector<16xi32>
          %add3A_392 = arith.addi %iota3A, %add3A_391 : vector<16xi32>
          %gather3A_393 = arith.constant 5 : i32
          %gather3A_394 = arith.constant 0 : i32
          %gather3A_395 = arith.constant 0 : i32
          %gather3A_396 = tpu.memref_slice %arg9[%gather3A_393, %gather3A_394, %gather3A_395] : memref<7x64x128xf32, #tpu.memory_space<vmem>> -> memref<1x64x128xf32, #tpu.memory_space<vmem>>
          %gather3A_397 = tpu.memref_squeeze %gather3A_396 : memref<1x64x128xf32, #tpu.memory_space<vmem>> -> memref<64x128xf32, #tpu.memory_space<vmem>>
          %gather3A_398 = tpu.vector_load_idx %gather3A_397[%add3A_392, %broadcast_in_dim3A_362] : memref<64x128xf32, #tpu.memory_space<vmem>>[vector<16xi32>, vector<16xi32>], vector<16xf32>,
          tpu.vector_store_idx %arg14[%broadcast_in_dim3A_372, %broadcast_in_dim3A_366, %add3A_392], %gather3A_398 : memref<2x16x128xf32, #tpu.memory_space<vmem>>[vector<16xi32>, vector<16xi32>, vector<16xi32>], vector<16xf32>,
          %add3A_399 = arith.constant 48 : i32
          %add3A_400 = vector.broadcast %add3A_399 : i32 to vector<16xi32>
          %add3A_401 = arith.addi %iota3A, %add3A_400 : vector<16xi32>
          %gather3A_402 = arith.constant 5 : i32
          %gather3A_403 = arith.constant 0 : i32
          %gather3A_404 = arith.constant 0 : i32
          %gather3A_405 = tpu.memref_slice %arg9[%gather3A_402, %gather3A_403, %gather3A_404] : memref<7x64x128xf32, #tpu.memory_space<vmem>> -> memref<1x64x128xf32, #tpu.memory_space<vmem>>
          %gather3A_406 = tpu.memref_squeeze %gather3A_405 : memref<1x64x128xf32, #tpu.memory_space<vmem>> -> memref<64x128xf32, #tpu.memory_space<vmem>>
          %gather3A_407 = tpu.vector_load_idx %gather3A_406[%add3A_401, %broadcast_in_dim3A_362] : memref<64x128xf32, #tpu.memory_space<vmem>>[vector<16xi32>, vector<16xi32>], vector<16xf32>,
          tpu.vector_store_idx %arg14[%broadcast_in_dim3A_372, %broadcast_in_dim3A_366, %add3A_401], %gather3A_407 : memref<2x16x128xf32, #tpu.memory_space<vmem>>[vector<16xi32>, vector<16xi32>, vector<16xi32>], vector<16xf32>,
          %broadcast_in_dim3A_408 = vector.broadcast %squeeze3A_359 : i32 to vector<16xi32>
          %eq3A_409 = arith.constant 0 : i32
          %eq3A_410 = vector.broadcast %eq3A_409 : i32 to vector<16xi32>
          %eq3A_411 = arith.cmpi eq, %iota3A, %eq3A_410 : vector<16xi32>
          tpu.vector_store_idx %arg15[%broadcast_in_dim3A_372, %broadcast_in_dim3A_366], %broadcast_in_dim3A_408 masked %eq3A_411 : memref<2x16xi32, #tpu.memory_space<vmem>>[vector<16xi32>, vector<16xi32>], vector<16xi32>, vector<16xi1>
          %add3A_412 = arith.constant 1 : i32
          %add3A_413 = arith.addi %get3A_365, %add3A_412 : i32
          %swap3A_414 = arith.constant 0 : i32
          %swap3A_415 = arith.index_cast %swap3A_414 : i32 to index
          %swap3A_416 = memref.load %arg16[%swap3A_415] : memref<2xi32, #tpu.memory_space<smem>>
          memref.store %add3A_413, %arg16[%swap3A_415] : memref<2xi32, #tpu.memory_space<smem>>
          %add3A_417 = arith.constant 1 : i32
          %add3A_418 = arith.addi %get3A_365, %add3A_417 : i32
          %eq3A_419 = arith.constant 16 : i32
          %eq3A_420 = arith.cmpi eq, %add3A_418, %eq3A_419 : i32
          %convert_element_type3A_421 = arith.extui %eq3A_420 : i1 to i32
          %cond3A_422 = arith.constant 0 : i32
          %cond3A_423 = arith.cmpi ne, %convert_element_type3A_421, %cond3A_422 : i32
          scf.if %cond3A_423 {
            %get3A_425 = arith.constant 1 : i32
            %get3A_426 = arith.index_cast %get3A_425 : i32 to index
            %get3A_427 = memref.load %arg16[%get3A_426] : memref<2xi32, #tpu.memory_space<smem>>
            %and3A_428 = arith.constant 1 : i32
            %and3A_429 = arith.andi %get3A_427, %and3A_428 : i32
            %eq3A_430 = arith.constant 0 : i32
            %eq3A_431 = arith.cmpi eq, %and3A_429, %eq3A_430 : i32
            %convert_element_type3A_432 = arith.extui %eq3A_431 : i1 to i32
            %cond3A_433 = arith.constant 0 : i32
            %cond3A_434 = arith.cmpi ne, %convert_element_type3A_432, %cond3A_433 : i32
            scf.if %cond3A_434 {
              %ge3A_451 = arith.constant 2 : i32
              %ge3A_452 = arith.cmpi sge, %get3A_427, %ge3A_451 : i32
              %convert_element_type3A_453 = arith.extui %ge3A_452 : i1 to i32
              %cond3A_454 = arith.constant 0 : i32
              %cond3A_455 = arith.cmpi ne, %convert_element_type3A_453, %cond3A_454 : i32
              scf.if %cond3A_455 {
                %dma_wait3A_467 = arith.constant 0 : i32
                %dma_wait3A_468 = arith.constant 0 : i32
                %dma_wait3A_469 = arith.constant 0 : i32
                %dma_wait3A_470 = arith.constant 0 : i32
                %dma_wait3A_471 = tpu.memref_slice %arg14[%dma_wait3A_467, %dma_wait3A_469, %dma_wait3A_470] : memref<2x16x128xf32, #tpu.memory_space<vmem>> -> memref<1x16x128xf32, #tpu.memory_space<vmem>>
                %dma_wait3A_472 = tpu.memref_squeeze %dma_wait3A_471 : memref<1x16x128xf32, #tpu.memory_space<vmem>> -> memref<16x128xf32, #tpu.memory_space<vmem>>
                %dma_wait3A_473 = arith.constant 0 : i32
                %dma_wait3A_474 = tpu.memref_slice %arg15[%dma_wait3A_468, %dma_wait3A_473] : memref<2x16xi32, #tpu.memory_space<vmem>> -> memref<1x16xi32, #tpu.memory_space<vmem>>
                %dma_wait3A_475 = tpu.memref_squeeze %dma_wait3A_474 : memref<1x16xi32, #tpu.memory_space<vmem>> -> memref<16xi32, #tpu.memory_space<vmem>>
                %dma_wait3A_476 = arith.constant 0 : i32
                %dma_wait3A_477 = arith.constant 0 : i32
                %dma_wait3A_478 = tpu.memref_slice %arg4[%dma_wait3A_476, %dma_wait3A_477] : memref<16400x128xf32, #tpu.memory_space<hbm>> -> memref<16400x128xf32, #tpu.memory_space<hbm>>
                tpu.wait_indirect_dma semaphore(%arg18 : memref<!tpu.dma_semaphore, #tpu.memory_space<semaphore_mem>>) src(%dma_wait3A_472 : memref<16x128xf32, #tpu.memory_space<vmem>>) dst(%dma_wait3A_478 : memref<16400x128xf32, #tpu.memory_space<hbm>>)
              } else {
              }
              %dma_start3A = arith.constant 0 : i32
              %dma_start3A_456 = arith.constant 0 : i32
              %dma_start3A_457 = arith.constant 0 : i32
              %dma_start3A_458 = arith.constant 0 : i32
              %dma_start3A_459 = tpu.memref_slice %arg14[%dma_start3A, %dma_start3A_457, %dma_start3A_458] : memref<2x16x128xf32, #tpu.memory_space<vmem>> -> memref<1x16x128xf32, #tpu.memory_space<vmem>>
              %dma_start3A_460 = tpu.memref_squeeze %dma_start3A_459 : memref<1x16x128xf32, #tpu.memory_space<vmem>> -> memref<16x128xf32, #tpu.memory_space<vmem>>
              %dma_start3A_461 = arith.constant 0 : i32
              %dma_start3A_462 = tpu.memref_slice %arg15[%dma_start3A_456, %dma_start3A_461] : memref<2x16xi32, #tpu.memory_space<vmem>> -> memref<1x16xi32, #tpu.memory_space<vmem>>
              %dma_start3A_463 = tpu.memref_squeeze %dma_start3A_462 : memref<1x16xi32, #tpu.memory_space<vmem>> -> memref<16xi32, #tpu.memory_space<vmem>>
              %dma_start3A_464 = arith.constant 0 : i32
              %dma_start3A_465 = arith.constant 0 : i32
              %dma_start3A_466 = tpu.memref_slice %arg4[%dma_start3A_464, %dma_start3A_465] : memref<16400x128xf32, #tpu.memory_space<hbm>> -> memref<16400x128xf32, #tpu.memory_space<hbm>>
              tpu.enqueue_indirect_dma source(%dma_start3A_460 : memref<16x128xf32, #tpu.memory_space<vmem>>) target(%dma_start3A_466 : memref<16400x128xf32, #tpu.memory_space<hbm>>) offsets(%dma_start3A_463 : memref<16xi32, #tpu.memory_space<vmem>>) semaphore(%arg18 : memref<!tpu.dma_semaphore, #tpu.memory_space<semaphore_mem>>)
            } else {
            }
            %and3A_435 = arith.constant 1 : i32
            %and3A_436 = arith.andi %get3A_427, %and3A_435 : i32
            %eq3A_437 = arith.constant 1 : i32
            %eq3A_438 = arith.cmpi eq, %and3A_436, %eq3A_437 : i32
            %convert_element_type3A_439 = arith.extui %eq3A_438 : i1 to i32
            %cond3A_440 = arith.constant 0 : i32
            %cond3A_441 = arith.cmpi ne, %convert_element_type3A_439, %cond3A_440 : i32
            scf.if %cond3A_441 {
              %ge3A_451 = arith.constant 2 : i32
              %ge3A_452 = arith.cmpi sge, %get3A_427, %ge3A_451 : i32
              %convert_element_type3A_453 = arith.extui %ge3A_452 : i1 to i32
              %cond3A_454 = arith.constant 0 : i32
              %cond3A_455 = arith.cmpi ne, %convert_element_type3A_453, %cond3A_454 : i32
              scf.if %cond3A_455 {
                %dma_wait3A_467 = arith.constant 1 : i32
                %dma_wait3A_468 = arith.constant 1 : i32
                %dma_wait3A_469 = arith.constant 0 : i32
                %dma_wait3A_470 = arith.constant 0 : i32
                %dma_wait3A_471 = tpu.memref_slice %arg14[%dma_wait3A_467, %dma_wait3A_469, %dma_wait3A_470] : memref<2x16x128xf32, #tpu.memory_space<vmem>> -> memref<1x16x128xf32, #tpu.memory_space<vmem>>
                %dma_wait3A_472 = tpu.memref_squeeze %dma_wait3A_471 : memref<1x16x128xf32, #tpu.memory_space<vmem>> -> memref<16x128xf32, #tpu.memory_space<vmem>>
                %dma_wait3A_473 = arith.constant 0 : i32
                %dma_wait3A_474 = tpu.memref_slice %arg15[%dma_wait3A_468, %dma_wait3A_473] : memref<2x16xi32, #tpu.memory_space<vmem>> -> memref<1x16xi32, #tpu.memory_space<vmem>>
                %dma_wait3A_475 = tpu.memref_squeeze %dma_wait3A_474 : memref<1x16xi32, #tpu.memory_space<vmem>> -> memref<16xi32, #tpu.memory_space<vmem>>
                %dma_wait3A_476 = arith.constant 0 : i32
                %dma_wait3A_477 = arith.constant 0 : i32
                %dma_wait3A_478 = tpu.memref_slice %arg4[%dma_wait3A_476, %dma_wait3A_477] : memref<16400x128xf32, #tpu.memory_space<hbm>> -> memref<16400x128xf32, #tpu.memory_space<hbm>>
                tpu.wait_indirect_dma semaphore(%arg19 : memref<!tpu.dma_semaphore, #tpu.memory_space<semaphore_mem>>) src(%dma_wait3A_472 : memref<16x128xf32, #tpu.memory_space<vmem>>) dst(%dma_wait3A_478 : memref<16400x128xf32, #tpu.memory_space<hbm>>)
              } else {
              }
              %dma_start3A = arith.constant 1 : i32
              %dma_start3A_456 = arith.constant 1 : i32
              %dma_start3A_457 = arith.constant 0 : i32
              %dma_start3A_458 = arith.constant 0 : i32
              %dma_start3A_459 = tpu.memref_slice %arg14[%dma_start3A, %dma_start3A_457, %dma_start3A_458] : memref<2x16x128xf32, #tpu.memory_space<vmem>> -> memref<1x16x128xf32, #tpu.memory_space<vmem>>
              %dma_start3A_460 = tpu.memref_squeeze %dma_start3A_459 : memref<1x16x128xf32, #tpu.memory_space<vmem>> -> memref<16x128xf32, #tpu.memory_space<vmem>>
              %dma_start3A_461 = arith.constant 0 : i32
              %dma_start3A_462 = tpu.memref_slice %arg15[%dma_start3A_456, %dma_start3A_461] : memref<2x16xi32, #tpu.memory_space<vmem>> -> memref<1x16xi32, #tpu.memory_space<vmem>>
              %dma_start3A_463 = tpu.memref_squeeze %dma_start3A_462 : memref<1x16xi32, #tpu.memory_space<vmem>> -> memref<16xi32, #tpu.memory_space<vmem>>
              %dma_start3A_464 = arith.constant 0 : i32
              %dma_start3A_465 = arith.constant 0 : i32
              %dma_start3A_466 = tpu.memref_slice %arg4[%dma_start3A_464, %dma_start3A_465] : memref<16400x128xf32, #tpu.memory_space<hbm>> -> memref<16400x128xf32, #tpu.memory_space<hbm>>
              tpu.enqueue_indirect_dma source(%dma_start3A_460 : memref<16x128xf32, #tpu.memory_space<vmem>>) target(%dma_start3A_466 : memref<16400x128xf32, #tpu.memory_space<hbm>>) offsets(%dma_start3A_463 : memref<16xi32, #tpu.memory_space<vmem>>) semaphore(%arg19 : memref<!tpu.dma_semaphore, #tpu.memory_space<semaphore_mem>>)
            } else {
            }
            %add3A_442 = arith.constant 1 : i32
            %add3A_443 = arith.addi %get3A_427, %add3A_442 : i32
            %swap3A_444 = arith.constant 1 : i32
            %swap3A_445 = arith.index_cast %swap3A_444 : i32 to index
            %swap3A_446 = memref.load %arg16[%swap3A_445] : memref<2xi32, #tpu.memory_space<smem>>
            memref.store %add3A_443, %arg16[%swap3A_445] : memref<2xi32, #tpu.memory_space<smem>>
            %swap3A_447 = arith.constant 0 : i32
            %swap3A_448 = arith.constant 0 : i32
            %swap3A_449 = arith.index_cast %swap3A_448 : i32 to index
            %swap3A_450 = memref.load %arg16[%swap3A_449] : memref<2xi32, #tpu.memory_space<smem>>
            memref.store %swap3A_447, %arg16[%swap3A_449] : memref<2xi32, #tpu.memory_space<smem>>
          } else {
          }
          %while3A_424 = arith.constant 0 : i32
          scf.yield %while3A_424 : i32
        }
        %while3A_342 = arith.constant 1 : i32
        %while3A_343 = scf.for %while3A_350 = %while3A_339 to %while3A_335 step %while3A_342 iter_args(%while3A_351 = %while3A_341) -> (i32)  : i32 {
          %get3A_352 = arith.index_cast %while3A_350 : i32 to index
          %get3A_353 = tpu.vector_load %arg5[%get3A_352] {strides = array<i32>} : memref<16400xi32, #tpu.memory_space<vmem>>, vector<16xi32>,
          %slice3A_354 = vector.extract_strided_slice %get3A_353 {offsets = [0], sizes = [1], strides = [1]} : vector<16xi32> to vector<1xi32>
          %squeeze3A_355 = vector.extract %slice3A_354[0] : i32 from vector<1xi32>
          %get3A_356 = arith.index_cast %while3A_350 : i32 to index
          %get3A_357 = tpu.vector_load %arg8[%get3A_356] {strides = array<i32>} : memref<16400xi32, #tpu.memory_space<vmem>>, vector<16xi32>,
          %slice3A_358 = vector.extract_strided_slice %get3A_357 {offsets = [0], sizes = [1], strides = [1]} : vector<16xi32> to vector<1xi32>
          %squeeze3A_359 = vector.extract %slice3A_358[0] : i32 from vector<1xi32>
          %and3A_360 = arith.constant 127 : i32
          %and3A_361 = arith.andi %squeeze3A_355, %and3A_360 : i32
          %broadcast_in_dim3A_362 = vector.broadcast %and3A_361 : i32 to vector<16xi32>
          %get3A_363 = arith.constant 0 : i32
          %get3A_364 = arith.index_cast %get3A_363 : i32 to index
          %get3A_365 = memref.load %arg16[%get3A_364] : memref<2xi32, #tpu.memory_space<smem>>
          %broadcast_in_dim3A_366 = vector.broadcast %get3A_365 : i32 to vector<16xi32>
          %get3A_367 = arith.constant 1 : i32
          %get3A_368 = arith.index_cast %get3A_367 : i32 to index
          %get3A_369 = memref.load %arg16[%get3A_368] : memref<2xi32, #tpu.memory_space<smem>>
          %and3A_370 = arith.constant 1 : i32
          %and3A_371 = arith.andi %get3A_369, %and3A_370 : i32
          %broadcast_in_dim3A_372 = vector.broadcast %and3A_371 : i32 to vector<16xi32>
          %add3A_373 = arith.constant 0 : i32
          %add3A_374 = vector.broadcast %add3A_373 : i32 to vector<16xi32>
          %add3A_375 = arith.addi %iota3A, %add3A_374 : vector<16xi32>
          %gather3A = arith.constant 5 : i32
          %gather3A_376 = arith.constant 0 : i32
          %gather3A_377 = arith.constant 0 : i32
          %gather3A_378 = tpu.memref_slice %arg9[%gather3A, %gather3A_376, %gather3A_377] : memref<7x64x128xf32, #tpu.memory_space<vmem>> -> memref<1x64x128xf32, #tpu.memory_space<vmem>>
          %gather3A_379 = tpu.memref_squeeze %gather3A_378 : memref<1x64x128xf32, #tpu.memory_space<vmem>> -> memref<64x128xf32, #tpu.memory_space<vmem>>
          %gather3A_380 = tpu.vector_load_idx %gather3A_379[%add3A_375, %broadcast_in_dim3A_362] : memref<64x128xf32, #tpu.memory_space<vmem>>[vector<16xi32>, vector<16xi32>], vector<16xf32>,
          tpu.vector_store_idx %arg14[%broadcast_in_dim3A_372, %broadcast_in_dim3A_366, %add3A_375], %gather3A_380 : memref<2x16x128xf32, #tpu.memory_space<vmem>>[vector<16xi32>, vector<16xi32>, vector<16xi32>], vector<16xf32>,
          %add3A_381 = arith.constant 16 : i32
          %add3A_382 = vector.broadcast %add3A_381 : i32 to vector<16xi32>
          %add3A_383 = arith.addi %iota3A, %add3A_382 : vector<16xi32>
          %gather3A_384 = arith.constant 5 : i32
          %gather3A_385 = arith.constant 0 : i32
          %gather3A_386 = arith.constant 0 : i32
          %gather3A_387 = tpu.memref_slice %arg9[%gather3A_384, %gather3A_385, %gather3A_386] : memref<7x64x128xf32, #tpu.memory_space<vmem>> -> memref<1x64x128xf32, #tpu.memory_space<vmem>>
          %gather3A_388 = tpu.memref_squeeze %gather3A_387 : memref<1x64x128xf32, #tpu.memory_space<vmem>> -> memref<64x128xf32, #tpu.memory_space<vmem>>
          %gather3A_389 = tpu.vector_load_idx %gather3A_388[%add3A_383, %broadcast_in_dim3A_362] : memref<64x128xf32, #tpu.memory_space<vmem>>[vector<16xi32>, vector<16xi32>], vector<16xf32>,
          tpu.vector_store_idx %arg14[%broadcast_in_dim3A_372, %broadcast_in_dim3A_366, %add3A_383], %gather3A_389 : memref<2x16x128xf32, #tpu.memory_space<vmem>>[vector<16xi32>, vector<16xi32>, vector<16xi32>], vector<16xf32>,
          %add3A_390 = arith.constant 32 : i32
          %add3A_391 = vector.broadcast %add3A_390 : i32 to vector<16xi32>
          %add3A_392 = arith.addi %iota3A, %add3A_391 : vector<16xi32>
          %gather3A_393 = arith.constant 5 : i32
          %gather3A_394 = arith.constant 0 : i32
          %gather3A_395 = arith.constant 0 : i32
          %gather3A_396 = tpu.memref_slice %arg9[%gather3A_393, %gather3A_394, %gather3A_395] : memref<7x64x128xf32, #tpu.memory_space<vmem>> -> memref<1x64x128xf32, #tpu.memory_space<vmem>>
          %gather3A_397 = tpu.memref_squeeze %gather3A_396 : memref<1x64x128xf32, #tpu.memory_space<vmem>> -> memref<64x128xf32, #tpu.memory_space<vmem>>
          %gather3A_398 = tpu.vector_load_idx %gather3A_397[%add3A_392, %broadcast_in_dim3A_362] : memref<64x128xf32, #tpu.memory_space<vmem>>[vector<16xi32>, vector<16xi32>], vector<16xf32>,
          tpu.vector_store_idx %arg14[%broadcast_in_dim3A_372, %broadcast_in_dim3A_366, %add3A_392], %gather3A_398 : memref<2x16x128xf32, #tpu.memory_space<vmem>>[vector<16xi32>, vector<16xi32>, vector<16xi32>], vector<16xf32>,
          %add3A_399 = arith.constant 48 : i32
          %add3A_400 = vector.broadcast %add3A_399 : i32 to vector<16xi32>
          %add3A_401 = arith.addi %iota3A, %add3A_400 : vector<16xi32>
          %gather3A_402 = arith.constant 5 : i32
          %gather3A_403 = arith.constant 0 : i32
          %gather3A_404 = arith.constant 0 : i32
          %gather3A_405 = tpu.memref_slice %arg9[%gather3A_402, %gather3A_403, %gather3A_404] : memref<7x64x128xf32, #tpu.memory_space<vmem>> -> memref<1x64x128xf32, #tpu.memory_space<vmem>>
          %gather3A_406 = tpu.memref_squeeze %gather3A_405 : memref<1x64x128xf32, #tpu.memory_space<vmem>> -> memref<64x128xf32, #tpu.memory_space<vmem>>
          %gather3A_407 = tpu.vector_load_idx %gather3A_406[%add3A_401, %broadcast_in_dim3A_362] : memref<64x128xf32, #tpu.memory_space<vmem>>[vector<16xi32>, vector<16xi32>], vector<16xf32>,
          tpu.vector_store_idx %arg14[%broadcast_in_dim3A_372, %broadcast_in_dim3A_366, %add3A_401], %gather3A_407 : memref<2x16x128xf32, #tpu.memory_space<vmem>>[vector<16xi32>, vector<16xi32>, vector<16xi32>], vector<16xf32>,
          %broadcast_in_dim3A_408 = vector.broadcast %squeeze3A_359 : i32 to vector<16xi32>
          %eq3A_409 = arith.constant 0 : i32
          %eq3A_410 = vector.broadcast %eq3A_409 : i32 to vector<16xi32>
          %eq3A_411 = arith.cmpi eq, %iota3A, %eq3A_410 : vector<16xi32>
          tpu.vector_store_idx %arg15[%broadcast_in_dim3A_372, %broadcast_in_dim3A_366], %broadcast_in_dim3A_408 masked %eq3A_411 : memref<2x16xi32, #tpu.memory_space<vmem>>[vector<16xi32>, vector<16xi32>], vector<16xi32>, vector<16xi1>
          %add3A_412 = arith.constant 1 : i32
          %add3A_413 = arith.addi %get3A_365, %add3A_412 : i32
          %swap3A_414 = arith.constant 0 : i32
          %swap3A_415 = arith.index_cast %swap3A_414 : i32 to index
          %swap3A_416 = memref.load %arg16[%swap3A_415] : memref<2xi32, #tpu.memory_space<smem>>
          memref.store %add3A_413, %arg16[%swap3A_415] : memref<2xi32, #tpu.memory_space<smem>>
          %add3A_417 = arith.constant 1 : i32
          %add3A_418 = arith.addi %get3A_365, %add3A_417 : i32
          %eq3A_419 = arith.constant 16 : i32
          %eq3A_420 = arith.cmpi eq, %add3A_418, %eq3A_419 : i32
          %convert_element_type3A_421 = arith.extui %eq3A_420 : i1 to i32
          %cond3A_422 = arith.constant 0 : i32
          %cond3A_423 = arith.cmpi ne, %convert_element_type3A_421, %cond3A_422 : i32
          scf.if %cond3A_423 {
            %get3A_425 = arith.constant 1 : i32
            %get3A_426 = arith.index_cast %get3A_425 : i32 to index
            %get3A_427 = memref.load %arg16[%get3A_426] : memref<2xi32, #tpu.memory_space<smem>>
            %and3A_428 = arith.constant 1 : i32
            %and3A_429 = arith.andi %get3A_427, %and3A_428 : i32
            %eq3A_430 = arith.constant 0 : i32
            %eq3A_431 = arith.cmpi eq, %and3A_429, %eq3A_430 : i32
            %convert_element_type3A_432 = arith.extui %eq3A_431 : i1 to i32
            %cond3A_433 = arith.constant 0 : i32
            %cond3A_434 = arith.cmpi ne, %convert_element_type3A_432, %cond3A_433 : i32
            scf.if %cond3A_434 {
              %ge3A_451 = arith.constant 2 : i32
              %ge3A_452 = arith.cmpi sge, %get3A_427, %ge3A_451 : i32
              %convert_element_type3A_453 = arith.extui %ge3A_452 : i1 to i32
              %cond3A_454 = arith.constant 0 : i32
              %cond3A_455 = arith.cmpi ne, %convert_element_type3A_453, %cond3A_454 : i32
              scf.if %cond3A_455 {
                %dma_wait3A_467 = arith.constant 0 : i32
                %dma_wait3A_468 = arith.constant 0 : i32
                %dma_wait3A_469 = arith.constant 0 : i32
                %dma_wait3A_470 = arith.constant 0 : i32
                %dma_wait3A_471 = tpu.memref_slice %arg14[%dma_wait3A_467, %dma_wait3A_469, %dma_wait3A_470] : memref<2x16x128xf32, #tpu.memory_space<vmem>> -> memref<1x16x128xf32, #tpu.memory_space<vmem>>
                %dma_wait3A_472 = tpu.memref_squeeze %dma_wait3A_471 : memref<1x16x128xf32, #tpu.memory_space<vmem>> -> memref<16x128xf32, #tpu.memory_space<vmem>>
                %dma_wait3A_473 = arith.constant 0 : i32
                %dma_wait3A_474 = tpu.memref_slice %arg15[%dma_wait3A_468, %dma_wait3A_473] : memref<2x16xi32, #tpu.memory_space<vmem>> -> memref<1x16xi32, #tpu.memory_space<vmem>>
                %dma_wait3A_475 = tpu.memref_squeeze %dma_wait3A_474 : memref<1x16xi32, #tpu.memory_space<vmem>> -> memref<16xi32, #tpu.memory_space<vmem>>
                %dma_wait3A_476 = arith.constant 0 : i32
                %dma_wait3A_477 = arith.constant 0 : i32
                %dma_wait3A_478 = tpu.memref_slice %arg4[%dma_wait3A_476, %dma_wait3A_477] : memref<16400x128xf32, #tpu.memory_space<hbm>> -> memref<16400x128xf32, #tpu.memory_space<hbm>>
                tpu.wait_indirect_dma semaphore(%arg18 : memref<!tpu.dma_semaphore, #tpu.memory_space<semaphore_mem>>) src(%dma_wait3A_472 : memref<16x128xf32, #tpu.memory_space<vmem>>) dst(%dma_wait3A_478 : memref<16400x128xf32, #tpu.memory_space<hbm>>)
              } else {
              }
              %dma_start3A = arith.constant 0 : i32
              %dma_start3A_456 = arith.constant 0 : i32
              %dma_start3A_457 = arith.constant 0 : i32
              %dma_start3A_458 = arith.constant 0 : i32
              %dma_start3A_459 = tpu.memref_slice %arg14[%dma_start3A, %dma_start3A_457, %dma_start3A_458] : memref<2x16x128xf32, #tpu.memory_space<vmem>> -> memref<1x16x128xf32, #tpu.memory_space<vmem>>
              %dma_start3A_460 = tpu.memref_squeeze %dma_start3A_459 : memref<1x16x128xf32, #tpu.memory_space<vmem>> -> memref<16x128xf32, #tpu.memory_space<vmem>>
              %dma_start3A_461 = arith.constant 0 : i32
              %dma_start3A_462 = tpu.memref_slice %arg15[%dma_start3A_456, %dma_start3A_461] : memref<2x16xi32, #tpu.memory_space<vmem>> -> memref<1x16xi32, #tpu.memory_space<vmem>>
              %dma_start3A_463 = tpu.memref_squeeze %dma_start3A_462 : memref<1x16xi32, #tpu.memory_space<vmem>> -> memref<16xi32, #tpu.memory_space<vmem>>
              %dma_start3A_464 = arith.constant 0 : i32
              %dma_start3A_465 = arith.constant 0 : i32
              %dma_start3A_466 = tpu.memref_slice %arg4[%dma_start3A_464, %dma_start3A_465] : memref<16400x128xf32, #tpu.memory_space<hbm>> -> memref<16400x128xf32, #tpu.memory_space<hbm>>
              tpu.enqueue_indirect_dma source(%dma_start3A_460 : memref<16x128xf32, #tpu.memory_space<vmem>>) target(%dma_start3A_466 : memref<16400x128xf32, #tpu.memory_space<hbm>>) offsets(%dma_start3A_463 : memref<16xi32, #tpu.memory_space<vmem>>) semaphore(%arg18 : memref<!tpu.dma_semaphore, #tpu.memory_space<semaphore_mem>>)
            } else {
            }
            %and3A_435 = arith.constant 1 : i32
            %and3A_436 = arith.andi %get3A_427, %and3A_435 : i32
            %eq3A_437 = arith.constant 1 : i32
            %eq3A_438 = arith.cmpi eq, %and3A_436, %eq3A_437 : i32
            %convert_element_type3A_439 = arith.extui %eq3A_438 : i1 to i32
            %cond3A_440 = arith.constant 0 : i32
            %cond3A_441 = arith.cmpi ne, %convert_element_type3A_439, %cond3A_440 : i32
            scf.if %cond3A_441 {
              %ge3A_451 = arith.constant 2 : i32
              %ge3A_452 = arith.cmpi sge, %get3A_427, %ge3A_451 : i32
              %convert_element_type3A_453 = arith.extui %ge3A_452 : i1 to i32
              %cond3A_454 = arith.constant 0 : i32
              %cond3A_455 = arith.cmpi ne, %convert_element_type3A_453, %cond3A_454 : i32
              scf.if %cond3A_455 {
                %dma_wait3A_467 = arith.constant 1 : i32
                %dma_wait3A_468 = arith.constant 1 : i32
                %dma_wait3A_469 = arith.constant 0 : i32
                %dma_wait3A_470 = arith.constant 0 : i32
                %dma_wait3A_471 = tpu.memref_slice %arg14[%dma_wait3A_467, %dma_wait3A_469, %dma_wait3A_470] : memref<2x16x128xf32, #tpu.memory_space<vmem>> -> memref<1x16x128xf32, #tpu.memory_space<vmem>>
                %dma_wait3A_472 = tpu.memref_squeeze %dma_wait3A_471 : memref<1x16x128xf32, #tpu.memory_space<vmem>> -> memref<16x128xf32, #tpu.memory_space<vmem>>
                %dma_wait3A_473 = arith.constant 0 : i32
                %dma_wait3A_474 = tpu.memref_slice %arg15[%dma_wait3A_468, %dma_wait3A_473] : memref<2x16xi32, #tpu.memory_space<vmem>> -> memref<1x16xi32, #tpu.memory_space<vmem>>
                %dma_wait3A_475 = tpu.memref_squeeze %dma_wait3A_474 : memref<1x16xi32, #tpu.memory_space<vmem>> -> memref<16xi32, #tpu.memory_space<vmem>>
                %dma_wait3A_476 = arith.constant 0 : i32
                %dma_wait3A_477 = arith.constant 0 : i32
                %dma_wait3A_478 = tpu.memref_slice %arg4[%dma_wait3A_476, %dma_wait3A_477] : memref<16400x128xf32, #tpu.memory_space<hbm>> -> memref<16400x128xf32, #tpu.memory_space<hbm>>
                tpu.wait_indirect_dma semaphore(%arg19 : memref<!tpu.dma_semaphore, #tpu.memory_space<semaphore_mem>>) src(%dma_wait3A_472 : memref<16x128xf32, #tpu.memory_space<vmem>>) dst(%dma_wait3A_478 : memref<16400x128xf32, #tpu.memory_space<hbm>>)
              } else {
              }
              %dma_start3A = arith.constant 1 : i32
              %dma_start3A_456 = arith.constant 1 : i32
              %dma_start3A_457 = arith.constant 0 : i32
              %dma_start3A_458 = arith.constant 0 : i32
              %dma_start3A_459 = tpu.memref_slice %arg14[%dma_start3A, %dma_start3A_457, %dma_start3A_458] : memref<2x16x128xf32, #tpu.memory_space<vmem>> -> memref<1x16x128xf32, #tpu.memory_space<vmem>>
              %dma_start3A_460 = tpu.memref_squeeze %dma_start3A_459 : memref<1x16x128xf32, #tpu.memory_space<vmem>> -> memref<16x128xf32, #tpu.memory_space<vmem>>
              %dma_start3A_461 = arith.constant 0 : i32
              %dma_start3A_462 = tpu.memref_slice %arg15[%dma_start3A_456, %dma_start3A_461] : memref<2x16xi32, #tpu.memory_space<vmem>> -> memref<1x16xi32, #tpu.memory_space<vmem>>
              %dma_start3A_463 = tpu.memref_squeeze %dma_start3A_462 : memref<1x16xi32, #tpu.memory_space<vmem>> -> memref<16xi32, #tpu.memory_space<vmem>>
              %dma_start3A_464 = arith.constant 0 : i32
              %dma_start3A_465 = arith.constant 0 : i32
              %dma_start3A_466 = tpu.memref_slice %arg4[%dma_start3A_464, %dma_start3A_465] : memref<16400x128xf32, #tpu.memory_space<hbm>> -> memref<16400x128xf32, #tpu.memory_space<hbm>>
              tpu.enqueue_indirect_dma source(%dma_start3A_460 : memref<16x128xf32, #tpu.memory_space<vmem>>) target(%dma_start3A_466 : memref<16400x128xf32, #tpu.memory_space<hbm>>) offsets(%dma_start3A_463 : memref<16xi32, #tpu.memory_space<vmem>>) semaphore(%arg19 : memref<!tpu.dma_semaphore, #tpu.memory_space<semaphore_mem>>)
            } else {
            }
            %add3A_442 = arith.constant 1 : i32
            %add3A_443 = arith.addi %get3A_427, %add3A_442 : i32
            %swap3A_444 = arith.constant 1 : i32
            %swap3A_445 = arith.index_cast %swap3A_444 : i32 to index
            %swap3A_446 = memref.load %arg16[%swap3A_445] : memref<2xi32, #tpu.memory_space<smem>>
            memref.store %add3A_443, %arg16[%swap3A_445] : memref<2xi32, #tpu.memory_space<smem>>
            %swap3A_447 = arith.constant 0 : i32
            %swap3A_448 = arith.constant 0 : i32
            %swap3A_449 = arith.index_cast %swap3A_448 : i32 to index
            %swap3A_450 = memref.load %arg16[%swap3A_449] : memref<2xi32, #tpu.memory_space<smem>>
            memref.store %swap3A_447, %arg16[%swap3A_449] : memref<2xi32, #tpu.memory_space<smem>>
          } else {
          }
          %while3A_424 = arith.constant 0 : i32
          scf.yield %while3A_424 : i32
        }
        %add3A_344 = arith.constant 7 : i32
        %add3A_345 = arith.addi %add3A_292, %add3A_344 : i32
        %lt3A_346 = arith.cmpi slt, %add3A_345, %scan3A_138#1 : i32
        %convert_element_type3A_347 = arith.extui %lt3A_346 : i1 to i32
        %cond3A_348 = arith.constant 0 : i32
        %cond3A_349 = arith.cmpi ne, %convert_element_type3A_347, %cond3A_348 : i32
        scf.if %cond3A_349 {
          %add3A_350 = arith.constant 7 : i32
          %add3A_351 = arith.addi %add3A_292, %add3A_350 : i32
          %get3A_352 = arith.index_cast %add3A_351 : i32 to index
          %get3A_353 = tpu.vector_load %arg12[%get3A_352] {strides = array<i32>} : memref<272xi32, #tpu.memory_space<vmem>>, vector<16xi32>,
          %slice3A_354 = vector.extract_strided_slice %get3A_353 {offsets = [0], sizes = [1], strides = [1]} : vector<16xi32> to vector<1xi32>
          %squeeze3A_355 = vector.extract %slice3A_354[0] : i32 from vector<1xi32>
          %add3A_356 = arith.addi %squeeze3A_355, %mul3A_2 : i32
          %mul3A_357 = arith.constant 128 : i32
          %mul3A_358 = arith.muli %add3A_356, %mul3A_357 : i32
          %multiple_of3A_359 = tpu.assume_multiple %mul3A_358, 128 : i32
          %dma_start3A = arith.constant 5 : i32
          %dma_start3A_360 = arith.constant 0 : i32
          %dma_start3A_361 = arith.constant 0 : i32
          %dma_start3A_362 = tpu.memref_slice %arg9[%dma_start3A, %dma_start3A_360, %dma_start3A_361] : memref<7x64x128xf32, #tpu.memory_space<vmem>> -> memref<1x64x128xf32, #tpu.memory_space<vmem>>
          %dma_start3A_363 = tpu.memref_squeeze %dma_start3A_362 : memref<1x64x128xf32, #tpu.memory_space<vmem>> -> memref<64x128xf32, #tpu.memory_space<vmem>>
          %dma_start3A_364 = arith.constant 0 : i32
          %dma_start3A_365 = tpu.memref_slice %arg3[%dma_start3A_364, %multiple_of3A_359] : memref<64x1000000xf32, #tpu.memory_space<hbm>> -> memref<64x128xf32, #tpu.memory_space<hbm>>
          %dma_start3A_366 = arith.constant 0 : i32
          %dma_start3A_367 = arith.constant 0 : i32
          %dma_start3A_368 = tpu.memref_slice %arg9[%dma_start3A, %dma_start3A_366, %dma_start3A_367] : memref<7x64x128xf32, #tpu.memory_space<vmem>> -> memref<1x64x128xf32, #tpu.memory_space<vmem>>
          %dma_start3A_369 = tpu.memref_squeeze %dma_start3A_368 : memref<1x64x128xf32, #tpu.memory_space<vmem>> -> memref<64x128xf32, #tpu.memory_space<vmem>>
          %dma_start3A_370 = arith.constant 0 : i32
          %dma_start3A_371 = tpu.memref_slice %arg3[%dma_start3A_370, %multiple_of3A_359] : memref<64x1000000xf32, #tpu.memory_space<hbm>> -> memref<64x128xf32, #tpu.memory_space<hbm>>
          tpu.enqueue_dma source(%dma_start3A_371 : memref<64x128xf32, #tpu.memory_space<hbm>>) target(%dma_start3A_369 : memref<64x128xf32, #tpu.memory_space<vmem>>) target_semaphore(%arg17 : memref<!tpu.dma_semaphore, #tpu.memory_space<semaphore_mem>>)
        } else {
        }
      } else {
      }
      %mul3A_297 = arith.constant 7 : i32
      %mul3A_298 = arith.muli %scan3A_248, %mul3A_297 : i32
      %add3A_299 = arith.constant 6 : i32
      %add3A_300 = arith.addi %mul3A_298, %add3A_299 : i32
      %lt3A_301 = arith.cmpi slt, %add3A_300, %scan3A_138#1 : i32
      %convert_element_type3A_302 = arith.extui %lt3A_301 : i1 to i32
      %cond3A_303 = arith.constant 0 : i32
      %cond3A_304 = arith.cmpi ne, %convert_element_type3A_302, %cond3A_303 : i32
      scf.if %cond3A_304 {
        %get3A_306 = arith.index_cast %add3A_300 : i32 to index
        %get3A_307 = tpu.vector_load %arg12[%get3A_306] {strides = array<i32>} : memref<272xi32, #tpu.memory_space<vmem>>, vector<16xi32>,
        %slice3A = vector.extract_strided_slice %get3A_307 {offsets = [0], sizes = [1], strides = [1]} : vector<16xi32> to vector<1xi32>
        %squeeze3A = vector.extract %slice3A[0] : i32 from vector<1xi32>
        %add3A_308 = arith.addi %squeeze3A, %mul3A_2 : i32
        %mul3A_309 = arith.constant 128 : i32
        %mul3A_310 = arith.muli %add3A_308, %mul3A_309 : i32
        %multiple_of3A = tpu.assume_multiple %mul3A_310, 128 : i32
        %dma_wait3A = arith.constant 6 : i32
        %dma_wait3A_311 = arith.constant 0 : i32
        %dma_wait3A_312 = arith.constant 0 : i32
        %dma_wait3A_313 = tpu.memref_slice %arg9[%dma_wait3A, %dma_wait3A_311, %dma_wait3A_312] : memref<7x64x128xf32, #tpu.memory_space<vmem>> -> memref<1x64x128xf32, #tpu.memory_space<vmem>>
        %dma_wait3A_314 = tpu.memref_squeeze %dma_wait3A_313 : memref<1x64x128xf32, #tpu.memory_space<vmem>> -> memref<64x128xf32, #tpu.memory_space<vmem>>
        %dma_wait3A_315 = arith.constant 0 : i32
        %dma_wait3A_316 = tpu.memref_slice %arg3[%dma_wait3A_315, %multiple_of3A] : memref<64x1000000xf32, #tpu.memory_space<hbm>> -> memref<64x128xf32, #tpu.memory_space<hbm>>
        %dma_wait3A_317 = arith.constant 0 : i32
        %dma_wait3A_318 = arith.constant 0 : i32
        %dma_wait3A_319 = tpu.memref_slice %arg9[%dma_wait3A, %dma_wait3A_317, %dma_wait3A_318] : memref<7x64x128xf32, #tpu.memory_space<vmem>> -> memref<1x64x128xf32, #tpu.memory_space<vmem>>
        %dma_wait3A_320 = tpu.memref_squeeze %dma_wait3A_319 : memref<1x64x128xf32, #tpu.memory_space<vmem>> -> memref<64x128xf32, #tpu.memory_space<vmem>>
        %dma_wait3A_321 = arith.constant 0 : i32
        %dma_wait3A_322 = tpu.memref_slice %arg3[%dma_wait3A_321, %multiple_of3A] : memref<64x1000000xf32, #tpu.memory_space<hbm>> -> memref<64x128xf32, #tpu.memory_space<hbm>>
        tpu.wait_dma2 semaphore(%arg17 : memref<!tpu.dma_semaphore, #tpu.memory_space<semaphore_mem>>) src(%dma_wait3A_322 : memref<64x128xf32, #tpu.memory_space<hbm>>) dst(%dma_wait3A_320 : memref<64x128xf32, #tpu.memory_space<vmem>>)
        %get3A_323 = arith.index_cast %add3A_300 : i32 to index
        %get3A_324 = tpu.vector_load %arg13[%get3A_323] {strides = array<i32>} : memref<272xi32, #tpu.memory_space<vmem>>, vector<16xi32>,
        %slice3A_325 = vector.extract_strided_slice %get3A_324 {offsets = [0], sizes = [1], strides = [1]} : vector<16xi32> to vector<1xi32>
        %squeeze3A_326 = vector.extract %slice3A_325[0] : i32 from vector<1xi32>
        %add3A_327 = arith.constant 1 : i32
        %add3A_328 = arith.addi %add3A_300, %add3A_327 : i32
        %get3A_329 = arith.index_cast %add3A_328 : i32 to index
        %get3A_330 = tpu.vector_load %arg13[%get3A_329] {strides = array<i32>} : memref<272xi32, #tpu.memory_space<vmem>>, vector<16xi32>,
        %slice3A_331 = vector.extract_strided_slice %get3A_330 {offsets = [0], sizes = [1], strides = [1]} : vector<16xi32> to vector<1xi32>
        %squeeze3A_332 = vector.extract %slice3A_331[0] : i32 from vector<1xi32>
        %while3A_333 = arith.constant 0 : i32
        %while3A_334 = arith.subi %squeeze3A_332, %squeeze3A_326 : i32
        %while3A_335 = arith.addi %squeeze3A_326, %while3A_334 : i32
        %while3A_336 = arith.constant 1 : i32
        %while3A_337 = arith.divsi %while3A_334, %while3A_336 : i32
        %while3A_338 = arith.muli %while3A_337, %while3A_336 : i32
        %while3A_339 = arith.addi %squeeze3A_326, %while3A_338 : i32
        %while3A_340 = arith.constant 1 : i32
        %while3A_341 = scf.for %while3A_350 = %squeeze3A_326 to %while3A_339 step %while3A_340 iter_args(%while3A_351 = %while3A_333) -> (i32)  : i32 {
          %get3A_352 = arith.index_cast %while3A_350 : i32 to index
          %get3A_353 = tpu.vector_load %arg5[%get3A_352] {strides = array<i32>} : memref<16400xi32, #tpu.memory_space<vmem>>, vector<16xi32>,
          %slice3A_354 = vector.extract_strided_slice %get3A_353 {offsets = [0], sizes = [1], strides = [1]} : vector<16xi32> to vector<1xi32>
          %squeeze3A_355 = vector.extract %slice3A_354[0] : i32 from vector<1xi32>
          %get3A_356 = arith.index_cast %while3A_350 : i32 to index
          %get3A_357 = tpu.vector_load %arg8[%get3A_356] {strides = array<i32>} : memref<16400xi32, #tpu.memory_space<vmem>>, vector<16xi32>,
          %slice3A_358 = vector.extract_strided_slice %get3A_357 {offsets = [0], sizes = [1], strides = [1]} : vector<16xi32> to vector<1xi32>
          %squeeze3A_359 = vector.extract %slice3A_358[0] : i32 from vector<1xi32>
          %and3A_360 = arith.constant 127 : i32
          %and3A_361 = arith.andi %squeeze3A_355, %and3A_360 : i32
          %broadcast_in_dim3A_362 = vector.broadcast %and3A_361 : i32 to vector<16xi32>
          %get3A_363 = arith.constant 0 : i32
          %get3A_364 = arith.index_cast %get3A_363 : i32 to index
          %get3A_365 = memref.load %arg16[%get3A_364] : memref<2xi32, #tpu.memory_space<smem>>
          %broadcast_in_dim3A_366 = vector.broadcast %get3A_365 : i32 to vector<16xi32>
          %get3A_367 = arith.constant 1 : i32
          %get3A_368 = arith.index_cast %get3A_367 : i32 to index
          %get3A_369 = memref.load %arg16[%get3A_368] : memref<2xi32, #tpu.memory_space<smem>>
          %and3A_370 = arith.constant 1 : i32
          %and3A_371 = arith.andi %get3A_369, %and3A_370 : i32
          %broadcast_in_dim3A_372 = vector.broadcast %and3A_371 : i32 to vector<16xi32>
          %add3A_373 = arith.constant 0 : i32
          %add3A_374 = vector.broadcast %add3A_373 : i32 to vector<16xi32>
          %add3A_375 = arith.addi %iota3A, %add3A_374 : vector<16xi32>
          %gather3A = arith.constant 6 : i32
          %gather3A_376 = arith.constant 0 : i32
          %gather3A_377 = arith.constant 0 : i32
          %gather3A_378 = tpu.memref_slice %arg9[%gather3A, %gather3A_376, %gather3A_377] : memref<7x64x128xf32, #tpu.memory_space<vmem>> -> memref<1x64x128xf32, #tpu.memory_space<vmem>>
          %gather3A_379 = tpu.memref_squeeze %gather3A_378 : memref<1x64x128xf32, #tpu.memory_space<vmem>> -> memref<64x128xf32, #tpu.memory_space<vmem>>
          %gather3A_380 = tpu.vector_load_idx %gather3A_379[%add3A_375, %broadcast_in_dim3A_362] : memref<64x128xf32, #tpu.memory_space<vmem>>[vector<16xi32>, vector<16xi32>], vector<16xf32>,
          tpu.vector_store_idx %arg14[%broadcast_in_dim3A_372, %broadcast_in_dim3A_366, %add3A_375], %gather3A_380 : memref<2x16x128xf32, #tpu.memory_space<vmem>>[vector<16xi32>, vector<16xi32>, vector<16xi32>], vector<16xf32>,
          %add3A_381 = arith.constant 16 : i32
          %add3A_382 = vector.broadcast %add3A_381 : i32 to vector<16xi32>
          %add3A_383 = arith.addi %iota3A, %add3A_382 : vector<16xi32>
          %gather3A_384 = arith.constant 6 : i32
          %gather3A_385 = arith.constant 0 : i32
          %gather3A_386 = arith.constant 0 : i32
          %gather3A_387 = tpu.memref_slice %arg9[%gather3A_384, %gather3A_385, %gather3A_386] : memref<7x64x128xf32, #tpu.memory_space<vmem>> -> memref<1x64x128xf32, #tpu.memory_space<vmem>>
          %gather3A_388 = tpu.memref_squeeze %gather3A_387 : memref<1x64x128xf32, #tpu.memory_space<vmem>> -> memref<64x128xf32, #tpu.memory_space<vmem>>
          %gather3A_389 = tpu.vector_load_idx %gather3A_388[%add3A_383, %broadcast_in_dim3A_362] : memref<64x128xf32, #tpu.memory_space<vmem>>[vector<16xi32>, vector<16xi32>], vector<16xf32>,
          tpu.vector_store_idx %arg14[%broadcast_in_dim3A_372, %broadcast_in_dim3A_366, %add3A_383], %gather3A_389 : memref<2x16x128xf32, #tpu.memory_space<vmem>>[vector<16xi32>, vector<16xi32>, vector<16xi32>], vector<16xf32>,
          %add3A_390 = arith.constant 32 : i32
          %add3A_391 = vector.broadcast %add3A_390 : i32 to vector<16xi32>
          %add3A_392 = arith.addi %iota3A, %add3A_391 : vector<16xi32>
          %gather3A_393 = arith.constant 6 : i32
          %gather3A_394 = arith.constant 0 : i32
          %gather3A_395 = arith.constant 0 : i32
          %gather3A_396 = tpu.memref_slice %arg9[%gather3A_393, %gather3A_394, %gather3A_395] : memref<7x64x128xf32, #tpu.memory_space<vmem>> -> memref<1x64x128xf32, #tpu.memory_space<vmem>>
          %gather3A_397 = tpu.memref_squeeze %gather3A_396 : memref<1x64x128xf32, #tpu.memory_space<vmem>> -> memref<64x128xf32, #tpu.memory_space<vmem>>
          %gather3A_398 = tpu.vector_load_idx %gather3A_397[%add3A_392, %broadcast_in_dim3A_362] : memref<64x128xf32, #tpu.memory_space<vmem>>[vector<16xi32>, vector<16xi32>], vector<16xf32>,
          tpu.vector_store_idx %arg14[%broadcast_in_dim3A_372, %broadcast_in_dim3A_366, %add3A_392], %gather3A_398 : memref<2x16x128xf32, #tpu.memory_space<vmem>>[vector<16xi32>, vector<16xi32>, vector<16xi32>], vector<16xf32>,
          %add3A_399 = arith.constant 48 : i32
          %add3A_400 = vector.broadcast %add3A_399 : i32 to vector<16xi32>
          %add3A_401 = arith.addi %iota3A, %add3A_400 : vector<16xi32>
          %gather3A_402 = arith.constant 6 : i32
          %gather3A_403 = arith.constant 0 : i32
          %gather3A_404 = arith.constant 0 : i32
          %gather3A_405 = tpu.memref_slice %arg9[%gather3A_402, %gather3A_403, %gather3A_404] : memref<7x64x128xf32, #tpu.memory_space<vmem>> -> memref<1x64x128xf32, #tpu.memory_space<vmem>>
          %gather3A_406 = tpu.memref_squeeze %gather3A_405 : memref<1x64x128xf32, #tpu.memory_space<vmem>> -> memref<64x128xf32, #tpu.memory_space<vmem>>
          %gather3A_407 = tpu.vector_load_idx %gather3A_406[%add3A_401, %broadcast_in_dim3A_362] : memref<64x128xf32, #tpu.memory_space<vmem>>[vector<16xi32>, vector<16xi32>], vector<16xf32>,
          tpu.vector_store_idx %arg14[%broadcast_in_dim3A_372, %broadcast_in_dim3A_366, %add3A_401], %gather3A_407 : memref<2x16x128xf32, #tpu.memory_space<vmem>>[vector<16xi32>, vector<16xi32>, vector<16xi32>], vector<16xf32>,
          %broadcast_in_dim3A_408 = vector.broadcast %squeeze3A_359 : i32 to vector<16xi32>
          %eq3A_409 = arith.constant 0 : i32
          %eq3A_410 = vector.broadcast %eq3A_409 : i32 to vector<16xi32>
          %eq3A_411 = arith.cmpi eq, %iota3A, %eq3A_410 : vector<16xi32>
          tpu.vector_store_idx %arg15[%broadcast_in_dim3A_372, %broadcast_in_dim3A_366], %broadcast_in_dim3A_408 masked %eq3A_411 : memref<2x16xi32, #tpu.memory_space<vmem>>[vector<16xi32>, vector<16xi32>], vector<16xi32>, vector<16xi1>
          %add3A_412 = arith.constant 1 : i32
          %add3A_413 = arith.addi %get3A_365, %add3A_412 : i32
          %swap3A_414 = arith.constant 0 : i32
          %swap3A_415 = arith.index_cast %swap3A_414 : i32 to index
          %swap3A_416 = memref.load %arg16[%swap3A_415] : memref<2xi32, #tpu.memory_space<smem>>
          memref.store %add3A_413, %arg16[%swap3A_415] : memref<2xi32, #tpu.memory_space<smem>>
          %add3A_417 = arith.constant 1 : i32
          %add3A_418 = arith.addi %get3A_365, %add3A_417 : i32
          %eq3A_419 = arith.constant 16 : i32
          %eq3A_420 = arith.cmpi eq, %add3A_418, %eq3A_419 : i32
          %convert_element_type3A_421 = arith.extui %eq3A_420 : i1 to i32
          %cond3A_422 = arith.constant 0 : i32
          %cond3A_423 = arith.cmpi ne, %convert_element_type3A_421, %cond3A_422 : i32
          scf.if %cond3A_423 {
            %get3A_425 = arith.constant 1 : i32
            %get3A_426 = arith.index_cast %get3A_425 : i32 to index
            %get3A_427 = memref.load %arg16[%get3A_426] : memref<2xi32, #tpu.memory_space<smem>>
            %and3A_428 = arith.constant 1 : i32
            %and3A_429 = arith.andi %get3A_427, %and3A_428 : i32
            %eq3A_430 = arith.constant 0 : i32
            %eq3A_431 = arith.cmpi eq, %and3A_429, %eq3A_430 : i32
            %convert_element_type3A_432 = arith.extui %eq3A_431 : i1 to i32
            %cond3A_433 = arith.constant 0 : i32
            %cond3A_434 = arith.cmpi ne, %convert_element_type3A_432, %cond3A_433 : i32
            scf.if %cond3A_434 {
              %ge3A_451 = arith.constant 2 : i32
              %ge3A_452 = arith.cmpi sge, %get3A_427, %ge3A_451 : i32
              %convert_element_type3A_453 = arith.extui %ge3A_452 : i1 to i32
              %cond3A_454 = arith.constant 0 : i32
              %cond3A_455 = arith.cmpi ne, %convert_element_type3A_453, %cond3A_454 : i32
              scf.if %cond3A_455 {
                %dma_wait3A_467 = arith.constant 0 : i32
                %dma_wait3A_468 = arith.constant 0 : i32
                %dma_wait3A_469 = arith.constant 0 : i32
                %dma_wait3A_470 = arith.constant 0 : i32
                %dma_wait3A_471 = tpu.memref_slice %arg14[%dma_wait3A_467, %dma_wait3A_469, %dma_wait3A_470] : memref<2x16x128xf32, #tpu.memory_space<vmem>> -> memref<1x16x128xf32, #tpu.memory_space<vmem>>
                %dma_wait3A_472 = tpu.memref_squeeze %dma_wait3A_471 : memref<1x16x128xf32, #tpu.memory_space<vmem>> -> memref<16x128xf32, #tpu.memory_space<vmem>>
                %dma_wait3A_473 = arith.constant 0 : i32
                %dma_wait3A_474 = tpu.memref_slice %arg15[%dma_wait3A_468, %dma_wait3A_473] : memref<2x16xi32, #tpu.memory_space<vmem>> -> memref<1x16xi32, #tpu.memory_space<vmem>>
                %dma_wait3A_475 = tpu.memref_squeeze %dma_wait3A_474 : memref<1x16xi32, #tpu.memory_space<vmem>> -> memref<16xi32, #tpu.memory_space<vmem>>
                %dma_wait3A_476 = arith.constant 0 : i32
                %dma_wait3A_477 = arith.constant 0 : i32
                %dma_wait3A_478 = tpu.memref_slice %arg4[%dma_wait3A_476, %dma_wait3A_477] : memref<16400x128xf32, #tpu.memory_space<hbm>> -> memref<16400x128xf32, #tpu.memory_space<hbm>>
                tpu.wait_indirect_dma semaphore(%arg18 : memref<!tpu.dma_semaphore, #tpu.memory_space<semaphore_mem>>) src(%dma_wait3A_472 : memref<16x128xf32, #tpu.memory_space<vmem>>) dst(%dma_wait3A_478 : memref<16400x128xf32, #tpu.memory_space<hbm>>)
              } else {
              }
              %dma_start3A = arith.constant 0 : i32
              %dma_start3A_456 = arith.constant 0 : i32
              %dma_start3A_457 = arith.constant 0 : i32
              %dma_start3A_458 = arith.constant 0 : i32
              %dma_start3A_459 = tpu.memref_slice %arg14[%dma_start3A, %dma_start3A_457, %dma_start3A_458] : memref<2x16x128xf32, #tpu.memory_space<vmem>> -> memref<1x16x128xf32, #tpu.memory_space<vmem>>
              %dma_start3A_460 = tpu.memref_squeeze %dma_start3A_459 : memref<1x16x128xf32, #tpu.memory_space<vmem>> -> memref<16x128xf32, #tpu.memory_space<vmem>>
              %dma_start3A_461 = arith.constant 0 : i32
              %dma_start3A_462 = tpu.memref_slice %arg15[%dma_start3A_456, %dma_start3A_461] : memref<2x16xi32, #tpu.memory_space<vmem>> -> memref<1x16xi32, #tpu.memory_space<vmem>>
              %dma_start3A_463 = tpu.memref_squeeze %dma_start3A_462 : memref<1x16xi32, #tpu.memory_space<vmem>> -> memref<16xi32, #tpu.memory_space<vmem>>
              %dma_start3A_464 = arith.constant 0 : i32
              %dma_start3A_465 = arith.constant 0 : i32
              %dma_start3A_466 = tpu.memref_slice %arg4[%dma_start3A_464, %dma_start3A_465] : memref<16400x128xf32, #tpu.memory_space<hbm>> -> memref<16400x128xf32, #tpu.memory_space<hbm>>
              tpu.enqueue_indirect_dma source(%dma_start3A_460 : memref<16x128xf32, #tpu.memory_space<vmem>>) target(%dma_start3A_466 : memref<16400x128xf32, #tpu.memory_space<hbm>>) offsets(%dma_start3A_463 : memref<16xi32, #tpu.memory_space<vmem>>) semaphore(%arg18 : memref<!tpu.dma_semaphore, #tpu.memory_space<semaphore_mem>>)
            } else {
            }
            %and3A_435 = arith.constant 1 : i32
            %and3A_436 = arith.andi %get3A_427, %and3A_435 : i32
            %eq3A_437 = arith.constant 1 : i32
            %eq3A_438 = arith.cmpi eq, %and3A_436, %eq3A_437 : i32
            %convert_element_type3A_439 = arith.extui %eq3A_438 : i1 to i32
            %cond3A_440 = arith.constant 0 : i32
            %cond3A_441 = arith.cmpi ne, %convert_element_type3A_439, %cond3A_440 : i32
            scf.if %cond3A_441 {
              %ge3A_451 = arith.constant 2 : i32
              %ge3A_452 = arith.cmpi sge, %get3A_427, %ge3A_451 : i32
              %convert_element_type3A_453 = arith.extui %ge3A_452 : i1 to i32
              %cond3A_454 = arith.constant 0 : i32
              %cond3A_455 = arith.cmpi ne, %convert_element_type3A_453, %cond3A_454 : i32
              scf.if %cond3A_455 {
                %dma_wait3A_467 = arith.constant 1 : i32
                %dma_wait3A_468 = arith.constant 1 : i32
                %dma_wait3A_469 = arith.constant 0 : i32
                %dma_wait3A_470 = arith.constant 0 : i32
                %dma_wait3A_471 = tpu.memref_slice %arg14[%dma_wait3A_467, %dma_wait3A_469, %dma_wait3A_470] : memref<2x16x128xf32, #tpu.memory_space<vmem>> -> memref<1x16x128xf32, #tpu.memory_space<vmem>>
                %dma_wait3A_472 = tpu.memref_squeeze %dma_wait3A_471 : memref<1x16x128xf32, #tpu.memory_space<vmem>> -> memref<16x128xf32, #tpu.memory_space<vmem>>
                %dma_wait3A_473 = arith.constant 0 : i32
                %dma_wait3A_474 = tpu.memref_slice %arg15[%dma_wait3A_468, %dma_wait3A_473] : memref<2x16xi32, #tpu.memory_space<vmem>> -> memref<1x16xi32, #tpu.memory_space<vmem>>
                %dma_wait3A_475 = tpu.memref_squeeze %dma_wait3A_474 : memref<1x16xi32, #tpu.memory_space<vmem>> -> memref<16xi32, #tpu.memory_space<vmem>>
                %dma_wait3A_476 = arith.constant 0 : i32
                %dma_wait3A_477 = arith.constant 0 : i32
                %dma_wait3A_478 = tpu.memref_slice %arg4[%dma_wait3A_476, %dma_wait3A_477] : memref<16400x128xf32, #tpu.memory_space<hbm>> -> memref<16400x128xf32, #tpu.memory_space<hbm>>
                tpu.wait_indirect_dma semaphore(%arg19 : memref<!tpu.dma_semaphore, #tpu.memory_space<semaphore_mem>>) src(%dma_wait3A_472 : memref<16x128xf32, #tpu.memory_space<vmem>>) dst(%dma_wait3A_478 : memref<16400x128xf32, #tpu.memory_space<hbm>>)
              } else {
              }
              %dma_start3A = arith.constant 1 : i32
              %dma_start3A_456 = arith.constant 1 : i32
              %dma_start3A_457 = arith.constant 0 : i32
              %dma_start3A_458 = arith.constant 0 : i32
              %dma_start3A_459 = tpu.memref_slice %arg14[%dma_start3A, %dma_start3A_457, %dma_start3A_458] : memref<2x16x128xf32, #tpu.memory_space<vmem>> -> memref<1x16x128xf32, #tpu.memory_space<vmem>>
              %dma_start3A_460 = tpu.memref_squeeze %dma_start3A_459 : memref<1x16x128xf32, #tpu.memory_space<vmem>> -> memref<16x128xf32, #tpu.memory_space<vmem>>
              %dma_start3A_461 = arith.constant 0 : i32
              %dma_start3A_462 = tpu.memref_slice %arg15[%dma_start3A_456, %dma_start3A_461] : memref<2x16xi32, #tpu.memory_space<vmem>> -> memref<1x16xi32, #tpu.memory_space<vmem>>
              %dma_start3A_463 = tpu.memref_squeeze %dma_start3A_462 : memref<1x16xi32, #tpu.memory_space<vmem>> -> memref<16xi32, #tpu.memory_space<vmem>>
              %dma_start3A_464 = arith.constant 0 : i32
              %dma_start3A_465 = arith.constant 0 : i32
              %dma_start3A_466 = tpu.memref_slice %arg4[%dma_start3A_464, %dma_start3A_465] : memref<16400x128xf32, #tpu.memory_space<hbm>> -> memref<16400x128xf32, #tpu.memory_space<hbm>>
              tpu.enqueue_indirect_dma source(%dma_start3A_460 : memref<16x128xf32, #tpu.memory_space<vmem>>) target(%dma_start3A_466 : memref<16400x128xf32, #tpu.memory_space<hbm>>) offsets(%dma_start3A_463 : memref<16xi32, #tpu.memory_space<vmem>>) semaphore(%arg19 : memref<!tpu.dma_semaphore, #tpu.memory_space<semaphore_mem>>)
            } else {
            }
            %add3A_442 = arith.constant 1 : i32
            %add3A_443 = arith.addi %get3A_427, %add3A_442 : i32
            %swap3A_444 = arith.constant 1 : i32
            %swap3A_445 = arith.index_cast %swap3A_444 : i32 to index
            %swap3A_446 = memref.load %arg16[%swap3A_445] : memref<2xi32, #tpu.memory_space<smem>>
            memref.store %add3A_443, %arg16[%swap3A_445] : memref<2xi32, #tpu.memory_space<smem>>
            %swap3A_447 = arith.constant 0 : i32
            %swap3A_448 = arith.constant 0 : i32
            %swap3A_449 = arith.index_cast %swap3A_448 : i32 to index
            %swap3A_450 = memref.load %arg16[%swap3A_449] : memref<2xi32, #tpu.memory_space<smem>>
            memref.store %swap3A_447, %arg16[%swap3A_449] : memref<2xi32, #tpu.memory_space<smem>>
          } else {
          }
          %while3A_424 = arith.constant 0 : i32
          scf.yield %while3A_424 : i32
        }
        %while3A_342 = arith.constant 1 : i32
        %while3A_343 = scf.for %while3A_350 = %while3A_339 to %while3A_335 step %while3A_342 iter_args(%while3A_351 = %while3A_341) -> (i32)  : i32 {
          %get3A_352 = arith.index_cast %while3A_350 : i32 to index
          %get3A_353 = tpu.vector_load %arg5[%get3A_352] {strides = array<i32>} : memref<16400xi32, #tpu.memory_space<vmem>>, vector<16xi32>,
          %slice3A_354 = vector.extract_strided_slice %get3A_353 {offsets = [0], sizes = [1], strides = [1]} : vector<16xi32> to vector<1xi32>
          %squeeze3A_355 = vector.extract %slice3A_354[0] : i32 from vector<1xi32>
          %get3A_356 = arith.index_cast %while3A_350 : i32 to index
          %get3A_357 = tpu.vector_load %arg8[%get3A_356] {strides = array<i32>} : memref<16400xi32, #tpu.memory_space<vmem>>, vector<16xi32>,
          %slice3A_358 = vector.extract_strided_slice %get3A_357 {offsets = [0], sizes = [1], strides = [1]} : vector<16xi32> to vector<1xi32>
          %squeeze3A_359 = vector.extract %slice3A_358[0] : i32 from vector<1xi32>
          %and3A_360 = arith.constant 127 : i32
          %and3A_361 = arith.andi %squeeze3A_355, %and3A_360 : i32
          %broadcast_in_dim3A_362 = vector.broadcast %and3A_361 : i32 to vector<16xi32>
          %get3A_363 = arith.constant 0 : i32
          %get3A_364 = arith.index_cast %get3A_363 : i32 to index
          %get3A_365 = memref.load %arg16[%get3A_364] : memref<2xi32, #tpu.memory_space<smem>>
          %broadcast_in_dim3A_366 = vector.broadcast %get3A_365 : i32 to vector<16xi32>
          %get3A_367 = arith.constant 1 : i32
          %get3A_368 = arith.index_cast %get3A_367 : i32 to index
          %get3A_369 = memref.load %arg16[%get3A_368] : memref<2xi32, #tpu.memory_space<smem>>
          %and3A_370 = arith.constant 1 : i32
          %and3A_371 = arith.andi %get3A_369, %and3A_370 : i32
          %broadcast_in_dim3A_372 = vector.broadcast %and3A_371 : i32 to vector<16xi32>
          %add3A_373 = arith.constant 0 : i32
          %add3A_374 = vector.broadcast %add3A_373 : i32 to vector<16xi32>
          %add3A_375 = arith.addi %iota3A, %add3A_374 : vector<16xi32>
          %gather3A = arith.constant 6 : i32
          %gather3A_376 = arith.constant 0 : i32
          %gather3A_377 = arith.constant 0 : i32
          %gather3A_378 = tpu.memref_slice %arg9[%gather3A, %gather3A_376, %gather3A_377] : memref<7x64x128xf32, #tpu.memory_space<vmem>> -> memref<1x64x128xf32, #tpu.memory_space<vmem>>
          %gather3A_379 = tpu.memref_squeeze %gather3A_378 : memref<1x64x128xf32, #tpu.memory_space<vmem>> -> memref<64x128xf32, #tpu.memory_space<vmem>>
          %gather3A_380 = tpu.vector_load_idx %gather3A_379[%add3A_375, %broadcast_in_dim3A_362] : memref<64x128xf32, #tpu.memory_space<vmem>>[vector<16xi32>, vector<16xi32>], vector<16xf32>,
          tpu.vector_store_idx %arg14[%broadcast_in_dim3A_372, %broadcast_in_dim3A_366, %add3A_375], %gather3A_380 : memref<2x16x128xf32, #tpu.memory_space<vmem>>[vector<16xi32>, vector<16xi32>, vector<16xi32>], vector<16xf32>,
          %add3A_381 = arith.constant 16 : i32
          %add3A_382 = vector.broadcast %add3A_381 : i32 to vector<16xi32>
          %add3A_383 = arith.addi %iota3A, %add3A_382 : vector<16xi32>
          %gather3A_384 = arith.constant 6 : i32
          %gather3A_385 = arith.constant 0 : i32
          %gather3A_386 = arith.constant 0 : i32
          %gather3A_387 = tpu.memref_slice %arg9[%gather3A_384, %gather3A_385, %gather3A_386] : memref<7x64x128xf32, #tpu.memory_space<vmem>> -> memref<1x64x128xf32, #tpu.memory_space<vmem>>
          %gather3A_388 = tpu.memref_squeeze %gather3A_387 : memref<1x64x128xf32, #tpu.memory_space<vmem>> -> memref<64x128xf32, #tpu.memory_space<vmem>>
          %gather3A_389 = tpu.vector_load_idx %gather3A_388[%add3A_383, %broadcast_in_dim3A_362] : memref<64x128xf32, #tpu.memory_space<vmem>>[vector<16xi32>, vector<16xi32>], vector<16xf32>,
          tpu.vector_store_idx %arg14[%broadcast_in_dim3A_372, %broadcast_in_dim3A_366, %add3A_383], %gather3A_389 : memref<2x16x128xf32, #tpu.memory_space<vmem>>[vector<16xi32>, vector<16xi32>, vector<16xi32>], vector<16xf32>,
          %add3A_390 = arith.constant 32 : i32
          %add3A_391 = vector.broadcast %add3A_390 : i32 to vector<16xi32>
          %add3A_392 = arith.addi %iota3A, %add3A_391 : vector<16xi32>
          %gather3A_393 = arith.constant 6 : i32
          %gather3A_394 = arith.constant 0 : i32
          %gather3A_395 = arith.constant 0 : i32
          %gather3A_396 = tpu.memref_slice %arg9[%gather3A_393, %gather3A_394, %gather3A_395] : memref<7x64x128xf32, #tpu.memory_space<vmem>> -> memref<1x64x128xf32, #tpu.memory_space<vmem>>
          %gather3A_397 = tpu.memref_squeeze %gather3A_396 : memref<1x64x128xf32, #tpu.memory_space<vmem>> -> memref<64x128xf32, #tpu.memory_space<vmem>>
          %gather3A_398 = tpu.vector_load_idx %gather3A_397[%add3A_392, %broadcast_in_dim3A_362] : memref<64x128xf32, #tpu.memory_space<vmem>>[vector<16xi32>, vector<16xi32>], vector<16xf32>,
          tpu.vector_store_idx %arg14[%broadcast_in_dim3A_372, %broadcast_in_dim3A_366, %add3A_392], %gather3A_398 : memref<2x16x128xf32, #tpu.memory_space<vmem>>[vector<16xi32>, vector<16xi32>, vector<16xi32>], vector<16xf32>,
          %add3A_399 = arith.constant 48 : i32
          %add3A_400 = vector.broadcast %add3A_399 : i32 to vector<16xi32>
          %add3A_401 = arith.addi %iota3A, %add3A_400 : vector<16xi32>
          %gather3A_402 = arith.constant 6 : i32
          %gather3A_403 = arith.constant 0 : i32
          %gather3A_404 = arith.constant 0 : i32
          %gather3A_405 = tpu.memref_slice %arg9[%gather3A_402, %gather3A_403, %gather3A_404] : memref<7x64x128xf32, #tpu.memory_space<vmem>> -> memref<1x64x128xf32, #tpu.memory_space<vmem>>
          %gather3A_406 = tpu.memref_squeeze %gather3A_405 : memref<1x64x128xf32, #tpu.memory_space<vmem>> -> memref<64x128xf32, #tpu.memory_space<vmem>>
          %gather3A_407 = tpu.vector_load_idx %gather3A_406[%add3A_401, %broadcast_in_dim3A_362] : memref<64x128xf32, #tpu.memory_space<vmem>>[vector<16xi32>, vector<16xi32>], vector<16xf32>,
          tpu.vector_store_idx %arg14[%broadcast_in_dim3A_372, %broadcast_in_dim3A_366, %add3A_401], %gather3A_407 : memref<2x16x128xf32, #tpu.memory_space<vmem>>[vector<16xi32>, vector<16xi32>, vector<16xi32>], vector<16xf32>,
          %broadcast_in_dim3A_408 = vector.broadcast %squeeze3A_359 : i32 to vector<16xi32>
          %eq3A_409 = arith.constant 0 : i32
          %eq3A_410 = vector.broadcast %eq3A_409 : i32 to vector<16xi32>
          %eq3A_411 = arith.cmpi eq, %iota3A, %eq3A_410 : vector<16xi32>
          tpu.vector_store_idx %arg15[%broadcast_in_dim3A_372, %broadcast_in_dim3A_366], %broadcast_in_dim3A_408 masked %eq3A_411 : memref<2x16xi32, #tpu.memory_space<vmem>>[vector<16xi32>, vector<16xi32>], vector<16xi32>, vector<16xi1>
          %add3A_412 = arith.constant 1 : i32
          %add3A_413 = arith.addi %get3A_365, %add3A_412 : i32
          %swap3A_414 = arith.constant 0 : i32
          %swap3A_415 = arith.index_cast %swap3A_414 : i32 to index
          %swap3A_416 = memref.load %arg16[%swap3A_415] : memref<2xi32, #tpu.memory_space<smem>>
          memref.store %add3A_413, %arg16[%swap3A_415] : memref<2xi32, #tpu.memory_space<smem>>
          %add3A_417 = arith.constant 1 : i32
          %add3A_418 = arith.addi %get3A_365, %add3A_417 : i32
          %eq3A_419 = arith.constant 16 : i32
          %eq3A_420 = arith.cmpi eq, %add3A_418, %eq3A_419 : i32
          %convert_element_type3A_421 = arith.extui %eq3A_420 : i1 to i32
          %cond3A_422 = arith.constant 0 : i32
          %cond3A_423 = arith.cmpi ne, %convert_element_type3A_421, %cond3A_422 : i32
          scf.if %cond3A_423 {
            %get3A_425 = arith.constant 1 : i32
            %get3A_426 = arith.index_cast %get3A_425 : i32 to index
            %get3A_427 = memref.load %arg16[%get3A_426] : memref<2xi32, #tpu.memory_space<smem>>
            %and3A_428 = arith.constant 1 : i32
            %and3A_429 = arith.andi %get3A_427, %and3A_428 : i32
            %eq3A_430 = arith.constant 0 : i32
            %eq3A_431 = arith.cmpi eq, %and3A_429, %eq3A_430 : i32
            %convert_element_type3A_432 = arith.extui %eq3A_431 : i1 to i32
            %cond3A_433 = arith.constant 0 : i32
            %cond3A_434 = arith.cmpi ne, %convert_element_type3A_432, %cond3A_433 : i32
            scf.if %cond3A_434 {
              %ge3A_451 = arith.constant 2 : i32
              %ge3A_452 = arith.cmpi sge, %get3A_427, %ge3A_451 : i32
              %convert_element_type3A_453 = arith.extui %ge3A_452 : i1 to i32
              %cond3A_454 = arith.constant 0 : i32
              %cond3A_455 = arith.cmpi ne, %convert_element_type3A_453, %cond3A_454 : i32
              scf.if %cond3A_455 {
                %dma_wait3A_467 = arith.constant 0 : i32
                %dma_wait3A_468 = arith.constant 0 : i32
                %dma_wait3A_469 = arith.constant 0 : i32
                %dma_wait3A_470 = arith.constant 0 : i32
                %dma_wait3A_471 = tpu.memref_slice %arg14[%dma_wait3A_467, %dma_wait3A_469, %dma_wait3A_470] : memref<2x16x128xf32, #tpu.memory_space<vmem>> -> memref<1x16x128xf32, #tpu.memory_space<vmem>>
                %dma_wait3A_472 = tpu.memref_squeeze %dma_wait3A_471 : memref<1x16x128xf32, #tpu.memory_space<vmem>> -> memref<16x128xf32, #tpu.memory_space<vmem>>
                %dma_wait3A_473 = arith.constant 0 : i32
                %dma_wait3A_474 = tpu.memref_slice %arg15[%dma_wait3A_468, %dma_wait3A_473] : memref<2x16xi32, #tpu.memory_space<vmem>> -> memref<1x16xi32, #tpu.memory_space<vmem>>
                %dma_wait3A_475 = tpu.memref_squeeze %dma_wait3A_474 : memref<1x16xi32, #tpu.memory_space<vmem>> -> memref<16xi32, #tpu.memory_space<vmem>>
                %dma_wait3A_476 = arith.constant 0 : i32
                %dma_wait3A_477 = arith.constant 0 : i32
                %dma_wait3A_478 = tpu.memref_slice %arg4[%dma_wait3A_476, %dma_wait3A_477] : memref<16400x128xf32, #tpu.memory_space<hbm>> -> memref<16400x128xf32, #tpu.memory_space<hbm>>
                tpu.wait_indirect_dma semaphore(%arg18 : memref<!tpu.dma_semaphore, #tpu.memory_space<semaphore_mem>>) src(%dma_wait3A_472 : memref<16x128xf32, #tpu.memory_space<vmem>>) dst(%dma_wait3A_478 : memref<16400x128xf32, #tpu.memory_space<hbm>>)
              } else {
              }
              %dma_start3A = arith.constant 0 : i32
              %dma_start3A_456 = arith.constant 0 : i32
              %dma_start3A_457 = arith.constant 0 : i32
              %dma_start3A_458 = arith.constant 0 : i32
              %dma_start3A_459 = tpu.memref_slice %arg14[%dma_start3A, %dma_start3A_457, %dma_start3A_458] : memref<2x16x128xf32, #tpu.memory_space<vmem>> -> memref<1x16x128xf32, #tpu.memory_space<vmem>>
              %dma_start3A_460 = tpu.memref_squeeze %dma_start3A_459 : memref<1x16x128xf32, #tpu.memory_space<vmem>> -> memref<16x128xf32, #tpu.memory_space<vmem>>
              %dma_start3A_461 = arith.constant 0 : i32
              %dma_start3A_462 = tpu.memref_slice %arg15[%dma_start3A_456, %dma_start3A_461] : memref<2x16xi32, #tpu.memory_space<vmem>> -> memref<1x16xi32, #tpu.memory_space<vmem>>
              %dma_start3A_463 = tpu.memref_squeeze %dma_start3A_462 : memref<1x16xi32, #tpu.memory_space<vmem>> -> memref<16xi32, #tpu.memory_space<vmem>>
              %dma_start3A_464 = arith.constant 0 : i32
              %dma_start3A_465 = arith.constant 0 : i32
              %dma_start3A_466 = tpu.memref_slice %arg4[%dma_start3A_464, %dma_start3A_465] : memref<16400x128xf32, #tpu.memory_space<hbm>> -> memref<16400x128xf32, #tpu.memory_space<hbm>>
              tpu.enqueue_indirect_dma source(%dma_start3A_460 : memref<16x128xf32, #tpu.memory_space<vmem>>) target(%dma_start3A_466 : memref<16400x128xf32, #tpu.memory_space<hbm>>) offsets(%dma_start3A_463 : memref<16xi32, #tpu.memory_space<vmem>>) semaphore(%arg18 : memref<!tpu.dma_semaphore, #tpu.memory_space<semaphore_mem>>)
            } else {
            }
            %and3A_435 = arith.constant 1 : i32
            %and3A_436 = arith.andi %get3A_427, %and3A_435 : i32
            %eq3A_437 = arith.constant 1 : i32
            %eq3A_438 = arith.cmpi eq, %and3A_436, %eq3A_437 : i32
            %convert_element_type3A_439 = arith.extui %eq3A_438 : i1 to i32
            %cond3A_440 = arith.constant 0 : i32
            %cond3A_441 = arith.cmpi ne, %convert_element_type3A_439, %cond3A_440 : i32
            scf.if %cond3A_441 {
              %ge3A_451 = arith.constant 2 : i32
              %ge3A_452 = arith.cmpi sge, %get3A_427, %ge3A_451 : i32
              %convert_element_type3A_453 = arith.extui %ge3A_452 : i1 to i32
              %cond3A_454 = arith.constant 0 : i32
              %cond3A_455 = arith.cmpi ne, %convert_element_type3A_453, %cond3A_454 : i32
              scf.if %cond3A_455 {
                %dma_wait3A_467 = arith.constant 1 : i32
                %dma_wait3A_468 = arith.constant 1 : i32
                %dma_wait3A_469 = arith.constant 0 : i32
                %dma_wait3A_470 = arith.constant 0 : i32
                %dma_wait3A_471 = tpu.memref_slice %arg14[%dma_wait3A_467, %dma_wait3A_469, %dma_wait3A_470] : memref<2x16x128xf32, #tpu.memory_space<vmem>> -> memref<1x16x128xf32, #tpu.memory_space<vmem>>
                %dma_wait3A_472 = tpu.memref_squeeze %dma_wait3A_471 : memref<1x16x128xf32, #tpu.memory_space<vmem>> -> memref<16x128xf32, #tpu.memory_space<vmem>>
                %dma_wait3A_473 = arith.constant 0 : i32
                %dma_wait3A_474 = tpu.memref_slice %arg15[%dma_wait3A_468, %dma_wait3A_473] : memref<2x16xi32, #tpu.memory_space<vmem>> -> memref<1x16xi32, #tpu.memory_space<vmem>>
                %dma_wait3A_475 = tpu.memref_squeeze %dma_wait3A_474 : memref<1x16xi32, #tpu.memory_space<vmem>> -> memref<16xi32, #tpu.memory_space<vmem>>
                %dma_wait3A_476 = arith.constant 0 : i32
                %dma_wait3A_477 = arith.constant 0 : i32
                %dma_wait3A_478 = tpu.memref_slice %arg4[%dma_wait3A_476, %dma_wait3A_477] : memref<16400x128xf32, #tpu.memory_space<hbm>> -> memref<16400x128xf32, #tpu.memory_space<hbm>>
                tpu.wait_indirect_dma semaphore(%arg19 : memref<!tpu.dma_semaphore, #tpu.memory_space<semaphore_mem>>) src(%dma_wait3A_472 : memref<16x128xf32, #tpu.memory_space<vmem>>) dst(%dma_wait3A_478 : memref<16400x128xf32, #tpu.memory_space<hbm>>)
              } else {
              }
              %dma_start3A = arith.constant 1 : i32
              %dma_start3A_456 = arith.constant 1 : i32
              %dma_start3A_457 = arith.constant 0 : i32
              %dma_start3A_458 = arith.constant 0 : i32
              %dma_start3A_459 = tpu.memref_slice %arg14[%dma_start3A, %dma_start3A_457, %dma_start3A_458] : memref<2x16x128xf32, #tpu.memory_space<vmem>> -> memref<1x16x128xf32, #tpu.memory_space<vmem>>
              %dma_start3A_460 = tpu.memref_squeeze %dma_start3A_459 : memref<1x16x128xf32, #tpu.memory_space<vmem>> -> memref<16x128xf32, #tpu.memory_space<vmem>>
              %dma_start3A_461 = arith.constant 0 : i32
              %dma_start3A_462 = tpu.memref_slice %arg15[%dma_start3A_456, %dma_start3A_461] : memref<2x16xi32, #tpu.memory_space<vmem>> -> memref<1x16xi32, #tpu.memory_space<vmem>>
              %dma_start3A_463 = tpu.memref_squeeze %dma_start3A_462 : memref<1x16xi32, #tpu.memory_space<vmem>> -> memref<16xi32, #tpu.memory_space<vmem>>
              %dma_start3A_464 = arith.constant 0 : i32
              %dma_start3A_465 = arith.constant 0 : i32
              %dma_start3A_466 = tpu.memref_slice %arg4[%dma_start3A_464, %dma_start3A_465] : memref<16400x128xf32, #tpu.memory_space<hbm>> -> memref<16400x128xf32, #tpu.memory_space<hbm>>
              tpu.enqueue_indirect_dma source(%dma_start3A_460 : memref<16x128xf32, #tpu.memory_space<vmem>>) target(%dma_start3A_466 : memref<16400x128xf32, #tpu.memory_space<hbm>>) offsets(%dma_start3A_463 : memref<16xi32, #tpu.memory_space<vmem>>) semaphore(%arg19 : memref<!tpu.dma_semaphore, #tpu.memory_space<semaphore_mem>>)
            } else {
            }
            %add3A_442 = arith.constant 1 : i32
            %add3A_443 = arith.addi %get3A_427, %add3A_442 : i32
            %swap3A_444 = arith.constant 1 : i32
            %swap3A_445 = arith.index_cast %swap3A_444 : i32 to index
            %swap3A_446 = memref.load %arg16[%swap3A_445] : memref<2xi32, #tpu.memory_space<smem>>
            memref.store %add3A_443, %arg16[%swap3A_445] : memref<2xi32, #tpu.memory_space<smem>>
            %swap3A_447 = arith.constant 0 : i32
            %swap3A_448 = arith.constant 0 : i32
            %swap3A_449 = arith.index_cast %swap3A_448 : i32 to index
            %swap3A_450 = memref.load %arg16[%swap3A_449] : memref<2xi32, #tpu.memory_space<smem>>
            memref.store %swap3A_447, %arg16[%swap3A_449] : memref<2xi32, #tpu.memory_space<smem>>
          } else {
          }
          %while3A_424 = arith.constant 0 : i32
          scf.yield %while3A_424 : i32
        }
        %add3A_344 = arith.constant 7 : i32
        %add3A_345 = arith.addi %add3A_300, %add3A_344 : i32
        %lt3A_346 = arith.cmpi slt, %add3A_345, %scan3A_138#1 : i32
        %convert_element_type3A_347 = arith.extui %lt3A_346 : i1 to i32
        %cond3A_348 = arith.constant 0 : i32
        %cond3A_349 = arith.cmpi ne, %convert_element_type3A_347, %cond3A_348 : i32
        scf.if %cond3A_349 {
          %add3A_350 = arith.constant 7 : i32
          %add3A_351 = arith.addi %add3A_300, %add3A_350 : i32
          %get3A_352 = arith.index_cast %add3A_351 : i32 to index
          %get3A_353 = tpu.vector_load %arg12[%get3A_352] {strides = array<i32>} : memref<272xi32, #tpu.memory_space<vmem>>, vector<16xi32>,
          %slice3A_354 = vector.extract_strided_slice %get3A_353 {offsets = [0], sizes = [1], strides = [1]} : vector<16xi32> to vector<1xi32>
          %squeeze3A_355 = vector.extract %slice3A_354[0] : i32 from vector<1xi32>
          %add3A_356 = arith.addi %squeeze3A_355, %mul3A_2 : i32
          %mul3A_357 = arith.constant 128 : i32
          %mul3A_358 = arith.muli %add3A_356, %mul3A_357 : i32
          %multiple_of3A_359 = tpu.assume_multiple %mul3A_358, 128 : i32
          %dma_start3A = arith.constant 6 : i32
          %dma_start3A_360 = arith.constant 0 : i32
          %dma_start3A_361 = arith.constant 0 : i32
          %dma_start3A_362 = tpu.memref_slice %arg9[%dma_start3A, %dma_start3A_360, %dma_start3A_361] : memref<7x64x128xf32, #tpu.memory_space<vmem>> -> memref<1x64x128xf32, #tpu.memory_space<vmem>>
          %dma_start3A_363 = tpu.memref_squeeze %dma_start3A_362 : memref<1x64x128xf32, #tpu.memory_space<vmem>> -> memref<64x128xf32, #tpu.memory_space<vmem>>
          %dma_start3A_364 = arith.constant 0 : i32
          %dma_start3A_365 = tpu.memref_slice %arg3[%dma_start3A_364, %multiple_of3A_359] : memref<64x1000000xf32, #tpu.memory_space<hbm>> -> memref<64x128xf32, #tpu.memory_space<hbm>>
          %dma_start3A_366 = arith.constant 0 : i32
          %dma_start3A_367 = arith.constant 0 : i32
          %dma_start3A_368 = tpu.memref_slice %arg9[%dma_start3A, %dma_start3A_366, %dma_start3A_367] : memref<7x64x128xf32, #tpu.memory_space<vmem>> -> memref<1x64x128xf32, #tpu.memory_space<vmem>>
          %dma_start3A_369 = tpu.memref_squeeze %dma_start3A_368 : memref<1x64x128xf32, #tpu.memory_space<vmem>> -> memref<64x128xf32, #tpu.memory_space<vmem>>
          %dma_start3A_370 = arith.constant 0 : i32
          %dma_start3A_371 = tpu.memref_slice %arg3[%dma_start3A_370, %multiple_of3A_359] : memref<64x1000000xf32, #tpu.memory_space<hbm>> -> memref<64x128xf32, #tpu.memory_space<hbm>>
          tpu.enqueue_dma source(%dma_start3A_371 : memref<64x128xf32, #tpu.memory_space<hbm>>) target(%dma_start3A_369 : memref<64x128xf32, #tpu.memory_space<vmem>>) target_semaphore(%arg17 : memref<!tpu.dma_semaphore, #tpu.memory_space<semaphore_mem>>)
        } else {
        }
      } else {
      }
      %scan3A_305 = arith.constant 0 : i32
      scf.yield %scan3A_305 : i32
    }
    %scan3A_228 = arith.constant 35 : i32
    %get3A = arith.constant 1 : i32
    %get3A_229 = arith.index_cast %get3A : i32 to index
    %get3A_230 = memref.load %arg16[%get3A_229] : memref<2xi32, #tpu.memory_space<smem>>
    %get3A_231 = arith.constant 0 : i32
    %get3A_232 = arith.index_cast %get3A_231 : i32 to index
    %get3A_233 = memref.load %arg16[%get3A_232] : memref<2xi32, #tpu.memory_space<smem>>
    %gt3A_234 = arith.constant 0 : i32
    %gt3A_235 = arith.cmpi sgt, %get3A_233, %gt3A_234 : i32
    %convert_element_type3A_236 = arith.extui %gt3A_235 : i1 to i32
    %cond3A_237 = arith.constant 0 : i32
    %cond3A_238 = arith.cmpi ne, %convert_element_type3A_236, %cond3A_237 : i32
    scf.if %cond3A_238 {
      %and3A_248 = arith.constant 1 : i32
      %and3A_249 = arith.andi %get3A_230, %and3A_248 : i32
      %eq3A_250 = arith.constant 0 : i32
      %eq3A_251 = arith.cmpi eq, %and3A_249, %eq3A_250 : i32
      %convert_element_type3A_252 = arith.extui %eq3A_251 : i1 to i32
      %cond3A_253 = arith.constant 0 : i32
      %cond3A_254 = arith.cmpi ne, %convert_element_type3A_252, %cond3A_253 : i32
      scf.if %cond3A_254 {
        %ge3A_260 = arith.constant 2 : i32
        %ge3A_261 = arith.cmpi sge, %get3A_230, %ge3A_260 : i32
        %convert_element_type3A_262 = arith.extui %ge3A_261 : i1 to i32
        %cond3A_263 = arith.constant 0 : i32
        %cond3A_264 = arith.cmpi ne, %convert_element_type3A_262, %cond3A_263 : i32
        scf.if %cond3A_264 {
          %dma_wait3A = arith.constant 0 : i32
          %dma_wait3A_273 = arith.constant 0 : i32
          %dma_wait3A_274 = arith.constant 0 : i32
          %dma_wait3A_275 = arith.constant 0 : i32
          %dma_wait3A_276 = tpu.memref_slice %arg14[%dma_wait3A, %dma_wait3A_274, %dma_wait3A_275] : memref<2x16x128xf32, #tpu.memory_space<vmem>> -> memref<1x16x128xf32, #tpu.memory_space<vmem>>
          %dma_wait3A_277 = tpu.memref_squeeze %dma_wait3A_276 : memref<1x16x128xf32, #tpu.memory_space<vmem>> -> memref<16x128xf32, #tpu.memory_space<vmem>>
          %dma_wait3A_278 = arith.constant 0 : i32
          %dma_wait3A_279 = tpu.memref_slice %arg15[%dma_wait3A_273, %dma_wait3A_278] : memref<2x16xi32, #tpu.memory_space<vmem>> -> memref<1x16xi32, #tpu.memory_space<vmem>>
          %dma_wait3A_280 = tpu.memref_squeeze %dma_wait3A_279 : memref<1x16xi32, #tpu.memory_space<vmem>> -> memref<16xi32, #tpu.memory_space<vmem>>
          %dma_wait3A_281 = arith.constant 0 : i32
          %dma_wait3A_282 = arith.constant 0 : i32
          %dma_wait3A_283 = tpu.memref_slice %arg4[%dma_wait3A_281, %dma_wait3A_282] : memref<16400x128xf32, #tpu.memory_space<hbm>> -> memref<16400x128xf32, #tpu.memory_space<hbm>>
          tpu.wait_indirect_dma semaphore(%arg18 : memref<!tpu.dma_semaphore, #tpu.memory_space<semaphore_mem>>) src(%dma_wait3A_277 : memref<16x128xf32, #tpu.memory_space<vmem>>) dst(%dma_wait3A_283 : memref<16400x128xf32, #tpu.memory_space<hbm>>)
        } else {
        }
        %broadcast_in_dim3A_265 = arith.constant 0 : i32
        %broadcast_in_dim3A_266 = vector.broadcast %broadcast_in_dim3A_265 : i32 to vector<16xi32>
        %get3A_267 = arith.constant 0 : i32
        %get3A_268 = arith.index_cast %get3A_267 : i32 to index
        %get3A_269 = memref.load %arg16[%get3A_268] : memref<2xi32, #tpu.memory_space<smem>>
        %ge3A_270 = vector.broadcast %get3A_269 : i32 to vector<16xi32>
        %ge3A_271 = arith.cmpi sge, %iota3A, %ge3A_270 : vector<16xi32>
        tpu.vector_store_idx %arg15[%broadcast_in_dim3A_266, %iota3A], %broadcast_in_dim3A_6 masked %ge3A_271 : memref<2x16xi32, #tpu.memory_space<vmem>>[vector<16xi32>, vector<16xi32>], vector<16xi32>, vector<16xi1>
        %run_scoped3A = arith.constant 0 : i32
        %run_scoped3A_272 = arith.constant 0 : i32
        "tpu.region"() ({
          %run_scoped3A_273 = tpu.sem_alloc : memref<!tpu.dma_semaphore, #tpu.memory_space<semaphore_mem>>
          %dma_start3A = arith.constant 0 : i32
          %dma_start3A_274 = arith.constant 0 : i32
          %dma_start3A_275 = tpu.memref_slice %arg14[%run_scoped3A, %dma_start3A, %dma_start3A_274] : memref<2x16x128xf32, #tpu.memory_space<vmem>> -> memref<1x16x128xf32, #tpu.memory_space<vmem>>
          %dma_start3A_276 = tpu.memref_squeeze %dma_start3A_275 : memref<1x16x128xf32, #tpu.memory_space<vmem>> -> memref<16x128xf32, #tpu.memory_space<vmem>>
          %dma_start3A_277 = arith.constant 0 : i32
          %dma_start3A_278 = tpu.memref_slice %arg15[%run_scoped3A_272, %dma_start3A_277] : memref<2x16xi32, #tpu.memory_space<vmem>> -> memref<1x16xi32, #tpu.memory_space<vmem>>
          %dma_start3A_279 = tpu.memref_squeeze %dma_start3A_278 : memref<1x16xi32, #tpu.memory_space<vmem>> -> memref<16xi32, #tpu.memory_space<vmem>>
          %dma_start3A_280 = arith.constant 0 : i32
          %dma_start3A_281 = arith.constant 0 : i32
          %dma_start3A_282 = tpu.memref_slice %arg4[%dma_start3A_280, %dma_start3A_281] : memref<16400x128xf32, #tpu.memory_space<hbm>> -> memref<16400x128xf32, #tpu.memory_space<hbm>>
          tpu.enqueue_indirect_dma source(%dma_start3A_276 : memref<16x128xf32, #tpu.memory_space<vmem>>) target(%dma_start3A_282 : memref<16400x128xf32, #tpu.memory_space<hbm>>) offsets(%dma_start3A_279 : memref<16xi32, #tpu.memory_space<vmem>>) semaphore(%run_scoped3A_273 : memref<!tpu.dma_semaphore, #tpu.memory_space<semaphore_mem>>)
          %dma_wait3A = arith.constant 0 : i32
          %dma_wait3A_283 = arith.constant 0 : i32
          %dma_wait3A_284 = tpu.memref_slice %arg14[%run_scoped3A, %dma_wait3A, %dma_wait3A_283] : memref<2x16x128xf32, #tpu.memory_space<vmem>> -> memref<1x16x128xf32, #tpu.memory_space<vmem>>
          %dma_wait3A_285 = tpu.memref_squeeze %dma_wait3A_284 : memref<1x16x128xf32, #tpu.memory_space<vmem>> -> memref<16x128xf32, #tpu.memory_space<vmem>>
          %dma_wait3A_286 = arith.constant 0 : i32
          %dma_wait3A_287 = tpu.memref_slice %arg15[%run_scoped3A_272, %dma_wait3A_286] : memref<2x16xi32, #tpu.memory_space<vmem>> -> memref<1x16xi32, #tpu.memory_space<vmem>>
          %dma_wait3A_288 = tpu.memref_squeeze %dma_wait3A_287 : memref<1x16xi32, #tpu.memory_space<vmem>> -> memref<16xi32, #tpu.memory_space<vmem>>
          %dma_wait3A_289 = arith.constant 0 : i32
          %dma_wait3A_290 = arith.constant 0 : i32
          %dma_wait3A_291 = tpu.memref_slice %arg4[%dma_wait3A_289, %dma_wait3A_290] : memref<16400x128xf32, #tpu.memory_space<hbm>> -> memref<16400x128xf32, #tpu.memory_space<hbm>>
          tpu.wait_indirect_dma semaphore(%run_scoped3A_273 : memref<!tpu.dma_semaphore, #tpu.memory_space<semaphore_mem>>) src(%dma_wait3A_285 : memref<16x128xf32, #tpu.memory_space<vmem>>) dst(%dma_wait3A_291 : memref<16400x128xf32, #tpu.memory_space<hbm>>)
          tpu.yield
        }) : () -> ()
      } else {
      }
      %eq3A_255 = arith.constant 1 : i32
      %eq3A_256 = arith.cmpi eq, %and3A_249, %eq3A_255 : i32
      %convert_element_type3A_257 = arith.extui %eq3A_256 : i1 to i32
      %cond3A_258 = arith.constant 0 : i32
      %cond3A_259 = arith.cmpi ne, %convert_element_type3A_257, %cond3A_258 : i32
      scf.if %cond3A_259 {
        %ge3A_260 = arith.constant 2 : i32
        %ge3A_261 = arith.cmpi sge, %get3A_230, %ge3A_260 : i32
        %convert_element_type3A_262 = arith.extui %ge3A_261 : i1 to i32
        %cond3A_263 = arith.constant 0 : i32
        %cond3A_264 = arith.cmpi ne, %convert_element_type3A_262, %cond3A_263 : i32
        scf.if %cond3A_264 {
          %dma_wait3A = arith.constant 1 : i32
          %dma_wait3A_273 = arith.constant 1 : i32
          %dma_wait3A_274 = arith.constant 0 : i32
          %dma_wait3A_275 = arith.constant 0 : i32
          %dma_wait3A_276 = tpu.memref_slice %arg14[%dma_wait3A, %dma_wait3A_274, %dma_wait3A_275] : memref<2x16x128xf32, #tpu.memory_space<vmem>> -> memref<1x16x128xf32, #tpu.memory_space<vmem>>
          %dma_wait3A_277 = tpu.memref_squeeze %dma_wait3A_276 : memref<1x16x128xf32, #tpu.memory_space<vmem>> -> memref<16x128xf32, #tpu.memory_space<vmem>>
          %dma_wait3A_278 = arith.constant 0 : i32
          %dma_wait3A_279 = tpu.memref_slice %arg15[%dma_wait3A_273, %dma_wait3A_278] : memref<2x16xi32, #tpu.memory_space<vmem>> -> memref<1x16xi32, #tpu.memory_space<vmem>>
          %dma_wait3A_280 = tpu.memref_squeeze %dma_wait3A_279 : memref<1x16xi32, #tpu.memory_space<vmem>> -> memref<16xi32, #tpu.memory_space<vmem>>
          %dma_wait3A_281 = arith.constant 0 : i32
          %dma_wait3A_282 = arith.constant 0 : i32
          %dma_wait3A_283 = tpu.memref_slice %arg4[%dma_wait3A_281, %dma_wait3A_282] : memref<16400x128xf32, #tpu.memory_space<hbm>> -> memref<16400x128xf32, #tpu.memory_space<hbm>>
          tpu.wait_indirect_dma semaphore(%arg19 : memref<!tpu.dma_semaphore, #tpu.memory_space<semaphore_mem>>) src(%dma_wait3A_277 : memref<16x128xf32, #tpu.memory_space<vmem>>) dst(%dma_wait3A_283 : memref<16400x128xf32, #tpu.memory_space<hbm>>)
        } else {
        }
        %broadcast_in_dim3A_265 = arith.constant 1 : i32
        %broadcast_in_dim3A_266 = vector.broadcast %broadcast_in_dim3A_265 : i32 to vector<16xi32>
        %get3A_267 = arith.constant 0 : i32
        %get3A_268 = arith.index_cast %get3A_267 : i32 to index
        %get3A_269 = memref.load %arg16[%get3A_268] : memref<2xi32, #tpu.memory_space<smem>>
        %ge3A_270 = vector.broadcast %get3A_269 : i32 to vector<16xi32>
        %ge3A_271 = arith.cmpi sge, %iota3A, %ge3A_270 : vector<16xi32>
        tpu.vector_store_idx %arg15[%broadcast_in_dim3A_266, %iota3A], %broadcast_in_dim3A_6 masked %ge3A_271 : memref<2x16xi32, #tpu.memory_space<vmem>>[vector<16xi32>, vector<16xi32>], vector<16xi32>, vector<16xi1>
        %run_scoped3A = arith.constant 1 : i32
        %run_scoped3A_272 = arith.constant 1 : i32
        "tpu.region"() ({
          %run_scoped3A_273 = tpu.sem_alloc : memref<!tpu.dma_semaphore, #tpu.memory_space<semaphore_mem>>
          %dma_start3A = arith.constant 0 : i32
          %dma_start3A_274 = arith.constant 0 : i32
          %dma_start3A_275 = tpu.memref_slice %arg14[%run_scoped3A, %dma_start3A, %dma_start3A_274] : memref<2x16x128xf32, #tpu.memory_space<vmem>> -> memref<1x16x128xf32, #tpu.memory_space<vmem>>
          %dma_start3A_276 = tpu.memref_squeeze %dma_start3A_275 : memref<1x16x128xf32, #tpu.memory_space<vmem>> -> memref<16x128xf32, #tpu.memory_space<vmem>>
          %dma_start3A_277 = arith.constant 0 : i32
          %dma_start3A_278 = tpu.memref_slice %arg15[%run_scoped3A_272, %dma_start3A_277] : memref<2x16xi32, #tpu.memory_space<vmem>> -> memref<1x16xi32, #tpu.memory_space<vmem>>
          %dma_start3A_279 = tpu.memref_squeeze %dma_start3A_278 : memref<1x16xi32, #tpu.memory_space<vmem>> -> memref<16xi32, #tpu.memory_space<vmem>>
          %dma_start3A_280 = arith.constant 0 : i32
          %dma_start3A_281 = arith.constant 0 : i32
          %dma_start3A_282 = tpu.memref_slice %arg4[%dma_start3A_280, %dma_start3A_281] : memref<16400x128xf32, #tpu.memory_space<hbm>> -> memref<16400x128xf32, #tpu.memory_space<hbm>>
          tpu.enqueue_indirect_dma source(%dma_start3A_276 : memref<16x128xf32, #tpu.memory_space<vmem>>) target(%dma_start3A_282 : memref<16400x128xf32, #tpu.memory_space<hbm>>) offsets(%dma_start3A_279 : memref<16xi32, #tpu.memory_space<vmem>>) semaphore(%run_scoped3A_273 : memref<!tpu.dma_semaphore, #tpu.memory_space<semaphore_mem>>)
          %dma_wait3A = arith.constant 0 : i32
          %dma_wait3A_283 = arith.constant 0 : i32
          %dma_wait3A_284 = tpu.memref_slice %arg14[%run_scoped3A, %dma_wait3A, %dma_wait3A_283] : memref<2x16x128xf32, #tpu.memory_space<vmem>> -> memref<1x16x128xf32, #tpu.memory_space<vmem>>
          %dma_wait3A_285 = tpu.memref_squeeze %dma_wait3A_284 : memref<1x16x128xf32, #tpu.memory_space<vmem>> -> memref<16x128xf32, #tpu.memory_space<vmem>>
          %dma_wait3A_286 = arith.constant 0 : i32
          %dma_wait3A_287 = tpu.memref_slice %arg15[%run_scoped3A_272, %dma_wait3A_286] : memref<2x16xi32, #tpu.memory_space<vmem>> -> memref<1x16xi32, #tpu.memory_space<vmem>>
          %dma_wait3A_288 = tpu.memref_squeeze %dma_wait3A_287 : memref<1x16xi32, #tpu.memory_space<vmem>> -> memref<16xi32, #tpu.memory_space<vmem>>
          %dma_wait3A_289 = arith.constant 0 : i32
          %dma_wait3A_290 = arith.constant 0 : i32
          %dma_wait3A_291 = tpu.memref_slice %arg4[%dma_wait3A_289, %dma_wait3A_290] : memref<16400x128xf32, #tpu.memory_space<hbm>> -> memref<16400x128xf32, #tpu.memory_space<hbm>>
          tpu.wait_indirect_dma semaphore(%run_scoped3A_273 : memref<!tpu.dma_semaphore, #tpu.memory_space<semaphore_mem>>) src(%dma_wait3A_285 : memref<16x128xf32, #tpu.memory_space<vmem>>) dst(%dma_wait3A_291 : memref<16400x128xf32, #tpu.memory_space<hbm>>)
          tpu.yield
        }) : () -> ()
      } else {
      }
    } else {
    }
    %ge3A = arith.constant 1 : i32
    %ge3A_239 = arith.cmpi sge, %get3A_230, %ge3A : i32
    %convert_element_type3A_240 = arith.extui %ge3A_239 : i1 to i32
    %cond3A_241 = arith.constant 0 : i32
    %cond3A_242 = arith.cmpi ne, %convert_element_type3A_240, %cond3A_241 : i32
    scf.if %cond3A_242 {
      %sub3A_248 = arith.constant 1 : i32
      %sub3A_249 = arith.subi %get3A_230, %sub3A_248 : i32
      %and3A_250 = arith.constant 1 : i32
      %and3A_251 = arith.andi %sub3A_249, %and3A_250 : i32
      %eq3A_252 = arith.constant 0 : i32
      %eq3A_253 = arith.cmpi eq, %and3A_251, %eq3A_252 : i32
      %convert_element_type3A_254 = arith.extui %eq3A_253 : i1 to i32
      %cond3A_255 = arith.constant 0 : i32
      %cond3A_256 = arith.cmpi ne, %convert_element_type3A_254, %cond3A_255 : i32
      scf.if %cond3A_256 {
        %dma_wait3A = arith.constant 0 : i32
        %dma_wait3A_266 = arith.constant 0 : i32
        %dma_wait3A_267 = arith.constant 0 : i32
        %dma_wait3A_268 = arith.constant 0 : i32
        %dma_wait3A_269 = tpu.memref_slice %arg14[%dma_wait3A, %dma_wait3A_267, %dma_wait3A_268] : memref<2x16x128xf32, #tpu.memory_space<vmem>> -> memref<1x16x128xf32, #tpu.memory_space<vmem>>
        %dma_wait3A_270 = tpu.memref_squeeze %dma_wait3A_269 : memref<1x16x128xf32, #tpu.memory_space<vmem>> -> memref<16x128xf32, #tpu.memory_space<vmem>>
        %dma_wait3A_271 = arith.constant 0 : i32
        %dma_wait3A_272 = tpu.memref_slice %arg15[%dma_wait3A_266, %dma_wait3A_271] : memref<2x16xi32, #tpu.memory_space<vmem>> -> memref<1x16xi32, #tpu.memory_space<vmem>>
        %dma_wait3A_273 = tpu.memref_squeeze %dma_wait3A_272 : memref<1x16xi32, #tpu.memory_space<vmem>> -> memref<16xi32, #tpu.memory_space<vmem>>
        %dma_wait3A_274 = arith.constant 0 : i32
        %dma_wait3A_275 = arith.constant 0 : i32
        %dma_wait3A_276 = tpu.memref_slice %arg4[%dma_wait3A_274, %dma_wait3A_275] : memref<16400x128xf32, #tpu.memory_space<hbm>> -> memref<16400x128xf32, #tpu.memory_space<hbm>>
        tpu.wait_indirect_dma semaphore(%arg18 : memref<!tpu.dma_semaphore, #tpu.memory_space<semaphore_mem>>) src(%dma_wait3A_270 : memref<16x128xf32, #tpu.memory_space<vmem>>) dst(%dma_wait3A_276 : memref<16400x128xf32, #tpu.memory_space<hbm>>)
      } else {
      }
      %sub3A_257 = arith.constant 1 : i32
      %sub3A_258 = arith.subi %get3A_230, %sub3A_257 : i32
      %and3A_259 = arith.constant 1 : i32
      %and3A_260 = arith.andi %sub3A_258, %and3A_259 : i32
      %eq3A_261 = arith.constant 1 : i32
      %eq3A_262 = arith.cmpi eq, %and3A_260, %eq3A_261 : i32
      %convert_element_type3A_263 = arith.extui %eq3A_262 : i1 to i32
      %cond3A_264 = arith.constant 0 : i32
      %cond3A_265 = arith.cmpi ne, %convert_element_type3A_263, %cond3A_264 : i32
      scf.if %cond3A_265 {
        %dma_wait3A = arith.constant 1 : i32
        %dma_wait3A_266 = arith.constant 1 : i32
        %dma_wait3A_267 = arith.constant 0 : i32
        %dma_wait3A_268 = arith.constant 0 : i32
        %dma_wait3A_269 = tpu.memref_slice %arg14[%dma_wait3A, %dma_wait3A_267, %dma_wait3A_268] : memref<2x16x128xf32, #tpu.memory_space<vmem>> -> memref<1x16x128xf32, #tpu.memory_space<vmem>>
        %dma_wait3A_270 = tpu.memref_squeeze %dma_wait3A_269 : memref<1x16x128xf32, #tpu.memory_space<vmem>> -> memref<16x128xf32, #tpu.memory_space<vmem>>
        %dma_wait3A_271 = arith.constant 0 : i32
        %dma_wait3A_272 = tpu.memref_slice %arg15[%dma_wait3A_266, %dma_wait3A_271] : memref<2x16xi32, #tpu.memory_space<vmem>> -> memref<1x16xi32, #tpu.memory_space<vmem>>
        %dma_wait3A_273 = tpu.memref_squeeze %dma_wait3A_272 : memref<1x16xi32, #tpu.memory_space<vmem>> -> memref<16xi32, #tpu.memory_space<vmem>>
        %dma_wait3A_274 = arith.constant 0 : i32
        %dma_wait3A_275 = arith.constant 0 : i32
        %dma_wait3A_276 = tpu.memref_slice %arg4[%dma_wait3A_274, %dma_wait3A_275] : memref<16400x128xf32, #tpu.memory_space<hbm>> -> memref<16400x128xf32, #tpu.memory_space<hbm>>
        tpu.wait_indirect_dma semaphore(%arg19 : memref<!tpu.dma_semaphore, #tpu.memory_space<semaphore_mem>>) src(%dma_wait3A_270 : memref<16x128xf32, #tpu.memory_space<vmem>>) dst(%dma_wait3A_276 : memref<16400x128xf32, #tpu.memory_space<hbm>>)
      } else {
      }
    } else {
    }
    %ge3A_243 = arith.constant 2 : i32
    %ge3A_244 = arith.cmpi sge, %get3A_230, %ge3A_243 : i32
    %convert_element_type3A_245 = arith.extui %ge3A_244 : i1 to i32
    %cond3A_246 = arith.constant 0 : i32
    %cond3A_247 = arith.cmpi ne, %convert_element_type3A_245, %cond3A_246 : i32
    scf.if %cond3A_247 {
      %and3A_248 = arith.constant 1 : i32
      %and3A_249 = arith.andi %get3A_230, %and3A_248 : i32
      %eq3A_250 = arith.constant 0 : i32
      %eq3A_251 = arith.cmpi eq, %and3A_249, %eq3A_250 : i32
      %convert_element_type3A_252 = arith.extui %eq3A_251 : i1 to i32
      %cond3A_253 = arith.constant 0 : i32
      %cond3A_254 = arith.cmpi ne, %convert_element_type3A_252, %cond3A_253 : i32
      scf.if %cond3A_254 {
        %get3A_262 = arith.constant 0 : i32
        %get3A_263 = arith.index_cast %get3A_262 : i32 to index
        %get3A_264 = memref.load %arg16[%get3A_263] : memref<2xi32, #tpu.memory_space<smem>>
        %eq3A_265 = arith.constant 0 : i32
        %eq3A_266 = arith.cmpi eq, %get3A_264, %eq3A_265 : i32
        %convert_element_type3A_267 = arith.extui %eq3A_266 : i1 to i32
        %cond3A_268 = arith.constant 0 : i32
        %cond3A_269 = arith.cmpi ne, %convert_element_type3A_267, %cond3A_268 : i32
        scf.if %cond3A_269 {
          %dma_wait3A = arith.constant 0 : i32
          %dma_wait3A_270 = arith.constant 0 : i32
          %dma_wait3A_271 = arith.constant 0 : i32
          %dma_wait3A_272 = arith.constant 0 : i32
          %dma_wait3A_273 = tpu.memref_slice %arg14[%dma_wait3A, %dma_wait3A_271, %dma_wait3A_272] : memref<2x16x128xf32, #tpu.memory_space<vmem>> -> memref<1x16x128xf32, #tpu.memory_space<vmem>>
          %dma_wait3A_274 = tpu.memref_squeeze %dma_wait3A_273 : memref<1x16x128xf32, #tpu.memory_space<vmem>> -> memref<16x128xf32, #tpu.memory_space<vmem>>
          %dma_wait3A_275 = arith.constant 0 : i32
          %dma_wait3A_276 = tpu.memref_slice %arg15[%dma_wait3A_270, %dma_wait3A_275] : memref<2x16xi32, #tpu.memory_space<vmem>> -> memref<1x16xi32, #tpu.memory_space<vmem>>
          %dma_wait3A_277 = tpu.memref_squeeze %dma_wait3A_276 : memref<1x16xi32, #tpu.memory_space<vmem>> -> memref<16xi32, #tpu.memory_space<vmem>>
          %dma_wait3A_278 = arith.constant 0 : i32
          %dma_wait3A_279 = arith.constant 0 : i32
          %dma_wait3A_280 = tpu.memref_slice %arg4[%dma_wait3A_278, %dma_wait3A_279] : memref<16400x128xf32, #tpu.memory_space<hbm>> -> memref<16400x128xf32, #tpu.memory_space<hbm>>
          tpu.wait_indirect_dma semaphore(%arg18 : memref<!tpu.dma_semaphore, #tpu.memory_space<semaphore_mem>>) src(%dma_wait3A_274 : memref<16x128xf32, #tpu.memory_space<vmem>>) dst(%dma_wait3A_280 : memref<16400x128xf32, #tpu.memory_space<hbm>>)
        } else {
        }
      } else {
      }
      %and3A_255 = arith.constant 1 : i32
      %and3A_256 = arith.andi %get3A_230, %and3A_255 : i32
      %eq3A_257 = arith.constant 1 : i32
      %eq3A_258 = arith.cmpi eq, %and3A_256, %eq3A_257 : i32
      %convert_element_type3A_259 = arith.extui %eq3A_258 : i1 to i32
      %cond3A_260 = arith.constant 0 : i32
      %cond3A_261 = arith.cmpi ne, %convert_element_type3A_259, %cond3A_260 : i32
      scf.if %cond3A_261 {
        %get3A_262 = arith.constant 0 : i32
        %get3A_263 = arith.index_cast %get3A_262 : i32 to index
        %get3A_264 = memref.load %arg16[%get3A_263] : memref<2xi32, #tpu.memory_space<smem>>
        %eq3A_265 = arith.constant 0 : i32
        %eq3A_266 = arith.cmpi eq, %get3A_264, %eq3A_265 : i32
        %convert_element_type3A_267 = arith.extui %eq3A_266 : i1 to i32
        %cond3A_268 = arith.constant 0 : i32
        %cond3A_269 = arith.cmpi ne, %convert_element_type3A_267, %cond3A_268 : i32
        scf.if %cond3A_269 {
          %dma_wait3A = arith.constant 1 : i32
          %dma_wait3A_270 = arith.constant 1 : i32
          %dma_wait3A_271 = arith.constant 0 : i32
          %dma_wait3A_272 = arith.constant 0 : i32
          %dma_wait3A_273 = tpu.memref_slice %arg14[%dma_wait3A, %dma_wait3A_271, %dma_wait3A_272] : memref<2x16x128xf32, #tpu.memory_space<vmem>> -> memref<1x16x128xf32, #tpu.memory_space<vmem>>
          %dma_wait3A_274 = tpu.memref_squeeze %dma_wait3A_273 : memref<1x16x128xf32, #tpu.memory_space<vmem>> -> memref<16x128xf32, #tpu.memory_space<vmem>>
          %dma_wait3A_275 = arith.constant 0 : i32
          %dma_wait3A_276 = tpu.memref_slice %arg15[%dma_wait3A_270, %dma_wait3A_275] : memref<2x16xi32, #tpu.memory_space<vmem>> -> memref<1x16xi32, #tpu.memory_space<vmem>>
          %dma_wait3A_277 = tpu.memref_squeeze %dma_wait3A_276 : memref<1x16xi32, #tpu.memory_space<vmem>> -> memref<16xi32, #tpu.memory_space<vmem>>
          %dma_wait3A_278 = arith.constant 0 : i32
          %dma_wait3A_279 = arith.constant 0 : i32
          %dma_wait3A_280 = tpu.memref_slice %arg4[%dma_wait3A_278, %dma_wait3A_279] : memref<16400x128xf32, #tpu.memory_space<hbm>> -> memref<16400x128xf32, #tpu.memory_space<hbm>>
          tpu.wait_indirect_dma semaphore(%arg19 : memref<!tpu.dma_semaphore, #tpu.memory_space<semaphore_mem>>) src(%dma_wait3A_274 : memref<16x128xf32, #tpu.memory_space<vmem>>) dst(%dma_wait3A_280 : memref<16400x128xf32, #tpu.memory_space<hbm>>)
        } else {
        }
      } else {
      }
    } else {
    }
    return
  }
}

#map = affine_map<(d0, d1) -> (0, 0)>
module attributes {stable_mosaic.version = 14 : i64} {
  func.func @p2(%arg0: i32, %arg1: i32, %arg2: memref<16400x128xf32, #tpu.memory_space<hbm>>, %arg3: memref<64x16384xf32, #tpu.memory_space<hbm>>, %arg4: memref<512x128xf32, #tpu.memory_space<vmem>>, %arg5: memref<4x64x128xf32, #tpu.memory_space<vmem>>, %arg6: memref<!tpu.dma_semaphore, #tpu.memory_space<semaphore_mem>>) attributes {dimension_semantics = [#tpu.dimension_semantics<core_parallel>, #tpu.dimension_semantics<subcore_parallel>], iteration_bounds = array<i64: 2, 16>, scalar_prefetch = 0 : i64, scratch_operands = 3 : i64, tpu.core_type = #tpu.core_type<sc_vector_subcore>, window_params = [{transform_indices = #map}, {transform_indices = #map}]} {
    %mul3A = arith.constant 2 : i32
    %mul3A_0 = arith.muli %arg1, %mul3A : i32
    %add3A = arith.addi %mul3A_0, %arg0 : i32
    %mul3A_1 = arith.constant 512 : i32
    %mul3A_2 = arith.muli %add3A, %mul3A_1 : i32
    %add3A_3 = arith.constant 0 : i32
    %add3A_4 = arith.addi %mul3A_2, %add3A_3 : i32
    %dma_start3A = arith.constant 0 : i32
    %dma_start3A_5 = arith.constant 0 : i32
    %dma_start3A_6 = tpu.memref_slice %arg4[%dma_start3A, %dma_start3A_5] : memref<512x128xf32, #tpu.memory_space<vmem>> -> memref<128x128xf32, #tpu.memory_space<vmem>>
    %dma_start3A_7 = arith.constant 0 : i32
    %dma_start3A_8 = tpu.memref_slice %arg2[%add3A_4, %dma_start3A_7] : memref<16400x128xf32, #tpu.memory_space<hbm>> -> memref<128x128xf32, #tpu.memory_space<hbm>>
    %dma_start3A_9 = arith.constant 0 : i32
    %dma_start3A_10 = arith.constant 0 : i32
    %dma_start3A_11 = tpu.memref_slice %arg4[%dma_start3A_9, %dma_start3A_10] : memref<512x128xf32, #tpu.memory_space<vmem>> -> memref<128x128xf32, #tpu.memory_space<vmem>>
    %dma_start3A_12 = arith.constant 0 : i32
    %dma_start3A_13 = tpu.memref_slice %arg2[%add3A_4, %dma_start3A_12] : memref<16400x128xf32, #tpu.memory_space<hbm>> -> memref<128x128xf32, #tpu.memory_space<hbm>>
    tpu.enqueue_dma source(%dma_start3A_13 : memref<128x128xf32, #tpu.memory_space<hbm>>) target(%dma_start3A_11 : memref<128x128xf32, #tpu.memory_space<vmem>>) target_semaphore(%arg6 : memref<!tpu.dma_semaphore, #tpu.memory_space<semaphore_mem>>)
    %add3A_14 = arith.constant 128 : i32
    %add3A_15 = arith.addi %mul3A_2, %add3A_14 : i32
    %dma_start3A_16 = arith.constant 128 : i32
    %dma_start3A_17 = arith.constant 0 : i32
    %dma_start3A_18 = tpu.memref_slice %arg4[%dma_start3A_16, %dma_start3A_17] : memref<512x128xf32, #tpu.memory_space<vmem>> -> memref<128x128xf32, #tpu.memory_space<vmem>>
    %dma_start3A_19 = arith.constant 0 : i32
    %dma_start3A_20 = tpu.memref_slice %arg2[%add3A_15, %dma_start3A_19] : memref<16400x128xf32, #tpu.memory_space<hbm>> -> memref<128x128xf32, #tpu.memory_space<hbm>>
    %dma_start3A_21 = arith.constant 128 : i32
    %dma_start3A_22 = arith.constant 0 : i32
    %dma_start3A_23 = tpu.memref_slice %arg4[%dma_start3A_21, %dma_start3A_22] : memref<512x128xf32, #tpu.memory_space<vmem>> -> memref<128x128xf32, #tpu.memory_space<vmem>>
    %dma_start3A_24 = arith.constant 0 : i32
    %dma_start3A_25 = tpu.memref_slice %arg2[%add3A_15, %dma_start3A_24] : memref<16400x128xf32, #tpu.memory_space<hbm>> -> memref<128x128xf32, #tpu.memory_space<hbm>>
    tpu.enqueue_dma source(%dma_start3A_25 : memref<128x128xf32, #tpu.memory_space<hbm>>) target(%dma_start3A_23 : memref<128x128xf32, #tpu.memory_space<vmem>>) target_semaphore(%arg6 : memref<!tpu.dma_semaphore, #tpu.memory_space<semaphore_mem>>)
    %add3A_26 = arith.constant 256 : i32
    %add3A_27 = arith.addi %mul3A_2, %add3A_26 : i32
    %dma_start3A_28 = arith.constant 256 : i32
    %dma_start3A_29 = arith.constant 0 : i32
    %dma_start3A_30 = tpu.memref_slice %arg4[%dma_start3A_28, %dma_start3A_29] : memref<512x128xf32, #tpu.memory_space<vmem>> -> memref<128x128xf32, #tpu.memory_space<vmem>>
    %dma_start3A_31 = arith.constant 0 : i32
    %dma_start3A_32 = tpu.memref_slice %arg2[%add3A_27, %dma_start3A_31] : memref<16400x128xf32, #tpu.memory_space<hbm>> -> memref<128x128xf32, #tpu.memory_space<hbm>>
    %dma_start3A_33 = arith.constant 256 : i32
    %dma_start3A_34 = arith.constant 0 : i32
    %dma_start3A_35 = tpu.memref_slice %arg4[%dma_start3A_33, %dma_start3A_34] : memref<512x128xf32, #tpu.memory_space<vmem>> -> memref<128x128xf32, #tpu.memory_space<vmem>>
    %dma_start3A_36 = arith.constant 0 : i32
    %dma_start3A_37 = tpu.memref_slice %arg2[%add3A_27, %dma_start3A_36] : memref<16400x128xf32, #tpu.memory_space<hbm>> -> memref<128x128xf32, #tpu.memory_space<hbm>>
    tpu.enqueue_dma source(%dma_start3A_37 : memref<128x128xf32, #tpu.memory_space<hbm>>) target(%dma_start3A_35 : memref<128x128xf32, #tpu.memory_space<vmem>>) target_semaphore(%arg6 : memref<!tpu.dma_semaphore, #tpu.memory_space<semaphore_mem>>)
    %add3A_38 = arith.constant 384 : i32
    %add3A_39 = arith.addi %mul3A_2, %add3A_38 : i32
    %dma_start3A_40 = arith.constant 384 : i32
    %dma_start3A_41 = arith.constant 0 : i32
    %dma_start3A_42 = tpu.memref_slice %arg4[%dma_start3A_40, %dma_start3A_41] : memref<512x128xf32, #tpu.memory_space<vmem>> -> memref<128x128xf32, #tpu.memory_space<vmem>>
    %dma_start3A_43 = arith.constant 0 : i32
    %dma_start3A_44 = tpu.memref_slice %arg2[%add3A_39, %dma_start3A_43] : memref<16400x128xf32, #tpu.memory_space<hbm>> -> memref<128x128xf32, #tpu.memory_space<hbm>>
    %dma_start3A_45 = arith.constant 384 : i32
    %dma_start3A_46 = arith.constant 0 : i32
    %dma_start3A_47 = tpu.memref_slice %arg4[%dma_start3A_45, %dma_start3A_46] : memref<512x128xf32, #tpu.memory_space<vmem>> -> memref<128x128xf32, #tpu.memory_space<vmem>>
    %dma_start3A_48 = arith.constant 0 : i32
    %dma_start3A_49 = tpu.memref_slice %arg2[%add3A_39, %dma_start3A_48] : memref<16400x128xf32, #tpu.memory_space<hbm>> -> memref<128x128xf32, #tpu.memory_space<hbm>>
    tpu.enqueue_dma source(%dma_start3A_49 : memref<128x128xf32, #tpu.memory_space<hbm>>) target(%dma_start3A_47 : memref<128x128xf32, #tpu.memory_space<vmem>>) target_semaphore(%arg6 : memref<!tpu.dma_semaphore, #tpu.memory_space<semaphore_mem>>)
    %iota3A = tpu.iota {dimensions = array<i32: 0>} : vector<16xi32>
    %dma_wait3A = arith.constant 0 : i32
    %dma_wait3A_50 = arith.constant 0 : i32
    %dma_wait3A_51 = tpu.memref_slice %arg4[%dma_wait3A, %dma_wait3A_50] : memref<512x128xf32, #tpu.memory_space<vmem>> -> memref<128x128xf32, #tpu.memory_space<vmem>>
    %dma_wait3A_52 = arith.constant 0 : i32
    %dma_wait3A_53 = tpu.memref_slice %arg2[%add3A_4, %dma_wait3A_52] : memref<16400x128xf32, #tpu.memory_space<hbm>> -> memref<128x128xf32, #tpu.memory_space<hbm>>
    %dma_wait3A_54 = arith.constant 0 : i32
    %dma_wait3A_55 = arith.constant 0 : i32
    %dma_wait3A_56 = tpu.memref_slice %arg4[%dma_wait3A_54, %dma_wait3A_55] : memref<512x128xf32, #tpu.memory_space<vmem>> -> memref<128x128xf32, #tpu.memory_space<vmem>>
    %dma_wait3A_57 = arith.constant 0 : i32
    %dma_wait3A_58 = tpu.memref_slice %arg2[%add3A_4, %dma_wait3A_57] : memref<16400x128xf32, #tpu.memory_space<hbm>> -> memref<128x128xf32, #tpu.memory_space<hbm>>
    tpu.wait_dma2 semaphore(%arg6 : memref<!tpu.dma_semaphore, #tpu.memory_space<semaphore_mem>>) src(%dma_wait3A_58 : memref<128x128xf32, #tpu.memory_space<hbm>>) dst(%dma_wait3A_56 : memref<128x128xf32, #tpu.memory_space<vmem>>)
    %broadcast_in_dim3A = arith.constant 0 : i32
    %broadcast_in_dim3A_59 = vector.broadcast %broadcast_in_dim3A : i32 to vector<16xi32>
    %scan3A = arith.constant 0 : i32
    %scan3A_60 = arith.constant 0 : i32
    %scan3A_61 = arith.constant 64 : i32
    %scan3A_62 = arith.addi %scan3A_60, %scan3A_61 : i32
    %scan3A_63 = arith.constant 1 : i32
    %scan3A_64 = scf.for %scan3A_235 = %scan3A_60 to %scan3A_62 step %scan3A_63 iter_args(%scan3A_236 = %scan3A) -> (i32)  : i32 {
      %broadcast_in_dim3A_237 = vector.broadcast %scan3A_235 : i32 to vector<16xi32>
      %add3A_238 = arith.constant 0 : i32
      %add3A_239 = vector.broadcast %add3A_238 : i32 to vector<16xi32>
      %add3A_240 = arith.addi %iota3A, %add3A_239 : vector<16xi32>
      %gather3A = tpu.vector_load_idx %arg4[%add3A_240, %broadcast_in_dim3A_237] : memref<512x128xf32, #tpu.memory_space<vmem>>[vector<16xi32>, vector<16xi32>], vector<16xf32>,
      %add3A_241 = arith.constant 0 : i32
      %add3A_242 = vector.broadcast %add3A_241 : i32 to vector<16xi32>
      %add3A_243 = arith.addi %iota3A, %add3A_242 : vector<16xi32>
      tpu.vector_store_idx %arg5[%broadcast_in_dim3A_59, %broadcast_in_dim3A_237, %add3A_243], %gather3A : memref<4x64x128xf32, #tpu.memory_space<vmem>>[vector<16xi32>, vector<16xi32>, vector<16xi32>], vector<16xf32>,
      %add3A_244 = arith.constant 16 : i32
      %add3A_245 = vector.broadcast %add3A_244 : i32 to vector<16xi32>
      %add3A_246 = arith.addi %iota3A, %add3A_245 : vector<16xi32>
      %gather3A_247 = tpu.vector_load_idx %arg4[%add3A_246, %broadcast_in_dim3A_237] : memref<512x128xf32, #tpu.memory_space<vmem>>[vector<16xi32>, vector<16xi32>], vector<16xf32>,
      %add3A_248 = arith.constant 16 : i32
      %add3A_249 = vector.broadcast %add3A_248 : i32 to vector<16xi32>
      %add3A_250 = arith.addi %iota3A, %add3A_249 : vector<16xi32>
      tpu.vector_store_idx %arg5[%broadcast_in_dim3A_59, %broadcast_in_dim3A_237, %add3A_250], %gather3A_247 : memref<4x64x128xf32, #tpu.memory_space<vmem>>[vector<16xi32>, vector<16xi32>, vector<16xi32>], vector<16xf32>,
      %add3A_251 = arith.constant 32 : i32
      %add3A_252 = vector.broadcast %add3A_251 : i32 to vector<16xi32>
      %add3A_253 = arith.addi %iota3A, %add3A_252 : vector<16xi32>
      %gather3A_254 = tpu.vector_load_idx %arg4[%add3A_253, %broadcast_in_dim3A_237] : memref<512x128xf32, #tpu.memory_space<vmem>>[vector<16xi32>, vector<16xi32>], vector<16xf32>,
      %add3A_255 = arith.constant 32 : i32
      %add3A_256 = vector.broadcast %add3A_255 : i32 to vector<16xi32>
      %add3A_257 = arith.addi %iota3A, %add3A_256 : vector<16xi32>
      tpu.vector_store_idx %arg5[%broadcast_in_dim3A_59, %broadcast_in_dim3A_237, %add3A_257], %gather3A_254 : memref<4x64x128xf32, #tpu.memory_space<vmem>>[vector<16xi32>, vector<16xi32>, vector<16xi32>], vector<16xf32>,
      %add3A_258 = arith.constant 48 : i32
      %add3A_259 = vector.broadcast %add3A_258 : i32 to vector<16xi32>
      %add3A_260 = arith.addi %iota3A, %add3A_259 : vector<16xi32>
      %gather3A_261 = tpu.vector_load_idx %arg4[%add3A_260, %broadcast_in_dim3A_237] : memref<512x128xf32, #tpu.memory_space<vmem>>[vector<16xi32>, vector<16xi32>], vector<16xf32>,
      %add3A_262 = arith.constant 48 : i32
      %add3A_263 = vector.broadcast %add3A_262 : i32 to vector<16xi32>
      %add3A_264 = arith.addi %iota3A, %add3A_263 : vector<16xi32>
      tpu.vector_store_idx %arg5[%broadcast_in_dim3A_59, %broadcast_in_dim3A_237, %add3A_264], %gather3A_261 : memref<4x64x128xf32, #tpu.memory_space<vmem>>[vector<16xi32>, vector<16xi32>, vector<16xi32>], vector<16xf32>,
      %add3A_265 = arith.constant 64 : i32
      %add3A_266 = vector.broadcast %add3A_265 : i32 to vector<16xi32>
      %add3A_267 = arith.addi %iota3A, %add3A_266 : vector<16xi32>
      %gather3A_268 = tpu.vector_load_idx %arg4[%add3A_267, %broadcast_in_dim3A_237] : memref<512x128xf32, #tpu.memory_space<vmem>>[vector<16xi32>, vector<16xi32>], vector<16xf32>,
      %add3A_269 = arith.constant 64 : i32
      %add3A_270 = vector.broadcast %add3A_269 : i32 to vector<16xi32>
      %add3A_271 = arith.addi %iota3A, %add3A_270 : vector<16xi32>
      tpu.vector_store_idx %arg5[%broadcast_in_dim3A_59, %broadcast_in_dim3A_237, %add3A_271], %gather3A_268 : memref<4x64x128xf32, #tpu.memory_space<vmem>>[vector<16xi32>, vector<16xi32>, vector<16xi32>], vector<16xf32>,
      %add3A_272 = arith.constant 80 : i32
      %add3A_273 = vector.broadcast %add3A_272 : i32 to vector<16xi32>
      %add3A_274 = arith.addi %iota3A, %add3A_273 : vector<16xi32>
      %gather3A_275 = tpu.vector_load_idx %arg4[%add3A_274, %broadcast_in_dim3A_237] : memref<512x128xf32, #tpu.memory_space<vmem>>[vector<16xi32>, vector<16xi32>], vector<16xf32>,
      %add3A_276 = arith.constant 80 : i32
      %add3A_277 = vector.broadcast %add3A_276 : i32 to vector<16xi32>
      %add3A_278 = arith.addi %iota3A, %add3A_277 : vector<16xi32>
      tpu.vector_store_idx %arg5[%broadcast_in_dim3A_59, %broadcast_in_dim3A_237, %add3A_278], %gather3A_275 : memref<4x64x128xf32, #tpu.memory_space<vmem>>[vector<16xi32>, vector<16xi32>, vector<16xi32>], vector<16xf32>,
      %add3A_279 = arith.constant 96 : i32
      %add3A_280 = vector.broadcast %add3A_279 : i32 to vector<16xi32>
      %add3A_281 = arith.addi %iota3A, %add3A_280 : vector<16xi32>
      %gather3A_282 = tpu.vector_load_idx %arg4[%add3A_281, %broadcast_in_dim3A_237] : memref<512x128xf32, #tpu.memory_space<vmem>>[vector<16xi32>, vector<16xi32>], vector<16xf32>,
      %add3A_283 = arith.constant 96 : i32
      %add3A_284 = vector.broadcast %add3A_283 : i32 to vector<16xi32>
      %add3A_285 = arith.addi %iota3A, %add3A_284 : vector<16xi32>
      tpu.vector_store_idx %arg5[%broadcast_in_dim3A_59, %broadcast_in_dim3A_237, %add3A_285], %gather3A_282 : memref<4x64x128xf32, #tpu.memory_space<vmem>>[vector<16xi32>, vector<16xi32>, vector<16xi32>], vector<16xf32>,
      %add3A_286 = arith.constant 112 : i32
      %add3A_287 = vector.broadcast %add3A_286 : i32 to vector<16xi32>
      %add3A_288 = arith.addi %iota3A, %add3A_287 : vector<16xi32>
      %gather3A_289 = tpu.vector_load_idx %arg4[%add3A_288, %broadcast_in_dim3A_237] : memref<512x128xf32, #tpu.memory_space<vmem>>[vector<16xi32>, vector<16xi32>], vector<16xf32>,
      %add3A_290 = arith.constant 112 : i32
      %add3A_291 = vector.broadcast %add3A_290 : i32 to vector<16xi32>
      %add3A_292 = arith.addi %iota3A, %add3A_291 : vector<16xi32>
      tpu.vector_store_idx %arg5[%broadcast_in_dim3A_59, %broadcast_in_dim3A_237, %add3A_292], %gather3A_289 : memref<4x64x128xf32, #tpu.memory_space<vmem>>[vector<16xi32>, vector<16xi32>, vector<16xi32>], vector<16xf32>,
      %scan3A_293 = arith.constant 0 : i32
      scf.yield %scan3A_293 : i32
    }
    %scan3A_65 = arith.constant 64 : i32
    %add3A_66 = arith.constant 0 : i32
    %add3A_67 = arith.addi %mul3A_2, %add3A_66 : i32
    %dma_start3A_68 = arith.constant 0 : i32
    %dma_start3A_69 = arith.constant 0 : i32
    %dma_start3A_70 = arith.constant 0 : i32
    %dma_start3A_71 = tpu.memref_slice %arg5[%dma_start3A_68, %dma_start3A_69, %dma_start3A_70] : memref<4x64x128xf32, #tpu.memory_space<vmem>> -> memref<1x64x128xf32, #tpu.memory_space<vmem>>
    %dma_start3A_72 = tpu.memref_squeeze %dma_start3A_71 : memref<1x64x128xf32, #tpu.memory_space<vmem>> -> memref<64x128xf32, #tpu.memory_space<vmem>>
    %dma_start3A_73 = arith.constant 0 : i32
    %dma_start3A_74 = tpu.memref_slice %arg3[%dma_start3A_73, %add3A_67] : memref<64x16384xf32, #tpu.memory_space<hbm>> -> memref<64x128xf32, #tpu.memory_space<hbm>>
    %dma_start3A_75 = arith.constant 0 : i32
    %dma_start3A_76 = tpu.memref_slice %arg3[%dma_start3A_75, %add3A_67] : memref<64x16384xf32, #tpu.memory_space<hbm>> -> memref<64x128xf32, #tpu.memory_space<hbm>>
    %dma_start3A_77 = arith.constant 0 : i32
    %dma_start3A_78 = arith.constant 0 : i32
    %dma_start3A_79 = tpu.memref_slice %arg5[%dma_start3A_68, %dma_start3A_77, %dma_start3A_78] : memref<4x64x128xf32, #tpu.memory_space<vmem>> -> memref<1x64x128xf32, #tpu.memory_space<vmem>>
    %dma_start3A_80 = tpu.memref_squeeze %dma_start3A_79 : memref<1x64x128xf32, #tpu.memory_space<vmem>> -> memref<64x128xf32, #tpu.memory_space<vmem>>
    tpu.enqueue_dma source(%dma_start3A_80 : memref<64x128xf32, #tpu.memory_space<vmem>>) target(%dma_start3A_76 : memref<64x128xf32, #tpu.memory_space<hbm>>) target_semaphore(%arg6 : memref<!tpu.dma_semaphore, #tpu.memory_space<semaphore_mem>>)
    %dma_wait3A_81 = arith.constant 128 : i32
    %dma_wait3A_82 = arith.constant 0 : i32
    %dma_wait3A_83 = tpu.memref_slice %arg4[%dma_wait3A_81, %dma_wait3A_82] : memref<512x128xf32, #tpu.memory_space<vmem>> -> memref<128x128xf32, #tpu.memory_space<vmem>>
    %dma_wait3A_84 = arith.constant 0 : i32
    %dma_wait3A_85 = tpu.memref_slice %arg2[%add3A_15, %dma_wait3A_84] : memref<16400x128xf32, #tpu.memory_space<hbm>> -> memref<128x128xf32, #tpu.memory_space<hbm>>
    %dma_wait3A_86 = arith.constant 128 : i32
    %dma_wait3A_87 = arith.constant 0 : i32
    %dma_wait3A_88 = tpu.memref_slice %arg4[%dma_wait3A_86, %dma_wait3A_87] : memref<512x128xf32, #tpu.memory_space<vmem>> -> memref<128x128xf32, #tpu.memory_space<vmem>>
    %dma_wait3A_89 = arith.constant 0 : i32
    %dma_wait3A_90 = tpu.memref_slice %arg2[%add3A_15, %dma_wait3A_89] : memref<16400x128xf32, #tpu.memory_space<hbm>> -> memref<128x128xf32, #tpu.memory_space<hbm>>
    tpu.wait_dma2 semaphore(%arg6 : memref<!tpu.dma_semaphore, #tpu.memory_space<semaphore_mem>>) src(%dma_wait3A_90 : memref<128x128xf32, #tpu.memory_space<hbm>>) dst(%dma_wait3A_88 : memref<128x128xf32, #tpu.memory_space<vmem>>)
    %broadcast_in_dim3A_91 = arith.constant 1 : i32
    %broadcast_in_dim3A_92 = vector.broadcast %broadcast_in_dim3A_91 : i32 to vector<16xi32>
    %scan3A_93 = arith.constant 0 : i32
    %scan3A_94 = arith.constant 0 : i32
    %scan3A_95 = arith.constant 64 : i32
    %scan3A_96 = arith.addi %scan3A_94, %scan3A_95 : i32
    %scan3A_97 = arith.constant 1 : i32
    %scan3A_98 = scf.for %scan3A_235 = %scan3A_94 to %scan3A_96 step %scan3A_97 iter_args(%scan3A_236 = %scan3A_93) -> (i32)  : i32 {
      %broadcast_in_dim3A_237 = vector.broadcast %scan3A_235 : i32 to vector<16xi32>
      %add3A_238 = arith.constant 128 : i32
      %add3A_239 = vector.broadcast %add3A_238 : i32 to vector<16xi32>
      %add3A_240 = arith.addi %iota3A, %add3A_239 : vector<16xi32>
      %gather3A = tpu.vector_load_idx %arg4[%add3A_240, %broadcast_in_dim3A_237] : memref<512x128xf32, #tpu.memory_space<vmem>>[vector<16xi32>, vector<16xi32>], vector<16xf32>,
      %add3A_241 = arith.constant 0 : i32
      %add3A_242 = vector.broadcast %add3A_241 : i32 to vector<16xi32>
      %add3A_243 = arith.addi %iota3A, %add3A_242 : vector<16xi32>
      tpu.vector_store_idx %arg5[%broadcast_in_dim3A_92, %broadcast_in_dim3A_237, %add3A_243], %gather3A : memref<4x64x128xf32, #tpu.memory_space<vmem>>[vector<16xi32>, vector<16xi32>, vector<16xi32>], vector<16xf32>,
      %add3A_244 = arith.constant 144 : i32
      %add3A_245 = vector.broadcast %add3A_244 : i32 to vector<16xi32>
      %add3A_246 = arith.addi %iota3A, %add3A_245 : vector<16xi32>
      %gather3A_247 = tpu.vector_load_idx %arg4[%add3A_246, %broadcast_in_dim3A_237] : memref<512x128xf32, #tpu.memory_space<vmem>>[vector<16xi32>, vector<16xi32>], vector<16xf32>,
      %add3A_248 = arith.constant 16 : i32
      %add3A_249 = vector.broadcast %add3A_248 : i32 to vector<16xi32>
      %add3A_250 = arith.addi %iota3A, %add3A_249 : vector<16xi32>
      tpu.vector_store_idx %arg5[%broadcast_in_dim3A_92, %broadcast_in_dim3A_237, %add3A_250], %gather3A_247 : memref<4x64x128xf32, #tpu.memory_space<vmem>>[vector<16xi32>, vector<16xi32>, vector<16xi32>], vector<16xf32>,
      %add3A_251 = arith.constant 160 : i32
      %add3A_252 = vector.broadcast %add3A_251 : i32 to vector<16xi32>
      %add3A_253 = arith.addi %iota3A, %add3A_252 : vector<16xi32>
      %gather3A_254 = tpu.vector_load_idx %arg4[%add3A_253, %broadcast_in_dim3A_237] : memref<512x128xf32, #tpu.memory_space<vmem>>[vector<16xi32>, vector<16xi32>], vector<16xf32>,
      %add3A_255 = arith.constant 32 : i32
      %add3A_256 = vector.broadcast %add3A_255 : i32 to vector<16xi32>
      %add3A_257 = arith.addi %iota3A, %add3A_256 : vector<16xi32>
      tpu.vector_store_idx %arg5[%broadcast_in_dim3A_92, %broadcast_in_dim3A_237, %add3A_257], %gather3A_254 : memref<4x64x128xf32, #tpu.memory_space<vmem>>[vector<16xi32>, vector<16xi32>, vector<16xi32>], vector<16xf32>,
      %add3A_258 = arith.constant 176 : i32
      %add3A_259 = vector.broadcast %add3A_258 : i32 to vector<16xi32>
      %add3A_260 = arith.addi %iota3A, %add3A_259 : vector<16xi32>
      %gather3A_261 = tpu.vector_load_idx %arg4[%add3A_260, %broadcast_in_dim3A_237] : memref<512x128xf32, #tpu.memory_space<vmem>>[vector<16xi32>, vector<16xi32>], vector<16xf32>,
      %add3A_262 = arith.constant 48 : i32
      %add3A_263 = vector.broadcast %add3A_262 : i32 to vector<16xi32>
      %add3A_264 = arith.addi %iota3A, %add3A_263 : vector<16xi32>
      tpu.vector_store_idx %arg5[%broadcast_in_dim3A_92, %broadcast_in_dim3A_237, %add3A_264], %gather3A_261 : memref<4x64x128xf32, #tpu.memory_space<vmem>>[vector<16xi32>, vector<16xi32>, vector<16xi32>], vector<16xf32>,
      %add3A_265 = arith.constant 192 : i32
      %add3A_266 = vector.broadcast %add3A_265 : i32 to vector<16xi32>
      %add3A_267 = arith.addi %iota3A, %add3A_266 : vector<16xi32>
      %gather3A_268 = tpu.vector_load_idx %arg4[%add3A_267, %broadcast_in_dim3A_237] : memref<512x128xf32, #tpu.memory_space<vmem>>[vector<16xi32>, vector<16xi32>], vector<16xf32>,
      %add3A_269 = arith.constant 64 : i32
      %add3A_270 = vector.broadcast %add3A_269 : i32 to vector<16xi32>
      %add3A_271 = arith.addi %iota3A, %add3A_270 : vector<16xi32>
      tpu.vector_store_idx %arg5[%broadcast_in_dim3A_92, %broadcast_in_dim3A_237, %add3A_271], %gather3A_268 : memref<4x64x128xf32, #tpu.memory_space<vmem>>[vector<16xi32>, vector<16xi32>, vector<16xi32>], vector<16xf32>,
      %add3A_272 = arith.constant 208 : i32
      %add3A_273 = vector.broadcast %add3A_272 : i32 to vector<16xi32>
      %add3A_274 = arith.addi %iota3A, %add3A_273 : vector<16xi32>
      %gather3A_275 = tpu.vector_load_idx %arg4[%add3A_274, %broadcast_in_dim3A_237] : memref<512x128xf32, #tpu.memory_space<vmem>>[vector<16xi32>, vector<16xi32>], vector<16xf32>,
      %add3A_276 = arith.constant 80 : i32
      %add3A_277 = vector.broadcast %add3A_276 : i32 to vector<16xi32>
      %add3A_278 = arith.addi %iota3A, %add3A_277 : vector<16xi32>
      tpu.vector_store_idx %arg5[%broadcast_in_dim3A_92, %broadcast_in_dim3A_237, %add3A_278], %gather3A_275 : memref<4x64x128xf32, #tpu.memory_space<vmem>>[vector<16xi32>, vector<16xi32>, vector<16xi32>], vector<16xf32>,
      %add3A_279 = arith.constant 224 : i32
      %add3A_280 = vector.broadcast %add3A_279 : i32 to vector<16xi32>
      %add3A_281 = arith.addi %iota3A, %add3A_280 : vector<16xi32>
      %gather3A_282 = tpu.vector_load_idx %arg4[%add3A_281, %broadcast_in_dim3A_237] : memref<512x128xf32, #tpu.memory_space<vmem>>[vector<16xi32>, vector<16xi32>], vector<16xf32>,
      %add3A_283 = arith.constant 96 : i32
      %add3A_284 = vector.broadcast %add3A_283 : i32 to vector<16xi32>
      %add3A_285 = arith.addi %iota3A, %add3A_284 : vector<16xi32>
      tpu.vector_store_idx %arg5[%broadcast_in_dim3A_92, %broadcast_in_dim3A_237, %add3A_285], %gather3A_282 : memref<4x64x128xf32, #tpu.memory_space<vmem>>[vector<16xi32>, vector<16xi32>, vector<16xi32>], vector<16xf32>,
      %add3A_286 = arith.constant 240 : i32
      %add3A_287 = vector.broadcast %add3A_286 : i32 to vector<16xi32>
      %add3A_288 = arith.addi %iota3A, %add3A_287 : vector<16xi32>
      %gather3A_289 = tpu.vector_load_idx %arg4[%add3A_288, %broadcast_in_dim3A_237] : memref<512x128xf32, #tpu.memory_space<vmem>>[vector<16xi32>, vector<16xi32>], vector<16xf32>,
      %add3A_290 = arith.constant 112 : i32
      %add3A_291 = vector.broadcast %add3A_290 : i32 to vector<16xi32>
      %add3A_292 = arith.addi %iota3A, %add3A_291 : vector<16xi32>
      tpu.vector_store_idx %arg5[%broadcast_in_dim3A_92, %broadcast_in_dim3A_237, %add3A_292], %gather3A_289 : memref<4x64x128xf32, #tpu.memory_space<vmem>>[vector<16xi32>, vector<16xi32>, vector<16xi32>], vector<16xf32>,
      %scan3A_293 = arith.constant 0 : i32
      scf.yield %scan3A_293 : i32
    }
    %scan3A_99 = arith.constant 64 : i32
    %add3A_100 = arith.constant 128 : i32
    %add3A_101 = arith.addi %mul3A_2, %add3A_100 : i32
    %dma_start3A_102 = arith.constant 1 : i32
    %dma_start3A_103 = arith.constant 0 : i32
    %dma_start3A_104 = arith.constant 0 : i32
    %dma_start3A_105 = tpu.memref_slice %arg5[%dma_start3A_102, %dma_start3A_103, %dma_start3A_104] : memref<4x64x128xf32, #tpu.memory_space<vmem>> -> memref<1x64x128xf32, #tpu.memory_space<vmem>>
    %dma_start3A_106 = tpu.memref_squeeze %dma_start3A_105 : memref<1x64x128xf32, #tpu.memory_space<vmem>> -> memref<64x128xf32, #tpu.memory_space<vmem>>
    %dma_start3A_107 = arith.constant 0 : i32
    %dma_start3A_108 = tpu.memref_slice %arg3[%dma_start3A_107, %add3A_101] : memref<64x16384xf32, #tpu.memory_space<hbm>> -> memref<64x128xf32, #tpu.memory_space<hbm>>
    %dma_start3A_109 = arith.constant 0 : i32
    %dma_start3A_110 = tpu.memref_slice %arg3[%dma_start3A_109, %add3A_101] : memref<64x16384xf32, #tpu.memory_space<hbm>> -> memref<64x128xf32, #tpu.memory_space<hbm>>
    %dma_start3A_111 = arith.constant 0 : i32
    %dma_start3A_112 = arith.constant 0 : i32
    %dma_start3A_113 = tpu.memref_slice %arg5[%dma_start3A_102, %dma_start3A_111, %dma_start3A_112] : memref<4x64x128xf32, #tpu.memory_space<vmem>> -> memref<1x64x128xf32, #tpu.memory_space<vmem>>
    %dma_start3A_114 = tpu.memref_squeeze %dma_start3A_113 : memref<1x64x128xf32, #tpu.memory_space<vmem>> -> memref<64x128xf32, #tpu.memory_space<vmem>>
    tpu.enqueue_dma source(%dma_start3A_114 : memref<64x128xf32, #tpu.memory_space<vmem>>) target(%dma_start3A_110 : memref<64x128xf32, #tpu.memory_space<hbm>>) target_semaphore(%arg6 : memref<!tpu.dma_semaphore, #tpu.memory_space<semaphore_mem>>)
    %dma_wait3A_115 = arith.constant 256 : i32
    %dma_wait3A_116 = arith.constant 0 : i32
    %dma_wait3A_117 = tpu.memref_slice %arg4[%dma_wait3A_115, %dma_wait3A_116] : memref<512x128xf32, #tpu.memory_space<vmem>> -> memref<128x128xf32, #tpu.memory_space<vmem>>
    %dma_wait3A_118 = arith.constant 0 : i32
    %dma_wait3A_119 = tpu.memref_slice %arg2[%add3A_27, %dma_wait3A_118] : memref<16400x128xf32, #tpu.memory_space<hbm>> -> memref<128x128xf32, #tpu.memory_space<hbm>>
    %dma_wait3A_120 = arith.constant 256 : i32
    %dma_wait3A_121 = arith.constant 0 : i32
    %dma_wait3A_122 = tpu.memref_slice %arg4[%dma_wait3A_120, %dma_wait3A_121] : memref<512x128xf32, #tpu.memory_space<vmem>> -> memref<128x128xf32, #tpu.memory_space<vmem>>
    %dma_wait3A_123 = arith.constant 0 : i32
    %dma_wait3A_124 = tpu.memref_slice %arg2[%add3A_27, %dma_wait3A_123] : memref<16400x128xf32, #tpu.memory_space<hbm>> -> memref<128x128xf32, #tpu.memory_space<hbm>>
    tpu.wait_dma2 semaphore(%arg6 : memref<!tpu.dma_semaphore, #tpu.memory_space<semaphore_mem>>) src(%dma_wait3A_124 : memref<128x128xf32, #tpu.memory_space<hbm>>) dst(%dma_wait3A_122 : memref<128x128xf32, #tpu.memory_space<vmem>>)
    %broadcast_in_dim3A_125 = arith.constant 2 : i32
    %broadcast_in_dim3A_126 = vector.broadcast %broadcast_in_dim3A_125 : i32 to vector<16xi32>
    %scan3A_127 = arith.constant 0 : i32
    %scan3A_128 = arith.constant 0 : i32
    %scan3A_129 = arith.constant 64 : i32
    %scan3A_130 = arith.addi %scan3A_128, %scan3A_129 : i32
    %scan3A_131 = arith.constant 1 : i32
    %scan3A_132 = scf.for %scan3A_235 = %scan3A_128 to %scan3A_130 step %scan3A_131 iter_args(%scan3A_236 = %scan3A_127) -> (i32)  : i32 {
      %broadcast_in_dim3A_237 = vector.broadcast %scan3A_235 : i32 to vector<16xi32>
      %add3A_238 = arith.constant 256 : i32
      %add3A_239 = vector.broadcast %add3A_238 : i32 to vector<16xi32>
      %add3A_240 = arith.addi %iota3A, %add3A_239 : vector<16xi32>
      %gather3A = tpu.vector_load_idx %arg4[%add3A_240, %broadcast_in_dim3A_237] : memref<512x128xf32, #tpu.memory_space<vmem>>[vector<16xi32>, vector<16xi32>], vector<16xf32>,
      %add3A_241 = arith.constant 0 : i32
      %add3A_242 = vector.broadcast %add3A_241 : i32 to vector<16xi32>
      %add3A_243 = arith.addi %iota3A, %add3A_242 : vector<16xi32>
      tpu.vector_store_idx %arg5[%broadcast_in_dim3A_126, %broadcast_in_dim3A_237, %add3A_243], %gather3A : memref<4x64x128xf32, #tpu.memory_space<vmem>>[vector<16xi32>, vector<16xi32>, vector<16xi32>], vector<16xf32>,
      %add3A_244 = arith.constant 272 : i32
      %add3A_245 = vector.broadcast %add3A_244 : i32 to vector<16xi32>
      %add3A_246 = arith.addi %iota3A, %add3A_245 : vector<16xi32>
      %gather3A_247 = tpu.vector_load_idx %arg4[%add3A_246, %broadcast_in_dim3A_237] : memref<512x128xf32, #tpu.memory_space<vmem>>[vector<16xi32>, vector<16xi32>], vector<16xf32>,
      %add3A_248 = arith.constant 16 : i32
      %add3A_249 = vector.broadcast %add3A_248 : i32 to vector<16xi32>
      %add3A_250 = arith.addi %iota3A, %add3A_249 : vector<16xi32>
      tpu.vector_store_idx %arg5[%broadcast_in_dim3A_126, %broadcast_in_dim3A_237, %add3A_250], %gather3A_247 : memref<4x64x128xf32, #tpu.memory_space<vmem>>[vector<16xi32>, vector<16xi32>, vector<16xi32>], vector<16xf32>,
      %add3A_251 = arith.constant 288 : i32
      %add3A_252 = vector.broadcast %add3A_251 : i32 to vector<16xi32>
      %add3A_253 = arith.addi %iota3A, %add3A_252 : vector<16xi32>
      %gather3A_254 = tpu.vector_load_idx %arg4[%add3A_253, %broadcast_in_dim3A_237] : memref<512x128xf32, #tpu.memory_space<vmem>>[vector<16xi32>, vector<16xi32>], vector<16xf32>,
      %add3A_255 = arith.constant 32 : i32
      %add3A_256 = vector.broadcast %add3A_255 : i32 to vector<16xi32>
      %add3A_257 = arith.addi %iota3A, %add3A_256 : vector<16xi32>
      tpu.vector_store_idx %arg5[%broadcast_in_dim3A_126, %broadcast_in_dim3A_237, %add3A_257], %gather3A_254 : memref<4x64x128xf32, #tpu.memory_space<vmem>>[vector<16xi32>, vector<16xi32>, vector<16xi32>], vector<16xf32>,
      %add3A_258 = arith.constant 304 : i32
      %add3A_259 = vector.broadcast %add3A_258 : i32 to vector<16xi32>
      %add3A_260 = arith.addi %iota3A, %add3A_259 : vector<16xi32>
      %gather3A_261 = tpu.vector_load_idx %arg4[%add3A_260, %broadcast_in_dim3A_237] : memref<512x128xf32, #tpu.memory_space<vmem>>[vector<16xi32>, vector<16xi32>], vector<16xf32>,
      %add3A_262 = arith.constant 48 : i32
      %add3A_263 = vector.broadcast %add3A_262 : i32 to vector<16xi32>
      %add3A_264 = arith.addi %iota3A, %add3A_263 : vector<16xi32>
      tpu.vector_store_idx %arg5[%broadcast_in_dim3A_126, %broadcast_in_dim3A_237, %add3A_264], %gather3A_261 : memref<4x64x128xf32, #tpu.memory_space<vmem>>[vector<16xi32>, vector<16xi32>, vector<16xi32>], vector<16xf32>,
      %add3A_265 = arith.constant 320 : i32
      %add3A_266 = vector.broadcast %add3A_265 : i32 to vector<16xi32>
      %add3A_267 = arith.addi %iota3A, %add3A_266 : vector<16xi32>
      %gather3A_268 = tpu.vector_load_idx %arg4[%add3A_267, %broadcast_in_dim3A_237] : memref<512x128xf32, #tpu.memory_space<vmem>>[vector<16xi32>, vector<16xi32>], vector<16xf32>,
      %add3A_269 = arith.constant 64 : i32
      %add3A_270 = vector.broadcast %add3A_269 : i32 to vector<16xi32>
      %add3A_271 = arith.addi %iota3A, %add3A_270 : vector<16xi32>
      tpu.vector_store_idx %arg5[%broadcast_in_dim3A_126, %broadcast_in_dim3A_237, %add3A_271], %gather3A_268 : memref<4x64x128xf32, #tpu.memory_space<vmem>>[vector<16xi32>, vector<16xi32>, vector<16xi32>], vector<16xf32>,
      %add3A_272 = arith.constant 336 : i32
      %add3A_273 = vector.broadcast %add3A_272 : i32 to vector<16xi32>
      %add3A_274 = arith.addi %iota3A, %add3A_273 : vector<16xi32>
      %gather3A_275 = tpu.vector_load_idx %arg4[%add3A_274, %broadcast_in_dim3A_237] : memref<512x128xf32, #tpu.memory_space<vmem>>[vector<16xi32>, vector<16xi32>], vector<16xf32>,
      %add3A_276 = arith.constant 80 : i32
      %add3A_277 = vector.broadcast %add3A_276 : i32 to vector<16xi32>
      %add3A_278 = arith.addi %iota3A, %add3A_277 : vector<16xi32>
      tpu.vector_store_idx %arg5[%broadcast_in_dim3A_126, %broadcast_in_dim3A_237, %add3A_278], %gather3A_275 : memref<4x64x128xf32, #tpu.memory_space<vmem>>[vector<16xi32>, vector<16xi32>, vector<16xi32>], vector<16xf32>,
      %add3A_279 = arith.constant 352 : i32
      %add3A_280 = vector.broadcast %add3A_279 : i32 to vector<16xi32>
      %add3A_281 = arith.addi %iota3A, %add3A_280 : vector<16xi32>
      %gather3A_282 = tpu.vector_load_idx %arg4[%add3A_281, %broadcast_in_dim3A_237] : memref<512x128xf32, #tpu.memory_space<vmem>>[vector<16xi32>, vector<16xi32>], vector<16xf32>,
      %add3A_283 = arith.constant 96 : i32
      %add3A_284 = vector.broadcast %add3A_283 : i32 to vector<16xi32>
      %add3A_285 = arith.addi %iota3A, %add3A_284 : vector<16xi32>
      tpu.vector_store_idx %arg5[%broadcast_in_dim3A_126, %broadcast_in_dim3A_237, %add3A_285], %gather3A_282 : memref<4x64x128xf32, #tpu.memory_space<vmem>>[vector<16xi32>, vector<16xi32>, vector<16xi32>], vector<16xf32>,
      %add3A_286 = arith.constant 368 : i32
      %add3A_287 = vector.broadcast %add3A_286 : i32 to vector<16xi32>
      %add3A_288 = arith.addi %iota3A, %add3A_287 : vector<16xi32>
      %gather3A_289 = tpu.vector_load_idx %arg4[%add3A_288, %broadcast_in_dim3A_237] : memref<512x128xf32, #tpu.memory_space<vmem>>[vector<16xi32>, vector<16xi32>], vector<16xf32>,
      %add3A_290 = arith.constant 112 : i32
      %add3A_291 = vector.broadcast %add3A_290 : i32 to vector<16xi32>
      %add3A_292 = arith.addi %iota3A, %add3A_291 : vector<16xi32>
      tpu.vector_store_idx %arg5[%broadcast_in_dim3A_126, %broadcast_in_dim3A_237, %add3A_292], %gather3A_289 : memref<4x64x128xf32, #tpu.memory_space<vmem>>[vector<16xi32>, vector<16xi32>, vector<16xi32>], vector<16xf32>,
      %scan3A_293 = arith.constant 0 : i32
      scf.yield %scan3A_293 : i32
    }
    %scan3A_133 = arith.constant 64 : i32
    %add3A_134 = arith.constant 256 : i32
    %add3A_135 = arith.addi %mul3A_2, %add3A_134 : i32
    %dma_start3A_136 = arith.constant 2 : i32
    %dma_start3A_137 = arith.constant 0 : i32
    %dma_start3A_138 = arith.constant 0 : i32
    %dma_start3A_139 = tpu.memref_slice %arg5[%dma_start3A_136, %dma_start3A_137, %dma_start3A_138] : memref<4x64x128xf32, #tpu.memory_space<vmem>> -> memref<1x64x128xf32, #tpu.memory_space<vmem>>
    %dma_start3A_140 = tpu.memref_squeeze %dma_start3A_139 : memref<1x64x128xf32, #tpu.memory_space<vmem>> -> memref<64x128xf32, #tpu.memory_space<vmem>>
    %dma_start3A_141 = arith.constant 0 : i32
    %dma_start3A_142 = tpu.memref_slice %arg3[%dma_start3A_141, %add3A_135] : memref<64x16384xf32, #tpu.memory_space<hbm>> -> memref<64x128xf32, #tpu.memory_space<hbm>>
    %dma_start3A_143 = arith.constant 0 : i32
    %dma_start3A_144 = tpu.memref_slice %arg3[%dma_start3A_143, %add3A_135] : memref<64x16384xf32, #tpu.memory_space<hbm>> -> memref<64x128xf32, #tpu.memory_space<hbm>>
    %dma_start3A_145 = arith.constant 0 : i32
    %dma_start3A_146 = arith.constant 0 : i32
    %dma_start3A_147 = tpu.memref_slice %arg5[%dma_start3A_136, %dma_start3A_145, %dma_start3A_146] : memref<4x64x128xf32, #tpu.memory_space<vmem>> -> memref<1x64x128xf32, #tpu.memory_space<vmem>>
    %dma_start3A_148 = tpu.memref_squeeze %dma_start3A_147 : memref<1x64x128xf32, #tpu.memory_space<vmem>> -> memref<64x128xf32, #tpu.memory_space<vmem>>
    tpu.enqueue_dma source(%dma_start3A_148 : memref<64x128xf32, #tpu.memory_space<vmem>>) target(%dma_start3A_144 : memref<64x128xf32, #tpu.memory_space<hbm>>) target_semaphore(%arg6 : memref<!tpu.dma_semaphore, #tpu.memory_space<semaphore_mem>>)
    %dma_wait3A_149 = arith.constant 384 : i32
    %dma_wait3A_150 = arith.constant 0 : i32
    %dma_wait3A_151 = tpu.memref_slice %arg4[%dma_wait3A_149, %dma_wait3A_150] : memref<512x128xf32, #tpu.memory_space<vmem>> -> memref<128x128xf32, #tpu.memory_space<vmem>>
    %dma_wait3A_152 = arith.constant 0 : i32
    %dma_wait3A_153 = tpu.memref_slice %arg2[%add3A_39, %dma_wait3A_152] : memref<16400x128xf32, #tpu.memory_space<hbm>> -> memref<128x128xf32, #tpu.memory_space<hbm>>
    %dma_wait3A_154 = arith.constant 384 : i32
    %dma_wait3A_155 = arith.constant 0 : i32
    %dma_wait3A_156 = tpu.memref_slice %arg4[%dma_wait3A_154, %dma_wait3A_155] : memref<512x128xf32, #tpu.memory_space<vmem>> -> memref<128x128xf32, #tpu.memory_space<vmem>>
    %dma_wait3A_157 = arith.constant 0 : i32
    %dma_wait3A_158 = tpu.memref_slice %arg2[%add3A_39, %dma_wait3A_157] : memref<16400x128xf32, #tpu.memory_space<hbm>> -> memref<128x128xf32, #tpu.memory_space<hbm>>
    tpu.wait_dma2 semaphore(%arg6 : memref<!tpu.dma_semaphore, #tpu.memory_space<semaphore_mem>>) src(%dma_wait3A_158 : memref<128x128xf32, #tpu.memory_space<hbm>>) dst(%dma_wait3A_156 : memref<128x128xf32, #tpu.memory_space<vmem>>)
    %broadcast_in_dim3A_159 = arith.constant 3 : i32
    %broadcast_in_dim3A_160 = vector.broadcast %broadcast_in_dim3A_159 : i32 to vector<16xi32>
    %scan3A_161 = arith.constant 0 : i32
    %scan3A_162 = arith.constant 0 : i32
    %scan3A_163 = arith.constant 64 : i32
    %scan3A_164 = arith.addi %scan3A_162, %scan3A_163 : i32
    %scan3A_165 = arith.constant 1 : i32
    %scan3A_166 = scf.for %scan3A_235 = %scan3A_162 to %scan3A_164 step %scan3A_165 iter_args(%scan3A_236 = %scan3A_161) -> (i32)  : i32 {
      %broadcast_in_dim3A_237 = vector.broadcast %scan3A_235 : i32 to vector<16xi32>
      %add3A_238 = arith.constant 384 : i32
      %add3A_239 = vector.broadcast %add3A_238 : i32 to vector<16xi32>
      %add3A_240 = arith.addi %iota3A, %add3A_239 : vector<16xi32>
      %gather3A = tpu.vector_load_idx %arg4[%add3A_240, %broadcast_in_dim3A_237] : memref<512x128xf32, #tpu.memory_space<vmem>>[vector<16xi32>, vector<16xi32>], vector<16xf32>,
      %add3A_241 = arith.constant 0 : i32
      %add3A_242 = vector.broadcast %add3A_241 : i32 to vector<16xi32>
      %add3A_243 = arith.addi %iota3A, %add3A_242 : vector<16xi32>
      tpu.vector_store_idx %arg5[%broadcast_in_dim3A_160, %broadcast_in_dim3A_237, %add3A_243], %gather3A : memref<4x64x128xf32, #tpu.memory_space<vmem>>[vector<16xi32>, vector<16xi32>, vector<16xi32>], vector<16xf32>,
      %add3A_244 = arith.constant 400 : i32
      %add3A_245 = vector.broadcast %add3A_244 : i32 to vector<16xi32>
      %add3A_246 = arith.addi %iota3A, %add3A_245 : vector<16xi32>
      %gather3A_247 = tpu.vector_load_idx %arg4[%add3A_246, %broadcast_in_dim3A_237] : memref<512x128xf32, #tpu.memory_space<vmem>>[vector<16xi32>, vector<16xi32>], vector<16xf32>,
      %add3A_248 = arith.constant 16 : i32
      %add3A_249 = vector.broadcast %add3A_248 : i32 to vector<16xi32>
      %add3A_250 = arith.addi %iota3A, %add3A_249 : vector<16xi32>
      tpu.vector_store_idx %arg5[%broadcast_in_dim3A_160, %broadcast_in_dim3A_237, %add3A_250], %gather3A_247 : memref<4x64x128xf32, #tpu.memory_space<vmem>>[vector<16xi32>, vector<16xi32>, vector<16xi32>], vector<16xf32>,
      %add3A_251 = arith.constant 416 : i32
      %add3A_252 = vector.broadcast %add3A_251 : i32 to vector<16xi32>
      %add3A_253 = arith.addi %iota3A, %add3A_252 : vector<16xi32>
      %gather3A_254 = tpu.vector_load_idx %arg4[%add3A_253, %broadcast_in_dim3A_237] : memref<512x128xf32, #tpu.memory_space<vmem>>[vector<16xi32>, vector<16xi32>], vector<16xf32>,
      %add3A_255 = arith.constant 32 : i32
      %add3A_256 = vector.broadcast %add3A_255 : i32 to vector<16xi32>
      %add3A_257 = arith.addi %iota3A, %add3A_256 : vector<16xi32>
      tpu.vector_store_idx %arg5[%broadcast_in_dim3A_160, %broadcast_in_dim3A_237, %add3A_257], %gather3A_254 : memref<4x64x128xf32, #tpu.memory_space<vmem>>[vector<16xi32>, vector<16xi32>, vector<16xi32>], vector<16xf32>,
      %add3A_258 = arith.constant 432 : i32
      %add3A_259 = vector.broadcast %add3A_258 : i32 to vector<16xi32>
      %add3A_260 = arith.addi %iota3A, %add3A_259 : vector<16xi32>
      %gather3A_261 = tpu.vector_load_idx %arg4[%add3A_260, %broadcast_in_dim3A_237] : memref<512x128xf32, #tpu.memory_space<vmem>>[vector<16xi32>, vector<16xi32>], vector<16xf32>,
      %add3A_262 = arith.constant 48 : i32
      %add3A_263 = vector.broadcast %add3A_262 : i32 to vector<16xi32>
      %add3A_264 = arith.addi %iota3A, %add3A_263 : vector<16xi32>
      tpu.vector_store_idx %arg5[%broadcast_in_dim3A_160, %broadcast_in_dim3A_237, %add3A_264], %gather3A_261 : memref<4x64x128xf32, #tpu.memory_space<vmem>>[vector<16xi32>, vector<16xi32>, vector<16xi32>], vector<16xf32>,
      %add3A_265 = arith.constant 448 : i32
      %add3A_266 = vector.broadcast %add3A_265 : i32 to vector<16xi32>
      %add3A_267 = arith.addi %iota3A, %add3A_266 : vector<16xi32>
      %gather3A_268 = tpu.vector_load_idx %arg4[%add3A_267, %broadcast_in_dim3A_237] : memref<512x128xf32, #tpu.memory_space<vmem>>[vector<16xi32>, vector<16xi32>], vector<16xf32>,
      %add3A_269 = arith.constant 64 : i32
      %add3A_270 = vector.broadcast %add3A_269 : i32 to vector<16xi32>
      %add3A_271 = arith.addi %iota3A, %add3A_270 : vector<16xi32>
      tpu.vector_store_idx %arg5[%broadcast_in_dim3A_160, %broadcast_in_dim3A_237, %add3A_271], %gather3A_268 : memref<4x64x128xf32, #tpu.memory_space<vmem>>[vector<16xi32>, vector<16xi32>, vector<16xi32>], vector<16xf32>,
      %add3A_272 = arith.constant 464 : i32
      %add3A_273 = vector.broadcast %add3A_272 : i32 to vector<16xi32>
      %add3A_274 = arith.addi %iota3A, %add3A_273 : vector<16xi32>
      %gather3A_275 = tpu.vector_load_idx %arg4[%add3A_274, %broadcast_in_dim3A_237] : memref<512x128xf32, #tpu.memory_space<vmem>>[vector<16xi32>, vector<16xi32>], vector<16xf32>,
      %add3A_276 = arith.constant 80 : i32
      %add3A_277 = vector.broadcast %add3A_276 : i32 to vector<16xi32>
      %add3A_278 = arith.addi %iota3A, %add3A_277 : vector<16xi32>
      tpu.vector_store_idx %arg5[%broadcast_in_dim3A_160, %broadcast_in_dim3A_237, %add3A_278], %gather3A_275 : memref<4x64x128xf32, #tpu.memory_space<vmem>>[vector<16xi32>, vector<16xi32>, vector<16xi32>], vector<16xf32>,
      %add3A_279 = arith.constant 480 : i32
      %add3A_280 = vector.broadcast %add3A_279 : i32 to vector<16xi32>
      %add3A_281 = arith.addi %iota3A, %add3A_280 : vector<16xi32>
      %gather3A_282 = tpu.vector_load_idx %arg4[%add3A_281, %broadcast_in_dim3A_237] : memref<512x128xf32, #tpu.memory_space<vmem>>[vector<16xi32>, vector<16xi32>], vector<16xf32>,
      %add3A_283 = arith.constant 96 : i32
      %add3A_284 = vector.broadcast %add3A_283 : i32 to vector<16xi32>
      %add3A_285 = arith.addi %iota3A, %add3A_284 : vector<16xi32>
      tpu.vector_store_idx %arg5[%broadcast_in_dim3A_160, %broadcast_in_dim3A_237, %add3A_285], %gather3A_282 : memref<4x64x128xf32, #tpu.memory_space<vmem>>[vector<16xi32>, vector<16xi32>, vector<16xi32>], vector<16xf32>,
      %add3A_286 = arith.constant 496 : i32
      %add3A_287 = vector.broadcast %add3A_286 : i32 to vector<16xi32>
      %add3A_288 = arith.addi %iota3A, %add3A_287 : vector<16xi32>
      %gather3A_289 = tpu.vector_load_idx %arg4[%add3A_288, %broadcast_in_dim3A_237] : memref<512x128xf32, #tpu.memory_space<vmem>>[vector<16xi32>, vector<16xi32>], vector<16xf32>,
      %add3A_290 = arith.constant 112 : i32
      %add3A_291 = vector.broadcast %add3A_290 : i32 to vector<16xi32>
      %add3A_292 = arith.addi %iota3A, %add3A_291 : vector<16xi32>
      tpu.vector_store_idx %arg5[%broadcast_in_dim3A_160, %broadcast_in_dim3A_237, %add3A_292], %gather3A_289 : memref<4x64x128xf32, #tpu.memory_space<vmem>>[vector<16xi32>, vector<16xi32>, vector<16xi32>], vector<16xf32>,
      %scan3A_293 = arith.constant 0 : i32
      scf.yield %scan3A_293 : i32
    }
    %scan3A_167 = arith.constant 64 : i32
    %add3A_168 = arith.constant 384 : i32
    %add3A_169 = arith.addi %mul3A_2, %add3A_168 : i32
    %dma_start3A_170 = arith.constant 3 : i32
    %dma_start3A_171 = arith.constant 0 : i32
    %dma_start3A_172 = arith.constant 0 : i32
    %dma_start3A_173 = tpu.memref_slice %arg5[%dma_start3A_170, %dma_start3A_171, %dma_start3A_172] : memref<4x64x128xf32, #tpu.memory_space<vmem>> -> memref<1x64x128xf32, #tpu.memory_space<vmem>>
    %dma_start3A_174 = tpu.memref_squeeze %dma_start3A_173 : memref<1x64x128xf32, #tpu.memory_space<vmem>> -> memref<64x128xf32, #tpu.memory_space<vmem>>
    %dma_start3A_175 = arith.constant 0 : i32
    %dma_start3A_176 = tpu.memref_slice %arg3[%dma_start3A_175, %add3A_169] : memref<64x16384xf32, #tpu.memory_space<hbm>> -> memref<64x128xf32, #tpu.memory_space<hbm>>
    %dma_start3A_177 = arith.constant 0 : i32
    %dma_start3A_178 = tpu.memref_slice %arg3[%dma_start3A_177, %add3A_169] : memref<64x16384xf32, #tpu.memory_space<hbm>> -> memref<64x128xf32, #tpu.memory_space<hbm>>
    %dma_start3A_179 = arith.constant 0 : i32
    %dma_start3A_180 = arith.constant 0 : i32
    %dma_start3A_181 = tpu.memref_slice %arg5[%dma_start3A_170, %dma_start3A_179, %dma_start3A_180] : memref<4x64x128xf32, #tpu.memory_space<vmem>> -> memref<1x64x128xf32, #tpu.memory_space<vmem>>
    %dma_start3A_182 = tpu.memref_squeeze %dma_start3A_181 : memref<1x64x128xf32, #tpu.memory_space<vmem>> -> memref<64x128xf32, #tpu.memory_space<vmem>>
    tpu.enqueue_dma source(%dma_start3A_182 : memref<64x128xf32, #tpu.memory_space<vmem>>) target(%dma_start3A_178 : memref<64x128xf32, #tpu.memory_space<hbm>>) target_semaphore(%arg6 : memref<!tpu.dma_semaphore, #tpu.memory_space<semaphore_mem>>)
    %dma_wait3A_183 = arith.constant 0 : i32
    %dma_wait3A_184 = arith.constant 0 : i32
    %dma_wait3A_185 = arith.constant 0 : i32
    %dma_wait3A_186 = tpu.memref_slice %arg5[%dma_wait3A_183, %dma_wait3A_184, %dma_wait3A_185] : memref<4x64x128xf32, #tpu.memory_space<vmem>> -> memref<1x64x128xf32, #tpu.memory_space<vmem>>
    %dma_wait3A_187 = tpu.memref_squeeze %dma_wait3A_186 : memref<1x64x128xf32, #tpu.memory_space<vmem>> -> memref<64x128xf32, #tpu.memory_space<vmem>>
    %dma_wait3A_188 = arith.constant 0 : i32
    %dma_wait3A_189 = tpu.memref_slice %arg3[%dma_wait3A_188, %add3A_67] : memref<64x16384xf32, #tpu.memory_space<hbm>> -> memref<64x128xf32, #tpu.memory_space<hbm>>
    %dma_wait3A_190 = arith.constant 0 : i32
    %dma_wait3A_191 = tpu.memref_slice %arg3[%dma_wait3A_190, %add3A_67] : memref<64x16384xf32, #tpu.memory_space<hbm>> -> memref<64x128xf32, #tpu.memory_space<hbm>>
    %dma_wait3A_192 = arith.constant 0 : i32
    %dma_wait3A_193 = arith.constant 0 : i32
    %dma_wait3A_194 = tpu.memref_slice %arg5[%dma_wait3A_183, %dma_wait3A_192, %dma_wait3A_193] : memref<4x64x128xf32, #tpu.memory_space<vmem>> -> memref<1x64x128xf32, #tpu.memory_space<vmem>>
    %dma_wait3A_195 = tpu.memref_squeeze %dma_wait3A_194 : memref<1x64x128xf32, #tpu.memory_space<vmem>> -> memref<64x128xf32, #tpu.memory_space<vmem>>
    tpu.wait_dma2 semaphore(%arg6 : memref<!tpu.dma_semaphore, #tpu.memory_space<semaphore_mem>>) src(%dma_wait3A_195 : memref<64x128xf32, #tpu.memory_space<vmem>>) dst(%dma_wait3A_191 : memref<64x128xf32, #tpu.memory_space<hbm>>)
    %dma_wait3A_196 = arith.constant 1 : i32
    %dma_wait3A_197 = arith.constant 0 : i32
    %dma_wait3A_198 = arith.constant 0 : i32
    %dma_wait3A_199 = tpu.memref_slice %arg5[%dma_wait3A_196, %dma_wait3A_197, %dma_wait3A_198] : memref<4x64x128xf32, #tpu.memory_space<vmem>> -> memref<1x64x128xf32, #tpu.memory_space<vmem>>
    %dma_wait3A_200 = tpu.memref_squeeze %dma_wait3A_199 : memref<1x64x128xf32, #tpu.memory_space<vmem>> -> memref<64x128xf32, #tpu.memory_space<vmem>>
    %dma_wait3A_201 = arith.constant 0 : i32
    %dma_wait3A_202 = tpu.memref_slice %arg3[%dma_wait3A_201, %add3A_101] : memref<64x16384xf32, #tpu.memory_space<hbm>> -> memref<64x128xf32, #tpu.memory_space<hbm>>
    %dma_wait3A_203 = arith.constant 0 : i32
    %dma_wait3A_204 = tpu.memref_slice %arg3[%dma_wait3A_203, %add3A_101] : memref<64x16384xf32, #tpu.memory_space<hbm>> -> memref<64x128xf32, #tpu.memory_space<hbm>>
    %dma_wait3A_205 = arith.constant 0 : i32
    %dma_wait3A_206 = arith.constant 0 : i32
    %dma_wait3A_207 = tpu.memref_slice %arg5[%dma_wait3A_196, %dma_wait3A_205, %dma_wait3A_206] : memref<4x64x128xf32, #tpu.memory_space<vmem>> -> memref<1x64x128xf32, #tpu.memory_space<vmem>>
    %dma_wait3A_208 = tpu.memref_squeeze %dma_wait3A_207 : memref<1x64x128xf32, #tpu.memory_space<vmem>> -> memref<64x128xf32, #tpu.memory_space<vmem>>
    tpu.wait_dma2 semaphore(%arg6 : memref<!tpu.dma_semaphore, #tpu.memory_space<semaphore_mem>>) src(%dma_wait3A_208 : memref<64x128xf32, #tpu.memory_space<vmem>>) dst(%dma_wait3A_204 : memref<64x128xf32, #tpu.memory_space<hbm>>)
    %dma_wait3A_209 = arith.constant 2 : i32
    %dma_wait3A_210 = arith.constant 0 : i32
    %dma_wait3A_211 = arith.constant 0 : i32
    %dma_wait3A_212 = tpu.memref_slice %arg5[%dma_wait3A_209, %dma_wait3A_210, %dma_wait3A_211] : memref<4x64x128xf32, #tpu.memory_space<vmem>> -> memref<1x64x128xf32, #tpu.memory_space<vmem>>
    %dma_wait3A_213 = tpu.memref_squeeze %dma_wait3A_212 : memref<1x64x128xf32, #tpu.memory_space<vmem>> -> memref<64x128xf32, #tpu.memory_space<vmem>>
    %dma_wait3A_214 = arith.constant 0 : i32
    %dma_wait3A_215 = tpu.memref_slice %arg3[%dma_wait3A_214, %add3A_135] : memref<64x16384xf32, #tpu.memory_space<hbm>> -> memref<64x128xf32, #tpu.memory_space<hbm>>
    %dma_wait3A_216 = arith.constant 0 : i32
    %dma_wait3A_217 = tpu.memref_slice %arg3[%dma_wait3A_216, %add3A_135] : memref<64x16384xf32, #tpu.memory_space<hbm>> -> memref<64x128xf32, #tpu.memory_space<hbm>>
    %dma_wait3A_218 = arith.constant 0 : i32
    %dma_wait3A_219 = arith.constant 0 : i32
    %dma_wait3A_220 = tpu.memref_slice %arg5[%dma_wait3A_209, %dma_wait3A_218, %dma_wait3A_219] : memref<4x64x128xf32, #tpu.memory_space<vmem>> -> memref<1x64x128xf32, #tpu.memory_space<vmem>>
    %dma_wait3A_221 = tpu.memref_squeeze %dma_wait3A_220 : memref<1x64x128xf32, #tpu.memory_space<vmem>> -> memref<64x128xf32, #tpu.memory_space<vmem>>
    tpu.wait_dma2 semaphore(%arg6 : memref<!tpu.dma_semaphore, #tpu.memory_space<semaphore_mem>>) src(%dma_wait3A_221 : memref<64x128xf32, #tpu.memory_space<vmem>>) dst(%dma_wait3A_217 : memref<64x128xf32, #tpu.memory_space<hbm>>)
    %dma_wait3A_222 = arith.constant 3 : i32
    %dma_wait3A_223 = arith.constant 0 : i32
    %dma_wait3A_224 = arith.constant 0 : i32
    %dma_wait3A_225 = tpu.memref_slice %arg5[%dma_wait3A_222, %dma_wait3A_223, %dma_wait3A_224] : memref<4x64x128xf32, #tpu.memory_space<vmem>> -> memref<1x64x128xf32, #tpu.memory_space<vmem>>
    %dma_wait3A_226 = tpu.memref_squeeze %dma_wait3A_225 : memref<1x64x128xf32, #tpu.memory_space<vmem>> -> memref<64x128xf32, #tpu.memory_space<vmem>>
    %dma_wait3A_227 = arith.constant 0 : i32
    %dma_wait3A_228 = tpu.memref_slice %arg3[%dma_wait3A_227, %add3A_169] : memref<64x16384xf32, #tpu.memory_space<hbm>> -> memref<64x128xf32, #tpu.memory_space<hbm>>
    %dma_wait3A_229 = arith.constant 0 : i32
    %dma_wait3A_230 = tpu.memref_slice %arg3[%dma_wait3A_229, %add3A_169] : memref<64x16384xf32, #tpu.memory_space<hbm>> -> memref<64x128xf32, #tpu.memory_space<hbm>>
    %dma_wait3A_231 = arith.constant 0 : i32
    %dma_wait3A_232 = arith.constant 0 : i32
    %dma_wait3A_233 = tpu.memref_slice %arg5[%dma_wait3A_222, %dma_wait3A_231, %dma_wait3A_232] : memref<4x64x128xf32, #tpu.memory_space<vmem>> -> memref<1x64x128xf32, #tpu.memory_space<vmem>>
    %dma_wait3A_234 = tpu.memref_squeeze %dma_wait3A_233 : memref<1x64x128xf32, #tpu.memory_space<vmem>> -> memref<64x128xf32, #tpu.memory_space<vmem>>
    tpu.wait_dma2 semaphore(%arg6 : memref<!tpu.dma_semaphore, #tpu.memory_space<semaphore_mem>>) src(%dma_wait3A_234 : memref<64x128xf32, #tpu.memory_space<vmem>>) dst(%dma_wait3A_230 : memref<64x128xf32, #tpu.memory_space<hbm>>)
    return
  }
}

</mosaic_0001>

<sc_bundles>
// kernel: kernel.4.cloned.1.call-start
scs
__scs_entry_jumppad:
0x0: {  	(pc) =	sbr.rel $0x88, $3  }
0x1: {  	(tag) =	ssettag $0x0;
	lr =	simm.s32 $0x1  }
0x2: {  	[smem:$0x3F9F] =	sst lr;
	_ =	strace $0xD0000000  }
0x3: {  	_ = 	snop  }
0x4: {  	_ = 	snop  }
0x5: {  	_ = 	snop  }
0x6: {  	_ = 	snop  }
0x7: {  	_ = 	snop  }
__scs_overlays_trampoline_lowered:
0x8: {  	[smem:$0x3FAE] =	sst s0  }
0x9: {  	[smem:$0x3FAF] =	sst s1  }
0xa: {  	[smem:$0x3FB0] =	sst s2  }
0xb: {  	[smem:$0x3FB1] =	sst s3  }
0xc: {  	[smem:$0x3FB2] =	sst s4  }
0xd: {  	[smem:$0x3FB3] =	sst s5  }
0xe: {  	[smem:$0x3FB4] =	sst s6  }
0xf: {  	[smem:$0x3FB5] =	sst s7  }
0x10: {  	[smem:$0x3FB6] =	sst s8  }
0x11: {  	[smem:$0x3FB7] =	sst s9;
	s0 =	simm.s32 @!p0 $0x0  }
0x12: {  	s1 =	sld [smem:$0x3F9D];
	s0 =	simm.s32 @p0 $0x1  }
0x13: {  	[smem:$0x3FB8] =	sst s0;
	s0 =	simm.s32 @!p1 $0x0  }
0x14: {  	s2 =	sld [smem:$0x3F9C];
	s0 =	simm.s32 @p1 $0x1  }
0x15: {  	[smem:$0x3FB9] =	sst s0;
	s0 =	simm.s32 @!p2 $0x0  }
0x16: {  	s3 =	sld [smem:$0x3FDB];
	s0 =	simm.s32 @p2 $0x1  }
0x17: {  	s4 =	simm.s32 $0x1BF5;
	[smem:$0x3FBB] =	sst s0  }
0x18: {  	s0 =	sld [smem:$0x3F9E];
	_ =	swait.ge [sflag:s4], $0x0  }
0x19: {  	s7 =	sld [smem:$0x3F9F]  }
0x1a: {  	s8 =	sadd.s32 $0xFFFFE003, lr  }
0x1b: {  	s9 =	sadd.s32 $0xFFFFFEF7, lr;
	s5 =	simm.s32 $0xFFFFFFFF;
	p2 =	slt.u32 s8, $0xFFFFF086  }
0x1c: {  	p1 =	slt.u32 s9, $0xF7A;
	s5 =	simm.s32 @!p2 $0x0  }
0x1d: {  	s5 =	simm.s32 @p1 $0x1;
	p0 =	seq.s32 s7, s2  }
0x1e: {  	s7 =	smul.u32 @!p0 $0xF7A, s2;
	p2 =	seq.s32 @!p0 s5, $0x0  }
0x1f: {  	s9 =	smul.u32 $0xF7A, s1;
	s8 =	simm.s32 @!p0 $0x1BF5;
	p2 =	por !p2, p0  }
0x20: {  	[sflag:s8] =	ssyncset.s32 @!p0 $0xFFFFF086;
	s6 =	sadd.s32 @!p0 s3, s7;
	s7 =	simm.s32 @!p0 $0x108  }
0x21: {  	s3 =	sadd.s32 s3, s9;
	s6 =	sadd.s32 @!p0 $0x88, s6;
	s7 =	simm.s32 @p2 $0x1082  }
0x22: {  	[simem:s7], [sflag:s8] =	dma.local @!p0 [hbm:s6], $0xF7A  }
0x23: {  	s9 =	sor.u32 $0xD0000000, s2;
	s6 =	simm.s32 $0x108;
	_ =	swait.ge @!p0 [sflag:s8], $0x0  }
0x24: {  	s3 =	sadd.s32 $0x88, s3;
	s6 =	simm.s32 @!p1 $0x1082;
	[sflag:s4] =	ssyncset.s32 $0xFFFFF086  }
0x25: {  	[simem:s6], [sflag:s4] =	dma.local [hbm:s3], $0xF7A  }
0x26: {  	[smem:$0x3F9F] =	sst s1;
	(tag) =	ssettag s2;
	_ =	strace s9  }
0x27: {  	s1 =	sld [smem:$0x3FAF]  }
0x28: {  	s2 =	sld [smem:$0x3FB0]  }
0x29: {  	s4 =	sld [smem:$0x3FB2]  }
0x2a: {  	p0 =	seq.s32 s5, $0x0;
	s5 =	sld [smem:$0x3FB3]  }
0x2b: {  	s6 =	sld [smem:$0x3FB4]  }
0x2c: {  	s7 =	sld [smem:$0x3FB5]  }
0x2d: {  	s3 =	simm.s32 $0x108;
	s8 =	sld [smem:$0x3FB6]  }
0x2e: {  	s3 =	simm.s32 @!p0 $0x1082;
	s9 =	sld [smem:$0x3FB7]  }
0x2f: {  	lr =	sadd.s32 s0, s3;
	s0 =	sld [smem:$0x3FAE]  }
0x30: {  	s3 =	sld [smem:$0x3FB1]  }
0x31: {  	[smem:$0x3FBA] =	sst s10  }
0x32: {  	s10 =	sld [smem:$0x3FB8];
	_ =	sdelay $0x3  }
0x33: {  	p0 =	seq.s32 s10, $0x1;
	s10 =	sld [smem:$0x3FBA];
	_ =	sdelay $0x3  }
0x34: {  	[smem:$0x3FBA] =	sst s10  }
0x35: {  	s10 =	sld [smem:$0x3FB9];
	_ =	sdelay $0x3  }
0x36: {  	p1 =	seq.s32 s10, $0x1;
	s10 =	sld [smem:$0x3FBA];
	_ =	sdelay $0x3  }
0x37: {  	[smem:$0x3FBA] =	sst s10  }
0x38: {  	s10 =	sld [smem:$0x3FBB]  }
0x39: {  	_ = 	snop;
	(pc) =	sbr.ind lr, $3  }
0x3a: {  	_ = 	snop  }
0x3b: {  	_ = 	snop  }
0x3c: {  	p2 =	seq.s32 s10, $0x1;
	s10 =	sld [smem:$0x3FBA]  }
0x3d: {  	_ =	shalt  }
0x3e: {  	_ =	shalt  }
0x3f: {  	_ =	shalt  }
0x40: {  	_ =	shalt  }
0x41: {  	_ =	shalt  }
0x42: {  	_ =	shalt  }
0x43: {  	_ =	shalt  }
0x44: {  	_ =	shalt  }
0x45: {  	_ =	shalt  }
0x46: {  	_ =	shalt  }
0x47: {  	_ =	shalt  }
0x48: {  	_ =	shalt  }
0x49: {  	_ =	shalt  }
0x4a: {  	_ =	shalt  }
0x4b: {  	_ =	shalt  }
0x4c: {  	_ =	shalt  }
0x4d: {  	_ =	shalt  }
0x4e: {  	_ =	shalt  }
0x4f: {  	_ =	shalt  }
0x50: {  	_ =	shalt  }
0x51: {  	_ =	shalt  }
0x52: {  	_ =	shalt  }
0x53: {  	_ =	shalt  }
0x54: {  	_ =	shalt  }
0x55: {  	_ =	shalt  }
0x56: {  	_ =	shalt  }
0x57: {  	_ =	shalt  }
0x58: {  	_ =	shalt  }
0x59: {  	_ =	shalt  }
0x5a: {  	_ =	shalt  }
0x5b: {  	_ =	shalt  }
0x5c: {  	_ =	shalt  }
0x5d: {  	_ =	shalt  }
0x5e: {  	_ =	shalt  }
0x5f: {  	_ =	shalt  }
0x60: {  	_ =	shalt  }
0x61: {  	_ =	shalt  }
0x62: {  	_ =	shalt  }
0x63: {  	_ =	shalt  }
0x64: {  	_ =	shalt  }
0x65: {  	_ =	shalt  }
0x66: {  	_ =	shalt  }
0x67: {  	_ =	shalt  }
0x68: {  	_ =	shalt  }
0x69: {  	_ =	shalt  }
0x6a: {  	_ =	shalt  }
0x6b: {  	_ =	shalt  }
0x6c: {  	_ =	shalt  }
0x6d: {  	_ =	shalt  }
0x6e: {  	_ =	shalt  }
0x6f: {  	_ =	shalt  }
0x70: {  	_ =	shalt  }
0x71: {  	_ =	shalt  }
0x72: {  	_ =	shalt  }
0x73: {  	_ =	shalt  }
0x74: {  	_ =	shalt  }
0x75: {  	_ =	shalt  }
0x76: {  	_ =	shalt  }
0x77: {  	_ =	shalt  }
0x78: {  	_ =	shalt  }
0x79: {  	_ =	shalt  }
0x7a: {  	_ =	shalt  }
0x7b: {  	_ =	shalt  }
0x7c: {  	_ =	shalt  }
0x7d: {  	_ =	shalt  }
0x7e: {  	_ =	shalt  }
0x7f: {  	_ =	shalt  }
0x80: {  	_ =	shalt  }
0x81: {  	_ =	shalt  }
0x82: {  	_ =	shalt  }
0x83: {  	_ =	shalt  }
0x84: {  	_ =	shalt  }
0x85: {  	_ =	shalt  }
0x86: {  	_ =	shalt  }
0x87: {  	_ =	shalt  }
.Lfunc_end0:
.L_simem_size_0:
called_computation_lowered:
.L_overlay_start_0:
0x88: {  	s2 =	sld [smem:$0x3FD9]  }
0x89: {  	s3 =	sld [smem:$0x3FFE];
	_ =	sdelay $0x1  }
0x8a: {  	s1 =	srdreg.scid  }
0x8b: {  	s0 =	sand.u32 $0x1, s1  }
0x8c: {  	s17 =	sshll.u32 s0, $0xA;
	s2 =	sadd.s32 s3, s2  }
0x8d: {  	s2 =	sadd.s32 s2, s17  }
0x8e: {  	[smem:$0x3FC6] =	sst s2  }
0x8f: {  	_ = 	snop  }
0x90: {  	s2 =	sld [smem:$0x3FC9]  }
0x91: {  	s18 =	sld [smem:$0x3FC8];
	(tm) =	ssettm $0x1  }
0x92: {  	s4 =	sld [smem:$0x3FFB];
	_ =	sdelay $0x3  }
0x93: {  	_ =	strace s4  }
0x94: {  	s4 =	sld [smem:$0x3FFC];
	_ =	sdelay $0x3  }
0x95: {  	_ =	strace s4  }
0x96: {  	s4 =	sld [smem:$0x3FFD];
	_ =	sdelay $0x3  }
0x97: {  	_ =	strace s4  }
0x98: {  	_ =	strace $0x8FFFFFFF  }
0x99: {  	s19 =	sld [smem:$0x3FDB];
	_ =	sdelay $0x1  }
0x9a: {  	s5 =	simm.s32 $_scs_section_size  }
0x9b: {  	s6 =	simm.s32 $_size__tile_overlayer_lowered;
	s7 =	simm.s32 $_tile_overlayer_lowered  }
0x9c: {  	s22 =	simm.s32 $0x1BFF;
	s21 =	sshll.u32 s7, $0x1;
	s4 =	sadd.s32 s5, s19  }
0x9d: {  	s8 =	simm.s32 $0x0;
	s20 =	sshll.u32 s6, $0x1;
	s6 =	sadd.s32 s21, s4  }
0x9e: {  	[timem:s8], [sflag:s22] =	dma.local [hbm:s6], s20  }
0x9f: {  	_ =	swait.ge [sflag:s22], s20  }
0xa0: {  	s5 =	ssub.s32 $0x0, s20;
	[sflag:s22] =	ssyncset.done $0x0  }
0xa1: {  	[sflag:s22] =	ssyncadd.s32 s5;
	_ =	sdelay $0x1  }
0xa2: {  	s23 =	simm.s32 $0x1B8B  }
0xa3: {  	_ =	swait.ge [sflag:s23], $0x1  }
0xa4: {  	[sflag:s23] =	ssyncset.done $0x0  }
0xa5: {  	s25 =	simm.s32 $0x1B8E;
	s24 =	sld [smem:$0x3FFE];
	[sflag:s23] =	ssyncadd.s32 $0xFFFFFFFF  }
0xa6: {  	s26 =	simm.s32 $execute0_lowered;
	[smem:$0x3FD2] =	sst s25  }
0xa7: {  	s6 =	sshll.u32 s26, $0x1;
	_ =	strace $0x80000046;
	[dreg:$0x1] =	wrdreg $0xFFFFFFFF  }
0xa8: {  	s28 =	simm.s32 $_size_execute0_lowered;
	s4 =	sadd.s32 s4, s6;
	[dreg:$0x0] =	wrdreg $0x0  }
0xa9: {  	s6 =	sshll.u32 s28, $0x1;
	[dreg:$0x2] =	wrdreg s4  }
0xaa: {  	[dreg:$0x3] =	wrdreg s6  }
0xab: {  	[dreg:$0x4] =	wrdreg $0xC0  }
0xac: {  	_ =	task [dreg:s8], $0x5FFFF  }
0xad: {  	[dreg:$0x1] =	wrdreg $0xFFFFFFFF  }
0xae: {  	[dreg:$0x0] =	wrdreg $0x60  }
0xaf: {  	[dreg:$0x2] =	wrdreg s2  }
0xb0: {  	[dreg:$0x3] =	wrdreg s18  }
0xb1: {  	[dreg:$0x4] =	wrdreg s24  }
0xb2: {  	[dreg:$0x5] =	wrdreg $0x9  }
0xb3: {  	_ =	task.clear_ibuf [dreg:s8], $0x6FFFF;
	_ =	strace $0x90000046  }
0xb4: {  	s29 =	simm.s32 $0x9;
	_ =	strace $0x80000048  }
0xb5: {  	_ =	swait.ge [sflag:s29], $0x1  }
0xb6: {  	[sflag:s29] =	ssyncadd.s32 $0xFFFFFFFF  }
0xb7: {  	_ =	strace $0x90000048  }
0xb8: {  	_ =	sfence  }
0xb9: {  	s30 =	sld [smem:$0x0];
	_ =	sdelay $0x2  }
0xba: {  	s31 =	sshll.u32 s1, $0xD;
	s1 =	sshrl.u32 s1, $0x2  }
0xbb: {  	s3 =	sand.u32 $0x4000, s31;
	s1 =	sadd.s32 s1, s30  }
0xbc: {  	s0 =	sor.u32 s3, s0;
	s1 =	sshll.u32 s1, $0x11  }
0xbd: {  	s0 =	sor.u32 s1, s0  }
0xbe: {  	s0 =	sadd.s32 $0x8F2B, s0  }
0xbf: {  	[sflag:s0] =	ssyncadd.remote.s32 $0x1  }
0xc0: {  	_ =	sfence.sel $0xFFFF  }
0xc1: {  	[dreg:$0x0] =	wrdreg $0xFFFFFFFF;
	(pc) =	sbr.abs _section_cstart, $3  }
0xc2: {  	[dreg:$0x1] =	wrdreg $0xFFFFFFFF  }
0xc3: {  	_ =	task.clear_ibuf [dreg:s8], $0x2FFFF;
	_ =	strace $0x9FFFFFFF  }
0xc4: {  	(tm) =	ssettm $0x7FFFFFFF  }
0xc5: {  	_ =	shalt  }
tec
execute0_lowered:
.L_overlay_start_1:
0x0: {  	(tag) =	ssettag $0x1  }
0x1: {  	s0 =	srdreg.scid  }
0x2: {  	s2 =	stileid.u32;
	s1 =	rddreg [dreg:$0x2];
	s4 =	simm.s32 $0x0  }
0x3: {  	s9 =	simm.s32 $0x4080;
	s10 =	simm.s32 $0x8100;
	s12 =	simm.s32 $0x1E380  }
0x4: {  	s13 =	simm.s32 $0x1E500;
	s14 =	simm.s32 $0x1E680;
	s15 =	simm.s32 $0xC180  }
0x5: {  	s16 =	simm.s32 $0x10200;
	s17 =	simm.s32 $0x1E800;
	s18 =	simm.s32 $0x1F800  }
0x6: {  	s20 =	simm.s32 $0x1F880;
	s0 =	sand.u32 $0x1, s0;
	s2 =	sshll.u32 s2, $0x1  }
0x7: {  	s21 =	simm.s32 $0x1F000;
	s22 =	simm.s32 $0x12200;
	s2 =	sor.u32 s0, s2  }
0x8: {  	s23 =	simm.s32 $0x14200;
	s24 =	simm.s32 $0x16200;
	s5 =	smul.u32 $0xF5, s2  }
.Ltmp0:
0x9: {  	v0 =	vlaneseq.u32;
	v4 =	vimm.s32 $0x4000;
	v5 =	vimm.s32 $0x0;
	s25 =	simm.s32 $0x18200;
	s0 =	ssub.s32 $0x2, s0;
	(pc) =	sbr.rel .LBB2_1-.Ltmp0, $4  }
0xa: {  	v6 =	vimm.s32 $0x1;
	s26 =	simm.s32 $0x1A200;
	s28 =	simm.s32 $0x1C200;
	v2 =	vmul.u32 $0x80, v0;
	v8 =	vor.u32 $0x10, v0;
	s30 =	sshrl.u32 s0, $0x1  }
0xb: {  	[smem:$0x7FF] =	sst s4;
	v10 =	vor.u32 $0x20, v0;
	v12 =	vor.u32 $0x30, v0;
	v13 =	vadd.s32 $0x1, v0;
	s0 =	ssub.s32 s0, s30;
	s31 =	smin.u32 s5, $0x1D90  }
0xc: {  	s6 =	sadd.s32 $0x800, s1;
	v14 =	vor.u32 $0x80, v0;
	v7 =	vor.u32 $0x800, v2;
	v9 =	vor.u32 $0x1000, v2;
	s0 =	smax.u32 s0, $0x1;
	s1 =	sadd.s32 $0xF5, s31  }
0xd: {  	s3 =	simm.s32 $0x0;
	_ =	strace $0x80000047;
	v11 =	vor.u32 $0x1800, v2;
	v1 =	vmov s5;
	[dreg:$0x4] =	wrdreg s0;
	v3 =	vmov s1  }
.LBB2_88:
0xe: {  	s3 =	sadd.s32 $0x1, s3;
	s0 =	rddreg [dreg:$0x4]  }
0xf: {  	p0 =	sne.s32 s3, s0  }
.Ltmp1:
0x10: {  	_ = 	snop;
	(pc) =	sbr.rel @!p0 .LBB2_89-.Ltmp1, $1  }
0x11: {  	_ =	sdelay $0x3  }
.LBB2_1:
0x12: {  	[dreg:$0x5] =	wrdreg s3  }
0x13: {  	s0 =	rddreg [dreg:$0x0];
	s31 =	simm.s32 $0x4  }
0x14: {  	[tilespmem:s4], [sflag:$0x4] =	stream.linear.gather [hbm4b:s0+s4], $0x4000, $0x38;
	[tilespmem:$0x1F900] =	vst v63  }
0x15: {  	_ =	swait.ge [sflag:s31], $0x4000  }
0x16: {  	[sflag:s31] =	ssyncset.done $0x0  }
0x17: {  	[sflag:s31] =	ssyncadd.s32 $0xFFFFC000  }
0x18: {  	[tilespmem:$0x1F800] =	vst v4  }
0x19: {  	[tilespmem:$0x1F880] =	vst v4  }
0x1a: {  	[tilespmem:$0x1E200] =	vst v5  }
0x1b: {  	[tilespmem:$0x1E380] =	vst v5  }
0x1c: {  	[tilespmem:$0x1E210] =	vst v5  }
0x1d: {  	[tilespmem:$0x1E390] =	vst v5  }
0x1e: {  	[tilespmem:$0x1E220] =	vst v5  }
0x1f: {  	[tilespmem:$0x1E3A0] =	vst v5  }
0x20: {  	[tilespmem:$0x1E230] =	vst v5  }
0x21: {  	[tilespmem:$0x1E3B0] =	vst v5  }
0x22: {  	[tilespmem:$0x1E240] =	vst v5  }
0x23: {  	[tilespmem:$0x1E3C0] =	vst v5  }
0x24: {  	[tilespmem:$0x1E250] =	vst v5  }
0x25: {  	[tilespmem:$0x1E3D0] =	vst v5  }
0x26: {  	[tilespmem:$0x1E260] =	vst v5  }
0x27: {  	[tilespmem:$0x1E3E0] =	vst v5  }
0x28: {  	[tilespmem:$0x1E270] =	vst v5  }
0x29: {  	[tilespmem:$0x1E3F0] =	vst v5  }
0x2a: {  	[tilespmem:$0x1E280] =	vst v5  }
0x2b: {  	[tilespmem:$0x1E400] =	vst v5  }
0x2c: {  	[tilespmem:$0x1E290] =	vst v5  }
0x2d: {  	[tilespmem:$0x1E410] =	vst v5  }
0x2e: {  	[tilespmem:$0x1E2A0] =	vst v5  }
0x2f: {  	[tilespmem:$0x1E420] =	vst v5  }
0x30: {  	[tilespmem:$0x1E2B0] =	vst v5  }
0x31: {  	[tilespmem:$0x1E430] =	vst v5  }
0x32: {  	[tilespmem:$0x1E2C0] =	vst v5  }
0x33: {  	[tilespmem:$0x1E440] =	vst v5  }
0x34: {  	[tilespmem:$0x1E2D0] =	vst v5  }
0x35: {  	[tilespmem:$0x1E450] =	vst v5  }
0x36: {  	[tilespmem:$0x1E2E0] =	vst v5  }
0x37: {  	[tilespmem:$0x1E460] =	vst v5  }
0x38: {  	[tilespmem:$0x1E2F0] =	vst v5  }
0x39: {  	[tilespmem:$0x1E470] =	vst v5  }
0x3a: {  	[tilespmem:$0x1E300] =	vst v5  }
0x3b: {  	[tilespmem:$0x1E480] =	vst v5  }
0x3c: {  	v15 =	vld [tilespmem:s4+$0x0];
	_ =	sdelay $0x4  }
0x3d: {  	v16 =	vshra.s32 v15, $0x7  }
0x3e: {  	vm0 =	vge.s32 v16, v1;
	vm1 =	vlt.s32 v16, v3  }
0x3f: {  	vm0 =	vmand vm0, vm1  }
0x40: {  	v16 =	vsel vm0, $0x1, v5  }
0x41: {  	(xrf0) =	vadd.scan.msk.s32 $0xffff, v16;
	_ =	sdelay $0x2  }
0x42: {  	v16 =	vmov s4  }
0x43: {  	v16 =	vadd.s32 $0xFFFFFFFF, v16  }
0x44: {  	v16 =	vbroadcast v16, $0x0  }
0x45: {  	v17, _, _ =	vpop (xrf0)  }
0x46: {  	v16 =	vadd.s32 v17, v16;
	(v2sf) =	vpush v17, $0xF;
	_ =	sdelay $0x4  }
0x47: {  	[tilespmem:v16+s9+$0x0] =	vst.idx.msk vm0, v15;
	v15 =	vor.u32 s4, v0  }
0x48: {  	s30 =	simm.s32 $0x10;
	s1 =	simm.s32 $0x20;
	[smem:$0x0] =	sst s4;
	[tilespmem:v16+s10+$0x0] =	vst.idx.msk vm0, v15  }
0x49: {  	s2 =	simm.s32 $0x10;
	s0 =	simm.s32 $0x0;
	[smem:$0x1] =	sst s4;
	v15 =	vld [tilespmem:s30+$0x0]  }
.LBB2_2:
0x4a: {  	p0 =	sne.s32 s1, $0x3FF0;
	_ =	sdelay $0x3  }
0x4b: {  	v16 =	vshra.s32 v15, $0x7  }
0x4c: {  	vm0 =	vge.s32 v16, v1;
	vm1 =	vlt.s32 v16, v3  }
0x4d: {  	vm0 =	vmand vm0, vm1  }
0x4e: {  	v16 =	vsel vm0, $0x1, v5;
	s3 =	spop (v2sf)  }
0x4f: {  	(xrf0) =	vadd.scan.msk.s32 $0xffff, v16;
	s0 =	sadd.s32 s0, s3  }
0x50: {  	v16 =	vmov s0  }
0x51: {  	v16 =	vadd.s32 $0xFFFFFFFF, v16  }
0x52: {  	v16 =	vbroadcast v16, $0x0;
	_ =	sdelay $0x2  }
0x53: {  	v17, _, _ =	vpop (xrf0)  }
0x54: {  	v16 =	vadd.s32 v17, v16;
	(v2sf) =	vpush v17, $0xF;
	_ =	sdelay $0x2  }
.Ltmp2:
0x55: {  	(pc) =	sbr.rel @p0 .LBB2_2-.Ltmp2, $4  }
0x56: {  	_ = 	snop  }
0x57: {  	[tilespmem:v16+s9+$0x0] =	vst.idx.msk vm0, v15;
	v15 =	vor.u32 s30, v0;
	s30 =	smov.u32 s1  }
0x58: {  	s2 =	sadd.s32 $0x10, s2;
	[tilespmem:v16+s10+$0x0] =	vst.idx.msk vm0, v15  }
0x59: {  	s1 =	sadd.s32 $0x10, s1;
	v15 =	vld [tilespmem:s2+$0x0]  }
0x5a: {  	_ =	sdelay $0x3  }
0x5b: {  	v16 =	vshra.s32 v15, $0x7  }
0x5c: {  	vm0 =	vge.s32 v16, v1;
	vm1 =	vlt.s32 v16, v3  }
0x5d: {  	vm0 =	vmand vm0, vm1  }
0x5e: {  	v16 =	vsel vm0, $0x1, v5  }
0x5f: {  	(xrf0) =	vadd.scan.msk.s32 $0xffff, v16;
	_ =	sdelay $0x5  }
0x60: {  	v16, _, _ =	vpop (xrf0)  }
0x61: {  	(v2sf) =	vpush v16, $0xF;
	_ =	sdelay $0xd  }
0x62: {  	s1 =	spop (v2sf)  }
0x63: {  	s1 =	sadd.s32 s0, s1;
	s11 =	spop (v2sf)  }
0x64: {  	s29 =	sadd.s32 s1, s11  }
0x65: {  	s19 =	sadd.s32 $0xF, s29  }
0x66: {  	s2 =	sand.u32 $0xF, s19  }
0x67: {  	v17 =	vmov s1;
	s31 =	sshra.s32 s19, $0x1F;
	p1 =	slt.s32 s19, $0x1;
	p0 =	sne.s32 s2, $0x0  }
0x68: {  	v17 =	vadd.s32 $0xFFFFFFFF, v17;
	s2 =	sshrl.u32 s31, $0x1C;
	p0 =	por !p1, !p0  }
0x69: {  	v17 =	vbroadcast v17, $0x0;
	s0 =	sadd.s32 s2, s19;
	s2 =	simm.s32 $0x1;
	p0 =	por !p0, !p0  }
0x6a: {  	s0 =	sshra.s32 s0, $0x4;
	s2 =	simm.s32 @!p0 $0x0  }
0x6b: {  	v16 =	vadd.s32 v16, v17;
	s2 =	ssub.s32 s0, s2  }
0x6c: {  	p0 =	slt.s32 s2, $0x1  }
.Ltmp3:
0x6d: {  	_ = 	snop;
	(pc) =	sbr.rel @p0 .LBB2_10-.Ltmp3, $3  }
0x6e: {  	_ =	sdelay $0x1  }
0x6f: {  	[tilespmem:v16+s9+$0x0] =	vst.idx.msk vm0, v15;
	v15 =	vor.u32 s30, v0  }
0x70: {  	[tilespmem:v16+s10+$0x0] =	vst.idx.msk vm0, v15;
	v15 =	vmov s29  }
0x71: {  	p1 =	sne.s32 s2, $0x1  }
.Ltmp4:
0x72: {  	_ = 	snop;
	(pc) =	sbr.rel @!p1 .LBB2_5-.Ltmp4, $3  }
0x73: {  	_ =	sdelay $0x1  }
0x74: {  	s3 =	simm.s32 $0x4080  }
0x75: {  	s0 =	simm.s32 $0x0;
	s2 =	sadd.s32 $0xFFFFFFFF, s2;
	p0 =	por $0x0, $0x0;
	v16 =	vld [tilespmem:s3+$0x0]  }
0x76: {  	_ =	sdelay $0x3  }
0x77: {  	v17 =	vor.u32 s0, v0;
	v16 =	vshra.s32 v16, $0x7  }
0x78: {  	vm0 =	vlt.s32 v17, v15;
	v16 =	vsub.s32 v16, v1  }
0x79: {  	v16 =	vnsel vm0, $0x10F, v16  }
0x7a: {  	p1 =	sne.s32 s2, $0x1  }
.Ltmp5:
0x7b: {  	_ = 	snop;
	(pc) =	sbr.rel @!p1 .LBB2_7-.Ltmp5, $3  }
0x7c: {  	_ =	sdelay $0x1  }
0x7d: {  	s3 =	simm.s32 $0x4090;
	[tilespmem:v16+s12+$0x0] =	vst.idx.add.s32.msk vm0, v6  }
0x7e: {  	s7 =	sadd.s32 $0xFFFFFFFF, s2;
	p0 =	por $0x1, $0x1;
	s2 =	simm.s32 $0x0;
	v16 =	vld [tilespmem:s3+$0x0]  }
.LBB2_8:
0x7f: {  	p1 =	sne.s32 s7, $0x1;
	_ =	sdelay $0x2  }
0x80: {  	s2 =	sadd.s32 $0x10, s2  }
0x81: {  	v17 =	vor.u32 s2, v0;
	v16 =	vshra.s32 v16, $0x7  }
0x82: {  	vm0 =	vlt.s32 v17, v15;
	v16 =	vsub.s32 v16, v1  }
0x83: {  	v16 =	vnsel vm0, $0x10F, v16;
	_ =	sdelay $0x1  }
.Ltmp6:
0x84: {  	(pc) =	sbr.rel @p1 .LBB2_8-.Ltmp6, $3  }
0x85: {  	_ =	sdelay $0x1  }
0x86: {  	s3 =	sadd.s32 $0x10, s3;
	[tilespmem:v16+s12+$0x0] =	vst.idx.add.s32.msk vm0, v6  }
0x87: {  	s7 =	sadd.s32 $0xFFFFFFFF, s7;
	v16 =	vld [tilespmem:s3+$0x0]  }
.LBB2_9:
0x88: {  	_ =	sdelay $0x1  }
0x89: {  	s2 =	sadd.s32 @p0 $0x10, s2  }
0x8a: {  	s0 =	smov.u32 @p0 s2  }
0x8b: {  	v17 =	vor.u32 s0, v0;
	v16 =	vshra.s32 v16, $0x7  }
0x8c: {  	vm0 =	vlt.s32 v17, v15;
	v16 =	vsub.s32 v16, v1  }
0x8d: {  	v16 =	vnsel vm0, $0x10F, v16;
	_ =	sdelay $0x4  }
0x8e: {  	[tilespmem:v16+s12+$0x0] =	vst.idx.add.s32.msk vm0, v6  }
.LBB2_10:
0x8f: {  	s0 =	simm.s32 $0x1E380  }
0x90: {  	v16 =	vld [tilespmem:s0+$0x0];
	_ =	sdelay $0x4  }
0x91: {  	vm0 =	vgt.s32 v16, $0x0  }
0x92: {  	(xrf0) =	vadd.scan.msk.s32 $0xffff, v16;
	v17 =	vsel vm0, $0x1, v5  }
0x93: {  	(xrf0) =	vadd.scan.msk.s32 $0xffff, v17;
	_ =	sdelay $0x1  }
0x94: {  	s30 =	simm.s32 $0x0  }
0x95: {  	v17 =	vmov s30  }
0x96: {  	v17 =	vadd.s32 $0xFFFFFFFF, v17  }
0x97: {  	v17 =	vbroadcast v17, $0x0;
	v18, _, _ =	vpop (xrf0)  }
0x98: {  	(v2sf) =	vpush v18, $0xF;
	v19, _, _ =	vpop (xrf0)  }
0x99: {  	(v2sf) =	vpush v19, $0xF;
	v17 =	vadd.s32 v19, v17;
	_ =	sdelay $0x1  }
0x9a: {  	v16 =	vsub.s32 v18, v16  }
0x9b: {  	s7 =	simm.s32 $0x1E200;
	v16 =	vadd.s32 s30, v16  }
0x9c: {  	v18 =	vor.u32 s30, v0;
	[tilespmem:s7+$0x0] =	vst v16  }
0x9d: {  	[tilespmem:v17+s13+$0x0] =	vst.idx.msk vm0, v18  }
0x9e: {  	s31 =	simm.s32 $0x1E390;
	[tilespmem:v17+s14+$0x0] =	vst.idx.msk vm0, v16  }
0x9f: {  	v16 =	vld [tilespmem:s31+$0x0];
	_ =	sdelay $0x4  }
0xa0: {  	vm0 =	vgt.s32 v16, $0x0;
	(xrf0) =	vadd.scan.msk.s32 $0xffff, v16  }
0xa1: {  	v17 =	vsel vm0, $0x1, v5  }
0xa2: {  	s8 =	simm.s32 $0x10;
	s19 =	spop (v2sf);
	(xrf0) =	vadd.scan.msk.s32 $0xffff, v17  }
0xa3: {  	s2 =	simm.s32 $0x20;
	s0 =	sadd.s32 $0x0, s19;
	s3 =	spop (v2sf)  }
.LBB2_11:
0xa4: {  	p0 =	sne.s32 s2, $0x100;
	s30 =	sadd.s32 s30, s3;
	s7 =	sadd.s32 $0x10, s7  }
0xa5: {  	s3 =	smov.u32 s2;
	s2 =	sadd.s32 $0x10, s2;
	v17 =	vmov s30  }
0xa6: {  	v17 =	vadd.s32 $0xFFFFFFFF, v17;
	v18, _, _ =	vpop (xrf0)  }
0xa7: {  	v16 =	vsub.s32 v18, v16;
	v17 =	vbroadcast v17, $0x0;
	(v2sf) =	vpush v18, $0xF  }
0xa8: {  	v18, _, _ =	vpop (xrf0)  }
0xa9: {  	v17 =	vadd.s32 v18, v17;
	(v2sf) =	vpush v18, $0xF;
	_ =	sdelay $0x2  }
0xaa: {  	v16 =	vadd.s32 s0, v16  }
0xab: {  	v18 =	vor.u32 s8, v0;
	s8 =	smov.u32 s3;
	[tilespmem:s7+$0x0] =	vst v16  }
0xac: {  	[tilespmem:v17+s13+$0x0] =	vst.idx.msk vm0, v18  }
0xad: {  	s31 =	sadd.s32 $0x10, s31;
	[tilespmem:v17+s14+$0x0] =	vst.idx.msk vm0, v16  }
0xae: {  	v16 =	vld [tilespmem:s31+$0x0];
	_ =	sdelay $0x3  }
.Ltmp7:
0xaf: {  	(pc) =	sbr.rel @p0 .LBB2_11-.Ltmp7, $4  }
0xb0: {  	vm0 =	vgt.s32 v16, $0x0;
	(xrf0) =	vadd.scan.msk.s32 $0xffff, v16  }
0xb1: {  	v17 =	vsel vm0, $0x1, v5;
	s3 =	spop (v2sf)  }
0xb2: {  	(xrf0) =	vadd.scan.msk.s32 $0xffff, v17;
	s0 =	sadd.s32 s0, s3  }
0xb3: {  	s3 =	spop (v2sf)  }
0xb4: {  	_ =	sdelay $0x2  }
0xb5: {  	v17, _, _ =	vpop (xrf0)  }
0xb6: {  	(v2sf) =	vpush v17, $0xF;
	v18, _, _ =	vpop (xrf0)  }
0xb7: {  	(v2sf) =	vpush v18, $0xF;
	_ =	sdelay $0x9  }
0xb8: {  	s2 =	sadd.s32 s30, s3  }
0xb9: {  	v19 =	vmov s2  }
0xba: {  	v19 =	vadd.s32 $0xFFFFFFFF, v19  }
0xbb: {  	v19 =	vbroadcast v19, $0x0  }
0xbc: {  	s19 =	spop (v2sf)  }
0xbd: {  	v18 =	vadd.s32 v18, v19;
	s3 =	spop (v2sf)  }
0xbe: {  	s31 =	sadd.s32 s2, s3  }
0xbf: {  	v16 =	vsub.s32 v17, v16;
	v62 =	vmov s31  }
0xc0: {  	s30 =	sadd.s32 $0x10, s7;
	v16 =	vadd.s32 s0, v16  }
0xc1: {  	v63 =	vor.u32 s8, v0;
	[tilespmem:s30+$0x0] =	vst v16  }
0xc2: {  	[tilespmem:v18+s13+$0x0] =	vst.idx.msk vm0, v63  }
0xc3: {  	[tilespmem:v18+s14+$0x0] =	vst.idx.msk vm0, v16  }
0xc4: {  	[tilespmem:v62+s14+$0x0] =	vst.idx.msk $0x1, v15  }
0xc5: {  	[tilespmem:$0x1E380] =	vst v5  }
0xc6: {  	[tilespmem:$0x1E390] =	vst v5  }
0xc7: {  	[tilespmem:$0x1E3A0] =	vst v5  }
0xc8: {  	[tilespmem:$0x1E3B0] =	vst v5  }
0xc9: {  	[tilespmem:$0x1E3C0] =	vst v5  }
0xca: {  	[tilespmem:$0x1E3D0] =	vst v5  }
0xcb: {  	[tilespmem:$0x1E3E0] =	vst v5  }
0xcc: {  	[tilespmem:$0x1E3F0] =	vst v5  }
0xcd: {  	[tilespmem:$0x1E400] =	vst v5  }
0xce: {  	[tilespmem:$0x1E410] =	vst v5  }
0xcf: {  	[tilespmem:$0x1E420] =	vst v5  }
0xd0: {  	p0 =	slt.s32 s29, $0x1;
	[tilespmem:$0x1E430] =	vst v5  }
.Ltmp8:
0xd1: {  	[tilespmem:$0x1E440] =	vst v5;
	(pc) =	sbr.rel @p0 .LBB2_16-.Ltmp8, $4  }
0xd2: {  	[tilespmem:$0x1E450] =	vst v5  }
0xd3: {  	[tilespmem:$0x1E460] =	vst v5  }
0xd4: {  	[tilespmem:$0x1E470] =	vst v5  }
0xd5: {  	[tilespmem:$0x1E480] =	vst v5  }
0xd6: {  	s29 =	simm.s32 $0x4080  }
0xd7: {  	v15 =	vld [tilespmem:s29+$0x0];
	_ =	sdelay $0x4  }
0xd8: {  	(v2sf) =	vpush v15, $0x0;
	_ =	sdelay $0xe  }
0xd9: {  	s0 =	spop (v2sf)  }
0xda: {  	s0 =	sshra.s32 s0, $0x7  }
0xdb: {  	s0 =	ssub.s32 s0, s5  }
0xdc: {  	v16 =	vld [tilespmem:s0+$0x1E200]  }
0xdd: {  	v17 =	vld [tilespmem:s0+$0x1E380];
	_ =	sdelay $0x3  }
0xde: {  	(v2sf) =	vpush v16, $0x0  }
0xdf: {  	(v2sf) =	vpush v17, $0x0;
	_ =	sdelay $0xd  }
0xe0: {  	s2 =	spop (v2sf)  }
0xe1: {  	s3 =	spop (v2sf)  }
0xe2: {  	s2 =	sadd.s32 s2, s3  }
0xe3: {  	v16 =	vmov s2;
	_ =	sdelay $0x2  }
0xe4: {  	v15 =	vbroadcast v15, $0x0;
	_ =	sdelay $0x1  }
0xe5: {  	s30 =	simm.s32 $0x8100;
	[tilespmem:v16+s4+$0x0] =	vst.idx.msk $0x1, v15  }
0xe6: {  	v15 =	vld.msk [tilespmem:s30+$0x0 ss:$0x0], $0xffff;
	_ =	sdelay $0x4  }
0xe7: {  	[tilespmem:v16+s15+$0x0] =	vst.idx.msk $0x1, v15  }
0xe8: {  	v15 =	vld [tilespmem:s0+$0x1E380];
	_ =	sdelay $0x4  }
0xe9: {  	(v2sf) =	vpush v15, $0x0;
	_ =	sdelay $0x9  }
0xea: {  	s1 =	sadd.s32 s1, s11  }
0xeb: {  	p0 =	sne.s32 s1, $0x1  }
.Ltmp9:
0xec: {  	_ = 	snop;
	(pc) =	sbr.rel @!p0 .LBB2_15-.Ltmp9, $3  }
0xed: {  	v15 =	vmov s0;
	_ =	sdelay $0x1  }
0xee: {  	s19 =	spop (v2sf)  }
0xef: {  	s1 =	sadd.s32 $0xFFFFFFFF, s1;
	s0 =	sadd.s32 $0x1, s19  }
.LBB2_14:
0xf0: {  	p0 =	sne.s32 s1, $0x1;
	v16 =	vmov s0;
	s30 =	sadd.s32 $0x1, s30;
	s29 =	sadd.s32 $0x1, s29  }
0xf1: {  	s1 =	sadd.s32 $0xFFFFFFFF, s1;
	[tilespmem:v15+s12+$0x0] =	vst.idx.msk $0x1, v16  }
0xf2: {  	v15 =	vld [tilespmem:s29+$0x0];
	_ =	sdelay $0x4  }
0xf3: {  	(v2sf) =	vpush v15, $0x0;
	_ =	sdelay $0xe  }
0xf4: {  	s0 =	spop (v2sf)  }
0xf5: {  	s0 =	sshra.s32 s0, $0x7  }
0xf6: {  	s0 =	ssub.s32 s0, s5  }
0xf7: {  	v16 =	vld [tilespmem:s0+$0x1E200]  }
0xf8: {  	v17 =	vld [tilespmem:s0+$0x1E380];
	_ =	sdelay $0x3  }
0xf9: {  	(v2sf) =	vpush v16, $0x0  }
0xfa: {  	(v2sf) =	vpush v17, $0x0;
	_ =	sdelay $0xd  }
0xfb: {  	s2 =	spop (v2sf)  }
0xfc: {  	s3 =	spop (v2sf)  }
0xfd: {  	s2 =	sadd.s32 s2, s3  }
0xfe: {  	v16 =	vmov s2;
	_ =	sdelay $0x1  }
0xff: {  	v15 =	vbroadcast v15, $0x0;
	_ =	sdelay $0x2  }
0x100: {  	[tilespmem:v16+s4+$0x0] =	vst.idx.msk $0x1, v15  }
0x101: {  	v15 =	vld.msk [tilespmem:s30+$0x0 ss:$0x0], $0xffff;
	_ =	sdelay $0x5  }
0x102: {  	[tilespmem:v16+s15+$0x0] =	vst.idx.msk $0x1, v15  }
0x103: {  	v15 =	vld [tilespmem:s0+$0x1E380];
	_ =	sdelay $0x4  }
0x104: {  	(v2sf) =	vpush v15, $0x0;
	_ =	sdelay $0xb  }
.Ltmp10:
0x105: {  	v15 =	vmov s0;
	(pc) =	sbr.rel @p0 .LBB2_14-.Ltmp10, $3  }
0x106: {  	_ =	sdelay $0x1  }
0x107: {  	s0 =	spop (v2sf)  }
0x108: {  	s0 =	sadd.s32 $0x1, s0  }
.LBB2_15:
0x109: {  	_ =	sdelay $0x2  }
0x10a: {  	v16 =	vmov s0  }
0x10b: {  	[tilespmem:v15+s12+$0x0] =	vst.idx.msk $0x1, v16  }
.LBB2_16:
0x10c: {  	p0 =	slt.s32 s31, $0x1  }
0x10d: {  	v15 =	vld @!p0 [tilespmem:$0x1E500];
	_ =	sdelay $0x4  }
0x10e: {  	(v2sf) =	vpush @!p0 v15, $0x0;
	_ =	sdelay $0xe  }
0x10f: {  	s0 =	spop @!p0 (v2sf)  }
0x110: {  	s0 =	sadd.s32 @!p0 s5, s0  }
0x111: {  	s1 =	simm.s32 @!p0 $0x400;
	s0 =	sshll.u32 @!p0 s0, $0x7  }
0x112: {  	s7 =	rddreg [dreg:$0x1];
	s2 =	simm.s32 @!p0 $0x7A1400;
	s0 =	sand.u32 @!p0 $0x1FFFFF80, s0  }
0x113: {  	s3 =	simm.s32 @!p0 $0x10200;
	p1 =	seq.s32 @!p0 s31, $0x1;
	s0 =	sadd.s32 @!p0 s7, s0  }
0x114: {  	[tilespmem:s3], [sflag:$0x1] =	stream.strided.gather @!p0 [hbm4b:s0+s1], $0x2000, s2, s1, $0x38;
	[tilespmem:$0x1F900] =	vst v63  }
0x115: {  	p0 =	por p0, p1  }
0x116: {  	v15 =	vld @!p0 [tilespmem:$0x1E501];
	_ =	sdelay $0x4  }
0x117: {  	(v2sf) =	vpush @!p0 v15, $0x0;
	_ =	sdelay $0xe  }
0x118: {  	s0 =	spop @!p0 (v2sf)  }
0x119: {  	s0 =	sadd.s32 @!p0 s5, s0  }
0x11a: {  	s1 =	simm.s32 @!p0 $0x400;
	s0 =	sshll.u32 @!p0 s0, $0x7  }
0x11b: {  	s2 =	simm.s32 @!p0 $0x7A1400;
	s0 =	sand.u32 @!p0 $0x1FFFFF80, s0  }
0x11c: {  	s3 =	simm.s32 @!p0 $0x12200;
	p1 =	slt.u32 @!p0 s31, $0x3;
	s0 =	sadd.s32 @!p0 s7, s0  }
0x11d: {  	[tilespmem:s3], [sflag:$0x1] =	stream.strided.gather @!p0 [hbm4b:s0+s1], $0x2000, s2, s1, $0x38;
	[tilespmem:$0x1F900] =	vst v63  }
0x11e: {  	p0 =	por p0, p1  }
0x11f: {  	v15 =	vld @!p0 [tilespmem:$0x1E502];
	_ =	sdelay $0x4  }
0x120: {  	(v2sf) =	vpush @!p0 v15, $0x0;
	_ =	sdelay $0xe  }
0x121: {  	s0 =	spop @!p0 (v2sf)  }
0x122: {  	s0 =	sadd.s32 @!p0 s5, s0  }
0x123: {  	s1 =	simm.s32 @!p0 $0x400;
	s0 =	sshll.u32 @!p0 s0, $0x7  }
0x124: {  	s2 =	simm.s32 @!p0 $0x7A1400;
	s0 =	sand.u32 @!p0 $0x1FFFFF80, s0  }
0x125: {  	s3 =	simm.s32 @!p0 $0x14200;
	p1 =	seq.s32 @!p0 s31, $0x3;
	s0 =	sadd.s32 @!p0 s7, s0  }
0x126: {  	[tilespmem:s3], [sflag:$0x1] =	stream.strided.gather @!p0 [hbm4b:s0+s1], $0x2000, s2, s1, $0x38;
	[tilespmem:$0x1F900] =	vst v63  }
0x127: {  	p0 =	por p0, p1  }
.Ltmp11:
0x128: {  	_ = 	snop;
	(pc) =	sbr.rel @p0 .LBB2_18-.Ltmp11, $1  }
0x129: {  	_ =	sdelay $0x3  }
0x12a: {  	v15 =	vld [tilespmem:$0x1E503];
	_ =	sdelay $0x4  }
0x12b: {  	(v2sf) =	vpush v15, $0x0;
	_ =	sdelay $0xe  }
0x12c: {  	s0 =	spop (v2sf)  }
0x12d: {  	s0 =	sadd.s32 s5, s0  }
0x12e: {  	s0 =	sshll.u32 s0, $0x7  }
0x12f: {  	s7 =	rddreg [dreg:$0x1];
	s1 =	simm.s32 $0x400;
	s0 =	sand.u32 $0x1FFFFF80, s0  }
0x130: {  	s2 =	simm.s32 $0x7A1400;
	p0 =	slt.u32 s31, $0x5;
	s0 =	sadd.s32 s7, s0  }
0x131: {  	[tilespmem:s24], [sflag:$0x1] =	stream.strided.gather [hbm4b:s0+s1], $0x2000, s2, s1, $0x38;
	[tilespmem:$0x1F900] =	vst v63  }
0x132: {  	v15 =	vld @!p0 [tilespmem:$0x1E504];
	_ =	sdelay $0x4  }
0x133: {  	(v2sf) =	vpush @!p0 v15, $0x0;
	_ =	sdelay $0xe  }
0x134: {  	s0 =	spop @!p0 (v2sf)  }
0x135: {  	s0 =	sadd.s32 @!p0 s5, s0  }
0x136: {  	p1 =	seq.s32 @!p0 s31, $0x5;
	s0 =	sshll.u32 @!p0 s0, $0x7  }
0x137: {  	s3 =	simm.s32 @!p0 $0x18200;
	p2 =	por p1, p0;
	s0 =	sand.u32 @!p0 $0x1FFFFF80, s0  }
0x138: {  	s1 =	simm.s32 @!p0 $0x400;
	s2 =	simm.s32 @!p0 $0x7A1400;
	s0 =	sadd.s32 @!p0 s7, s0  }
0x139: {  	[tilespmem:s3], [sflag:$0x1] =	stream.strided.gather @!p0 [hbm4b:s0+s1], $0x2000, s2, s1, $0x38;
	[tilespmem:$0x1F900] =	vst v63  }
0x13a: {  	v15 =	vld @!p2 [tilespmem:$0x1E505];
	_ =	sdelay $0x4  }
0x13b: {  	(v2sf) =	vpush @!p2 v15, $0x0;
	_ =	sdelay $0xe  }
0x13c: {  	s0 =	spop @!p2 (v2sf)  }
0x13d: {  	s0 =	sadd.s32 @!p2 s5, s0  }
0x13e: {  	s0 =	sshll.u32 @!p2 s0, $0x7  }
0x13f: {  	s1 =	simm.s32 @!p2 $0x400;
	s0 =	sand.u32 @!p2 $0x1FFFFF80, s0  }
0x140: {  	s2 =	simm.s32 @!p2 $0x7A1400;
	s3 =	simm.s32 @!p2 $0x1A200;
	s0 =	sadd.s32 @!p2 s7, s0  }
0x141: {  	[tilespmem:s3], [sflag:$0x1] =	stream.strided.gather @!p2 [hbm4b:s0+s1], $0x2000, s2, s1, $0x38;
	[tilespmem:$0x1F900] =	vst v63  }
0x142: {  	p2 =	slt.u32 @!p2 s31, $0x7  }
0x143: {  	p1 =	por @!p0 p2, p1  }
0x144: {  	p0 =	por p1, p0  }
0x145: {  	v15 =	vld @!p0 [tilespmem:$0x1E506];
	_ =	sdelay $0x4  }
0x146: {  	(v2sf) =	vpush @!p0 v15, $0x0;
	_ =	sdelay $0xe  }
0x147: {  	s0 =	spop @!p0 (v2sf)  }
0x148: {  	s0 =	sadd.s32 @!p0 s5, s0  }
0x149: {  	s0 =	sshll.u32 @!p0 s0, $0x7  }
0x14a: {  	s1 =	simm.s32 @!p0 $0x400;
	s0 =	sand.u32 @!p0 $0x1FFFFF80, s0  }
0x14b: {  	s2 =	simm.s32 @!p0 $0x7A1400;
	s3 =	simm.s32 @!p0 $0x1C200;
	s0 =	sadd.s32 @!p0 s7, s0  }
0x14c: {  	[tilespmem:s3], [sflag:$0x1] =	stream.strided.gather @!p0 [hbm4b:s0+s1], $0x2000, s2, s1, $0x38;
	[tilespmem:$0x1F900] =	vst v63  }
.LBB2_18:
.Ltmp12:
0x14d: {  	(pc) =	sbr.rel .LBB2_19-.Ltmp12, $2  }
0x14e: {  	_ =	sdelay $0x2  }
0x14f: {  	s2 =	simm.s32 $0x0;
	s1 =	simm.s32 $0x0;
	s29 =	simm.s32 $0x0  }
.LBB2_81:
0x150: {  	s0 =	sadd.s32 $0xD, s30  }
0x151: {  	p0 =	sge.s32 s0, s31  }
0x152: {  	v15 =	vld @!p0 [tilespmem:s0+$0x1E500];
	_ =	sdelay $0x4  }
0x153: {  	(v2sf) =	vpush @!p0 v15, $0x0;
	_ =	sdelay $0xe  }
0x154: {  	s0 =	spop @!p0 (v2sf)  }
0x155: {  	s0 =	sadd.s32 @!p0 s5, s0  }
0x156: {  	s0 =	sshll.u32 @!p0 s0, $0x7  }
0x157: {  	s3 =	rddreg [dreg:$0x1];
	s7 =	simm.s32 @!p0 $0x7A1400;
	s0 =	sand.u32 @!p0 $0x1FFFFF80, s0  }
0x158: {  	s8 =	simm.s32 @!p0 $0x1C200;
	s0 =	sadd.s32 @!p0 s3, s0;
	s3 =	simm.s32 @!p0 $0x400  }
0x159: {  	[tilespmem:s8], [sflag:$0x1] =	stream.strided.gather @!p0 [hbm4b:s0+s3], $0x2000, s7, s3, $0x38;
	[tilespmem:$0x1F900] =	vst v63  }
.LBB2_82:
0x15a: {  	s29 =	sadd.s32 $0x1, s29  }
0x15b: {  	p0 =	sne.s32 s29, $0x23  }
.Ltmp13:
0x15c: {  	_ = 	snop;
	(pc) =	sbr.rel @!p0 .LBB2_83-.Ltmp13, $1  }
0x15d: {  	_ =	sdelay $0x3  }
.LBB2_19:
0x15e: {  	s30 =	smul.u32 $0x7, s29;
	_ =	sdelay $0x1  }
0x15f: {  	p0 =	sge.s32 s30, s31  }
.Ltmp14:
0x160: {  	_ = 	snop;
	(pc) =	sbr.rel @p0 .LBB2_28-.Ltmp14, $1  }
0x161: {  	_ =	sdelay $0x3  }
0x162: {  	s0 =	simm.s32 $0x1  }
0x163: {  	_ =	swait.ge [sflag:s0], $0x2000  }
0x164: {  	[sflag:s0] =	ssyncset.done $0x0  }
0x165: {  	[sflag:s0] =	ssyncadd.s32 $0xFFFFE000  }
0x166: {  	v15 =	vld [tilespmem:s30+$0x1E680]  }
0x167: {  	v16 =	vld [tilespmem:s30+$0x1E681];
	_ =	sdelay $0x3  }
0x168: {  	(v2sf) =	vpush v15, $0x0  }
0x169: {  	(v2sf) =	vpush v16, $0x0;
	_ =	sdelay $0xd  }
0x16a: {  	s0 =	spop (v2sf)  }
0x16b: {  	s3 =	spop (v2sf)  }
0x16c: {  	p0 =	sle.s32 s3, s0  }
.Ltmp15:
0x16d: {  	_ = 	snop;
	(pc) =	sbr.rel @p0 .LBB2_27-.Ltmp15, $1  }
0x16e: {  	_ =	sdelay $0x3  }
.Ltmp16:
0x16f: {  	(pc) =	sbr.rel .LBB2_22-.Ltmp16, $4  }
0x170: {  	_ = 	snop  }
0x171: {  	s7 =	sshll.u32 s0, $0x2  }
0x172: {  	s7 =	sshra.s32 s7, $0x2  }
0x173: {  	s8 =	ssub.s32 s3, s0;
	s0 =	sadd.s32 $0xC180, s7  }
.LBB2_25:
0x174: {  	s2 =	sadd.s32 $0x1, s2  }
0x175: {  	s1 =	simm.s32 $0x0;
	[smem:$0x1] =	sst s2  }
0x176: {  	[smem:$0x0] =	sst s1  }
.LBB2_26:
0x177: {  	s8 =	sadd.s32 $0xFFFFFFFF, s8  }
0x178: {  	p0 =	sne.s32 s8, $0x0  }
.Ltmp17:
0x179: {  	_ = 	snop;
	(pc) =	sbr.rel @!p0 .LBB2_27-.Ltmp17, $2  }
0x17a: {  	_ =	sdelay $0x2  }
0x17b: {  	s0 =	sadd.s32 $0x1, s0;
	s7 =	sadd.s32 $0x1, s7  }
.LBB2_22:
0x17c: {  	v15 =	vld [tilespmem:s7+$0x0];
	_ =	sdelay $0x4  }
0x17d: {  	(v2sf) =	vpush v15, $0x0;
	_ =	sdelay $0xe  }
0x17e: {  	s3 =	spop (v2sf)  }
0x17f: {  	s11 =	sand.u32 $0x7F, s3  }
0x180: {  	v15 =	vor.u32 s11, v2  }
0x181: {  	s3 =	sand.u32 $0x1, s2  }
0x182: {  	v16 =	vmov s1;
	v17 =	vmov s3  }
0x183: {  	v19 =	vshll.u32 v16, $0x7;
	v18 =	vshll.u32 v17, $0xB  }
0x184: {  	v18 =	vadd.s32 v19, v18  }
0x185: {  	v19 =	vor.u32 v0, v18;
	v15 =	vld.idx.msk [tilespmem:v15+s16+$0x0], $0xffff  }
0x186: {  	v20 =	vor.u32 s11, v7;
	_ =	sdelay $0x3  }
0x187: {  	v21 =	vld.msk [tilespmem:s0+$0x0 ss:$0x0], $0xffff;
	[tilespmem:v19+s17+$0x0] =	vst.idx.msk $0xffff, v15  }
0x188: {  	v60 =	vor.u32 v8, v18;
	v15 =	vld.idx.msk [tilespmem:v20+s16+$0x0], $0xffff  }
0x189: {  	v61 =	vor.u32 s11, v9;
	_ =	sdelay $0x3  }
0x18a: {  	[tilespmem:v60+s17+$0x0] =	vst.idx.msk $0xffff, v15  }
0x18b: {  	v62 =	vor.u32 v10, v18;
	v15 =	vld.idx.msk [tilespmem:v61+s16+$0x0], $0xffff  }
0x18c: {  	v63 =	vor.u32 s11, v11;
	_ =	sdelay $0x3  }
0x18d: {  	v17 =	vshll.u32 v17, $0x7;
	[tilespmem:v62+s17+$0x0] =	vst.idx.msk $0xffff, v15;
	v15 =	vand.u32 $0xFFFFFF80, v16  }
0x18e: {  	s1 =	sadd.s32 $0x1, s1;
	v18 =	vor.u32 v12, v18;
	v16 =	vand.u32 $0x7F, v16;
	v19 =	vld.idx.msk [tilespmem:v63+s16+$0x0], $0xffff;
	v15 =	vadd.s32 v15, v17  }
0x18f: {  	p0 =	sne.s32 s1, $0x10;
	v15 =	vor.u32 v16, v15  }
.Ltmp18:
0x190: {  	_ = 	snop;
	(pc) =	sbr.rel @p0 .LBB2_26-.Ltmp18, $3  }
0x191: {  	_ =	sdelay $0x1  }
0x192: {  	[tilespmem:v18+s17+$0x0] =	vst.idx.msk $0xffff, v19  }
0x193: {  	[smem:$0x0] =	sst s1;
	[tilespmem:v15+s18+$0x0] =	vst.idx.msk $0x1, v21  }
0x194: {  	p0 =	seq.s32 s3, $0x1  }
0x195: {  	p1 =	slt.s32 @!p0 s2, $0x2  }
0x196: {  	p1 =	por p1, p0  }
0x197: {  	s1 =	simm.s32 @!p1 $0x2  }
0x198: {  	_ =	swait.ge @!p1 [sflag:s1], $0x800  }
0x199: {  	s11 =	simm.s32 @!p0 $0x1F800;
	s19 =	simm.s32 @!p0 $0x1E800;
	[sflag:s1] =	ssyncset.done @!p1 $0x0  }
0x19a: {  	[sflag:s1] =	ssyncadd.s32 @!p1 $0xFFFFF800;
	s1 =	simm.s32 @!p0 $0x10;
	p1 =	seq.s32 @!p0 s3, $0x0  }
0x19b: {  	[hbm4b:s6+s1] =	stream.indirect.scatter @!p0 [tilespmem:s19], [sflag:$0x2], $0x80, s11, s1, $0xb8;
	[tilespmem:$0x1F900] =	vst v63  }
0x19c: {  	p0 =	por p0, !p1  }
.Ltmp19:
0x19d: {  	_ = 	snop;
	(pc) =	sbr.rel @!p0 .LBB2_25-.Ltmp19, $1  }
0x19e: {  	_ =	sdelay $0x3  }
0x19f: {  	p0 =	slt.s32 s2, $0x2  }
.Ltmp20:
0x1a0: {  	s1 =	simm.s32 @!p0 $0x3;
	(pc) =	sbr.rel .LBB2_25-.Ltmp20, $4  }
0x1a1: {  	_ =	swait.ge @!p0 [sflag:s1], $0x800  }
0x1a2: {  	[sflag:s1] =	ssyncset.done @!p0 $0x0  }
0x1a3: {  	s19 =	simm.s32 $0x10;
	[sflag:s1] =	ssyncadd.s32 @!p0 $0xFFFFF800  }
0x1a4: {  	[hbm4b:s6+s19] =	stream.indirect.scatter [tilespmem:s21], [sflag:$0x3], $0x80, s20, s19, $0xb8;
	[tilespmem:$0x1F900] =	vst v63  }
.LBB2_27:
0x1a5: {  	s0 =	sadd.s32 $0x7, s30  }
0x1a6: {  	p0 =	sge.s32 s0, s31  }
0x1a7: {  	v15 =	vld @!p0 [tilespmem:s0+$0x1E500];
	_ =	sdelay $0x4  }
0x1a8: {  	(v2sf) =	vpush @!p0 v15, $0x0;
	_ =	sdelay $0xe  }
0x1a9: {  	s0 =	spop @!p0 (v2sf)  }
0x1aa: {  	s0 =	sadd.s32 @!p0 s5, s0  }
0x1ab: {  	s0 =	sshll.u32 @!p0 s0, $0x7  }
0x1ac: {  	s3 =	rddreg [dreg:$0x1];
	s7 =	simm.s32 @!p0 $0x7A1400;
	s0 =	sand.u32 @!p0 $0x1FFFFF80, s0  }
0x1ad: {  	s8 =	simm.s32 @!p0 $0x10200;
	s0 =	sadd.s32 @!p0 s3, s0;
	s3 =	simm.s32 @!p0 $0x400  }
0x1ae: {  	[tilespmem:s8], [sflag:$0x1] =	stream.strided.gather @!p0 [hbm4b:s0+s3], $0x2000, s7, s3, $0x38;
	[tilespmem:$0x1F900] =	vst v63  }
.LBB2_28:
0x1af: {  	s0 =	sadd.s32 $0x1, s30  }
0x1b0: {  	p0 =	sge.s32 s0, s31  }
.Ltmp21:
0x1b1: {  	_ = 	snop;
	(pc) =	sbr.rel @p0 .LBB2_37-.Ltmp21, $1  }
0x1b2: {  	_ =	sdelay $0x3  }
0x1b3: {  	s3 =	simm.s32 $0x1  }
0x1b4: {  	_ =	swait.ge [sflag:s3], $0x2000  }
0x1b5: {  	[sflag:s3] =	ssyncset.done $0x0  }
0x1b6: {  	[sflag:s3] =	ssyncadd.s32 $0xFFFFE000  }
0x1b7: {  	v15 =	vld [tilespmem:s0+$0x1E680]  }
0x1b8: {  	v16 =	vld [tilespmem:s30+$0x1E682];
	_ =	sdelay $0x3  }
0x1b9: {  	(v2sf) =	vpush v15, $0x0  }
0x1ba: {  	(v2sf) =	vpush v16, $0x0;
	_ =	sdelay $0xd  }
0x1bb: {  	s0 =	spop (v2sf)  }
0x1bc: {  	s3 =	spop (v2sf)  }
0x1bd: {  	p0 =	sle.s32 s3, s0  }
.Ltmp22:
0x1be: {  	_ = 	snop;
	(pc) =	sbr.rel @p0 .LBB2_36-.Ltmp22, $1  }
0x1bf: {  	_ =	sdelay $0x3  }
.Ltmp23:
0x1c0: {  	(pc) =	sbr.rel .LBB2_31-.Ltmp23, $4  }
0x1c1: {  	_ = 	snop  }
0x1c2: {  	s7 =	sshll.u32 s0, $0x2  }
0x1c3: {  	s7 =	sshra.s32 s7, $0x2  }
0x1c4: {  	s8 =	ssub.s32 s3, s0;
	s0 =	sadd.s32 $0xC180, s7  }
.LBB2_34:
0x1c5: {  	s2 =	sadd.s32 $0x1, s2  }
0x1c6: {  	s1 =	simm.s32 $0x0;
	[smem:$0x1] =	sst s2  }
0x1c7: {  	[smem:$0x0] =	sst s1  }
.LBB2_35:
0x1c8: {  	s8 =	sadd.s32 $0xFFFFFFFF, s8  }
0x1c9: {  	p0 =	sne.s32 s8, $0x0  }
.Ltmp24:
0x1ca: {  	_ = 	snop;
	(pc) =	sbr.rel @!p0 .LBB2_36-.Ltmp24, $2  }
0x1cb: {  	_ =	sdelay $0x2  }
0x1cc: {  	s0 =	sadd.s32 $0x1, s0;
	s7 =	sadd.s32 $0x1, s7  }
.LBB2_31:
0x1cd: {  	v15 =	vld [tilespmem:s7+$0x0];
	_ =	sdelay $0x4  }
0x1ce: {  	(v2sf) =	vpush v15, $0x0;
	_ =	sdelay $0xe  }
0x1cf: {  	s3 =	spop (v2sf)  }
0x1d0: {  	s11 =	sand.u32 $0x7F, s3  }
0x1d1: {  	v15 =	vor.u32 s11, v2  }
0x1d2: {  	s3 =	sand.u32 $0x1, s2  }
0x1d3: {  	v16 =	vmov s1;
	v17 =	vmov s3  }
0x1d4: {  	v19 =	vshll.u32 v16, $0x7;
	v18 =	vshll.u32 v17, $0xB  }
0x1d5: {  	v18 =	vadd.s32 v19, v18  }
0x1d6: {  	v19 =	vor.u32 v0, v18;
	v15 =	vld.idx.msk [tilespmem:v15+s22+$0x0], $0xffff  }
0x1d7: {  	v20 =	vor.u32 s11, v7;
	_ =	sdelay $0x3  }
0x1d8: {  	v21 =	vld.msk [tilespmem:s0+$0x0 ss:$0x0], $0xffff;
	[tilespmem:v19+s17+$0x0] =	vst.idx.msk $0xffff, v15  }
0x1d9: {  	v60 =	vor.u32 v8, v18;
	v15 =	vld.idx.msk [tilespmem:v20+s22+$0x0], $0xffff  }
0x1da: {  	v61 =	vor.u32 s11, v9;
	_ =	sdelay $0x3  }
0x1db: {  	[tilespmem:v60+s17+$0x0] =	vst.idx.msk $0xffff, v15  }
0x1dc: {  	v62 =	vor.u32 v10, v18;
	v15 =	vld.idx.msk [tilespmem:v61+s22+$0x0], $0xffff  }
0x1dd: {  	v63 =	vor.u32 s11, v11;
	_ =	sdelay $0x3  }
0x1de: {  	v17 =	vshll.u32 v17, $0x7;
	[tilespmem:v62+s17+$0x0] =	vst.idx.msk $0xffff, v15;
	v15 =	vand.u32 $0xFFFFFF80, v16  }
0x1df: {  	s1 =	sadd.s32 $0x1, s1;
	v18 =	vor.u32 v12, v18;
	v16 =	vand.u32 $0x7F, v16;
	v19 =	vld.idx.msk [tilespmem:v63+s22+$0x0], $0xffff;
	v15 =	vadd.s32 v15, v17  }
0x1e0: {  	p0 =	sne.s32 s1, $0x10;
	v15 =	vor.u32 v16, v15  }
.Ltmp25:
0x1e1: {  	_ = 	snop;
	(pc) =	sbr.rel @p0 .LBB2_35-.Ltmp25, $3  }
0x1e2: {  	_ =	sdelay $0x1  }
0x1e3: {  	[tilespmem:v18+s17+$0x0] =	vst.idx.msk $0xffff, v19  }
0x1e4: {  	[smem:$0x0] =	sst s1;
	[tilespmem:v15+s18+$0x0] =	vst.idx.msk $0x1, v21  }
0x1e5: {  	p0 =	seq.s32 s3, $0x1  }
0x1e6: {  	p1 =	slt.s32 @!p0 s2, $0x2  }
0x1e7: {  	p1 =	por p1, p0  }
0x1e8: {  	s1 =	simm.s32 @!p1 $0x2  }
0x1e9: {  	_ =	swait.ge @!p1 [sflag:s1], $0x800  }
0x1ea: {  	s11 =	simm.s32 @!p0 $0x1F800;
	s19 =	simm.s32 @!p0 $0x1E800;
	[sflag:s1] =	ssyncset.done @!p1 $0x0  }
0x1eb: {  	[sflag:s1] =	ssyncadd.s32 @!p1 $0xFFFFF800;
	s1 =	simm.s32 @!p0 $0x10;
	p1 =	seq.s32 @!p0 s3, $0x0  }
0x1ec: {  	[hbm4b:s6+s1] =	stream.indirect.scatter @!p0 [tilespmem:s19], [sflag:$0x2], $0x80, s11, s1, $0xb8;
	[tilespmem:$0x1F900] =	vst v63  }
0x1ed: {  	p0 =	por p0, !p1  }
.Ltmp26:
0x1ee: {  	_ = 	snop;
	(pc) =	sbr.rel @!p0 .LBB2_34-.Ltmp26, $1  }
0x1ef: {  	_ =	sdelay $0x3  }
0x1f0: {  	p0 =	slt.s32 s2, $0x2  }
.Ltmp27:
0x1f1: {  	s1 =	simm.s32 @!p0 $0x3;
	(pc) =	sbr.rel .LBB2_34-.Ltmp27, $4  }
0x1f2: {  	_ =	swait.ge @!p0 [sflag:s1], $0x800  }
0x1f3: {  	[sflag:s1] =	ssyncset.done @!p0 $0x0  }
0x1f4: {  	s19 =	simm.s32 $0x10;
	[sflag:s1] =	ssyncadd.s32 @!p0 $0xFFFFF800  }
0x1f5: {  	[hbm4b:s6+s19] =	stream.indirect.scatter [tilespmem:s21], [sflag:$0x3], $0x80, s20, s19, $0xb8;
	[tilespmem:$0x1F900] =	vst v63  }
.LBB2_36:
0x1f6: {  	s0 =	sadd.s32 $0x8, s30  }
0x1f7: {  	p0 =	sge.s32 s0, s31  }
0x1f8: {  	v15 =	vld @!p0 [tilespmem:s0+$0x1E500];
	_ =	sdelay $0x4  }
0x1f9: {  	(v2sf) =	vpush @!p0 v15, $0x0;
	_ =	sdelay $0xe  }
0x1fa: {  	s0 =	spop @!p0 (v2sf)  }
0x1fb: {  	s0 =	sadd.s32 @!p0 s5, s0  }
0x1fc: {  	s0 =	sshll.u32 @!p0 s0, $0x7  }
0x1fd: {  	s3 =	rddreg [dreg:$0x1];
	s7 =	simm.s32 @!p0 $0x7A1400;
	s0 =	sand.u32 @!p0 $0x1FFFFF80, s0  }
0x1fe: {  	s8 =	simm.s32 @!p0 $0x12200;
	s0 =	sadd.s32 @!p0 s3, s0;
	s3 =	simm.s32 @!p0 $0x400  }
0x1ff: {  	[tilespmem:s8], [sflag:$0x1] =	stream.strided.gather @!p0 [hbm4b:s0+s3], $0x2000, s7, s3, $0x38;
	[tilespmem:$0x1F900] =	vst v63  }
.LBB2_37:
0x200: {  	s0 =	sadd.s32 $0x2, s30  }
0x201: {  	p0 =	sge.s32 s0, s31  }
.Ltmp28:
0x202: {  	_ = 	snop;
	(pc) =	sbr.rel @p0 .LBB2_46-.Ltmp28, $1  }
0x203: {  	_ =	sdelay $0x3  }
0x204: {  	s3 =	simm.s32 $0x1  }
0x205: {  	_ =	swait.ge [sflag:s3], $0x2000  }
0x206: {  	[sflag:s3] =	ssyncset.done $0x0  }
0x207: {  	[sflag:s3] =	ssyncadd.s32 $0xFFFFE000  }
0x208: {  	v15 =	vld [tilespmem:s0+$0x1E680]  }
0x209: {  	v16 =	vld [tilespmem:s30+$0x1E683];
	_ =	sdelay $0x3  }
0x20a: {  	(v2sf) =	vpush v15, $0x0  }
0x20b: {  	(v2sf) =	vpush v16, $0x0;
	_ =	sdelay $0xd  }
0x20c: {  	s0 =	spop (v2sf)  }
0x20d: {  	s3 =	spop (v2sf)  }
0x20e: {  	p0 =	sle.s32 s3, s0  }
.Ltmp29:
0x20f: {  	_ = 	snop;
	(pc) =	sbr.rel @p0 .LBB2_45-.Ltmp29, $1  }
0x210: {  	_ =	sdelay $0x3  }
.Ltmp30:
0x211: {  	(pc) =	sbr.rel .LBB2_40-.Ltmp30, $4  }
0x212: {  	_ = 	snop  }
0x213: {  	s7 =	sshll.u32 s0, $0x2  }
0x214: {  	s7 =	sshra.s32 s7, $0x2  }
0x215: {  	s8 =	ssub.s32 s3, s0;
	s0 =	sadd.s32 $0xC180, s7  }
.LBB2_43:
0x216: {  	s2 =	sadd.s32 $0x1, s2  }
0x217: {  	s1 =	simm.s32 $0x0;
	[smem:$0x1] =	sst s2  }
0x218: {  	[smem:$0x0] =	sst s1  }
.LBB2_44:
0x219: {  	s8 =	sadd.s32 $0xFFFFFFFF, s8  }
0x21a: {  	p0 =	sne.s32 s8, $0x0  }
.Ltmp31:
0x21b: {  	_ = 	snop;
	(pc) =	sbr.rel @!p0 .LBB2_45-.Ltmp31, $2  }
0x21c: {  	_ =	sdelay $0x2  }
0x21d: {  	s0 =	sadd.s32 $0x1, s0;
	s7 =	sadd.s32 $0x1, s7  }
.LBB2_40:
0x21e: {  	v15 =	vld [tilespmem:s7+$0x0];
	_ =	sdelay $0x4  }
0x21f: {  	(v2sf) =	vpush v15, $0x0;
	_ =	sdelay $0xe  }
0x220: {  	s3 =	spop (v2sf)  }
0x221: {  	s11 =	sand.u32 $0x7F, s3  }
0x222: {  	v15 =	vor.u32 s11, v2  }
0x223: {  	s3 =	sand.u32 $0x1, s2  }
0x224: {  	v16 =	vmov s1;
	v17 =	vmov s3  }
0x225: {  	v19 =	vshll.u32 v16, $0x7;
	v18 =	vshll.u32 v17, $0xB  }
0x226: {  	v18 =	vadd.s32 v19, v18  }
0x227: {  	v19 =	vor.u32 v0, v18;
	v15 =	vld.idx.msk [tilespmem:v15+s23+$0x0], $0xffff  }
0x228: {  	v20 =	vor.u32 s11, v7;
	_ =	sdelay $0x3  }
0x229: {  	v21 =	vld.msk [tilespmem:s0+$0x0 ss:$0x0], $0xffff;
	[tilespmem:v19+s17+$0x0] =	vst.idx.msk $0xffff, v15  }
0x22a: {  	v60 =	vor.u32 v8, v18;
	v15 =	vld.idx.msk [tilespmem:v20+s23+$0x0], $0xffff  }
0x22b: {  	v61 =	vor.u32 s11, v9;
	_ =	sdelay $0x3  }
0x22c: {  	[tilespmem:v60+s17+$0x0] =	vst.idx.msk $0xffff, v15  }
0x22d: {  	v62 =	vor.u32 v10, v18;
	v15 =	vld.idx.msk [tilespmem:v61+s23+$0x0], $0xffff  }
0x22e: {  	v63 =	vor.u32 s11, v11;
	_ =	sdelay $0x3  }
0x22f: {  	v17 =	vshll.u32 v17, $0x7;
	[tilespmem:v62+s17+$0x0] =	vst.idx.msk $0xffff, v15;
	v15 =	vand.u32 $0xFFFFFF80, v16  }
0x230: {  	s1 =	sadd.s32 $0x1, s1;
	v18 =	vor.u32 v12, v18;
	v16 =	vand.u32 $0x7F, v16;
	v19 =	vld.idx.msk [tilespmem:v63+s23+$0x0], $0xffff;
	v15 =	vadd.s32 v15, v17  }
0x231: {  	p0 =	sne.s32 s1, $0x10;
	v15 =	vor.u32 v16, v15  }
.Ltmp32:
0x232: {  	_ = 	snop;
	(pc) =	sbr.rel @p0 .LBB2_44-.Ltmp32, $3  }
0x233: {  	_ =	sdelay $0x1  }
0x234: {  	[tilespmem:v18+s17+$0x0] =	vst.idx.msk $0xffff, v19  }
0x235: {  	[smem:$0x0] =	sst s1;
	[tilespmem:v15+s18+$0x0] =	vst.idx.msk $0x1, v21  }
0x236: {  	p0 =	seq.s32 s3, $0x1  }
0x237: {  	p1 =	slt.s32 @!p0 s2, $0x2  }
0x238: {  	p1 =	por p1, p0  }
0x239: {  	s1 =	simm.s32 @!p1 $0x2  }
0x23a: {  	_ =	swait.ge @!p1 [sflag:s1], $0x800  }
0x23b: {  	s11 =	simm.s32 @!p0 $0x1F800;
	s19 =	simm.s32 @!p0 $0x1E800;
	[sflag:s1] =	ssyncset.done @!p1 $0x0  }
0x23c: {  	[sflag:s1] =	ssyncadd.s32 @!p1 $0xFFFFF800;
	s1 =	simm.s32 @!p0 $0x10;
	p1 =	seq.s32 @!p0 s3, $0x0  }
0x23d: {  	[hbm4b:s6+s1] =	stream.indirect.scatter @!p0 [tilespmem:s19], [sflag:$0x2], $0x80, s11, s1, $0xb8;
	[tilespmem:$0x1F900] =	vst v63  }
0x23e: {  	p0 =	por p0, !p1  }
.Ltmp33:
0x23f: {  	_ = 	snop;
	(pc) =	sbr.rel @!p0 .LBB2_43-.Ltmp33, $1  }
0x240: {  	_ =	sdelay $0x3  }
0x241: {  	p0 =	slt.s32 s2, $0x2  }
.Ltmp34:
0x242: {  	s1 =	simm.s32 @!p0 $0x3;
	(pc) =	sbr.rel .LBB2_43-.Ltmp34, $4  }
0x243: {  	_ =	swait.ge @!p0 [sflag:s1], $0x800  }
0x244: {  	[sflag:s1] =	ssyncset.done @!p0 $0x0  }
0x245: {  	s19 =	simm.s32 $0x10;
	[sflag:s1] =	ssyncadd.s32 @!p0 $0xFFFFF800  }
0x246: {  	[hbm4b:s6+s19] =	stream.indirect.scatter [tilespmem:s21], [sflag:$0x3], $0x80, s20, s19, $0xb8;
	[tilespmem:$0x1F900] =	vst v63  }
.LBB2_45:
0x247: {  	s0 =	sadd.s32 $0x9, s30  }
0x248: {  	p0 =	sge.s32 s0, s31  }
0x249: {  	v15 =	vld @!p0 [tilespmem:s0+$0x1E500];
	_ =	sdelay $0x4  }
0x24a: {  	(v2sf) =	vpush @!p0 v15, $0x0;
	_ =	sdelay $0xe  }
0x24b: {  	s0 =	spop @!p0 (v2sf)  }
0x24c: {  	s0 =	sadd.s32 @!p0 s5, s0  }
0x24d: {  	s0 =	sshll.u32 @!p0 s0, $0x7  }
0x24e: {  	s3 =	rddreg [dreg:$0x1];
	s7 =	simm.s32 @!p0 $0x7A1400;
	s0 =	sand.u32 @!p0 $0x1FFFFF80, s0  }
0x24f: {  	s8 =	simm.s32 @!p0 $0x14200;
	s0 =	sadd.s32 @!p0 s3, s0;
	s3 =	simm.s32 @!p0 $0x400  }
0x250: {  	[tilespmem:s8], [sflag:$0x1] =	stream.strided.gather @!p0 [hbm4b:s0+s3], $0x2000, s7, s3, $0x38;
	[tilespmem:$0x1F900] =	vst v63  }
.LBB2_46:
0x251: {  	s0 =	sadd.s32 $0x3, s30  }
0x252: {  	p0 =	sge.s32 s0, s31  }
.Ltmp35:
0x253: {  	_ = 	snop;
	(pc) =	sbr.rel @p0 .LBB2_55-.Ltmp35, $1  }
0x254: {  	_ =	sdelay $0x3  }
0x255: {  	s3 =	simm.s32 $0x1  }
0x256: {  	_ =	swait.ge [sflag:s3], $0x2000  }
0x257: {  	[sflag:s3] =	ssyncset.done $0x0  }
0x258: {  	[sflag:s3] =	ssyncadd.s32 $0xFFFFE000  }
0x259: {  	v15 =	vld [tilespmem:s0+$0x1E680]  }
0x25a: {  	v16 =	vld [tilespmem:s30+$0x1E684];
	_ =	sdelay $0x3  }
0x25b: {  	(v2sf) =	vpush v15, $0x0  }
0x25c: {  	(v2sf) =	vpush v16, $0x0;
	_ =	sdelay $0xd  }
0x25d: {  	s0 =	spop (v2sf)  }
0x25e: {  	s3 =	spop (v2sf)  }
0x25f: {  	p0 =	sle.s32 s3, s0  }
.Ltmp36:
0x260: {  	_ = 	snop;
	(pc) =	sbr.rel @p0 .LBB2_54-.Ltmp36, $1  }
0x261: {  	_ =	sdelay $0x3  }
.Ltmp37:
0x262: {  	(pc) =	sbr.rel .LBB2_49-.Ltmp37, $4  }
0x263: {  	_ = 	snop  }
0x264: {  	s7 =	sshll.u32 s0, $0x2  }
0x265: {  	s7 =	sshra.s32 s7, $0x2  }
0x266: {  	s8 =	ssub.s32 s3, s0;
	s0 =	sadd.s32 $0xC180, s7  }
.LBB2_52:
0x267: {  	s2 =	sadd.s32 $0x1, s2  }
0x268: {  	s1 =	simm.s32 $0x0;
	[smem:$0x1] =	sst s2  }
0x269: {  	[smem:$0x0] =	sst s1  }
.LBB2_53:
0x26a: {  	s8 =	sadd.s32 $0xFFFFFFFF, s8  }
0x26b: {  	p0 =	sne.s32 s8, $0x0  }
.Ltmp38:
0x26c: {  	_ = 	snop;
	(pc) =	sbr.rel @!p0 .LBB2_54-.Ltmp38, $2  }
0x26d: {  	_ =	sdelay $0x2  }
0x26e: {  	s0 =	sadd.s32 $0x1, s0;
	s7 =	sadd.s32 $0x1, s7  }
.LBB2_49:
0x26f: {  	v15 =	vld [tilespmem:s7+$0x0];
	_ =	sdelay $0x4  }
0x270: {  	(v2sf) =	vpush v15, $0x0;
	_ =	sdelay $0xe  }
0x271: {  	s3 =	spop (v2sf)  }
0x272: {  	s11 =	sand.u32 $0x7F, s3  }
0x273: {  	v15 =	vor.u32 s11, v2  }
0x274: {  	s3 =	sand.u32 $0x1, s2  }
0x275: {  	v16 =	vmov s1;
	v17 =	vmov s3  }
0x276: {  	v19 =	vshll.u32 v16, $0x7;
	v18 =	vshll.u32 v17, $0xB  }
0x277: {  	v18 =	vadd.s32 v19, v18  }
0x278: {  	v19 =	vor.u32 v0, v18;
	v15 =	vld.idx.msk [tilespmem:v15+s24+$0x0], $0xffff  }
0x279: {  	v20 =	vor.u32 s11, v7;
	_ =	sdelay $0x3  }
0x27a: {  	v21 =	vld.msk [tilespmem:s0+$0x0 ss:$0x0], $0xffff;
	[tilespmem:v19+s17+$0x0] =	vst.idx.msk $0xffff, v15  }
0x27b: {  	v60 =	vor.u32 v8, v18;
	v15 =	vld.idx.msk [tilespmem:v20+s24+$0x0], $0xffff  }
0x27c: {  	v61 =	vor.u32 s11, v9;
	_ =	sdelay $0x3  }
0x27d: {  	[tilespmem:v60+s17+$0x0] =	vst.idx.msk $0xffff, v15  }
0x27e: {  	v62 =	vor.u32 v10, v18;
	v15 =	vld.idx.msk [tilespmem:v61+s24+$0x0], $0xffff  }
0x27f: {  	v63 =	vor.u32 s11, v11;
	_ =	sdelay $0x3  }
0x280: {  	v17 =	vshll.u32 v17, $0x7;
	[tilespmem:v62+s17+$0x0] =	vst.idx.msk $0xffff, v15;
	v15 =	vand.u32 $0xFFFFFF80, v16  }
0x281: {  	s1 =	sadd.s32 $0x1, s1;
	v18 =	vor.u32 v12, v18;
	v16 =	vand.u32 $0x7F, v16;
	v19 =	vld.idx.msk [tilespmem:v63+s24+$0x0], $0xffff;
	v15 =	vadd.s32 v15, v17  }
0x282: {  	p0 =	sne.s32 s1, $0x10;
	v15 =	vor.u32 v16, v15  }
.Ltmp39:
0x283: {  	_ = 	snop;
	(pc) =	sbr.rel @p0 .LBB2_53-.Ltmp39, $3  }
0x284: {  	_ =	sdelay $0x1  }
0x285: {  	[tilespmem:v18+s17+$0x0] =	vst.idx.msk $0xffff, v19  }
0x286: {  	[smem:$0x0] =	sst s1;
	[tilespmem:v15+s18+$0x0] =	vst.idx.msk $0x1, v21  }
0x287: {  	p0 =	seq.s32 s3, $0x1  }
0x288: {  	p1 =	slt.s32 @!p0 s2, $0x2  }
0x289: {  	p1 =	por p1, p0  }
0x28a: {  	s1 =	simm.s32 @!p1 $0x2  }
0x28b: {  	_ =	swait.ge @!p1 [sflag:s1], $0x800  }
0x28c: {  	s11 =	simm.s32 @!p0 $0x1F800;
	s19 =	simm.s32 @!p0 $0x1E800;
	[sflag:s1] =	ssyncset.done @!p1 $0x0  }
0x28d: {  	[sflag:s1] =	ssyncadd.s32 @!p1 $0xFFFFF800;
	s1 =	simm.s32 @!p0 $0x10;
	p1 =	seq.s32 @!p0 s3, $0x0  }
0x28e: {  	[hbm4b:s6+s1] =	stream.indirect.scatter @!p0 [tilespmem:s19], [sflag:$0x2], $0x80, s11, s1, $0xb8;
	[tilespmem:$0x1F900] =	vst v63  }
0x28f: {  	p0 =	por p0, !p1  }
.Ltmp40:
0x290: {  	_ = 	snop;
	(pc) =	sbr.rel @!p0 .LBB2_52-.Ltmp40, $1  }
0x291: {  	_ =	sdelay $0x3  }
0x292: {  	p0 =	slt.s32 s2, $0x2  }
.Ltmp41:
0x293: {  	s1 =	simm.s32 @!p0 $0x3;
	(pc) =	sbr.rel .LBB2_52-.Ltmp41, $4  }
0x294: {  	_ =	swait.ge @!p0 [sflag:s1], $0x800  }
0x295: {  	[sflag:s1] =	ssyncset.done @!p0 $0x0  }
0x296: {  	s19 =	simm.s32 $0x10;
	[sflag:s1] =	ssyncadd.s32 @!p0 $0xFFFFF800  }
0x297: {  	[hbm4b:s6+s19] =	stream.indirect.scatter [tilespmem:s21], [sflag:$0x3], $0x80, s20, s19, $0xb8;
	[tilespmem:$0x1F900] =	vst v63  }
.LBB2_54:
0x298: {  	s0 =	sadd.s32 $0xA, s30  }
0x299: {  	p0 =	sge.s32 s0, s31  }
0x29a: {  	v15 =	vld @!p0 [tilespmem:s0+$0x1E500];
	_ =	sdelay $0x4  }
0x29b: {  	(v2sf) =	vpush @!p0 v15, $0x0;
	_ =	sdelay $0xe  }
0x29c: {  	s0 =	spop @!p0 (v2sf)  }
0x29d: {  	s0 =	sadd.s32 @!p0 s5, s0  }
0x29e: {  	s0 =	sshll.u32 @!p0 s0, $0x7  }
0x29f: {  	s3 =	rddreg [dreg:$0x1];
	s7 =	simm.s32 @!p0 $0x7A1400;
	s0 =	sand.u32 @!p0 $0x1FFFFF80, s0  }
0x2a0: {  	s8 =	simm.s32 @!p0 $0x16200;
	s0 =	sadd.s32 @!p0 s3, s0;
	s3 =	simm.s32 @!p0 $0x400  }
0x2a1: {  	[tilespmem:s8], [sflag:$0x1] =	stream.strided.gather @!p0 [hbm4b:s0+s3], $0x2000, s7, s3, $0x38;
	[tilespmem:$0x1F900] =	vst v63  }
.LBB2_55:
0x2a2: {  	s0 =	sadd.s32 $0x4, s30  }
0x2a3: {  	p0 =	sge.s32 s0, s31  }
.Ltmp42:
0x2a4: {  	_ = 	snop;
	(pc) =	sbr.rel @p0 .LBB2_64-.Ltmp42, $1  }
0x2a5: {  	_ =	sdelay $0x3  }
0x2a6: {  	s3 =	simm.s32 $0x1  }
0x2a7: {  	_ =	swait.ge [sflag:s3], $0x2000  }
0x2a8: {  	[sflag:s3] =	ssyncset.done $0x0  }
0x2a9: {  	[sflag:s3] =	ssyncadd.s32 $0xFFFFE000  }
0x2aa: {  	v15 =	vld [tilespmem:s0+$0x1E680]  }
0x2ab: {  	v16 =	vld [tilespmem:s30+$0x1E685];
	_ =	sdelay $0x3  }
0x2ac: {  	(v2sf) =	vpush v15, $0x0  }
0x2ad: {  	(v2sf) =	vpush v16, $0x0;
	_ =	sdelay $0xd  }
0x2ae: {  	s0 =	spop (v2sf)  }
0x2af: {  	s3 =	spop (v2sf)  }
0x2b0: {  	p0 =	sle.s32 s3, s0  }
.Ltmp43:
0x2b1: {  	_ = 	snop;
	(pc) =	sbr.rel @p0 .LBB2_63-.Ltmp43, $1  }
0x2b2: {  	_ =	sdelay $0x3  }
.Ltmp44:
0x2b3: {  	(pc) =	sbr.rel .LBB2_58-.Ltmp44, $4  }
0x2b4: {  	_ = 	snop  }
0x2b5: {  	s7 =	sshll.u32 s0, $0x2  }
0x2b6: {  	s7 =	sshra.s32 s7, $0x2  }
0x2b7: {  	s8 =	ssub.s32 s3, s0;
	s0 =	sadd.s32 $0xC180, s7  }
.LBB2_61:
0x2b8: {  	s2 =	sadd.s32 $0x1, s2  }
0x2b9: {  	s1 =	simm.s32 $0x0;
	[smem:$0x1] =	sst s2  }
0x2ba: {  	[smem:$0x0] =	sst s1  }
.LBB2_62:
0x2bb: {  	s8 =	sadd.s32 $0xFFFFFFFF, s8  }
0x2bc: {  	p0 =	sne.s32 s8, $0x0  }
.Ltmp45:
0x2bd: {  	_ = 	snop;
	(pc) =	sbr.rel @!p0 .LBB2_63-.Ltmp45, $2  }
0x2be: {  	_ =	sdelay $0x2  }
0x2bf: {  	s0 =	sadd.s32 $0x1, s0;
	s7 =	sadd.s32 $0x1, s7  }
.LBB2_58:
0x2c0: {  	v15 =	vld [tilespmem:s7+$0x0];
	_ =	sdelay $0x4  }
0x2c1: {  	(v2sf) =	vpush v15, $0x0;
	_ =	sdelay $0xe  }
0x2c2: {  	s3 =	spop (v2sf)  }
0x2c3: {  	s11 =	sand.u32 $0x7F, s3  }
0x2c4: {  	v15 =	vor.u32 s11, v2  }
0x2c5: {  	s3 =	sand.u32 $0x1, s2  }
0x2c6: {  	v16 =	vmov s1;
	v17 =	vmov s3  }
0x2c7: {  	v19 =	vshll.u32 v16, $0x7;
	v18 =	vshll.u32 v17, $0xB  }
0x2c8: {  	v18 =	vadd.s32 v19, v18  }
0x2c9: {  	v19 =	vor.u32 v0, v18;
	v15 =	vld.idx.msk [tilespmem:v15+s25+$0x0], $0xffff  }
0x2ca: {  	v20 =	vor.u32 s11, v7;
	_ =	sdelay $0x3  }
0x2cb: {  	v21 =	vld.msk [tilespmem:s0+$0x0 ss:$0x0], $0xffff;
	[tilespmem:v19+s17+$0x0] =	vst.idx.msk $0xffff, v15  }
0x2cc: {  	v60 =	vor.u32 v8, v18;
	v15 =	vld.idx.msk [tilespmem:v20+s25+$0x0], $0xffff  }
0x2cd: {  	v61 =	vor.u32 s11, v9;
	_ =	sdelay $0x3  }
0x2ce: {  	[tilespmem:v60+s17+$0x0] =	vst.idx.msk $0xffff, v15  }
0x2cf: {  	v62 =	vor.u32 v10, v18;
	v15 =	vld.idx.msk [tilespmem:v61+s25+$0x0], $0xffff  }
0x2d0: {  	v63 =	vor.u32 s11, v11;
	_ =	sdelay $0x3  }
0x2d1: {  	v17 =	vshll.u32 v17, $0x7;
	[tilespmem:v62+s17+$0x0] =	vst.idx.msk $0xffff, v15;
	v15 =	vand.u32 $0xFFFFFF80, v16  }
0x2d2: {  	s1 =	sadd.s32 $0x1, s1;
	v18 =	vor.u32 v12, v18;
	v16 =	vand.u32 $0x7F, v16;
	v19 =	vld.idx.msk [tilespmem:v63+s25+$0x0], $0xffff;
	v15 =	vadd.s32 v15, v17  }
0x2d3: {  	p0 =	sne.s32 s1, $0x10;
	v15 =	vor.u32 v16, v15  }
.Ltmp46:
0x2d4: {  	_ = 	snop;
	(pc) =	sbr.rel @p0 .LBB2_62-.Ltmp46, $3  }
0x2d5: {  	_ =	sdelay $0x1  }
0x2d6: {  	[tilespmem:v18+s17+$0x0] =	vst.idx.msk $0xffff, v19  }
0x2d7: {  	[smem:$0x0] =	sst s1;
	[tilespmem:v15+s18+$0x0] =	vst.idx.msk $0x1, v21  }
0x2d8: {  	p0 =	seq.s32 s3, $0x1  }
0x2d9: {  	p1 =	slt.s32 @!p0 s2, $0x2  }
0x2da: {  	p1 =	por p1, p0  }
0x2db: {  	s1 =	simm.s32 @!p1 $0x2  }
0x2dc: {  	_ =	swait.ge @!p1 [sflag:s1], $0x800  }
0x2dd: {  	s11 =	simm.s32 @!p0 $0x1F800;
	s19 =	simm.s32 @!p0 $0x1E800;
	[sflag:s1] =	ssyncset.done @!p1 $0x0  }
0x2de: {  	[sflag:s1] =	ssyncadd.s32 @!p1 $0xFFFFF800;
	s1 =	simm.s32 @!p0 $0x10;
	p1 =	seq.s32 @!p0 s3, $0x0  }
0x2df: {  	[hbm4b:s6+s1] =	stream.indirect.scatter @!p0 [tilespmem:s19], [sflag:$0x2], $0x80, s11, s1, $0xb8;
	[tilespmem:$0x1F900] =	vst v63  }
0x2e0: {  	p0 =	por p0, !p1  }
.Ltmp47:
0x2e1: {  	_ = 	snop;
	(pc) =	sbr.rel @!p0 .LBB2_61-.Ltmp47, $1  }
0x2e2: {  	_ =	sdelay $0x3  }
0x2e3: {  	p0 =	slt.s32 s2, $0x2  }
.Ltmp48:
0x2e4: {  	s1 =	simm.s32 @!p0 $0x3;
	(pc) =	sbr.rel .LBB2_61-.Ltmp48, $4  }
0x2e5: {  	_ =	swait.ge @!p0 [sflag:s1], $0x800  }
0x2e6: {  	[sflag:s1] =	ssyncset.done @!p0 $0x0  }
0x2e7: {  	s19 =	simm.s32 $0x10;
	[sflag:s1] =	ssyncadd.s32 @!p0 $0xFFFFF800  }
0x2e8: {  	[hbm4b:s6+s19] =	stream.indirect.scatter [tilespmem:s21], [sflag:$0x3], $0x80, s20, s19, $0xb8;
	[tilespmem:$0x1F900] =	vst v63  }
.LBB2_63:
0x2e9: {  	s0 =	sadd.s32 $0xB, s30  }
0x2ea: {  	p0 =	sge.s32 s0, s31  }
0x2eb: {  	v15 =	vld @!p0 [tilespmem:s0+$0x1E500];
	_ =	sdelay $0x4  }
0x2ec: {  	(v2sf) =	vpush @!p0 v15, $0x0;
	_ =	sdelay $0xe  }
0x2ed: {  	s0 =	spop @!p0 (v2sf)  }
0x2ee: {  	s0 =	sadd.s32 @!p0 s5, s0  }
0x2ef: {  	s0 =	sshll.u32 @!p0 s0, $0x7  }
0x2f0: {  	s3 =	rddreg [dreg:$0x1];
	s7 =	simm.s32 @!p0 $0x7A1400;
	s0 =	sand.u32 @!p0 $0x1FFFFF80, s0  }
0x2f1: {  	s8 =	simm.s32 @!p0 $0x18200;
	s0 =	sadd.s32 @!p0 s3, s0;
	s3 =	simm.s32 @!p0 $0x400  }
0x2f2: {  	[tilespmem:s8], [sflag:$0x1] =	stream.strided.gather @!p0 [hbm4b:s0+s3], $0x2000, s7, s3, $0x38;
	[tilespmem:$0x1F900] =	vst v63  }
.LBB2_64:
0x2f3: {  	s0 =	sadd.s32 $0x5, s30  }
0x2f4: {  	p0 =	sge.s32 s0, s31  }
.Ltmp49:
0x2f5: {  	_ = 	snop;
	(pc) =	sbr.rel @p0 .LBB2_73-.Ltmp49, $1  }
0x2f6: {  	_ =	sdelay $0x3  }
0x2f7: {  	s3 =	simm.s32 $0x1  }
0x2f8: {  	_ =	swait.ge [sflag:s3], $0x2000  }
0x2f9: {  	[sflag:s3] =	ssyncset.done $0x0  }
0x2fa: {  	[sflag:s3] =	ssyncadd.s32 $0xFFFFE000  }
0x2fb: {  	v15 =	vld [tilespmem:s0+$0x1E680]  }
0x2fc: {  	v16 =	vld [tilespmem:s30+$0x1E686];
	_ =	sdelay $0x3  }
0x2fd: {  	(v2sf) =	vpush v15, $0x0  }
0x2fe: {  	(v2sf) =	vpush v16, $0x0;
	_ =	sdelay $0xd  }
0x2ff: {  	s0 =	spop (v2sf)  }
0x300: {  	s3 =	spop (v2sf)  }
0x301: {  	p0 =	sle.s32 s3, s0  }
.Ltmp50:
0x302: {  	_ = 	snop;
	(pc) =	sbr.rel @p0 .LBB2_72-.Ltmp50, $1  }
0x303: {  	_ =	sdelay $0x3  }
.Ltmp51:
0x304: {  	(pc) =	sbr.rel .LBB2_67-.Ltmp51, $4  }
0x305: {  	_ = 	snop  }
0x306: {  	s7 =	sshll.u32 s0, $0x2  }
0x307: {  	s7 =	sshra.s32 s7, $0x2  }
0x308: {  	s8 =	ssub.s32 s3, s0;
	s0 =	sadd.s32 $0xC180, s7  }
.LBB2_70:
0x309: {  	s2 =	sadd.s32 $0x1, s2  }
0x30a: {  	s1 =	simm.s32 $0x0;
	[smem:$0x1] =	sst s2  }
0x30b: {  	[smem:$0x0] =	sst s1  }
.LBB2_71:
0x30c: {  	s8 =	sadd.s32 $0xFFFFFFFF, s8  }
0x30d: {  	p0 =	sne.s32 s8, $0x0  }
.Ltmp52:
0x30e: {  	_ = 	snop;
	(pc) =	sbr.rel @!p0 .LBB2_72-.Ltmp52, $2  }
0x30f: {  	_ =	sdelay $0x2  }
0x310: {  	s0 =	sadd.s32 $0x1, s0;
	s7 =	sadd.s32 $0x1, s7  }
.LBB2_67:
0x311: {  	v15 =	vld [tilespmem:s7+$0x0];
	_ =	sdelay $0x4  }
0x312: {  	(v2sf) =	vpush v15, $0x0;
	_ =	sdelay $0xe  }
0x313: {  	s3 =	spop (v2sf)  }
0x314: {  	s11 =	sand.u32 $0x7F, s3  }
0x315: {  	v15 =	vor.u32 s11, v2  }
0x316: {  	s3 =	sand.u32 $0x1, s2  }
0x317: {  	v16 =	vmov s1;
	v17 =	vmov s3  }
0x318: {  	v19 =	vshll.u32 v16, $0x7;
	v18 =	vshll.u32 v17, $0xB  }
0x319: {  	v18 =	vadd.s32 v19, v18  }
0x31a: {  	v19 =	vor.u32 v0, v18;
	v15 =	vld.idx.msk [tilespmem:v15+s26+$0x0], $0xffff  }
0x31b: {  	v20 =	vor.u32 s11, v7;
	_ =	sdelay $0x3  }
0x31c: {  	v21 =	vld.msk [tilespmem:s0+$0x0 ss:$0x0], $0xffff;
	[tilespmem:v19+s17+$0x0] =	vst.idx.msk $0xffff, v15  }
0x31d: {  	v60 =	vor.u32 v8, v18;
	v15 =	vld.idx.msk [tilespmem:v20+s26+$0x0], $0xffff  }
0x31e: {  	v61 =	vor.u32 s11, v9;
	_ =	sdelay $0x3  }
0x31f: {  	[tilespmem:v60+s17+$0x0] =	vst.idx.msk $0xffff, v15  }
0x320: {  	v62 =	vor.u32 v10, v18;
	v15 =	vld.idx.msk [tilespmem:v61+s26+$0x0], $0xffff  }
0x321: {  	v63 =	vor.u32 s11, v11;
	_ =	sdelay $0x3  }
0x322: {  	v17 =	vshll.u32 v17, $0x7;
	[tilespmem:v62+s17+$0x0] =	vst.idx.msk $0xffff, v15;
	v15 =	vand.u32 $0xFFFFFF80, v16  }
0x323: {  	s1 =	sadd.s32 $0x1, s1;
	v18 =	vor.u32 v12, v18;
	v16 =	vand.u32 $0x7F, v16;
	v19 =	vld.idx.msk [tilespmem:v63+s26+$0x0], $0xffff;
	v15 =	vadd.s32 v15, v17  }
0x324: {  	p0 =	sne.s32 s1, $0x10;
	v15 =	vor.u32 v16, v15  }
.Ltmp53:
0x325: {  	_ = 	snop;
	(pc) =	sbr.rel @p0 .LBB2_71-.Ltmp53, $3  }
0x326: {  	_ =	sdelay $0x1  }
0x327: {  	[tilespmem:v18+s17+$0x0] =	vst.idx.msk $0xffff, v19  }
0x328: {  	[smem:$0x0] =	sst s1;
	[tilespmem:v15+s18+$0x0] =	vst.idx.msk $0x1, v21  }
0x329: {  	p0 =	seq.s32 s3, $0x1  }
0x32a: {  	p1 =	slt.s32 @!p0 s2, $0x2  }
0x32b: {  	p1 =	por p1, p0  }
0x32c: {  	s1 =	simm.s32 @!p1 $0x2  }
0x32d: {  	_ =	swait.ge @!p1 [sflag:s1], $0x800  }
0x32e: {  	s11 =	simm.s32 @!p0 $0x1F800;
	s19 =	simm.s32 @!p0 $0x1E800;
	[sflag:s1] =	ssyncset.done @!p1 $0x0  }
0x32f: {  	[sflag:s1] =	ssyncadd.s32 @!p1 $0xFFFFF800;
	s1 =	simm.s32 @!p0 $0x10;
	p1 =	seq.s32 @!p0 s3, $0x0  }
0x330: {  	[hbm4b:s6+s1] =	stream.indirect.scatter @!p0 [tilespmem:s19], [sflag:$0x2], $0x80, s11, s1, $0xb8;
	[tilespmem:$0x1F900] =	vst v63  }
0x331: {  	p0 =	por p0, !p1  }
.Ltmp54:
0x332: {  	_ = 	snop;
	(pc) =	sbr.rel @!p0 .LBB2_70-.Ltmp54, $1  }
0x333: {  	_ =	sdelay $0x3  }
0x334: {  	p0 =	slt.s32 s2, $0x2  }
.Ltmp55:
0x335: {  	s1 =	simm.s32 @!p0 $0x3;
	(pc) =	sbr.rel .LBB2_70-.Ltmp55, $4  }
0x336: {  	_ =	swait.ge @!p0 [sflag:s1], $0x800  }
0x337: {  	[sflag:s1] =	ssyncset.done @!p0 $0x0  }
0x338: {  	s19 =	simm.s32 $0x10;
	[sflag:s1] =	ssyncadd.s32 @!p0 $0xFFFFF800  }
0x339: {  	[hbm4b:s6+s19] =	stream.indirect.scatter [tilespmem:s21], [sflag:$0x3], $0x80, s20, s19, $0xb8;
	[tilespmem:$0x1F900] =	vst v63  }
.LBB2_72:
0x33a: {  	s0 =	sadd.s32 $0xC, s30  }
0x33b: {  	p0 =	sge.s32 s0, s31  }
0x33c: {  	v15 =	vld @!p0 [tilespmem:s0+$0x1E500];
	_ =	sdelay $0x4  }
0x33d: {  	(v2sf) =	vpush @!p0 v15, $0x0;
	_ =	sdelay $0xe  }
0x33e: {  	s0 =	spop @!p0 (v2sf)  }
0x33f: {  	s0 =	sadd.s32 @!p0 s5, s0  }
0x340: {  	s0 =	sshll.u32 @!p0 s0, $0x7  }
0x341: {  	s3 =	rddreg [dreg:$0x1];
	s7 =	simm.s32 @!p0 $0x7A1400;
	s0 =	sand.u32 @!p0 $0x1FFFFF80, s0  }
0x342: {  	s8 =	simm.s32 @!p0 $0x1A200;
	s0 =	sadd.s32 @!p0 s3, s0;
	s3 =	simm.s32 @!p0 $0x400  }
0x343: {  	[tilespmem:s8], [sflag:$0x1] =	stream.strided.gather @!p0 [hbm4b:s0+s3], $0x2000, s7, s3, $0x38;
	[tilespmem:$0x1F900] =	vst v63  }
.LBB2_73:
0x344: {  	s0 =	sadd.s32 $0x6, s30  }
0x345: {  	p0 =	sge.s32 s0, s31  }
.Ltmp56:
0x346: {  	_ = 	snop;
	(pc) =	sbr.rel @p0 .LBB2_82-.Ltmp56, $1  }
0x347: {  	_ =	sdelay $0x3  }
0x348: {  	s3 =	simm.s32 $0x1  }
0x349: {  	_ =	swait.ge [sflag:s3], $0x2000  }
0x34a: {  	[sflag:s3] =	ssyncset.done $0x0  }
0x34b: {  	[sflag:s3] =	ssyncadd.s32 $0xFFFFE000  }
0x34c: {  	v15 =	vld [tilespmem:s0+$0x1E680]  }
0x34d: {  	v16 =	vld [tilespmem:s30+$0x1E687];
	_ =	sdelay $0x3  }
0x34e: {  	(v2sf) =	vpush v15, $0x0  }
0x34f: {  	(v2sf) =	vpush v16, $0x0;
	_ =	sdelay $0xd  }
0x350: {  	s0 =	spop (v2sf)  }
0x351: {  	s3 =	spop (v2sf)  }
0x352: {  	p0 =	sle.s32 s3, s0  }
.Ltmp57:
0x353: {  	_ = 	snop;
	(pc) =	sbr.rel @p0 .LBB2_81-.Ltmp57, $1  }
0x354: {  	_ =	sdelay $0x3  }
.Ltmp58:
0x355: {  	(pc) =	sbr.rel .LBB2_76-.Ltmp58, $4  }
0x356: {  	_ = 	snop  }
0x357: {  	s7 =	sshll.u32 s0, $0x2  }
0x358: {  	s7 =	sshra.s32 s7, $0x2  }
0x359: {  	s8 =	ssub.s32 s3, s0;
	s0 =	sadd.s32 $0xC180, s7  }
.LBB2_79:
0x35a: {  	s2 =	sadd.s32 $0x1, s2  }
0x35b: {  	s1 =	simm.s32 $0x0;
	[smem:$0x1] =	sst s2  }
0x35c: {  	[smem:$0x0] =	sst s1  }
.LBB2_80:
0x35d: {  	s8 =	sadd.s32 $0xFFFFFFFF, s8  }
0x35e: {  	p0 =	sne.s32 s8, $0x0  }
.Ltmp59:
0x35f: {  	_ = 	snop;
	(pc) =	sbr.rel @!p0 .LBB2_81-.Ltmp59, $2  }
0x360: {  	_ =	sdelay $0x2  }
0x361: {  	s0 =	sadd.s32 $0x1, s0;
	s7 =	sadd.s32 $0x1, s7  }
.LBB2_76:
0x362: {  	v15 =	vld [tilespmem:s7+$0x0];
	_ =	sdelay $0x4  }
0x363: {  	(v2sf) =	vpush v15, $0x0;
	_ =	sdelay $0xe  }
0x364: {  	s3 =	spop (v2sf)  }
0x365: {  	s11 =	sand.u32 $0x7F, s3  }
0x366: {  	v15 =	vor.u32 s11, v2  }
0x367: {  	s3 =	sand.u32 $0x1, s2  }
0x368: {  	v16 =	vmov s1;
	v17 =	vmov s3  }
0x369: {  	v19 =	vshll.u32 v16, $0x7;
	v18 =	vshll.u32 v17, $0xB  }
0x36a: {  	v18 =	vadd.s32 v19, v18  }
0x36b: {  	v19 =	vor.u32 v0, v18;
	v15 =	vld.idx.msk [tilespmem:v15+s28+$0x0], $0xffff  }
0x36c: {  	v20 =	vor.u32 s11, v7;
	_ =	sdelay $0x3  }
0x36d: {  	v21 =	vld.msk [tilespmem:s0+$0x0 ss:$0x0], $0xffff;
	[tilespmem:v19+s17+$0x0] =	vst.idx.msk $0xffff, v15  }
0x36e: {  	v60 =	vor.u32 v8, v18;
	v15 =	vld.idx.msk [tilespmem:v20+s28+$0x0], $0xffff  }
0x36f: {  	v61 =	vor.u32 s11, v9;
	_ =	sdelay $0x3  }
0x370: {  	[tilespmem:v60+s17+$0x0] =	vst.idx.msk $0xffff, v15  }
0x371: {  	v62 =	vor.u32 v10, v18;
	v15 =	vld.idx.msk [tilespmem:v61+s28+$0x0], $0xffff  }
0x372: {  	v63 =	vor.u32 s11, v11;
	_ =	sdelay $0x3  }
0x373: {  	v17 =	vshll.u32 v17, $0x7;
	[tilespmem:v62+s17+$0x0] =	vst.idx.msk $0xffff, v15;
	v15 =	vand.u32 $0xFFFFFF80, v16  }
0x374: {  	s1 =	sadd.s32 $0x1, s1;
	v18 =	vor.u32 v12, v18;
	v16 =	vand.u32 $0x7F, v16;
	v19 =	vld.idx.msk [tilespmem:v63+s28+$0x0], $0xffff;
	v15 =	vadd.s32 v15, v17  }
0x375: {  	p0 =	sne.s32 s1, $0x10;
	v15 =	vor.u32 v16, v15  }
.Ltmp60:
0x376: {  	_ = 	snop;
	(pc) =	sbr.rel @p0 .LBB2_80-.Ltmp60, $3  }
0x377: {  	_ =	sdelay $0x1  }
0x378: {  	[tilespmem:v18+s17+$0x0] =	vst.idx.msk $0xffff, v19  }
0x379: {  	[smem:$0x0] =	sst s1;
	[tilespmem:v15+s18+$0x0] =	vst.idx.msk $0x1, v21  }
0x37a: {  	p0 =	seq.s32 s3, $0x1  }
0x37b: {  	p1 =	slt.s32 @!p0 s2, $0x2  }
0x37c: {  	p1 =	por p1, p0  }
0x37d: {  	s1 =	simm.s32 @!p1 $0x2  }
0x37e: {  	_ =	swait.ge @!p1 [sflag:s1], $0x800  }
0x37f: {  	s11 =	simm.s32 @!p0 $0x1F800;
	s19 =	simm.s32 @!p0 $0x1E800;
	[sflag:s1] =	ssyncset.done @!p1 $0x0  }
0x380: {  	[sflag:s1] =	ssyncadd.s32 @!p1 $0xFFFFF800;
	s1 =	simm.s32 @!p0 $0x10;
	p1 =	seq.s32 @!p0 s3, $0x0  }
0x381: {  	[hbm4b:s6+s1] =	stream.indirect.scatter @!p0 [tilespmem:s19], [sflag:$0x2], $0x80, s11, s1, $0xb8;
	[tilespmem:$0x1F900] =	vst v63  }
0x382: {  	p0 =	por p0, !p1  }
.Ltmp61:
0x383: {  	_ = 	snop;
	(pc) =	sbr.rel @!p0 .LBB2_79-.Ltmp61, $1  }
0x384: {  	_ =	sdelay $0x3  }
0x385: {  	p0 =	slt.s32 s2, $0x2  }
.Ltmp62:
0x386: {  	s1 =	simm.s32 @!p0 $0x3;
	(pc) =	sbr.rel .LBB2_79-.Ltmp62, $4  }
0x387: {  	_ =	swait.ge @!p0 [sflag:s1], $0x800  }
0x388: {  	[sflag:s1] =	ssyncset.done @!p0 $0x0  }
0x389: {  	s19 =	simm.s32 $0x10;
	[sflag:s1] =	ssyncadd.s32 @!p0 $0xFFFFF800  }
0x38a: {  	[hbm4b:s6+s19] =	stream.indirect.scatter [tilespmem:s21], [sflag:$0x3], $0x80, s20, s19, $0xb8;
	[tilespmem:$0x1F900] =	vst v63  }
.LBB2_83:
0x38b: {  	p0 =	slt.s32 s1, $0x1  }
0x38c: {  	s0 =	sand.u32 @!p0 $0x1, s2  }
0x38d: {  	p2 =	seq.s32 @!p0 s0, $0x1  }
0x38e: {  	p1 =	por p2, p0  }
0x38f: {  	v15 =	vlaneseq.u32 @!p1;
	p3 =	slt.s32 @!p1 s2, $0x2  }
0x390: {  	v16 =	vmov @!p1 s1;
	v17 =	vadd.s32 @!p1 $0x1, v15;
	p3 =	por @!p0 p3, p2  }
0x391: {  	vm0 =	vlt.s32 @!p1 v16, v17;
	p3 =	por p3, p0  }
0x392: {  	s3 =	simm.s32 @!p3 $0x2  }
0x393: {  	_ =	swait.ge @!p3 [sflag:s3], $0x800  }
0x394: {  	[sflag:s3] =	ssyncset.done @!p3 $0x0  }
0x395: {  	[sflag:s3] =	ssyncadd.s32 @!p3 $0xFFFFF800;
	p3 =	seq.s32 @!p1 s0, $0x0  }
0x396: {  	v16 =	vimm.s32 @!p1 $0x4000;
	s3 =	simm.s32 @!p1 $0x1F800;
	p2 =	por @!p0 p2, !p3  }
0x397: {  	s7 =	simm.s32 @!p1 $0x10;
	s8 =	simm.s32 @!p1 $0x1E800;
	[tilespmem:v15+s3+$0x0] =	vst.idx.msk @!p1 vm0, v16;
	p0 =	por p0, !p2  }
0x398: {  	[hbm4b:s6+s7] =	stream.indirect.scatter @!p1 [tilespmem:s8], [sflag:$0x4], $0x80, s3, s7, $0xb8;
	[tilespmem:$0x1F900] =	vst v63  }
.Ltmp63:
0x399: {  	_ = 	snop;
	(pc) =	sbr.rel @p0 .LBB2_85-.Ltmp63, $4  }
0x39a: {  	s3 =	simm.s32 @!p1 $0x4  }
0x39b: {  	_ =	swait.ge @!p1 [sflag:s3], $0x800  }
0x39c: {  	[sflag:s3] =	ssyncset.done @!p1 $0x0  }
0x39d: {  	[sflag:s3] =	ssyncadd.s32 @!p1 $0xFFFFF800  }
0x39e: {  	v15 =	vmov s1  }
0x39f: {  	vm0 =	vlt.s32 v15, v13  }
0x3a0: {  	p0 =	slt.s32 s2, $0x2  }
0x3a1: {  	s0 =	simm.s32 @!p0 $0x3  }
0x3a2: {  	_ =	swait.ge @!p0 [sflag:s0], $0x800  }
0x3a3: {  	[sflag:s0] =	ssyncset.done @!p0 $0x0  }
0x3a4: {  	[sflag:s0] =	ssyncadd.s32 @!p0 $0xFFFFF800  }
0x3a5: {  	s30 =	simm.s32 $0x10;
	s31 =	simm.s32 $0x4;
	[tilespmem:v14+s18+$0x0] =	vst.idx.msk vm0, v4  }
0x3a6: {  	[hbm4b:s6+s30] =	stream.indirect.scatter [tilespmem:s21], [sflag:$0x4], $0x80, s20, s30, $0xb8;
	[tilespmem:$0x1F900] =	vst v63  }
0x3a7: {  	_ =	swait.ge [sflag:s31], $0x800  }
0x3a8: {  	[sflag:s31] =	ssyncset.done $0x0  }
0x3a9: {  	[sflag:s31] =	ssyncadd.s32 $0xFFFFF800  }
.LBB2_85:
0x3aa: {  	p0 =	slt.s32 s2, $0x1  }
.Ltmp64:
0x3ab: {  	_ = 	snop;
	(pc) =	sbr.rel @p0 .LBB2_88-.Ltmp64, $2  }
0x3ac: {  	_ =	sdelay $0x2  }
0x3ad: {  	s3 =	rddreg [dreg:$0x5]  }
0x3ae: {  	p0 =	sne.s32 s2, $0x1;
	p1 =	seq.s32 s1, $0x0;
	s0 =	sand.u32 $0x1, s2  }
0x3af: {  	p0 =	por !p0, !p1;
	p1 =	seq.s32 s0, $0x0  }
0x3b0: {  	s0 =	simm.s32 @p1 $0x3  }
0x3b1: {  	_ =	swait.ge @p1 [sflag:s0], $0x800  }
0x3b2: {  	p0 =	por !p0, !p0;
	[sflag:s0] =	ssyncset.done @p1 $0x0  }
.Ltmp65:
0x3b3: {  	[sflag:s0] =	ssyncadd.s32 @p1 $0xFFFFF800;
	s0 =	simm.s32 @p1 $0x2;
	(pc) =	sbr.rel @!p0 .LBB2_88-.Ltmp65, $4  }
0x3b4: {  	s0 =	simm.s32 @!p1 $0x2  }
0x3b5: {  	_ =	swait.ge @!p1 [sflag:s0], $0x800  }
0x3b6: {  	[sflag:s0] =	ssyncset.done @!p1 $0x0  }
0x3b7: {  	s3 =	rddreg [dreg:$0x5];
	[sflag:s0] =	ssyncadd.s32 @!p1 $0xFFFFF800;
	s0 =	simm.s32 @!p1 $0x3  }
.Ltmp66:
0x3b8: {  	(pc) =	sbr.rel .LBB2_88-.Ltmp66, $4  }
0x3b9: {  	_ = 	snop  }
0x3ba: {  	_ =	swait.ge [sflag:s0], $0x800  }
0x3bb: {  	[sflag:s0] =	ssyncset.done $0x0  }
0x3bc: {  	[sflag:s0] =	ssyncadd.s32 $0xFFFFF800  }
.LBB2_5:
.Ltmp67:
0x3bd: {  	(pc) =	sbr.rel .LBB2_9-.Ltmp67, $2  }
0x3be: {  	_ =	sdelay $0x2  }
0x3bf: {  	s2 =	simm.s32 $0x0  }
.LBB2_7:
.Ltmp68:
0x3c0: {  	(pc) =	sbr.rel .LBB2_9-.Ltmp68, $2  }
0x3c1: {  	_ =	sdelay $0x2  }
0x3c2: {  	s2 =	simm.s32 $0x0  }
.LBB2_89:
0x3c3: {  	_ =	sfence.sel $0x180000  }
0x3c4: {  	[bflag:$0x0] =	sbarrier.arrive $0xFFFF  }
0x3c5: {  	_ =	strace $0x90000047  }
0x3c6: {  	s0 =	stileid.u32;
	[bflag:$0x2] =	sbarrier.arrive $0xFFFF  }
0x3c7: {  	p0 =	sne.s32 s0, $0x0;
	s0 =	rddreg [dreg:$0x3]  }
0x3c8: {  	s0 =	sadd.s32 @!p0 $0x100000, s0  }
0x3c9: {  	[sflag:s0] =	ssyncadd.tile.s32 @!p0 $0x1;
	_ =	shalt  }
.Lfunc_end2:
_tile_overlayer_lowered:
.L_overlay_start_2:
0x3ca: {  	(tag) =	ssettag $0x2  }
0x3cb: {  	s0 =	rddreg [dreg:$0x0];
	s2 =	stileid.u32  }
0x3cc: {  	s1 =	rddreg [dreg:$0x1];
	p0 =	sne.s32 s2, $0x0  }
0x3cd: {  	s3 =	rddreg [dreg:$0x2];
	[bflag:$0x3] =	sbarrier.arrive $0xFFFF;
	s2 =	simm.s32 @!p0 $0x1C04  }
0x3ce: {  	[timem:s3], [sflag:s2] =	dma.local @!p0 [hbm:s0], s1  }
0x3cf: {  	s0 =	simm.s32 @!p0 $0x4  }
0x3d0: {  	_ =	swait.ge @!p0 [sflag:s0], s1  }
0x3d1: {  	s1 =	ssub.s32 @!p0 $0x0, s1;
	[sflag:s0] =	ssyncset.done @!p0 $0x0  }
0x3d2: {  	[sflag:s0] =	ssyncadd.s32 @!p0 s1  }
0x3d3: {  	[bflag:$0x3] =	sbarrier.arrive $0xFFFF  }
0x3d4: {  	_ =	shalt  }

// kernel: kernel.7.cloned.1.call-start
scs
__scs_entry_jumppad:
0x0: {  	(pc) =	sbr.rel $0x88, $3  }
0x1: {  	(tag) =	ssettag $0x0;
	lr =	simm.s32 $0x1  }
0x2: {  	[smem:$0x3F9F] =	sst lr;
	_ =	strace $0xD0000000  }
0x3: {  	_ = 	snop  }
0x4: {  	_ = 	snop  }
0x5: {  	_ = 	snop  }
0x6: {  	_ = 	snop  }
0x7: {  	_ = 	snop  }
__scs_overlays_trampoline_lowered:
0x8: {  	[smem:$0x3FAE] =	sst s0  }
0x9: {  	[smem:$0x3FAF] =	sst s1  }
0xa: {  	[smem:$0x3FB0] =	sst s2  }
0xb: {  	[smem:$0x3FB1] =	sst s3  }
0xc: {  	[smem:$0x3FB2] =	sst s4  }
0xd: {  	[smem:$0x3FB3] =	sst s5  }
0xe: {  	[smem:$0x3FB4] =	sst s6  }
0xf: {  	[smem:$0x3FB5] =	sst s7  }
0x10: {  	[smem:$0x3FB6] =	sst s8  }
0x11: {  	[smem:$0x3FB7] =	sst s9;
	s0 =	simm.s32 @!p0 $0x0  }
0x12: {  	s1 =	sld [smem:$0x3F9D];
	s0 =	simm.s32 @p0 $0x1  }
0x13: {  	[smem:$0x3FB8] =	sst s0;
	s0 =	simm.s32 @!p1 $0x0  }
0x14: {  	s2 =	sld [smem:$0x3F9C];
	s0 =	simm.s32 @p1 $0x1  }
0x15: {  	[smem:$0x3FB9] =	sst s0;
	s0 =	simm.s32 @!p2 $0x0  }
0x16: {  	s3 =	sld [smem:$0x3FDB];
	s0 =	simm.s32 @p2 $0x1  }
0x17: {  	s4 =	simm.s32 $0x1BF5;
	[smem:$0x3FBB] =	sst s0  }
0x18: {  	s0 =	sld [smem:$0x3F9E];
	_ =	swait.ge [sflag:s4], $0x0  }
0x19: {  	s7 =	sld [smem:$0x3F9F]  }
0x1a: {  	s8 =	sadd.s32 $0xFFFFE003, lr  }
0x1b: {  	s9 =	sadd.s32 $0xFFFFFEF7, lr;
	s5 =	simm.s32 $0xFFFFFFFF;
	p2 =	slt.u32 s8, $0xFFFFF086  }
0x1c: {  	p1 =	slt.u32 s9, $0xF7A;
	s5 =	simm.s32 @!p2 $0x0  }
0x1d: {  	s5 =	simm.s32 @p1 $0x1;
	p0 =	seq.s32 s7, s2  }
0x1e: {  	s7 =	smul.u32 @!p0 $0xF7A, s2;
	p2 =	seq.s32 @!p0 s5, $0x0  }
0x1f: {  	s9 =	smul.u32 $0xF7A, s1;
	s8 =	simm.s32 @!p0 $0x1BF5;
	p2 =	por !p2, p0  }
0x20: {  	[sflag:s8] =	ssyncset.s32 @!p0 $0xFFFFF086;
	s6 =	sadd.s32 @!p0 s3, s7;
	s7 =	simm.s32 @!p0 $0x108  }
0x21: {  	s3 =	sadd.s32 s3, s9;
	s6 =	sadd.s32 @!p0 $0x88, s6;
	s7 =	simm.s32 @p2 $0x1082  }
0x22: {  	[simem:s7], [sflag:s8] =	dma.local @!p0 [hbm:s6], $0xF7A  }
0x23: {  	s9 =	sor.u32 $0xD0000000, s2;
	s6 =	simm.s32 $0x108;
	_ =	swait.ge @!p0 [sflag:s8], $0x0  }
0x24: {  	s3 =	sadd.s32 $0x88, s3;
	s6 =	simm.s32 @!p1 $0x1082;
	[sflag:s4] =	ssyncset.s32 $0xFFFFF086  }
0x25: {  	[simem:s6], [sflag:s4] =	dma.local [hbm:s3], $0xF7A  }
0x26: {  	[smem:$0x3F9F] =	sst s1;
	(tag) =	ssettag s2;
	_ =	strace s9  }
0x27: {  	s1 =	sld [smem:$0x3FAF]  }
0x28: {  	s2 =	sld [smem:$0x3FB0]  }
0x29: {  	s4 =	sld [smem:$0x3FB2]  }
0x2a: {  	p0 =	seq.s32 s5, $0x0;
	s5 =	sld [smem:$0x3FB3]  }
0x2b: {  	s6 =	sld [smem:$0x3FB4]  }
0x2c: {  	s7 =	sld [smem:$0x3FB5]  }
0x2d: {  	s3 =	simm.s32 $0x108;
	s8 =	sld [smem:$0x3FB6]  }
0x2e: {  	s3 =	simm.s32 @!p0 $0x1082;
	s9 =	sld [smem:$0x3FB7]  }
0x2f: {  	lr =	sadd.s32 s0, s3;
	s0 =	sld [smem:$0x3FAE]  }
0x30: {  	s3 =	sld [smem:$0x3FB1]  }
0x31: {  	[smem:$0x3FBA] =	sst s10  }
0x32: {  	s10 =	sld [smem:$0x3FB8];
	_ =	sdelay $0x3  }
0x33: {  	p0 =	seq.s32 s10, $0x1;
	s10 =	sld [smem:$0x3FBA];
	_ =	sdelay $0x3  }
0x34: {  	[smem:$0x3FBA] =	sst s10  }
0x35: {  	s10 =	sld [smem:$0x3FB9];
	_ =	sdelay $0x3  }
0x36: {  	p1 =	seq.s32 s10, $0x1;
	s10 =	sld [smem:$0x3FBA];
	_ =	sdelay $0x3  }
0x37: {  	[smem:$0x3FBA] =	sst s10  }
0x38: {  	s10 =	sld [smem:$0x3FBB]  }
0x39: {  	_ = 	snop;
	(pc) =	sbr.ind lr, $3  }
0x3a: {  	_ = 	snop  }
0x3b: {  	_ = 	snop  }
0x3c: {  	p2 =	seq.s32 s10, $0x1;
	s10 =	sld [smem:$0x3FBA]  }
0x3d: {  	_ =	shalt  }
0x3e: {  	_ =	shalt  }
0x3f: {  	_ =	shalt  }
0x40: {  	_ =	shalt  }
0x41: {  	_ =	shalt  }
0x42: {  	_ =	shalt  }
0x43: {  	_ =	shalt  }
0x44: {  	_ =	shalt  }
0x45: {  	_ =	shalt  }
0x46: {  	_ =	shalt  }
0x47: {  	_ =	shalt  }
0x48: {  	_ =	shalt  }
0x49: {  	_ =	shalt  }
0x4a: {  	_ =	shalt  }
0x4b: {  	_ =	shalt  }
0x4c: {  	_ =	shalt  }
0x4d: {  	_ =	shalt  }
0x4e: {  	_ =	shalt  }
0x4f: {  	_ =	shalt  }
0x50: {  	_ =	shalt  }
0x51: {  	_ =	shalt  }
0x52: {  	_ =	shalt  }
0x53: {  	_ =	shalt  }
0x54: {  	_ =	shalt  }
0x55: {  	_ =	shalt  }
0x56: {  	_ =	shalt  }
0x57: {  	_ =	shalt  }
0x58: {  	_ =	shalt  }
0x59: {  	_ =	shalt  }
0x5a: {  	_ =	shalt  }
0x5b: {  	_ =	shalt  }
0x5c: {  	_ =	shalt  }
0x5d: {  	_ =	shalt  }
0x5e: {  	_ =	shalt  }
0x5f: {  	_ =	shalt  }
0x60: {  	_ =	shalt  }
0x61: {  	_ =	shalt  }
0x62: {  	_ =	shalt  }
0x63: {  	_ =	shalt  }
0x64: {  	_ =	shalt  }
0x65: {  	_ =	shalt  }
0x66: {  	_ =	shalt  }
0x67: {  	_ =	shalt  }
0x68: {  	_ =	shalt  }
0x69: {  	_ =	shalt  }
0x6a: {  	_ =	shalt  }
0x6b: {  	_ =	shalt  }
0x6c: {  	_ =	shalt  }
0x6d: {  	_ =	shalt  }
0x6e: {  	_ =	shalt  }
0x6f: {  	_ =	shalt  }
0x70: {  	_ =	shalt  }
0x71: {  	_ =	shalt  }
0x72: {  	_ =	shalt  }
0x73: {  	_ =	shalt  }
0x74: {  	_ =	shalt  }
0x75: {  	_ =	shalt  }
0x76: {  	_ =	shalt  }
0x77: {  	_ =	shalt  }
0x78: {  	_ =	shalt  }
0x79: {  	_ =	shalt  }
0x7a: {  	_ =	shalt  }
0x7b: {  	_ =	shalt  }
0x7c: {  	_ =	shalt  }
0x7d: {  	_ =	shalt  }
0x7e: {  	_ =	shalt  }
0x7f: {  	_ =	shalt  }
0x80: {  	_ =	shalt  }
0x81: {  	_ =	shalt  }
0x82: {  	_ =	shalt  }
0x83: {  	_ =	shalt  }
0x84: {  	_ =	shalt  }
0x85: {  	_ =	shalt  }
0x86: {  	_ =	shalt  }
0x87: {  	_ =	shalt  }
.Lfunc_end0:
.L_simem_size_0:
called_computation.1_lowered:
.L_overlay_start_0:
0x88: {  	s2 =	sld [smem:$0x3FD9]  }
0x89: {  	s3 =	sld [smem:$0x3FFE];
	_ =	sdelay $0x1  }
0x8a: {  	s1 =	srdreg.scid  }
0x8b: {  	s0 =	sand.u32 $0x1, s1  }
0x8c: {  	s17 =	sshll.u32 s0, $0xA;
	s2 =	sadd.s32 s3, s2  }
0x8d: {  	s2 =	sadd.s32 s2, s17  }
0x8e: {  	[smem:$0x3FC6] =	sst s2  }
0x8f: {  	_ = 	snop  }
0x90: {  	s2 =	sld [smem:$0x3FD0];
	(tm) =	ssettm $0x1  }
0x91: {  	s18 =	sld [smem:$0x3FFB];
	_ =	sdelay $0x3  }
0x92: {  	_ =	strace s18  }
0x93: {  	s3 =	sld [smem:$0x3FFC];
	_ =	sdelay $0x3  }
0x94: {  	_ =	strace s3  }
0x95: {  	s3 =	sld [smem:$0x3FFD];
	_ =	sdelay $0x3  }
0x96: {  	_ =	strace s3  }
0x97: {  	_ =	strace $0x8FFFFFFF  }
0x98: {  	s19 =	sld [smem:$0x3FDB];
	_ =	sdelay $0x1  }
0x99: {  	s4 =	simm.s32 $_scs_section_size  }
0x9a: {  	s5 =	simm.s32 $_size__tile_overlayer_lowered;
	s6 =	simm.s32 $_tile_overlayer_lowered  }
0x9b: {  	s22 =	simm.s32 $0x1BFF;
	s21 =	sshll.u32 s6, $0x1;
	s3 =	sadd.s32 s4, s19  }
0x9c: {  	s7 =	simm.s32 $0x0;
	s20 =	sshll.u32 s5, $0x1;
	s5 =	sadd.s32 s21, s3  }
0x9d: {  	[timem:s7], [sflag:s22] =	dma.local [hbm:s5], s20  }
0x9e: {  	_ =	swait.ge [sflag:s22], s20  }
0x9f: {  	s4 =	ssub.s32 $0x0, s20;
	[sflag:s22] =	ssyncset.done $0x0  }
0xa0: {  	[sflag:s22] =	ssyncadd.s32 s4;
	_ =	sdelay $0x1  }
0xa1: {  	s23 =	simm.s32 $0x1B8B  }
0xa2: {  	_ =	swait.ge [sflag:s23], $0x1  }
0xa3: {  	[sflag:s23] =	ssyncset.done $0x0  }
0xa4: {  	s25 =	simm.s32 $0x1B8E;
	s24 =	sld [smem:$0x3FFE];
	[sflag:s23] =	ssyncadd.s32 $0xFFFFFFFF  }
0xa5: {  	s26 =	simm.s32 $execute0_lowered;
	[smem:$0x3FD2] =	sst s25  }
0xa6: {  	s5 =	sshll.u32 s26, $0x1;
	_ =	strace $0x80000049;
	[dreg:$0x1] =	wrdreg $0xFFFFFFFF  }
0xa7: {  	s28 =	simm.s32 $_size_execute0_lowered;
	s3 =	sadd.s32 s3, s5;
	[dreg:$0x0] =	wrdreg $0x0  }
0xa8: {  	s5 =	sshll.u32 s28, $0x1;
	[dreg:$0x2] =	wrdreg s3  }
0xa9: {  	[dreg:$0x3] =	wrdreg s5  }
0xaa: {  	[dreg:$0x4] =	wrdreg $0xC0  }
0xab: {  	_ =	task [dreg:s7], $0x5FFFF  }
0xac: {  	[dreg:$0x1] =	wrdreg $0xFFFFFFFF  }
0xad: {  	[dreg:$0x0] =	wrdreg $0x60  }
0xae: {  	[dreg:$0x2] =	wrdreg s24  }
0xaf: {  	[dreg:$0x3] =	wrdreg s2  }
0xb0: {  	[dreg:$0x4] =	wrdreg $0x9  }
0xb1: {  	_ =	task.clear_ibuf [dreg:s7], $0x5FFFF;
	_ =	strace $0x90000049  }
0xb2: {  	s29 =	simm.s32 $0x9;
	_ =	strace $0x8000004B  }
0xb3: {  	_ =	swait.ge [sflag:s29], $0x1  }
0xb4: {  	[sflag:s29] =	ssyncadd.s32 $0xFFFFFFFF  }
0xb5: {  	_ =	strace $0x9000004B  }
0xb6: {  	_ =	sfence  }
0xb7: {  	s30 =	sld [smem:$0x0];
	_ =	sdelay $0x2  }
0xb8: {  	s31 =	sshll.u32 s1, $0xD;
	s1 =	sshrl.u32 s1, $0x2  }
0xb9: {  	s3 =	sand.u32 $0x4000, s31;
	s1 =	sadd.s32 s1, s30  }
0xba: {  	s0 =	sor.u32 s3, s0;
	s1 =	sshll.u32 s1, $0x11  }
0xbb: {  	s0 =	sor.u32 s1, s0  }
0xbc: {  	s0 =	sadd.s32 $0x8F2B, s0  }
0xbd: {  	[sflag:s0] =	ssyncadd.remote.s32 $0x1  }
0xbe: {  	_ =	sfence.sel $0xFFFF  }
0xbf: {  	[dreg:$0x0] =	wrdreg $0xFFFFFFFF;
	(pc) =	sbr.abs _section_cstart, $3  }
0xc0: {  	[dreg:$0x1] =	wrdreg $0xFFFFFFFF  }
0xc1: {  	_ =	task.clear_ibuf [dreg:s7], $0x2FFFF;
	_ =	strace $0x9FFFFFFF  }
0xc2: {  	(tm) =	ssettm $0x7FFFFFFF  }
0xc3: {  	_ =	shalt  }
tec
execute0_lowered:
.L_overlay_start_1:
0x0: {  	(tag) =	ssettag $0x1  }
0x1: {  	v0 =	vlaneseq.u32  }
0x2: {  	v3 =	vmul.u32 $0x80, v0;
	v4 =	vor.u32 $0x10, v0;
	v10 =	vor.u32 $0x40, v0  }
0x3: {  	v11 =	vor.u32 $0x50, v0;
	v13 =	vor.u32 $0x60, v0;
	v8 =	vor.u32 $0x70, v0  }
0x4: {  	v19 =	vor.u32 $0x2000, v0;
	v16 =	vor.u32 $0x2010, v0;
	v21 =	vor.u32 $0x2020, v0  }
0x5: {  	v23 =	vor.u32 $0x2030, v0;
	v25 =	vor.u32 $0x2040, v0;
	v27 =	vor.u32 $0x2050, v0  }
0x6: {  	v29 =	vor.u32 $0x2060, v0;
	v31 =	vor.u32 $0x2070, v0;
	v33 =	vor.u32 $0x4000, v0  }
0x7: {  	s3 =	rddreg [dreg:$0x0];
	v35 =	vor.u32 $0x4010, v0;
	v37 =	vor.u32 $0x4020, v0;
	v39 =	vor.u32 $0x4030, v0  }
0x8: {  	s10 =	rddreg [dreg:$0x1];
	v41 =	vor.u32 $0x4040, v0;
	v43 =	vor.u32 $0x4050, v0;
	v45 =	vor.u32 $0x4060, v0  }
0x9: {  	s0 =	rddreg [dreg:$0x2];
	s4 =	srdreg.scid;
	v47 =	vor.u32 $0x4070, v0;
	v49 =	vor.u32 $0x6000, v0;
	v51 =	vor.u32 $0x6010, v0  }
0xa: {  	s2 =	simm.s32 $0x0;
	s1 =	stileid.u32;
	s14 =	simm.s32 $0xC000;
	v53 =	vor.u32 $0x6020, v0;
	v55 =	vor.u32 $0x6030, v0;
	v57 =	vor.u32 $0x6040, v0  }
0xb: {  	s16 =	simm.s32 $0x10000;
	s17 =	simm.s32 $0x400;
	s18 =	simm.s32 $0x20000;
	v59 =	vor.u32 $0x6050, v0;
	v61 =	vor.u32 $0x6060, v0;
	v1 =	vor.u32 $0x800, v3  }
0xc: {  	s15 =	simm.s32 $0x1;
	s19 =	simm.s32 $0x12000;
	s20 =	simm.s32 $0x14000;
	v63 =	vor.u32 $0x6070, v0;
	v6 =	vor.u32 $0x1000, v3;
	[tilespmem:$0x1FF50] =	vst v1;
	v1 =	vor.u32 $0x20, v0  }
0xd: {  	s21 =	simm.s32 $0x16000;
	s4 =	sand.u32 $0x1, s4;
	[smem:$0x7FF] =	sst s2;
	v5 =	vor.u32 $0x1800, v3;
	v9 =	vor.u32 $0x2000, v3;
	[tilespmem:$0x1FF60] =	vst v1;
	v1 =	vor.u32 $0x30, v0  }
0xe: {  	s22 =	simm.s32 $0x0;
	s5 =	sshll.u32 s1, $0xA;
	s6 =	sshll.u32 s4, $0x9;
	v7 =	vor.u32 $0x2800, v3;
	v12 =	vor.u32 $0x3000, v3;
	v14 =	vor.u32 $0x3800, v3;
	[tilespmem:$0x1FF70] =	vst v1  }
0xf: {  	s4 =	ssub.s32 $0x2, s4;
	v17 =	vor.u32 $0x4000, v3;
	v15 =	vor.u32 $0x4800, v3;
	v20 =	vor.u32 $0x5000, v3;
	s7 =	sor.u32 s6, s5;
	_ =	strace $0x8000004A;
	[tilespmem:$0x1FF80] =	vst v3  }
0x10: {  	s28 =	sadd.s32 $0x800, s3;
	v22 =	vor.u32 $0x5800, v3;
	v24 =	vor.u32 $0x6000, v3;
	v26 =	vor.u32 $0x6800, v3;
	s29 =	sshrl.u32 s4, $0x1;
	s5 =	sshll.u32 s7, $0x4;
	[tilespmem:$0x1FF90] =	vst v5  }
0x11: {  	v28 =	vor.u32 $0x7000, v3;
	v30 =	vor.u32 $0x7800, v3;
	v32 =	vor.u32 $0x8000, v3;
	s11 =	ssub.s32 s4, s29;
	s8 =	sor.u32 $0x80, s7;
	s9 =	sor.u32 $0x100, s7;
	[tilespmem:$0x1FFA0] =	vst v7  }
0x12: {  	v34 =	vor.u32 $0x8800, v3;
	v36 =	vor.u32 $0x9000, v3;
	v38 =	vor.u32 $0x9800, v3;
	s12 =	sor.u32 $0x180, s7;
	s7 =	sadd.s32 s10, s7;
	s3 =	sadd.s32 s28, s5;
	[tilespmem:$0x1FFB0] =	vst v8  }
0x13: {  	v40 =	vor.u32 $0xA000, v3;
	v42 =	vor.u32 $0xA800, v3;
	v44 =	vor.u32 $0xB000, v3;
	s30 =	sshll.u32 s8, $0x4;
	s31 =	sshll.u32 s9, $0x4;
	s13 =	sshll.u32 s12, $0x4;
	[tilespmem:$0x1FFC0] =	vst v17  }
0x14: {  	v46 =	vor.u32 $0xB800, v3;
	v48 =	vor.u32 $0xC000, v3;
	v50 =	vor.u32 $0xC800, v3;
	s8 =	sadd.s32 s10, s8;
	s9 =	sadd.s32 s10, s9;
	s10 =	sadd.s32 s10, s12;
	[tilespmem:$0x1FFD0] =	vst v19  }
0x15: {  	v52 =	vor.u32 $0xD000, v3;
	v54 =	vor.u32 $0xD800, v3;
	v56 =	vor.u32 $0xE000, v3;
	s11 =	smax.u32 s11, $0x1;
	s12 =	simm.s32 $0x4000;
	s4 =	sadd.s32 s28, s30;
	[tilespmem:$0x1FFE0] =	vst v15  }
0x16: {  	v58 =	vor.u32 $0xE800, v3;
	v60 =	vor.u32 $0xF000, v3;
	v62 =	vor.u32 $0xF800, v3;
	s5 =	sadd.s32 s28, s31;
	s6 =	sadd.s32 s28, s13;
	s13 =	simm.s32 $0x8000;
	[tilespmem:$0x1FFF0] =	vst v16  }
.LBB2_1:
0x17: {  	[tilespmem:s2], [sflag:$0x1] =	stream.linear.gather [hbm4b:s3+s2], $0x4000, $0x38;
	[tilespmem:$0x18000] =	vst v63  }
0x18: {  	_ = 	snop  }
0x19: {  	[tilespmem:s12], [sflag:$0x1] =	stream.linear.gather [hbm4b:s4+s2], $0x4000, $0x38;
	[tilespmem:$0x18000] =	vst v63  }
0x1a: {  	_ = 	snop  }
0x1b: {  	[tilespmem:s13], [sflag:$0x1] =	stream.linear.gather [hbm4b:s5+s2], $0x4000, $0x38;
	[tilespmem:$0x18000] =	vst v63  }
0x1c: {  	_ = 	snop  }
0x1d: {  	[tilespmem:s14], [sflag:$0x1] =	stream.linear.gather [hbm4b:s6+s2], $0x4000, $0x38;
	[tilespmem:$0x18000] =	vst v63  }
0x1e: {  	v0 =	vor.u32 s2, v3;
	_ =	swait.ge [sflag:s15], $0x4000  }
0x1f: {  	v17 =	vld [tilespmem:$0x1FF50];
	_ =	sdelay $0x1  }
0x20: {  	v1 =	vmov s2;
	[sflag:s15] =	ssyncset.done $0x0  }
0x21: {  	v19 =	vlaneseq.u32;
	v1 =	vshll.u32 v1, $0x7;
	[sflag:s15] =	ssyncadd.s32 $0xFFFFC000  }
0x22: {  	v2 =	vor.u32 v19, v1;
	v15 =	vld.idx.msk [tilespmem:v0+s2+$0x0], $0xffff  }
0x23: {  	v0 =	vor.u32 s2, v17;
	_ =	sdelay $0x3  }
0x24: {  	[tilespmem:v2+s16+$0x0] =	vst.idx.msk $0xffff, v15  }
0x25: {  	v2 =	vor.u32 v4, v1;
	v15 =	vld.idx.msk [tilespmem:v0+s2+$0x0], $0xffff;
	_ =	sdelay $0x4  }
0x26: {  	v0 =	vor.u32 s2, v6;
	[tilespmem:v2+s16+$0x0] =	vst.idx.msk $0xffff, v15;
	v15 =	vld [tilespmem:$0x1FF60];
	_ =	sdelay $0x4  }
0x27: {  	v16 =	vld.idx.msk [tilespmem:v0+s2+$0x0], $0xffff;
	v2 =	vor.u32 v15, v1;
	_ =	sdelay $0x4  }
0x28: {  	v0 =	vor.u32 s2, v5;
	[tilespmem:v2+s16+$0x0] =	vst.idx.msk $0xffff, v16;
	v16 =	vmov v11;
	v11 =	vld [tilespmem:$0x1FF70];
	_ =	sdelay $0x4  }
0x29: {  	v18 =	vld.idx.msk [tilespmem:v0+s2+$0x0], $0xffff;
	v2 =	vor.u32 v11, v1  }
0x2a: {  	v0 =	vor.u32 s2, v9;
	_ =	sdelay $0x3  }
0x2b: {  	[tilespmem:v2+s16+$0x0] =	vst.idx.msk $0xffff, v18  }
0x2c: {  	v2 =	vor.u32 v10, v1;
	v18 =	vld.idx.msk [tilespmem:v0+s2+$0x0], $0xffff  }
0x2d: {  	v0 =	vor.u32 s2, v7;
	_ =	sdelay $0x3  }
0x2e: {  	[tilespmem:v2+s16+$0x0] =	vst.idx.msk $0xffff, v18  }
0x2f: {  	v2 =	vor.u32 v16, v1;
	v18 =	vld.idx.msk [tilespmem:v0+s2+$0x0], $0xffff  }
0x30: {  	v0 =	vor.u32 s2, v12;
	_ =	sdelay $0x3  }
0x31: {  	[tilespmem:v2+s16+$0x0] =	vst.idx.msk $0xffff, v18  }
0x32: {  	v2 =	vor.u32 v13, v1;
	v18 =	vld.idx.msk [tilespmem:v0+s2+$0x0], $0xffff;
	_ =	sdelay $0x1  }
0x33: {  	v0 =	vor.u32 s2, v14;
	_ =	sdelay $0x2  }
0x34: {  	s23 =	simm.s32 $0x1;
	[tilespmem:v2+s16+$0x0] =	vst.idx.msk $0xffff, v18  }
0x35: {  	v2 =	vor.u32 v8, v1;
	v1 =	vor.u32 s23, v3;
	v18 =	vmovc v14;
	v14 =	vmovc v13;
	v13 =	vmov v10  }
0x36: {  	v10 =	vmovc v9;
	v9 =	vmovc v15;
	v15 =	vmov v16;
	v16 =	vmov v12;
	v12 =	vmov v7;
	v0 =	vld.idx.msk [tilespmem:v0+s2+$0x0], $0xffff  }
0x37: {  	s24 =	simm.s32 $0x2;
	v7 =	vmovc v6;
	v6 =	vmovc v17;
	v17 =	vmov v8;
	v8 =	vmov v5;
	v5 =	vmov v3  }
.LBB2_2:
0x38: {  	p0 =	sne.s32 s24, $0x3F;
	_ =	sdelay $0x2  }
0x39: {  	v3 =	vmov s23;
	[tilespmem:v2+s16+$0x0] =	vst.idx.msk $0xffff, v0  }
0x3a: {  	v0 =	vld.idx.msk [tilespmem:v1+s2+$0x0], $0xffff;
	v1 =	vshll.u32 v3, $0x7  }
0x3b: {  	v2 =	vor.u32 v19, v1  }
0x3c: {  	v3 =	vor.u32 s23, v6;
	_ =	sdelay $0x3  }
0x3d: {  	[tilespmem:v2+s16+$0x0] =	vst.idx.msk $0xffff, v0  }
0x3e: {  	v0 =	vld.idx.msk [tilespmem:v3+s2+$0x0], $0xffff  }
0x3f: {  	v2 =	vor.u32 v4, v1  }
0x40: {  	v3 =	vor.u32 s23, v7;
	_ =	sdelay $0x3  }
0x41: {  	[tilespmem:v2+s16+$0x0] =	vst.idx.msk $0xffff, v0  }
0x42: {  	v0 =	vld.idx.msk [tilespmem:v3+s2+$0x0], $0xffff  }
0x43: {  	v2 =	vor.u32 v9, v1  }
0x44: {  	v3 =	vor.u32 s23, v8;
	_ =	sdelay $0x3  }
0x45: {  	[tilespmem:v2+s16+$0x0] =	vst.idx.msk $0xffff, v0  }
0x46: {  	v0 =	vld.idx.msk [tilespmem:v3+s2+$0x0], $0xffff  }
0x47: {  	v2 =	vor.u32 v11, v1  }
0x48: {  	v3 =	vor.u32 s23, v10;
	_ =	sdelay $0x3  }
0x49: {  	[tilespmem:v2+s16+$0x0] =	vst.idx.msk $0xffff, v0  }
0x4a: {  	v0 =	vld.idx.msk [tilespmem:v3+s2+$0x0], $0xffff  }
0x4b: {  	v2 =	vor.u32 v13, v1  }
0x4c: {  	v3 =	vor.u32 s23, v12;
	_ =	sdelay $0x3  }
0x4d: {  	[tilespmem:v2+s16+$0x0] =	vst.idx.msk $0xffff, v0  }
0x4e: {  	v0 =	vld.idx.msk [tilespmem:v3+s2+$0x0], $0xffff  }
0x4f: {  	v2 =	vor.u32 v15, v1  }
0x50: {  	v3 =	vor.u32 s23, v16;
	_ =	sdelay $0x3  }
0x51: {  	[tilespmem:v2+s16+$0x0] =	vst.idx.msk $0xffff, v0  }
0x52: {  	v0 =	vld.idx.msk [tilespmem:v3+s2+$0x0], $0xffff  }
0x53: {  	v2 =	vor.u32 v14, v1  }
0x54: {  	v3 =	vor.u32 s23, v18;
	s23 =	smov.u32 s24;
	_ =	sdelay $0x2  }
.Ltmp0:
0x55: {  	(pc) =	sbr.rel @p0 .LBB2_2-.Ltmp0, $4  }
0x56: {  	[tilespmem:v2+s16+$0x0] =	vst.idx.msk $0xffff, v0  }
0x57: {  	v0 =	vld.idx.msk [tilespmem:v3+s2+$0x0], $0xffff  }
0x58: {  	v2 =	vor.u32 v17, v1  }
0x59: {  	s24 =	sadd.s32 $0x1, s24;
	v1 =	vor.u32 s23, v5  }
0x5a: {  	_ =	sdelay $0x2  }
0x5b: {  	v3 =	vmov s23  }
0x5c: {  	[tilespmem:v2+s16+$0x0] =	vst.idx.msk $0xffff, v0;
	v0 =	vshll.u32 v3, $0x7  }
0x5d: {  	v1 =	vld.idx.msk [tilespmem:v1+s2+$0x0], $0xffff;
	v2 =	vor.u32 v19, v0  }
0x5e: {  	v3 =	vor.u32 s23, v6;
	_ =	sdelay $0x3  }
0x5f: {  	[tilespmem:v2+s16+$0x0] =	vst.idx.msk $0xffff, v1  }
0x60: {  	v2 =	vor.u32 v4, v0;
	v1 =	vld.idx.msk [tilespmem:v3+s2+$0x0], $0xffff  }
0x61: {  	v3 =	vor.u32 s23, v7;
	_ =	sdelay $0x3  }
0x62: {  	[tilespmem:v2+s16+$0x0] =	vst.idx.msk $0xffff, v1  }
0x63: {  	v2 =	vor.u32 v9, v0;
	v1 =	vld.idx.msk [tilespmem:v3+s2+$0x0], $0xffff  }
0x64: {  	v3 =	vor.u32 s23, v8;
	_ =	sdelay $0x3  }
0x65: {  	[tilespmem:v2+s16+$0x0] =	vst.idx.msk $0xffff, v1  }
0x66: {  	v2 =	vor.u32 v11, v0;
	v1 =	vld.idx.msk [tilespmem:v3+s2+$0x0], $0xffff  }
0x67: {  	v3 =	vor.u32 s23, v10;
	_ =	sdelay $0x3  }
0x68: {  	[tilespmem:v2+s16+$0x0] =	vst.idx.msk $0xffff, v1  }
0x69: {  	v2 =	vor.u32 v13, v0;
	v1 =	vld.idx.msk [tilespmem:v3+s2+$0x0], $0xffff  }
0x6a: {  	v3 =	vor.u32 s23, v12;
	_ =	sdelay $0x3  }
0x6b: {  	[tilespmem:v2+s16+$0x0] =	vst.idx.msk $0xffff, v1  }
0x6c: {  	v2 =	vor.u32 v15, v0;
	v1 =	vld.idx.msk [tilespmem:v3+s2+$0x0], $0xffff  }
0x6d: {  	v3 =	vor.u32 s23, v16;
	_ =	sdelay $0x3  }
0x6e: {  	[tilespmem:v2+s16+$0x0] =	vst.idx.msk $0xffff, v1  }
0x6f: {  	v2 =	vor.u32 v14, v0;
	v1 =	vld.idx.msk [tilespmem:v3+s2+$0x0], $0xffff  }
0x70: {  	v3 =	vor.u32 s23, v18;
	_ =	sdelay $0x3  }
0x71: {  	[tilespmem:v2+s16+$0x0] =	vst.idx.msk $0xffff, v1  }
0x72: {  	v0 =	vor.u32 v17, v0;
	v1 =	vld.idx.msk [tilespmem:v3+s2+$0x0], $0xffff;
	_ =	sdelay $0x2  }
0x73: {  	v17 =	vld [tilespmem:$0x1FFC0];
	_ =	sdelay $0x1  }
0x74: {  	[tilespmem:v0+s16+$0x0] =	vst.idx.msk $0xffff, v1  }
0x75: {  	[hbm4b:s7+s17] =	stream.strided.scatter [tilespmem:s16], [sflag:$0x1], $0x2000, s18, s17, $0x38;
	[tilespmem:$0x18000] =	vst v63  }
0x76: {  	s31 =	simm.s32 $0x0;
	_ =	swait.ge [sflag:s15], $0x4000  }
0x77: {  	v0 =	vor.u32 s31, v17;
	v19 =	vld [tilespmem:$0x1FFD0]  }
0x78: {  	v12 =	vld [tilespmem:$0x1FFE0];
	_ =	sdelay $0x1  }
0x79: {  	v1 =	vmov s31;
	[sflag:s15] =	ssyncset.done $0x0  }
0x7a: {  	v1 =	vshll.u32 v1, $0x7;
	[sflag:s15] =	ssyncadd.s32 $0xFFFFC000  }
0x7b: {  	v0 =	vld.idx.msk [tilespmem:v0+s2+$0x0], $0xffff;
	v2 =	vor.u32 v19, v1  }
0x7c: {  	v8 =	vmov v14;
	v14 =	vld [tilespmem:$0x1FFF0];
	v3 =	vor.u32 s31, v12;
	_ =	sdelay $0x3  }
0x7d: {  	[tilespmem:v2+s16+$0x0] =	vst.idx.msk $0xffff, v0  }
0x7e: {  	v2 =	vor.u32 v14, v1;
	v0 =	vld.idx.msk [tilespmem:v3+s2+$0x0], $0xffff  }
0x7f: {  	v3 =	vor.u32 s31, v20;
	_ =	sdelay $0x3  }
0x80: {  	[tilespmem:v2+s16+$0x0] =	vst.idx.msk $0xffff, v0  }
0x81: {  	v2 =	vor.u32 v21, v1;
	v0 =	vld.idx.msk [tilespmem:v3+s2+$0x0], $0xffff  }
0x82: {  	v3 =	vor.u32 s31, v22;
	_ =	sdelay $0x3  }
0x83: {  	[tilespmem:v2+s16+$0x0] =	vst.idx.msk $0xffff, v0  }
0x84: {  	v2 =	vor.u32 v23, v1;
	v0 =	vld.idx.msk [tilespmem:v3+s2+$0x0], $0xffff  }
0x85: {  	v3 =	vor.u32 s31, v24;
	_ =	sdelay $0x3  }
0x86: {  	[tilespmem:v2+s16+$0x0] =	vst.idx.msk $0xffff, v0  }
0x87: {  	v2 =	vor.u32 v25, v1;
	v0 =	vld.idx.msk [tilespmem:v3+s2+$0x0], $0xffff  }
0x88: {  	v3 =	vor.u32 s31, v26;
	_ =	sdelay $0x3  }
0x89: {  	[tilespmem:v2+s16+$0x0] =	vst.idx.msk $0xffff, v0  }
0x8a: {  	v2 =	vor.u32 v27, v1;
	v0 =	vld.idx.msk [tilespmem:v3+s2+$0x0], $0xffff  }
0x8b: {  	v3 =	vor.u32 s31, v28;
	_ =	sdelay $0x3  }
0x8c: {  	[tilespmem:v2+s16+$0x0] =	vst.idx.msk $0xffff, v0  }
0x8d: {  	v2 =	vor.u32 v29, v1;
	v0 =	vld.idx.msk [tilespmem:v3+s2+$0x0], $0xffff  }
0x8e: {  	v3 =	vor.u32 s31, v30;
	_ =	sdelay $0x3  }
0x8f: {  	[tilespmem:v2+s16+$0x0] =	vst.idx.msk $0xffff, v0  }
0x90: {  	v5 =	vmovc v7;
	v7 =	vmovc v10;
	v11 =	vmov v15;
	v10 =	vmov v13;
	s23 =	simm.s32 $0x1;
	v2 =	vor.u32 v31, v1;
	v0 =	vld.idx.msk [tilespmem:v3+s2+$0x0], $0xffff  }
0x91: {  	s24 =	simm.s32 $0x2;
	v15 =	vmovc v12;
	v12 =	vmovc v16;
	v16 =	vmov v14;
	v14 =	vmov v18;
	v1 =	vor.u32 s23, v17  }
.LBB2_4:
0x92: {  	p0 =	sne.s32 s24, $0x3F;
	_ =	sdelay $0x2  }
0x93: {  	v3 =	vmov s23;
	[tilespmem:v2+s16+$0x0] =	vst.idx.msk $0xffff, v0  }
0x94: {  	v0 =	vld.idx.msk [tilespmem:v1+s2+$0x0], $0xffff;
	v1 =	vshll.u32 v3, $0x7  }
0x95: {  	v2 =	vor.u32 v19, v1  }
0x96: {  	v3 =	vor.u32 s23, v15;
	_ =	sdelay $0x3  }
0x97: {  	[tilespmem:v2+s16+$0x0] =	vst.idx.msk $0xffff, v0  }
0x98: {  	v0 =	vld.idx.msk [tilespmem:v3+s2+$0x0], $0xffff  }
0x99: {  	v2 =	vor.u32 v16, v1  }
0x9a: {  	v3 =	vor.u32 s23, v20;
	_ =	sdelay $0x3  }
0x9b: {  	[tilespmem:v2+s16+$0x0] =	vst.idx.msk $0xffff, v0  }
0x9c: {  	v0 =	vld.idx.msk [tilespmem:v3+s2+$0x0], $0xffff  }
0x9d: {  	v2 =	vor.u32 v21, v1  }
0x9e: {  	v3 =	vor.u32 s23, v22;
	_ =	sdelay $0x3  }
0x9f: {  	[tilespmem:v2+s16+$0x0] =	vst.idx.msk $0xffff, v0  }
0xa0: {  	v0 =	vld.idx.msk [tilespmem:v3+s2+$0x0], $0xffff  }
0xa1: {  	v2 =	vor.u32 v23, v1  }
0xa2: {  	v3 =	vor.u32 s23, v24;
	_ =	sdelay $0x3  }
0xa3: {  	[tilespmem:v2+s16+$0x0] =	vst.idx.msk $0xffff, v0  }
0xa4: {  	v0 =	vld.idx.msk [tilespmem:v3+s2+$0x0], $0xffff  }
0xa5: {  	v2 =	vor.u32 v25, v1  }
0xa6: {  	v3 =	vor.u32 s23, v26;
	_ =	sdelay $0x3  }
0xa7: {  	[tilespmem:v2+s16+$0x0] =	vst.idx.msk $0xffff, v0  }
0xa8: {  	v0 =	vld.idx.msk [tilespmem:v3+s2+$0x0], $0xffff  }
0xa9: {  	v2 =	vor.u32 v27, v1  }
0xaa: {  	v3 =	vor.u32 s23, v28;
	_ =	sdelay $0x3  }
0xab: {  	[tilespmem:v2+s16+$0x0] =	vst.idx.msk $0xffff, v0  }
0xac: {  	v0 =	vld.idx.msk [tilespmem:v3+s2+$0x0], $0xffff  }
0xad: {  	v2 =	vor.u32 v29, v1  }
0xae: {  	v3 =	vor.u32 s23, v30;
	s23 =	smov.u32 s24;
	_ =	sdelay $0x2  }
.Ltmp1:
0xaf: {  	(pc) =	sbr.rel @p0 .LBB2_4-.Ltmp1, $4  }
0xb0: {  	[tilespmem:v2+s16+$0x0] =	vst.idx.msk $0xffff, v0  }
0xb1: {  	v0 =	vld.idx.msk [tilespmem:v3+s2+$0x0], $0xffff  }
0xb2: {  	v2 =	vor.u32 v31, v1  }
0xb3: {  	s24 =	sadd.s32 $0x1, s24;
	v1 =	vor.u32 s23, v17  }
0xb4: {  	_ =	sdelay $0x2  }
0xb5: {  	v3 =	vmov s23  }
0xb6: {  	[tilespmem:v2+s16+$0x0] =	vst.idx.msk $0xffff, v0;
	v0 =	vshll.u32 v3, $0x7  }
0xb7: {  	v1 =	vld.idx.msk [tilespmem:v1+s2+$0x0], $0xffff;
	v2 =	vor.u32 v19, v0  }
0xb8: {  	v3 =	vor.u32 s23, v15;
	_ =	sdelay $0x3  }
0xb9: {  	[tilespmem:v2+s16+$0x0] =	vst.idx.msk $0xffff, v1  }
0xba: {  	v2 =	vor.u32 v16, v0;
	v1 =	vld.idx.msk [tilespmem:v3+s2+$0x0], $0xffff  }
0xbb: {  	v3 =	vor.u32 s23, v20;
	_ =	sdelay $0x3  }
0xbc: {  	[tilespmem:v2+s16+$0x0] =	vst.idx.msk $0xffff, v1  }
0xbd: {  	v2 =	vor.u32 v21, v0;
	v1 =	vld.idx.msk [tilespmem:v3+s2+$0x0], $0xffff  }
0xbe: {  	v3 =	vor.u32 s23, v22;
	_ =	sdelay $0x3  }
0xbf: {  	[tilespmem:v2+s16+$0x0] =	vst.idx.msk $0xffff, v1  }
0xc0: {  	v2 =	vor.u32 v23, v0;
	v1 =	vld.idx.msk [tilespmem:v3+s2+$0x0], $0xffff  }
0xc1: {  	v3 =	vor.u32 s23, v24;
	_ =	sdelay $0x3  }
0xc2: {  	[tilespmem:v2+s16+$0x0] =	vst.idx.msk $0xffff, v1  }
0xc3: {  	v2 =	vor.u32 v25, v0;
	v1 =	vld.idx.msk [tilespmem:v3+s2+$0x0], $0xffff  }
0xc4: {  	v3 =	vor.u32 s23, v26;
	_ =	sdelay $0x3  }
0xc5: {  	[tilespmem:v2+s16+$0x0] =	vst.idx.msk $0xffff, v1  }
0xc6: {  	v2 =	vor.u32 v27, v0;
	v1 =	vld.idx.msk [tilespmem:v3+s2+$0x0], $0xffff  }
0xc7: {  	v3 =	vor.u32 s23, v28;
	_ =	sdelay $0x3  }
0xc8: {  	[tilespmem:v2+s16+$0x0] =	vst.idx.msk $0xffff, v1  }
0xc9: {  	v2 =	vor.u32 v29, v0;
	v1 =	vld.idx.msk [tilespmem:v3+s2+$0x0], $0xffff  }
0xca: {  	v3 =	vor.u32 s23, v30;
	_ =	sdelay $0x3  }
0xcb: {  	[tilespmem:v2+s16+$0x0] =	vst.idx.msk $0xffff, v1  }
0xcc: {  	v0 =	vor.u32 v31, v0;
	v1 =	vld.idx.msk [tilespmem:v3+s2+$0x0], $0xffff;
	_ =	sdelay $0x3  }
0xcd: {  	s31 =	simm.s32 $0x0  }
0xce: {  	[tilespmem:v0+s16+$0x0] =	vst.idx.msk $0xffff, v1;
	v0 =	vor.u32 s31, v32  }
0xcf: {  	[hbm4b:s8+s17] =	stream.strided.scatter [tilespmem:s19], [sflag:$0x1], $0x2000, s18, s17, $0x38;
	[tilespmem:$0x18000] =	vst v63  }
0xd0: {  	_ =	swait.ge [sflag:s15], $0x4000  }
0xd1: {  	v1 =	vmov s31;
	[sflag:s15] =	ssyncset.done $0x0  }
0xd2: {  	v1 =	vshll.u32 v1, $0x7;
	[sflag:s15] =	ssyncadd.s32 $0xFFFFC000  }
0xd3: {  	v2 =	vor.u32 v33, v1;
	v0 =	vld.idx.msk [tilespmem:v0+s2+$0x0], $0xffff  }
0xd4: {  	v3 =	vor.u32 s31, v34;
	_ =	sdelay $0x3  }
0xd5: {  	[tilespmem:v2+s16+$0x0] =	vst.idx.msk $0xffff, v0  }
0xd6: {  	v2 =	vor.u32 v35, v1;
	v0 =	vld.idx.msk [tilespmem:v3+s2+$0x0], $0xffff  }
0xd7: {  	v3 =	vor.u32 s31, v36;
	_ =	sdelay $0x3  }
0xd8: {  	[tilespmem:v2+s16+$0x0] =	vst.idx.msk $0xffff, v0  }
0xd9: {  	v2 =	vor.u32 v37, v1;
	v0 =	vld.idx.msk [tilespmem:v3+s2+$0x0], $0xffff  }
0xda: {  	v3 =	vor.u32 s31, v38;
	_ =	sdelay $0x3  }
0xdb: {  	[tilespmem:v2+s16+$0x0] =	vst.idx.msk $0xffff, v0  }
0xdc: {  	v2 =	vor.u32 v39, v1;
	v0 =	vld.idx.msk [tilespmem:v3+s2+$0x0], $0xffff  }
0xdd: {  	v3 =	vor.u32 s31, v40;
	_ =	sdelay $0x3  }
0xde: {  	[tilespmem:v2+s16+$0x0] =	vst.idx.msk $0xffff, v0  }
0xdf: {  	v2 =	vor.u32 v41, v1;
	v0 =	vld.idx.msk [tilespmem:v3+s2+$0x0], $0xffff  }
0xe0: {  	v3 =	vor.u32 s31, v42;
	_ =	sdelay $0x3  }
0xe1: {  	[tilespmem:v2+s16+$0x0] =	vst.idx.msk $0xffff, v0  }
0xe2: {  	v2 =	vor.u32 v43, v1;
	v0 =	vld.idx.msk [tilespmem:v3+s2+$0x0], $0xffff  }
0xe3: {  	v3 =	vor.u32 s31, v44;
	_ =	sdelay $0x3  }
0xe4: {  	[tilespmem:v2+s16+$0x0] =	vst.idx.msk $0xffff, v0  }
0xe5: {  	v2 =	vor.u32 v45, v1;
	v0 =	vld.idx.msk [tilespmem:v3+s2+$0x0], $0xffff  }
0xe6: {  	v3 =	vor.u32 s31, v46;
	_ =	sdelay $0x3  }
0xe7: {  	[tilespmem:v2+s16+$0x0] =	vst.idx.msk $0xffff, v0  }
0xe8: {  	s23 =	simm.s32 $0x1;
	v2 =	vor.u32 v47, v1;
	v0 =	vld.idx.msk [tilespmem:v3+s2+$0x0], $0xffff  }
0xe9: {  	s24 =	simm.s32 $0x2;
	v1 =	vor.u32 s23, v32  }
.LBB2_6:
0xea: {  	p0 =	sne.s32 s24, $0x3F;
	_ =	sdelay $0x2  }
0xeb: {  	v3 =	vmov s23;
	[tilespmem:v2+s16+$0x0] =	vst.idx.msk $0xffff, v0  }
0xec: {  	v0 =	vld.idx.msk [tilespmem:v1+s2+$0x0], $0xffff;
	v1 =	vshll.u32 v3, $0x7  }
0xed: {  	v2 =	vor.u32 v33, v1  }
0xee: {  	v3 =	vor.u32 s23, v34;
	_ =	sdelay $0x3  }
0xef: {  	[tilespmem:v2+s16+$0x0] =	vst.idx.msk $0xffff, v0  }
0xf0: {  	v0 =	vld.idx.msk [tilespmem:v3+s2+$0x0], $0xffff  }
0xf1: {  	v2 =	vor.u32 v35, v1  }
0xf2: {  	v3 =	vor.u32 s23, v36;
	_ =	sdelay $0x3  }
0xf3: {  	[tilespmem:v2+s16+$0x0] =	vst.idx.msk $0xffff, v0  }
0xf4: {  	v0 =	vld.idx.msk [tilespmem:v3+s2+$0x0], $0xffff  }
0xf5: {  	v2 =	vor.u32 v37, v1  }
0xf6: {  	v3 =	vor.u32 s23, v38;
	_ =	sdelay $0x3  }
0xf7: {  	[tilespmem:v2+s16+$0x0] =	vst.idx.msk $0xffff, v0  }
0xf8: {  	v0 =	vld.idx.msk [tilespmem:v3+s2+$0x0], $0xffff  }
0xf9: {  	v2 =	vor.u32 v39, v1  }
0xfa: {  	v3 =	vor.u32 s23, v40;
	_ =	sdelay $0x3  }
0xfb: {  	[tilespmem:v2+s16+$0x0] =	vst.idx.msk $0xffff, v0  }
0xfc: {  	v0 =	vld.idx.msk [tilespmem:v3+s2+$0x0], $0xffff  }
0xfd: {  	v2 =	vor.u32 v41, v1  }
0xfe: {  	v3 =	vor.u32 s23, v42;
	_ =	sdelay $0x3  }
0xff: {  	[tilespmem:v2+s16+$0x0] =	vst.idx.msk $0xffff, v0  }
0x100: {  	v0 =	vld.idx.msk [tilespmem:v3+s2+$0x0], $0xffff  }
0x101: {  	v2 =	vor.u32 v43, v1  }
0x102: {  	v3 =	vor.u32 s23, v44;
	_ =	sdelay $0x3  }
0x103: {  	[tilespmem:v2+s16+$0x0] =	vst.idx.msk $0xffff, v0  }
0x104: {  	v0 =	vld.idx.msk [tilespmem:v3+s2+$0x0], $0xffff  }
0x105: {  	v2 =	vor.u32 v45, v1  }
0x106: {  	v3 =	vor.u32 s23, v46;
	s23 =	smov.u32 s24;
	_ =	sdelay $0x2  }
.Ltmp2:
0x107: {  	(pc) =	sbr.rel @p0 .LBB2_6-.Ltmp2, $4  }
0x108: {  	[tilespmem:v2+s16+$0x0] =	vst.idx.msk $0xffff, v0  }
0x109: {  	v0 =	vld.idx.msk [tilespmem:v3+s2+$0x0], $0xffff  }
0x10a: {  	v2 =	vor.u32 v47, v1  }
0x10b: {  	s24 =	sadd.s32 $0x1, s24;
	v1 =	vor.u32 s23, v32  }
0x10c: {  	_ =	sdelay $0x2  }
0x10d: {  	v3 =	vmov s23  }
0x10e: {  	[tilespmem:v2+s16+$0x0] =	vst.idx.msk $0xffff, v0;
	v0 =	vshll.u32 v3, $0x7  }
0x10f: {  	v1 =	vld.idx.msk [tilespmem:v1+s2+$0x0], $0xffff;
	v2 =	vor.u32 v33, v0  }
0x110: {  	v3 =	vor.u32 s23, v34;
	_ =	sdelay $0x3  }
0x111: {  	[tilespmem:v2+s16+$0x0] =	vst.idx.msk $0xffff, v1  }
0x112: {  	v2 =	vor.u32 v35, v0;
	v1 =	vld.idx.msk [tilespmem:v3+s2+$0x0], $0xffff  }
0x113: {  	v3 =	vor.u32 s23, v36;
	_ =	sdelay $0x3  }
0x114: {  	[tilespmem:v2+s16+$0x0] =	vst.idx.msk $0xffff, v1  }
0x115: {  	v2 =	vor.u32 v37, v0;
	v1 =	vld.idx.msk [tilespmem:v3+s2+$0x0], $0xffff  }
0x116: {  	v3 =	vor.u32 s23, v38;
	_ =	sdelay $0x3  }
0x117: {  	[tilespmem:v2+s16+$0x0] =	vst.idx.msk $0xffff, v1  }
0x118: {  	v2 =	vor.u32 v39, v0;
	v1 =	vld.idx.msk [tilespmem:v3+s2+$0x0], $0xffff  }
0x119: {  	v3 =	vor.u32 s23, v40;
	_ =	sdelay $0x3  }
0x11a: {  	[tilespmem:v2+s16+$0x0] =	vst.idx.msk $0xffff, v1  }
0x11b: {  	v2 =	vor.u32 v41, v0;
	v1 =	vld.idx.msk [tilespmem:v3+s2+$0x0], $0xffff  }
0x11c: {  	v3 =	vor.u32 s23, v42;
	_ =	sdelay $0x3  }
0x11d: {  	[tilespmem:v2+s16+$0x0] =	vst.idx.msk $0xffff, v1  }
0x11e: {  	v2 =	vor.u32 v43, v0;
	v1 =	vld.idx.msk [tilespmem:v3+s2+$0x0], $0xffff  }
0x11f: {  	v3 =	vor.u32 s23, v44;
	_ =	sdelay $0x3  }
0x120: {  	[tilespmem:v2+s16+$0x0] =	vst.idx.msk $0xffff, v1  }
0x121: {  	v2 =	vor.u32 v45, v0;
	v1 =	vld.idx.msk [tilespmem:v3+s2+$0x0], $0xffff  }
0x122: {  	v3 =	vor.u32 s23, v46;
	_ =	sdelay $0x3  }
0x123: {  	[tilespmem:v2+s16+$0x0] =	vst.idx.msk $0xffff, v1  }
0x124: {  	v0 =	vor.u32 v47, v0;
	v1 =	vld.idx.msk [tilespmem:v3+s2+$0x0], $0xffff;
	_ =	sdelay $0x3  }
0x125: {  	s31 =	simm.s32 $0x0  }
0x126: {  	[tilespmem:v0+s16+$0x0] =	vst.idx.msk $0xffff, v1;
	v0 =	vor.u32 s31, v48  }
0x127: {  	[hbm4b:s9+s17] =	stream.strided.scatter [tilespmem:s20], [sflag:$0x1], $0x2000, s18, s17, $0x38;
	[tilespmem:$0x18000] =	vst v63  }
0x128: {  	_ =	swait.ge [sflag:s15], $0x4000  }
0x129: {  	v1 =	vmov s31;
	[sflag:s15] =	ssyncset.done $0x0  }
0x12a: {  	v1 =	vshll.u32 v1, $0x7;
	[sflag:s15] =	ssyncadd.s32 $0xFFFFC000  }
0x12b: {  	v2 =	vor.u32 v49, v1;
	v0 =	vld.idx.msk [tilespmem:v0+s2+$0x0], $0xffff  }
0x12c: {  	v3 =	vor.u32 s31, v50;
	_ =	sdelay $0x3  }
0x12d: {  	[tilespmem:v2+s16+$0x0] =	vst.idx.msk $0xffff, v0  }
0x12e: {  	v2 =	vor.u32 v51, v1;
	v0 =	vld.idx.msk [tilespmem:v3+s2+$0x0], $0xffff  }
0x12f: {  	v3 =	vor.u32 s31, v52;
	_ =	sdelay $0x3  }
0x130: {  	[tilespmem:v2+s16+$0x0] =	vst.idx.msk $0xffff, v0  }
0x131: {  	v2 =	vor.u32 v53, v1;
	v0 =	vld.idx.msk [tilespmem:v3+s2+$0x0], $0xffff  }
0x132: {  	v3 =	vor.u32 s31, v54;
	_ =	sdelay $0x3  }
0x133: {  	[tilespmem:v2+s16+$0x0] =	vst.idx.msk $0xffff, v0  }
0x134: {  	v2 =	vor.u32 v55, v1;
	v0 =	vld.idx.msk [tilespmem:v3+s2+$0x0], $0xffff  }
0x135: {  	v3 =	vor.u32 s31, v56;
	_ =	sdelay $0x3  }
0x136: {  	[tilespmem:v2+s16+$0x0] =	vst.idx.msk $0xffff, v0  }
0x137: {  	v2 =	vor.u32 v57, v1;
	v0 =	vld.idx.msk [tilespmem:v3+s2+$0x0], $0xffff  }
0x138: {  	v3 =	vor.u32 s31, v58;
	_ =	sdelay $0x3  }
0x139: {  	[tilespmem:v2+s16+$0x0] =	vst.idx.msk $0xffff, v0  }
0x13a: {  	v2 =	vor.u32 v59, v1;
	v0 =	vld.idx.msk [tilespmem:v3+s2+$0x0], $0xffff  }
0x13b: {  	v3 =	vor.u32 s31, v60;
	_ =	sdelay $0x3  }
0x13c: {  	[tilespmem:v2+s16+$0x0] =	vst.idx.msk $0xffff, v0  }
0x13d: {  	v2 =	vor.u32 v61, v1;
	v0 =	vld.idx.msk [tilespmem:v3+s2+$0x0], $0xffff  }
0x13e: {  	v3 =	vor.u32 s31, v62;
	_ =	sdelay $0x3  }
0x13f: {  	[tilespmem:v2+s16+$0x0] =	vst.idx.msk $0xffff, v0  }
0x140: {  	s23 =	simm.s32 $0x1;
	v2 =	vor.u32 v63, v1;
	v0 =	vld.idx.msk [tilespmem:v3+s2+$0x0], $0xffff  }
0x141: {  	s24 =	simm.s32 $0x2;
	v6 =	vmovc v5;
	v9 =	vmov v7;
	v13 =	vmov v8;
	v1 =	vor.u32 s23, v48  }
.LBB2_8:
0x142: {  	p0 =	sne.s32 s24, $0x3F;
	_ =	sdelay $0x2  }
0x143: {  	v3 =	vmov s23;
	[tilespmem:v2+s16+$0x0] =	vst.idx.msk $0xffff, v0  }
0x144: {  	v0 =	vld.idx.msk [tilespmem:v1+s2+$0x0], $0xffff;
	v1 =	vshll.u32 v3, $0x7  }
0x145: {  	v2 =	vor.u32 v49, v1  }
0x146: {  	v3 =	vor.u32 s23, v50;
	_ =	sdelay $0x3  }
0x147: {  	[tilespmem:v2+s16+$0x0] =	vst.idx.msk $0xffff, v0  }
0x148: {  	v0 =	vld.idx.msk [tilespmem:v3+s2+$0x0], $0xffff  }
0x149: {  	v2 =	vor.u32 v51, v1  }
0x14a: {  	v3 =	vor.u32 s23, v52;
	_ =	sdelay $0x3  }
0x14b: {  	[tilespmem:v2+s16+$0x0] =	vst.idx.msk $0xffff, v0  }
0x14c: {  	v0 =	vld.idx.msk [tilespmem:v3+s2+$0x0], $0xffff  }
0x14d: {  	v2 =	vor.u32 v53, v1  }
0x14e: {  	v3 =	vor.u32 s23, v54;
	_ =	sdelay $0x3  }
0x14f: {  	[tilespmem:v2+s16+$0x0] =	vst.idx.msk $0xffff, v0  }
0x150: {  	v0 =	vld.idx.msk [tilespmem:v3+s2+$0x0], $0xffff  }
0x151: {  	v2 =	vor.u32 v55, v1  }
0x152: {  	v3 =	vor.u32 s23, v56;
	_ =	sdelay $0x3  }
0x153: {  	[tilespmem:v2+s16+$0x0] =	vst.idx.msk $0xffff, v0  }
0x154: {  	v0 =	vld.idx.msk [tilespmem:v3+s2+$0x0], $0xffff  }
0x155: {  	v2 =	vor.u32 v57, v1  }
0x156: {  	v3 =	vor.u32 s23, v58;
	_ =	sdelay $0x3  }
0x157: {  	[tilespmem:v2+s16+$0x0] =	vst.idx.msk $0xffff, v0  }
0x158: {  	v0 =	vld.idx.msk [tilespmem:v3+s2+$0x0], $0xffff  }
0x159: {  	v2 =	vor.u32 v59, v1  }
0x15a: {  	v3 =	vor.u32 s23, v60;
	_ =	sdelay $0x3  }
0x15b: {  	[tilespmem:v2+s16+$0x0] =	vst.idx.msk $0xffff, v0  }
0x15c: {  	v0 =	vld.idx.msk [tilespmem:v3+s2+$0x0], $0xffff  }
0x15d: {  	v2 =	vor.u32 v61, v1  }
0x15e: {  	v3 =	vor.u32 s23, v62;
	s23 =	smov.u32 s24;
	_ =	sdelay $0x2  }
.Ltmp3:
0x15f: {  	(pc) =	sbr.rel @p0 .LBB2_8-.Ltmp3, $4  }
0x160: {  	[tilespmem:v2+s16+$0x0] =	vst.idx.msk $0xffff, v0  }
0x161: {  	v0 =	vld.idx.msk [tilespmem:v3+s2+$0x0], $0xffff  }
0x162: {  	v2 =	vor.u32 v63, v1  }
0x163: {  	s24 =	sadd.s32 $0x1, s24;
	v1 =	vor.u32 s23, v48  }
0x164: {  	_ =	sdelay $0x2  }
0x165: {  	v3 =	vmov s23  }
0x166: {  	[tilespmem:v2+s16+$0x0] =	vst.idx.msk $0xffff, v0;
	v0 =	vshll.u32 v3, $0x7  }
0x167: {  	v1 =	vld.idx.msk [tilespmem:v1+s2+$0x0], $0xffff;
	v2 =	vor.u32 v49, v0  }
0x168: {  	v3 =	vor.u32 s23, v50;
	_ =	sdelay $0x3  }
0x169: {  	[tilespmem:v2+s16+$0x0] =	vst.idx.msk $0xffff, v1  }
0x16a: {  	v2 =	vor.u32 v51, v0;
	v1 =	vld.idx.msk [tilespmem:v3+s2+$0x0], $0xffff  }
0x16b: {  	v3 =	vor.u32 s23, v52;
	_ =	sdelay $0x3  }
0x16c: {  	[tilespmem:v2+s16+$0x0] =	vst.idx.msk $0xffff, v1  }
0x16d: {  	v2 =	vor.u32 v53, v0;
	v1 =	vld.idx.msk [tilespmem:v3+s2+$0x0], $0xffff  }
0x16e: {  	v3 =	vor.u32 s23, v54;
	_ =	sdelay $0x3  }
0x16f: {  	[tilespmem:v2+s16+$0x0] =	vst.idx.msk $0xffff, v1  }
0x170: {  	v2 =	vor.u32 v55, v0;
	v1 =	vld.idx.msk [tilespmem:v3+s2+$0x0], $0xffff  }
0x171: {  	v3 =	vor.u32 s23, v56;
	_ =	sdelay $0x3  }
0x172: {  	[tilespmem:v2+s16+$0x0] =	vst.idx.msk $0xffff, v1  }
0x173: {  	v2 =	vor.u32 v57, v0;
	v1 =	vld.idx.msk [tilespmem:v3+s2+$0x0], $0xffff  }
0x174: {  	v3 =	vor.u32 s23, v58;
	_ =	sdelay $0x3  }
0x175: {  	[tilespmem:v2+s16+$0x0] =	vst.idx.msk $0xffff, v1  }
0x176: {  	v2 =	vor.u32 v59, v0;
	v1 =	vld.idx.msk [tilespmem:v3+s2+$0x0], $0xffff  }
0x177: {  	v3 =	vor.u32 s23, v60;
	_ =	sdelay $0x3  }
0x178: {  	[tilespmem:v2+s16+$0x0] =	vst.idx.msk $0xffff, v1  }
0x179: {  	v2 =	vor.u32 v61, v0;
	v1 =	vld.idx.msk [tilespmem:v3+s2+$0x0], $0xffff  }
0x17a: {  	v3 =	vor.u32 s23, v62;
	_ =	sdelay $0x3  }
0x17b: {  	[tilespmem:v2+s16+$0x0] =	vst.idx.msk $0xffff, v1  }
0x17c: {  	v0 =	vor.u32 v63, v0;
	v1 =	vld.idx.msk [tilespmem:v3+s2+$0x0], $0xffff;
	_ =	sdelay $0x4  }
0x17d: {  	[tilespmem:v0+s16+$0x0] =	vst.idx.msk $0xffff, v1  }
0x17e: {  	[hbm4b:s10+s17] =	stream.strided.scatter [tilespmem:s21], [sflag:$0x1], $0x2000, s18, s17, $0x38;
	[tilespmem:$0x18000] =	vst v63  }
0x17f: {  	_ =	swait.ge [sflag:s15], $0x2000  }
0x180: {  	[sflag:s15] =	ssyncset.done $0x0  }
0x181: {  	[sflag:s15] =	ssyncadd.s32 $0xFFFFE000  }
0x182: {  	_ =	swait.ge [sflag:s15], $0x2000  }
0x183: {  	[sflag:s15] =	ssyncset.done $0x0  }
0x184: {  	[sflag:s15] =	ssyncadd.s32 $0xFFFFE000  }
0x185: {  	_ =	swait.ge [sflag:s15], $0x2000  }
0x186: {  	s22 =	sadd.s32 $0x1, s22;
	[sflag:s15] =	ssyncset.done $0x0  }
0x187: {  	p0 =	sne.s32 s22, s11;
	[sflag:s15] =	ssyncadd.s32 $0xFFFFE000  }
.Ltmp4:
0x188: {  	_ =	swait.ge [sflag:s15], $0x2000;
	(pc) =	sbr.rel @p0 .LBB2_1-.Ltmp4, $4  }
0x189: {  	v3 =	vld [tilespmem:$0x1FF80]  }
0x18a: {  	v5 =	vld [tilespmem:$0x1FF90]  }
0x18b: {  	[sflag:s15] =	ssyncset.done $0x0;
	v7 =	vld [tilespmem:$0x1FFA0]  }
0x18c: {  	v8 =	vld [tilespmem:$0x1FFB0];
	[sflag:s15] =	ssyncadd.s32 $0xFFFFE000  }
0x18d: {  	_ =	sfence.sel $0x180000  }
0x18e: {  	[bflag:$0x0] =	sbarrier.arrive $0xFFFF  }
0x18f: {  	p0 =	sne.s32 s1, $0x0;
	_ =	strace $0x9000004A  }
0x190: {  	s0 =	sadd.s32 @!p0 $0x100000, s0;
	[bflag:$0x2] =	sbarrier.arrive $0xFFFF  }
0x191: {  	[sflag:s0] =	ssyncadd.tile.s32 @!p0 $0x1;
	_ =	shalt  }
.Lfunc_end2:
_tile_overlayer_lowered:
.L_overlay_start_2:
0x192: {  	(tag) =	ssettag $0x2  }
0x193: {  	s0 =	rddreg [dreg:$0x0];
	s2 =	stileid.u32  }
0x194: {  	s1 =	rddreg [dreg:$0x1];
	p0 =	sne.s32 s2, $0x0  }
0x195: {  	s3 =	rddreg [dreg:$0x2];
	[bflag:$0x3] =	sbarrier.arrive $0xFFFF;
	s2 =	simm.s32 @!p0 $0x1C02  }
0x196: {  	[timem:s3], [sflag:s2] =	dma.local @!p0 [hbm:s0], s1  }
0x197: {  	s0 =	simm.s32 @!p0 $0x2  }
0x198: {  	_ =	swait.ge @!p0 [sflag:s0], s1  }
0x199: {  	s1 =	ssub.s32 @!p0 $0x0, s1;
	[sflag:s0] =	ssyncset.done @!p0 $0x0  }
0x19a: {  	[sflag:s0] =	ssyncadd.s32 @!p0 s1  }
0x19b: {  	[bflag:$0x3] =	sbarrier.arrive $0xFFFF  }
0x19c: {  	_ =	shalt  }

</sc_bundles>
